<compile_context>
chip_gen: v7x
topology: tpu7x:2x2x1
jax: 0.10.2.dev20260603
libtpu: 0.0.44.dev20260713+nightly
codegen_flags: <defaults>
</compile_context>

<pallas_src>
import functools

import jax
import jax.numpy as jnp
from jax import lax
from jax.experimental import pallas as pl
from jax.experimental.pallas import tpu as pltpu
from jax.experimental.pallas import tpu_sc as plsc


def kernel(patches, table):
    B, P, D = patches.shape
    E = table.shape[1]
    info = plsc.get_sparse_core_info()
    NC, NS = info.num_cores, info.num_subcores
    NW = NC * NS
    nb = B // NW
    R = 32
    nchunks = P // R
    pairs = [(i, c) for i in range(nb) for c in range(nchunks)]
    mesh = plsc.VectorSubcoreMesh(core_axis_name="c", subcore_axis_name="s")

    @functools.partial(
        pl.kernel,
        mesh=mesh,
        out_type=jax.ShapeDtypeStruct((B, P, D + E), patches.dtype),
        scratch_types=[
            pltpu.VMEM((R, D + E), jnp.float32),
            pltpu.VMEM((R, D + E), jnp.float32),
            pltpu.SemaphoreType.DMA,
            pltpu.SemaphoreType.DMA,
            pltpu.SemaphoreType.DMA,
            pltpu.SemaphoreType.DMA,
        ],
    )
    def k(p_hbm, t_hbm, o_hbm, buf0, buf1, sf0, sf1, sd0, sd1):
        wid = lax.axis_index("s") * NC + lax.axis_index("c")
        bufs = (buf0, buf1)
        sfs = (sf0, sf1)
        sds = (sd0, sd1)
        n = len(pairs)
        fill_h = [None] * n
        drain_h = [None] * n

        def issue_fill(s):
            i, c = pairs[s]
            b = wid * nb + i
            r0 = c * R
            kk = s % 2
            h1 = pltpu.async_copy(
                p_hbm.at[b, pl.ds(r0, R), :], bufs[kk].at[:, pl.ds(0, D)], sfs[kk])
            h2 = pltpu.async_copy(
                t_hbm.at[pl.ds(r0, R), :], bufs[kk].at[:, pl.ds(D, E)], sfs[kk])
            fill_h[s] = (h1, h2)

        def issue_drain(s):
            i, c = pairs[s]
            b = wid * nb + i
            r0 = c * R
            kk = s % 2
            drain_h[s] = pltpu.async_copy(
                bufs[kk], o_hbm.at[b, pl.ds(r0, R), :], sds[kk])

        for s in range(n):
            if s >= 2:
                drain_h[s - 2].wait()
            issue_fill(s)
            if s >= 1:
                for h in fill_h[s - 1]:
                    h.wait()
                issue_drain(s - 1)
        for h in fill_h[n - 1]:
            h.wait()
        issue_drain(n - 1)
        drain_h[n - 2].wait()
        drain_h[n - 1].wait()

    return k(patches, table)

# --- scband reference (transcript-rebuilt; emitter-appended) ---
"""Pipeline reference for scband-embed-patches-layer-24704651886594 (READ-ONLY COPY).

The authoritative reference and input builder live on the scoring server;
editing this copy changes nothing except your own understanding.
"""

import jax, jax.numpy as jnp
import numpy as np

N_PATCHES = 576
EMBED_SIZE = 768
BATCH = 64
PATCH_DIM = 768

def setup_inputs(seed: int = 0) -> dict:
    key = jax.random.key(seed)
    k1, k2 = jax.random.split(key)
    patches = jax.random.normal(k1, (BATCH, N_PATCHES, PATCH_DIM), dtype=jnp.float32)
    # learned positional embedding table sized per init_kwargs (n_patches, embed_size)
    table = jax.random.normal(k2, (N_PATCHES, EMBED_SIZE), dtype=jnp.float32) * 0.02
    return {"patches": patches, "table": table}

def reference(patches, table):
    # embedding lookup over constant position ids 0..n_patches-1
    positions = jnp.arange(N_PATCHES, dtype=jnp.int32)
    emb = jnp.take(table, positions, axis=0)  # [n_patches, embed_size]
    emb = emb[None, :, :]
    n_batches = patches.shape[0]
    emb = jnp.broadcast_to(emb, (n_batches, N_PATCHES, EMBED_SIZE))  # tf.repeat over batch
    embedded_patches = jnp.concatenate([patches, emb], axis=2)  # concat on last axis
    return embedded_patches

if __name__ == "__main__":
    import jax
    _d = setup_inputs()
    print(jax.jit(kernel)(*tuple(_d.values())))

</pallas_src>

<mosaic_0001>
#map = affine_map<(d0, d1) -> (0, 0, 0)>
#map1 = affine_map<(d0, d1) -> (0, 0)>
module attributes {stable_mosaic.version = 14 : i64} {
  func.func @k(%arg0: i32, %arg1: i32, %arg2: memref<64x576x768xf32, #tpu.memory_space<hbm>>, %arg3: memref<576x768xf32, #tpu.memory_space<hbm>>, %arg4: memref<64x576x1536xf32, #tpu.memory_space<hbm>>, %arg5: memref<32x1536xf32, #tpu.memory_space<vmem>>, %arg6: memref<32x1536xf32, #tpu.memory_space<vmem>>, %arg7: memref<!tpu.dma_semaphore, #tpu.memory_space<semaphore_mem>>, %arg8: memref<!tpu.dma_semaphore, #tpu.memory_space<semaphore_mem>>, %arg9: memref<!tpu.dma_semaphore, #tpu.memory_space<semaphore_mem>>, %arg10: memref<!tpu.dma_semaphore, #tpu.memory_space<semaphore_mem>>) attributes {dimension_semantics = [#tpu.dimension_semantics<core_parallel>, #tpu.dimension_semantics<subcore_parallel>], iteration_bounds = array<i64: 2, 16>, scalar_prefetch = 0 : i64, scratch_operands = 6 : i64, tpu.core_type = #tpu.core_type<sc_vector_subcore>, window_params = [{transform_indices = #map}, {transform_indices = #map1}, {transform_indices = #map}]} {
    %mul3A = arith.constant 2 : i32
    %mul3A_0 = arith.muli %arg1, %mul3A : i32
    %add3A = arith.addi %mul3A_0, %arg0 : i32
    %mul3A_1 = arith.constant 2 : i32
    %mul3A_2 = arith.muli %add3A, %mul3A_1 : i32
    %add3A_3 = arith.constant 0 : i32
    %add3A_4 = arith.addi %mul3A_2, %add3A_3 : i32
    %dma_start3A = arith.constant 0 : i32
    %dma_start3A_5 = arith.constant 0 : i32
    %dma_start3A_6 = tpu.memref_slice %arg5[%dma_start3A, %dma_start3A_5] : memref<32x1536xf32, #tpu.memory_space<vmem>> -> memref<32x768xf32, #tpu.memory_space<vmem>>
    %dma_start3A_7 = arith.constant 0 : i32
    %dma_start3A_8 = arith.constant 0 : i32
    %dma_start3A_9 = tpu.memref_slice %arg2[%add3A_4, %dma_start3A_7, %dma_start3A_8] : memref<64x576x768xf32, #tpu.memory_space<hbm>> -> memref<1x32x768xf32, #tpu.memory_space<hbm>>
    %dma_start3A_10 = tpu.memref_squeeze %dma_start3A_9 : memref<1x32x768xf32, #tpu.memory_space<hbm>> -> memref<32x768xf32, #tpu.memory_space<hbm>>
    %dma_start3A_11 = arith.constant 0 : i32
    %dma_start3A_12 = arith.constant 0 : i32
    %dma_start3A_13 = tpu.memref_slice %arg5[%dma_start3A_11, %dma_start3A_12] : memref<32x1536xf32, #tpu.memory_space<vmem>> -> memref<32x768xf32, #tpu.memory_space<vmem>>
    %dma_start3A_14 = arith.constant 0 : i32
    %dma_start3A_15 = arith.constant 0 : i32
    %dma_start3A_16 = tpu.memref_slice %arg2[%add3A_4, %dma_start3A_14, %dma_start3A_15] : memref<64x576x768xf32, #tpu.memory_space<hbm>> -> memref<1x32x768xf32, #tpu.memory_space<hbm>>
    %dma_start3A_17 = tpu.memref_squeeze %dma_start3A_16 : memref<1x32x768xf32, #tpu.memory_space<hbm>> -> memref<32x768xf32, #tpu.memory_space<hbm>>
    tpu.enqueue_dma source(%dma_start3A_17 : memref<32x768xf32, #tpu.memory_space<hbm>>) target(%dma_start3A_13 : memref<32x768xf32, #tpu.memory_space<vmem>>) target_semaphore(%arg7 : memref<!tpu.dma_semaphore, #tpu.memory_space<semaphore_mem>>)
    %dma_start3A_18 = arith.constant 0 : i32
    %dma_start3A_19 = arith.constant 768 : i32
    %dma_start3A_20 = tpu.memref_slice %arg5[%dma_start3A_18, %dma_start3A_19] : memref<32x1536xf32, #tpu.memory_space<vmem>> -> memref<32x768xf32, #tpu.memory_space<vmem>>
    %dma_start3A_21 = arith.constant 0 : i32
    %dma_start3A_22 = arith.constant 0 : i32
    %dma_start3A_23 = tpu.memref_slice %arg3[%dma_start3A_21, %dma_start3A_22] : memref<576x768xf32, #tpu.memory_space<hbm>> -> memref<32x768xf32, #tpu.memory_space<hbm>>
    %dma_start3A_24 = arith.constant 0 : i32
    %dma_start3A_25 = arith.constant 768 : i32
    %dma_start3A_26 = tpu.memref_slice %arg5[%dma_start3A_24, %dma_start3A_25] : memref<32x1536xf32, #tpu.memory_space<vmem>> -> memref<32x768xf32, #tpu.memory_space<vmem>>
    %dma_start3A_27 = arith.constant 0 : i32
    %dma_start3A_28 = arith.constant 0 : i32
    %dma_start3A_29 = tpu.memref_slice %arg3[%dma_start3A_27, %dma_start3A_28] : memref<576x768xf32, #tpu.memory_space<hbm>> -> memref<32x768xf32, #tpu.memory_space<hbm>>
    tpu.enqueue_dma source(%dma_start3A_29 : memref<32x768xf32, #tpu.memory_space<hbm>>) target(%dma_start3A_26 : memref<32x768xf32, #tpu.memory_space<vmem>>) target_semaphore(%arg7 : memref<!tpu.dma_semaphore, #tpu.memory_space<semaphore_mem>>)
    %mul3A_30 = arith.constant 2 : i32
    %mul3A_31 = arith.muli %add3A, %mul3A_30 : i32
    %add3A_32 = arith.constant 0 : i32
    %add3A_33 = arith.addi %mul3A_31, %add3A_32 : i32
    %dma_start3A_34 = arith.constant 0 : i32
    %dma_start3A_35 = arith.constant 0 : i32
    %dma_start3A_36 = tpu.memref_slice %arg6[%dma_start3A_34, %dma_start3A_35] : memref<32x1536xf32, #tpu.memory_space<vmem>> -> memref<32x768xf32, #tpu.memory_space<vmem>>
    %dma_start3A_37 = arith.constant 32 : i32
    %dma_start3A_38 = arith.constant 0 : i32
    %dma_start3A_39 = tpu.memref_slice %arg2[%add3A_33, %dma_start3A_37, %dma_start3A_38] : memref<64x576x768xf32, #tpu.memory_space<hbm>> -> memref<1x32x768xf32, #tpu.memory_space<hbm>>
    %dma_start3A_40 = tpu.memref_squeeze %dma_start3A_39 : memref<1x32x768xf32, #tpu.memory_space<hbm>> -> memref<32x768xf32, #tpu.memory_space<hbm>>
    %dma_start3A_41 = arith.constant 0 : i32
    %dma_start3A_42 = arith.constant 0 : i32
    %dma_start3A_43 = tpu.memref_slice %arg6[%dma_start3A_41, %dma_start3A_42] : memref<32x1536xf32, #tpu.memory_space<vmem>> -> memref<32x768xf32, #tpu.memory_space<vmem>>
    %dma_start3A_44 = arith.constant 32 : i32
    %dma_start3A_45 = arith.constant 0 : i32
    %dma_start3A_46 = tpu.memref_slice %arg2[%add3A_33, %dma_start3A_44, %dma_start3A_45] : memref<64x576x768xf32, #tpu.memory_space<hbm>> -> memref<1x32x768xf32, #tpu.memory_space<hbm>>
    %dma_start3A_47 = tpu.memref_squeeze %dma_start3A_46 : memref<1x32x768xf32, #tpu.memory_space<hbm>> -> memref<32x768xf32, #tpu.memory_space<hbm>>
    tpu.enqueue_dma source(%dma_start3A_47 : memref<32x768xf32, #tpu.memory_space<hbm>>) target(%dma_start3A_43 : memref<32x768xf32, #tpu.memory_space<vmem>>) target_semaphore(%arg8 : memref<!tpu.dma_semaphore, #tpu.memory_space<semaphore_mem>>)
    %dma_start3A_48 = arith.constant 0 : i32
    %dma_start3A_49 = arith.constant 768 : i32
    %dma_start3A_50 = tpu.memref_slice %arg6[%dma_start3A_48, %dma_start3A_49] : memref<32x1536xf32, #tpu.memory_space<vmem>> -> memref<32x768xf32, #tpu.memory_space<vmem>>
    %dma_start3A_51 = arith.constant 32 : i32
    %dma_start3A_52 = arith.constant 0 : i32
    %dma_start3A_53 = tpu.memref_slice %arg3[%dma_start3A_51, %dma_start3A_52] : memref<576x768xf32, #tpu.memory_space<hbm>> -> memref<32x768xf32, #tpu.memory_space<hbm>>
    %dma_start3A_54 = arith.constant 0 : i32
    %dma_start3A_55 = arith.constant 768 : i32
    %dma_start3A_56 = tpu.memref_slice %arg6[%dma_start3A_54, %dma_start3A_55] : memref<32x1536xf32, #tpu.memory_space<vmem>> -> memref<32x768xf32, #tpu.memory_space<vmem>>
    %dma_start3A_57 = arith.constant 32 : i32
    %dma_start3A_58 = arith.constant 0 : i32
    %dma_start3A_59 = tpu.memref_slice %arg3[%dma_start3A_57, %dma_start3A_58] : memref<576x768xf32, #tpu.memory_space<hbm>> -> memref<32x768xf32, #tpu.memory_space<hbm>>
    tpu.enqueue_dma source(%dma_start3A_59 : memref<32x768xf32, #tpu.memory_space<hbm>>) target(%dma_start3A_56 : memref<32x768xf32, #tpu.memory_space<vmem>>) target_semaphore(%arg8 : memref<!tpu.dma_semaphore, #tpu.memory_space<semaphore_mem>>)
    %dma_wait3A = arith.constant 0 : i32
    %dma_wait3A_60 = arith.constant 0 : i32
    %dma_wait3A_61 = tpu.memref_slice %arg5[%dma_wait3A, %dma_wait3A_60] : memref<32x1536xf32, #tpu.memory_space<vmem>> -> memref<32x768xf32, #tpu.memory_space<vmem>>
    %dma_wait3A_62 = arith.constant 0 : i32
    %dma_wait3A_63 = arith.constant 0 : i32
    %dma_wait3A_64 = tpu.memref_slice %arg2[%add3A_4, %dma_wait3A_62, %dma_wait3A_63] : memref<64x576x768xf32, #tpu.memory_space<hbm>> -> memref<1x32x768xf32, #tpu.memory_space<hbm>>
    %dma_wait3A_65 = tpu.memref_squeeze %dma_wait3A_64 : memref<1x32x768xf32, #tpu.memory_space<hbm>> -> memref<32x768xf32, #tpu.memory_space<hbm>>
    %dma_wait3A_66 = arith.constant 0 : i32
    %dma_wait3A_67 = arith.constant 0 : i32
    %dma_wait3A_68 = tpu.memref_slice %arg5[%dma_wait3A_66, %dma_wait3A_67] : memref<32x1536xf32, #tpu.memory_space<vmem>> -> memref<32x768xf32, #tpu.memory_space<vmem>>
    %dma_wait3A_69 = arith.constant 0 : i32
    %dma_wait3A_70 = arith.constant 0 : i32
    %dma_wait3A_71 = tpu.memref_slice %arg2[%add3A_4, %dma_wait3A_69, %dma_wait3A_70] : memref<64x576x768xf32, #tpu.memory_space<hbm>> -> memref<1x32x768xf32, #tpu.memory_space<hbm>>
    %dma_wait3A_72 = tpu.memref_squeeze %dma_wait3A_71 : memref<1x32x768xf32, #tpu.memory_space<hbm>> -> memref<32x768xf32, #tpu.memory_space<hbm>>
    tpu.wait_dma2 semaphore(%arg7 : memref<!tpu.dma_semaphore, #tpu.memory_space<semaphore_mem>>) src(%dma_wait3A_72 : memref<32x768xf32, #tpu.memory_space<hbm>>) dst(%dma_wait3A_68 : memref<32x768xf32, #tpu.memory_space<vmem>>)
    %dma_wait3A_73 = arith.constant 0 : i32
    %dma_wait3A_74 = arith.constant 768 : i32
    %dma_wait3A_75 = tpu.memref_slice %arg5[%dma_wait3A_73, %dma_wait3A_74] : memref<32x1536xf32, #tpu.memory_space<vmem>> -> memref<32x768xf32, #tpu.memory_space<vmem>>
    %dma_wait3A_76 = arith.constant 0 : i32
    %dma_wait3A_77 = arith.constant 0 : i32
    %dma_wait3A_78 = tpu.memref_slice %arg3[%dma_wait3A_76, %dma_wait3A_77] : memref<576x768xf32, #tpu.memory_space<hbm>> -> memref<32x768xf32, #tpu.memory_space<hbm>>
    %dma_wait3A_79 = arith.constant 0 : i32
    %dma_wait3A_80 = arith.constant 768 : i32
    %dma_wait3A_81 = tpu.memref_slice %arg5[%dma_wait3A_79, %dma_wait3A_80] : memref<32x1536xf32, #tpu.memory_space<vmem>> -> memref<32x768xf32, #tpu.memory_space<vmem>>
    %dma_wait3A_82 = arith.constant 0 : i32
    %dma_wait3A_83 = arith.constant 0 : i32
    %dma_wait3A_84 = tpu.memref_slice %arg3[%dma_wait3A_82, %dma_wait3A_83] : memref<576x768xf32, #tpu.memory_space<hbm>> -> memref<32x768xf32, #tpu.memory_space<hbm>>
    tpu.wait_dma2 semaphore(%arg7 : memref<!tpu.dma_semaphore, #tpu.memory_space<semaphore_mem>>) src(%dma_wait3A_84 : memref<32x768xf32, #tpu.memory_space<hbm>>) dst(%dma_wait3A_81 : memref<32x768xf32, #tpu.memory_space<vmem>>)
    %mul3A_85 = arith.constant 2 : i32
    %mul3A_86 = arith.muli %add3A, %mul3A_85 : i32
    %add3A_87 = arith.constant 0 : i32
    %add3A_88 = arith.addi %mul3A_86, %add3A_87 : i32
    %dma_start3A_89 = arith.constant 0 : i32
    %dma_start3A_90 = arith.constant 0 : i32
    %dma_start3A_91 = tpu.memref_slice %arg4[%add3A_88, %dma_start3A_89, %dma_start3A_90] : memref<64x576x1536xf32, #tpu.memory_space<hbm>> -> memref<1x32x1536xf32, #tpu.memory_space<hbm>>
    %dma_start3A_92 = tpu.memref_squeeze %dma_start3A_91 : memref<1x32x1536xf32, #tpu.memory_space<hbm>> -> memref<32x1536xf32, #tpu.memory_space<hbm>>
    %dma_start3A_93 = arith.constant 0 : i32
    %dma_start3A_94 = arith.constant 0 : i32
    %dma_start3A_95 = tpu.memref_slice %arg4[%add3A_88, %dma_start3A_93, %dma_start3A_94] : memref<64x576x1536xf32, #tpu.memory_space<hbm>> -> memref<1x32x1536xf32, #tpu.memory_space<hbm>>
    %dma_start3A_96 = tpu.memref_squeeze %dma_start3A_95 : memref<1x32x1536xf32, #tpu.memory_space<hbm>> -> memref<32x1536xf32, #tpu.memory_space<hbm>>
    tpu.enqueue_dma source(%arg5 : memref<32x1536xf32, #tpu.memory_space<vmem>>) target(%dma_start3A_96 : memref<32x1536xf32, #tpu.memory_space<hbm>>) target_semaphore(%arg9 : memref<!tpu.dma_semaphore, #tpu.memory_space<semaphore_mem>>)
    %dma_wait3A_97 = arith.constant 0 : i32
    %dma_wait3A_98 = arith.constant 0 : i32
    %dma_wait3A_99 = tpu.memref_slice %arg4[%add3A_88, %dma_wait3A_97, %dma_wait3A_98] : memref<64x576x1536xf32, #tpu.memory_space<hbm>> -> memref<1x32x1536xf32, #tpu.memory_space<hbm>>
    %dma_wait3A_100 = tpu.memref_squeeze %dma_wait3A_99 : memref<1x32x1536xf32, #tpu.memory_space<hbm>> -> memref<32x1536xf32, #tpu.memory_space<hbm>>
    %dma_wait3A_101 = arith.constant 0 : i32
    %dma_wait3A_102 = arith.constant 0 : i32
    %dma_wait3A_103 = tpu.memref_slice %arg4[%add3A_88, %dma_wait3A_101, %dma_wait3A_102] : memref<64x576x1536xf32, #tpu.memory_space<hbm>> -> memref<1x32x1536xf32, #tpu.memory_space<hbm>>
    %dma_wait3A_104 = tpu.memref_squeeze %dma_wait3A_103 : memref<1x32x1536xf32, #tpu.memory_space<hbm>> -> memref<32x1536xf32, #tpu.memory_space<hbm>>
    tpu.wait_dma2 semaphore(%arg9 : memref<!tpu.dma_semaphore, #tpu.memory_space<semaphore_mem>>) src(%arg5 : memref<32x1536xf32, #tpu.memory_space<vmem>>) dst(%dma_wait3A_104 : memref<32x1536xf32, #tpu.memory_space<hbm>>)
    %mul3A_105 = arith.constant 2 : i32
    %mul3A_106 = arith.muli %add3A, %mul3A_105 : i32
    %add3A_107 = arith.constant 0 : i32
    %add3A_108 = arith.addi %mul3A_106, %add3A_107 : i32
    %dma_start3A_109 = arith.constant 0 : i32
    %dma_start3A_110 = arith.constant 0 : i32
    %dma_start3A_111 = tpu.memref_slice %arg5[%dma_start3A_109, %dma_start3A_110] : memref<32x1536xf32, #tpu.memory_space<vmem>> -> memref<32x768xf32, #tpu.memory_space<vmem>>
    %dma_start3A_112 = arith.constant 64 : i32
    %dma_start3A_113 = arith.constant 0 : i32
    %dma_start3A_114 = tpu.memref_slice %arg2[%add3A_108, %dma_start3A_112, %dma_start3A_113] : memref<64x576x768xf32, #tpu.memory_space<hbm>> -> memref<1x32x768xf32, #tpu.memory_space<hbm>>
    %dma_start3A_115 = tpu.memref_squeeze %dma_start3A_114 : memref<1x32x768xf32, #tpu.memory_space<hbm>> -> memref<32x768xf32, #tpu.memory_space<hbm>>
    %dma_start3A_116 = arith.constant 0 : i32
    %dma_start3A_117 = arith.constant 0 : i32
    %dma_start3A_118 = tpu.memref_slice %arg5[%dma_start3A_116, %dma_start3A_117] : memref<32x1536xf32, #tpu.memory_space<vmem>> -> memref<32x768xf32, #tpu.memory_space<vmem>>
    %dma_start3A_119 = arith.constant 64 : i32
    %dma_start3A_120 = arith.constant 0 : i32
    %dma_start3A_121 = tpu.memref_slice %arg2[%add3A_108, %dma_start3A_119, %dma_start3A_120] : memref<64x576x768xf32, #tpu.memory_space<hbm>> -> memref<1x32x768xf32, #tpu.memory_space<hbm>>
    %dma_start3A_122 = tpu.memref_squeeze %dma_start3A_121 : memref<1x32x768xf32, #tpu.memory_space<hbm>> -> memref<32x768xf32, #tpu.memory_space<hbm>>
    tpu.enqueue_dma source(%dma_start3A_122 : memref<32x768xf32, #tpu.memory_space<hbm>>) target(%dma_start3A_118 : memref<32x768xf32, #tpu.memory_space<vmem>>) target_semaphore(%arg7 : memref<!tpu.dma_semaphore, #tpu.memory_space<semaphore_mem>>)
    %dma_start3A_123 = arith.constant 0 : i32
    %dma_start3A_124 = arith.constant 768 : i32
    %dma_start3A_125 = tpu.memref_slice %arg5[%dma_start3A_123, %dma_start3A_124] : memref<32x1536xf32, #tpu.memory_space<vmem>> -> memref<32x768xf32, #tpu.memory_space<vmem>>
    %dma_start3A_126 = arith.constant 64 : i32
    %dma_start3A_127 = arith.constant 0 : i32
    %dma_start3A_128 = tpu.memref_slice %arg3[%dma_start3A_126, %dma_start3A_127] : memref<576x768xf32, #tpu.memory_space<hbm>> -> memref<32x768xf32, #tpu.memory_space<hbm>>
    %dma_start3A_129 = arith.constant 0 : i32
    %dma_start3A_130 = arith.constant 768 : i32
    %dma_start3A_131 = tpu.memref_slice %arg5[%dma_start3A_129, %dma_start3A_130] : memref<32x1536xf32, #tpu.memory_space<vmem>> -> memref<32x768xf32, #tpu.memory_space<vmem>>
    %dma_start3A_132 = arith.constant 64 : i32
    %dma_start3A_133 = arith.constant 0 : i32
    %dma_start3A_134 = tpu.memref_slice %arg3[%dma_start3A_132, %dma_start3A_133] : memref<576x768xf32, #tpu.memory_space<hbm>> -> memref<32x768xf32, #tpu.memory_space<hbm>>
    tpu.enqueue_dma source(%dma_start3A_134 : memref<32x768xf32, #tpu.memory_space<hbm>>) target(%dma_start3A_131 : memref<32x768xf32, #tpu.memory_space<vmem>>) target_semaphore(%arg7 : memref<!tpu.dma_semaphore, #tpu.memory_space<semaphore_mem>>)
    %dma_wait3A_135 = arith.constant 0 : i32
    %dma_wait3A_136 = arith.constant 0 : i32
    %dma_wait3A_137 = tpu.memref_slice %arg6[%dma_wait3A_135, %dma_wait3A_136] : memref<32x1536xf32, #tpu.memory_space<vmem>> -> memref<32x768xf32, #tpu.memory_space<vmem>>
    %dma_wait3A_138 = arith.constant 32 : i32
    %dma_wait3A_139 = arith.constant 0 : i32
    %dma_wait3A_140 = tpu.memref_slice %arg2[%add3A_33, %dma_wait3A_138, %dma_wait3A_139] : memref<64x576x768xf32, #tpu.memory_space<hbm>> -> memref<1x32x768xf32, #tpu.memory_space<hbm>>
    %dma_wait3A_141 = tpu.memref_squeeze %dma_wait3A_140 : memref<1x32x768xf32, #tpu.memory_space<hbm>> -> memref<32x768xf32, #tpu.memory_space<hbm>>
    %dma_wait3A_142 = arith.constant 0 : i32
    %dma_wait3A_143 = arith.constant 0 : i32
    %dma_wait3A_144 = tpu.memref_slice %arg6[%dma_wait3A_142, %dma_wait3A_143] : memref<32x1536xf32, #tpu.memory_space<vmem>> -> memref<32x768xf32, #tpu.memory_space<vmem>>
    %dma_wait3A_145 = arith.constant 32 : i32
    %dma_wait3A_146 = arith.constant 0 : i32
    %dma_wait3A_147 = tpu.memref_slice %arg2[%add3A_33, %dma_wait3A_145, %dma_wait3A_146] : memref<64x576x768xf32, #tpu.memory_space<hbm>> -> memref<1x32x768xf32, #tpu.memory_space<hbm>>
    %dma_wait3A_148 = tpu.memref_squeeze %dma_wait3A_147 : memref<1x32x768xf32, #tpu.memory_space<hbm>> -> memref<32x768xf32, #tpu.memory_space<hbm>>
    tpu.wait_dma2 semaphore(%arg8 : memref<!tpu.dma_semaphore, #tpu.memory_space<semaphore_mem>>) src(%dma_wait3A_148 : memref<32x768xf32, #tpu.memory_space<hbm>>) dst(%dma_wait3A_144 : memref<32x768xf32, #tpu.memory_space<vmem>>)
    %dma_wait3A_149 = arith.constant 0 : i32
    %dma_wait3A_150 = arith.constant 768 : i32
    %dma_wait3A_151 = tpu.memref_slice %arg6[%dma_wait3A_149, %dma_wait3A_150] : memref<32x1536xf32, #tpu.memory_space<vmem>> -> memref<32x768xf32, #tpu.memory_space<vmem>>
    %dma_wait3A_152 = arith.constant 32 : i32
    %dma_wait3A_153 = arith.constant 0 : i32
    %dma_wait3A_154 = tpu.memref_slice %arg3[%dma_wait3A_152, %dma_wait3A_153] : memref<576x768xf32, #tpu.memory_space<hbm>> -> memref<32x768xf32, #tpu.memory_space<hbm>>
    %dma_wait3A_155 = arith.constant 0 : i32
    %dma_wait3A_156 = arith.constant 768 : i32
    %dma_wait3A_157 = tpu.memref_slice %arg6[%dma_wait3A_155, %dma_wait3A_156] : memref<32x1536xf32, #tpu.memory_space<vmem>> -> memref<32x768xf32, #tpu.memory_space<vmem>>
    %dma_wait3A_158 = arith.constant 32 : i32
    %dma_wait3A_159 = arith.constant 0 : i32
    %dma_wait3A_160 = tpu.memref_slice %arg3[%dma_wait3A_158, %dma_wait3A_159] : memref<576x768xf32, #tpu.memory_space<hbm>> -> memref<32x768xf32, #tpu.memory_space<hbm>>
    tpu.wait_dma2 semaphore(%arg8 : memref<!tpu.dma_semaphore, #tpu.memory_space<semaphore_mem>>) src(%dma_wait3A_160 : memref<32x768xf32, #tpu.memory_space<hbm>>) dst(%dma_wait3A_157 : memref<32x768xf32, #tpu.memory_space<vmem>>)
    %mul3A_161 = arith.constant 2 : i32
    %mul3A_162 = arith.muli %add3A, %mul3A_161 : i32
    %add3A_163 = arith.constant 0 : i32
    %add3A_164 = arith.addi %mul3A_162, %add3A_163 : i32
    %dma_start3A_165 = arith.constant 32 : i32
    %dma_start3A_166 = arith.constant 0 : i32
    %dma_start3A_167 = tpu.memref_slice %arg4[%add3A_164, %dma_start3A_165, %dma_start3A_166] : memref<64x576x1536xf32, #tpu.memory_space<hbm>> -> memref<1x32x1536xf32, #tpu.memory_space<hbm>>
    %dma_start3A_168 = tpu.memref_squeeze %dma_start3A_167 : memref<1x32x1536xf32, #tpu.memory_space<hbm>> -> memref<32x1536xf32, #tpu.memory_space<hbm>>
    %dma_start3A_169 = arith.constant 32 : i32
    %dma_start3A_170 = arith.constant 0 : i32
    %dma_start3A_171 = tpu.memref_slice %arg4[%add3A_164, %dma_start3A_169, %dma_start3A_170] : memref<64x576x1536xf32, #tpu.memory_space<hbm>> -> memref<1x32x1536xf32, #tpu.memory_space<hbm>>
    %dma_start3A_172 = tpu.memref_squeeze %dma_start3A_171 : memref<1x32x1536xf32, #tpu.memory_space<hbm>> -> memref<32x1536xf32, #tpu.memory_space<hbm>>
    tpu.enqueue_dma source(%arg6 : memref<32x1536xf32, #tpu.memory_space<vmem>>) target(%dma_start3A_172 : memref<32x1536xf32, #tpu.memory_space<hbm>>) target_semaphore(%arg10 : memref<!tpu.dma_semaphore, #tpu.memory_space<semaphore_mem>>)
    %dma_wait3A_173 = arith.constant 32 : i32
    %dma_wait3A_174 = arith.constant 0 : i32
    %dma_wait3A_175 = tpu.memref_slice %arg4[%add3A_164, %dma_wait3A_173, %dma_wait3A_174] : memref<64x576x1536xf32, #tpu.memory_space<hbm>> -> memref<1x32x1536xf32, #tpu.memory_space<hbm>>
    %dma_wait3A_176 = tpu.memref_squeeze %dma_wait3A_175 : memref<1x32x1536xf32, #tpu.memory_space<hbm>> -> memref<32x1536xf32, #tpu.memory_space<hbm>>
    %dma_wait3A_177 = arith.constant 32 : i32
    %dma_wait3A_178 = arith.constant 0 : i32
    %dma_wait3A_179 = tpu.memref_slice %arg4[%add3A_164, %dma_wait3A_177, %dma_wait3A_178] : memref<64x576x1536xf32, #tpu.memory_space<hbm>> -> memref<1x32x1536xf32, #tpu.memory_space<hbm>>
    %dma_wait3A_180 = tpu.memref_squeeze %dma_wait3A_179 : memref<1x32x1536xf32, #tpu.memory_space<hbm>> -> memref<32x1536xf32, #tpu.memory_space<hbm>>
    tpu.wait_dma2 semaphore(%arg10 : memref<!tpu.dma_semaphore, #tpu.memory_space<semaphore_mem>>) src(%arg6 : memref<32x1536xf32, #tpu.memory_space<vmem>>) dst(%dma_wait3A_180 : memref<32x1536xf32, #tpu.memory_space<hbm>>)
    %mul3A_181 = arith.constant 2 : i32
    %mul3A_182 = arith.muli %add3A, %mul3A_181 : i32
    %add3A_183 = arith.constant 0 : i32
    %add3A_184 = arith.addi %mul3A_182, %add3A_183 : i32
    %dma_start3A_185 = arith.constant 0 : i32
    %dma_start3A_186 = arith.constant 0 : i32
    %dma_start3A_187 = tpu.memref_slice %arg6[%dma_start3A_185, %dma_start3A_186] : memref<32x1536xf32, #tpu.memory_space<vmem>> -> memref<32x768xf32, #tpu.memory_space<vmem>>
    %dma_start3A_188 = arith.constant 96 : i32
    %dma_start3A_189 = arith.constant 0 : i32
    %dma_start3A_190 = tpu.memref_slice %arg2[%add3A_184, %dma_start3A_188, %dma_start3A_189] : memref<64x576x768xf32, #tpu.memory_space<hbm>> -> memref<1x32x768xf32, #tpu.memory_space<hbm>>
    %dma_start3A_191 = tpu.memref_squeeze %dma_start3A_190 : memref<1x32x768xf32, #tpu.memory_space<hbm>> -> memref<32x768xf32, #tpu.memory_space<hbm>>
    %dma_start3A_192 = arith.constant 0 : i32
    %dma_start3A_193 = arith.constant 0 : i32
    %dma_start3A_194 = tpu.memref_slice %arg6[%dma_start3A_192, %dma_start3A_193] : memref<32x1536xf32, #tpu.memory_space<vmem>> -> memref<32x768xf32, #tpu.memory_space<vmem>>
    %dma_start3A_195 = arith.constant 96 : i32
    %dma_start3A_196 = arith.constant 0 : i32
    %dma_start3A_197 = tpu.memref_slice %arg2[%add3A_184, %dma_start3A_195, %dma_start3A_196] : memref<64x576x768xf32, #tpu.memory_space<hbm>> -> memref<1x32x768xf32, #tpu.memory_space<hbm>>
    %dma_start3A_198 = tpu.memref_squeeze %dma_start3A_197 : memref<1x32x768xf32, #tpu.memory_space<hbm>> -> memref<32x768xf32, #tpu.memory_space<hbm>>
    tpu.enqueue_dma source(%dma_start3A_198 : memref<32x768xf32, #tpu.memory_space<hbm>>) target(%dma_start3A_194 : memref<32x768xf32, #tpu.memory_space<vmem>>) target_semaphore(%arg8 : memref<!tpu.dma_semaphore, #tpu.memory_space<semaphore_mem>>)
    %dma_start3A_199 = arith.constant 0 : i32
    %dma_start3A_200 = arith.constant 768 : i32
    %dma_start3A_201 = tpu.memref_slice %arg6[%dma_start3A_199, %dma_start3A_200] : memref<32x1536xf32, #tpu.memory_space<vmem>> -> memref<32x768xf32, #tpu.memory_space<vmem>>
    %dma_start3A_202 = arith.constant 96 : i32
    %dma_start3A_203 = arith.constant 0 : i32
    %dma_start3A_204 = tpu.memref_slice %arg3[%dma_start3A_202, %dma_start3A_203] : memref<576x768xf32, #tpu.memory_space<hbm>> -> memref<32x768xf32, #tpu.memory_space<hbm>>
    %dma_start3A_205 = arith.constant 0 : i32
    %dma_start3A_206 = arith.constant 768 : i32
    %dma_start3A_207 = tpu.memref_slice %arg6[%dma_start3A_205, %dma_start3A_206] : memref<32x1536xf32, #tpu.memory_space<vmem>> -> memref<32x768xf32, #tpu.memory_space<vmem>>
    %dma_start3A_208 = arith.constant 96 : i32
    %dma_start3A_209 = arith.constant 0 : i32
    %dma_start3A_210 = tpu.memref_slice %arg3[%dma_start3A_208, %dma_start3A_209] : memref<576x768xf32, #tpu.memory_space<hbm>> -> memref<32x768xf32, #tpu.memory_space<hbm>>
    tpu.enqueue_dma source(%dma_start3A_210 : memref<32x768xf32, #tpu.memory_space<hbm>>) target(%dma_start3A_207 : memref<32x768xf32, #tpu.memory_space<vmem>>) target_semaphore(%arg8 : memref<!tpu.dma_semaphore, #tpu.memory_space<semaphore_mem>>)
    %dma_wait3A_211 = arith.constant 0 : i32
    %dma_wait3A_212 = arith.constant 0 : i32
    %dma_wait3A_213 = tpu.memref_slice %arg5[%dma_wait3A_211, %dma_wait3A_212] : memref<32x1536xf32, #tpu.memory_space<vmem>> -> memref<32x768xf32, #tpu.memory_space<vmem>>
    %dma_wait3A_214 = arith.constant 64 : i32
    %dma_wait3A_215 = arith.constant 0 : i32
    %dma_wait3A_216 = tpu.memref_slice %arg2[%add3A_108, %dma_wait3A_214, %dma_wait3A_215] : memref<64x576x768xf32, #tpu.memory_space<hbm>> -> memref<1x32x768xf32, #tpu.memory_space<hbm>>
    %dma_wait3A_217 = tpu.memref_squeeze %dma_wait3A_216 : memref<1x32x768xf32, #tpu.memory_space<hbm>> -> memref<32x768xf32, #tpu.memory_space<hbm>>
    %dma_wait3A_218 = arith.constant 0 : i32
    %dma_wait3A_219 = arith.constant 0 : i32
    %dma_wait3A_220 = tpu.memref_slice %arg5[%dma_wait3A_218, %dma_wait3A_219] : memref<32x1536xf32, #tpu.memory_space<vmem>> -> memref<32x768xf32, #tpu.memory_space<vmem>>
    %dma_wait3A_221 = arith.constant 64 : i32
    %dma_wait3A_222 = arith.constant 0 : i32
    %dma_wait3A_223 = tpu.memref_slice %arg2[%add3A_108, %dma_wait3A_221, %dma_wait3A_222] : memref<64x576x768xf32, #tpu.memory_space<hbm>> -> memref<1x32x768xf32, #tpu.memory_space<hbm>>
    %dma_wait3A_224 = tpu.memref_squeeze %dma_wait3A_223 : memref<1x32x768xf32, #tpu.memory_space<hbm>> -> memref<32x768xf32, #tpu.memory_space<hbm>>
    tpu.wait_dma2 semaphore(%arg7 : memref<!tpu.dma_semaphore, #tpu.memory_space<semaphore_mem>>) src(%dma_wait3A_224 : memref<32x768xf32, #tpu.memory_space<hbm>>) dst(%dma_wait3A_220 : memref<32x768xf32, #tpu.memory_space<vmem>>)
    %dma_wait3A_225 = arith.constant 0 : i32
    %dma_wait3A_226 = arith.constant 768 : i32
    %dma_wait3A_227 = tpu.memref_slice %arg5[%dma_wait3A_225, %dma_wait3A_226] : memref<32x1536xf32, #tpu.memory_space<vmem>> -> memref<32x768xf32, #tpu.memory_space<vmem>>
    %dma_wait3A_228 = arith.constant 64 : i32
    %dma_wait3A_229 = arith.constant 0 : i32
    %dma_wait3A_230 = tpu.memref_slice %arg3[%dma_wait3A_228, %dma_wait3A_229] : memref<576x768xf32, #tpu.memory_space<hbm>> -> memref<32x768xf32, #tpu.memory_space<hbm>>
    %dma_wait3A_231 = arith.constant 0 : i32
    %dma_wait3A_232 = arith.constant 768 : i32
    %dma_wait3A_233 = tpu.memref_slice %arg5[%dma_wait3A_231, %dma_wait3A_232] : memref<32x1536xf32, #tpu.memory_space<vmem>> -> memref<32x768xf32, #tpu.memory_space<vmem>>
    %dma_wait3A_234 = arith.constant 64 : i32
    %dma_wait3A_235 = arith.constant 0 : i32
    %dma_wait3A_236 = tpu.memref_slice %arg3[%dma_wait3A_234, %dma_wait3A_235] : memref<576x768xf32, #tpu.memory_space<hbm>> -> memref<32x768xf32, #tpu.memory_space<hbm>>
    tpu.wait_dma2 semaphore(%arg7 : memref<!tpu.dma_semaphore, #tpu.memory_space<semaphore_mem>>) src(%dma_wait3A_236 : memref<32x768xf32, #tpu.memory_space<hbm>>) dst(%dma_wait3A_233 : memref<32x768xf32, #tpu.memory_space<vmem>>)
    %mul3A_237 = arith.constant 2 : i32
    %mul3A_238 = arith.muli %add3A, %mul3A_237 : i32
    %add3A_239 = arith.constant 0 : i32
    %add3A_240 = arith.addi %mul3A_238, %add3A_239 : i32
    %dma_start3A_241 = arith.constant 64 : i32
    %dma_start3A_242 = arith.constant 0 : i32
    %dma_start3A_243 = tpu.memref_slice %arg4[%add3A_240, %dma_start3A_241, %dma_start3A_242] : memref<64x576x1536xf32, #tpu.memory_space<hbm>> -> memref<1x32x1536xf32, #tpu.memory_space<hbm>>
    %dma_start3A_244 = tpu.memref_squeeze %dma_start3A_243 : memref<1x32x1536xf32, #tpu.memory_space<hbm>> -> memref<32x1536xf32, #tpu.memory_space<hbm>>
    %dma_start3A_245 = arith.constant 64 : i32
    %dma_start3A_246 = arith.constant 0 : i32
    %dma_start3A_247 = tpu.memref_slice %arg4[%add3A_240, %dma_start3A_245, %dma_start3A_246] : memref<64x576x1536xf32, #tpu.memory_space<hbm>> -> memref<1x32x1536xf32, #tpu.memory_space<hbm>>
    %dma_start3A_248 = tpu.memref_squeeze %dma_start3A_247 : memref<1x32x1536xf32, #tpu.memory_space<hbm>> -> memref<32x1536xf32, #tpu.memory_space<hbm>>
    tpu.enqueue_dma source(%arg5 : memref<32x1536xf32, #tpu.memory_space<vmem>>) target(%dma_start3A_248 : memref<32x1536xf32, #tpu.memory_space<hbm>>) target_semaphore(%arg9 : memref<!tpu.dma_semaphore, #tpu.memory_space<semaphore_mem>>)
    %dma_wait3A_249 = arith.constant 64 : i32
    %dma_wait3A_250 = arith.constant 0 : i32
    %dma_wait3A_251 = tpu.memref_slice %arg4[%add3A_240, %dma_wait3A_249, %dma_wait3A_250] : memref<64x576x1536xf32, #tpu.memory_space<hbm>> -> memref<1x32x1536xf32, #tpu.memory_space<hbm>>
    %dma_wait3A_252 = tpu.memref_squeeze %dma_wait3A_251 : memref<1x32x1536xf32, #tpu.memory_space<hbm>> -> memref<32x1536xf32, #tpu.memory_space<hbm>>
    %dma_wait3A_253 = arith.constant 64 : i32
    %dma_wait3A_254 = arith.constant 0 : i32
    %dma_wait3A_255 = tpu.memref_slice %arg4[%add3A_240, %dma_wait3A_253, %dma_wait3A_254] : memref<64x576x1536xf32, #tpu.memory_space<hbm>> -> memref<1x32x1536xf32, #tpu.memory_space<hbm>>
    %dma_wait3A_256 = tpu.memref_squeeze %dma_wait3A_255 : memref<1x32x1536xf32, #tpu.memory_space<hbm>> -> memref<32x1536xf32, #tpu.memory_space<hbm>>
    tpu.wait_dma2 semaphore(%arg9 : memref<!tpu.dma_semaphore, #tpu.memory_space<semaphore_mem>>) src(%arg5 : memref<32x1536xf32, #tpu.memory_space<vmem>>) dst(%dma_wait3A_256 : memref<32x1536xf32, #tpu.memory_space<hbm>>)
    %mul3A_257 = arith.constant 2 : i32
    %mul3A_258 = arith.muli %add3A, %mul3A_257 : i32
    %add3A_259 = arith.constant 0 : i32
    %add3A_260 = arith.addi %mul3A_258, %add3A_259 : i32
    %dma_start3A_261 = arith.constant 0 : i32
    %dma_start3A_262 = arith.constant 0 : i32
    %dma_start3A_263 = tpu.memref_slice %arg5[%dma_start3A_261, %dma_start3A_262] : memref<32x1536xf32, #tpu.memory_space<vmem>> -> memref<32x768xf32, #tpu.memory_space<vmem>>
    %dma_start3A_264 = arith.constant 128 : i32
    %dma_start3A_265 = arith.constant 0 : i32
    %dma_start3A_266 = tpu.memref_slice %arg2[%add3A_260, %dma_start3A_264, %dma_start3A_265] : memref<64x576x768xf32, #tpu.memory_space<hbm>> -> memref<1x32x768xf32, #tpu.memory_space<hbm>>
    %dma_start3A_267 = tpu.memref_squeeze %dma_start3A_266 : memref<1x32x768xf32, #tpu.memory_space<hbm>> -> memref<32x768xf32, #tpu.memory_space<hbm>>
    %dma_start3A_268 = arith.constant 0 : i32
    %dma_start3A_269 = arith.constant 0 : i32
    %dma_start3A_270 = tpu.memref_slice %arg5[%dma_start3A_268, %dma_start3A_269] : memref<32x1536xf32, #tpu.memory_space<vmem>> -> memref<32x768xf32, #tpu.memory_space<vmem>>
    %dma_start3A_271 = arith.constant 128 : i32
    %dma_start3A_272 = arith.constant 0 : i32
    %dma_start3A_273 = tpu.memref_slice %arg2[%add3A_260, %dma_start3A_271, %dma_start3A_272] : memref<64x576x768xf32, #tpu.memory_space<hbm>> -> memref<1x32x768xf32, #tpu.memory_space<hbm>>
    %dma_start3A_274 = tpu.memref_squeeze %dma_start3A_273 : memref<1x32x768xf32, #tpu.memory_space<hbm>> -> memref<32x768xf32, #tpu.memory_space<hbm>>
    tpu.enqueue_dma source(%dma_start3A_274 : memref<32x768xf32, #tpu.memory_space<hbm>>) target(%dma_start3A_270 : memref<32x768xf32, #tpu.memory_space<vmem>>) target_semaphore(%arg7 : memref<!tpu.dma_semaphore, #tpu.memory_space<semaphore_mem>>)
    %dma_start3A_275 = arith.constant 0 : i32
    %dma_start3A_276 = arith.constant 768 : i32
    %dma_start3A_277 = tpu.memref_slice %arg5[%dma_start3A_275, %dma_start3A_276] : memref<32x1536xf32, #tpu.memory_space<vmem>> -> memref<32x768xf32, #tpu.memory_space<vmem>>
    %dma_start3A_278 = arith.constant 128 : i32
    %dma_start3A_279 = arith.constant 0 : i32
    %dma_start3A_280 = tpu.memref_slice %arg3[%dma_start3A_278, %dma_start3A_279] : memref<576x768xf32, #tpu.memory_space<hbm>> -> memref<32x768xf32, #tpu.memory_space<hbm>>
    %dma_start3A_281 = arith.constant 0 : i32
    %dma_start3A_282 = arith.constant 768 : i32
    %dma_start3A_283 = tpu.memref_slice %arg5[%dma_start3A_281, %dma_start3A_282] : memref<32x1536xf32, #tpu.memory_space<vmem>> -> memref<32x768xf32, #tpu.memory_space<vmem>>
    %dma_start3A_284 = arith.constant 128 : i32
    %dma_start3A_285 = arith.constant 0 : i32
    %dma_start3A_286 = tpu.memref_slice %arg3[%dma_start3A_284, %dma_start3A_285] : memref<576x768xf32, #tpu.memory_space<hbm>> -> memref<32x768xf32, #tpu.memory_space<hbm>>
    tpu.enqueue_dma source(%dma_start3A_286 : memref<32x768xf32, #tpu.memory_space<hbm>>) target(%dma_start3A_283 : memref<32x768xf32, #tpu.memory_space<vmem>>) target_semaphore(%arg7 : memref<!tpu.dma_semaphore, #tpu.memory_space<semaphore_mem>>)
    %dma_wait3A_287 = arith.constant 0 : i32
    %dma_wait3A_288 = arith.constant 0 : i32
    %dma_wait3A_289 = tpu.memref_slice %arg6[%dma_wait3A_287, %dma_wait3A_288] : memref<32x1536xf32, #tpu.memory_space<vmem>> -> memref<32x768xf32, #tpu.memory_space<vmem>>
    %dma_wait3A_290 = arith.constant 96 : i32
    %dma_wait3A_291 = arith.constant 0 : i32
    %dma_wait3A_292 = tpu.memref_slice %arg2[%add3A_184, %dma_wait3A_290, %dma_wait3A_291] : memref<64x576x768xf32, #tpu.memory_space<hbm>> -> memref<1x32x768xf32, #tpu.memory_space<hbm>>
    %dma_wait3A_293 = tpu.memref_squeeze %dma_wait3A_292 : memref<1x32x768xf32, #tpu.memory_space<hbm>> -> memref<32x768xf32, #tpu.memory_space<hbm>>
    %dma_wait3A_294 = arith.constant 0 : i32
    %dma_wait3A_295 = arith.constant 0 : i32
    %dma_wait3A_296 = tpu.memref_slice %arg6[%dma_wait3A_294, %dma_wait3A_295] : memref<32x1536xf32, #tpu.memory_space<vmem>> -> memref<32x768xf32, #tpu.memory_space<vmem>>
    %dma_wait3A_297 = arith.constant 96 : i32
    %dma_wait3A_298 = arith.constant 0 : i32
    %dma_wait3A_299 = tpu.memref_slice %arg2[%add3A_184, %dma_wait3A_297, %dma_wait3A_298] : memref<64x576x768xf32, #tpu.memory_space<hbm>> -> memref<1x32x768xf32, #tpu.memory_space<hbm>>
    %dma_wait3A_300 = tpu.memref_squeeze %dma_wait3A_299 : memref<1x32x768xf32, #tpu.memory_space<hbm>> -> memref<32x768xf32, #tpu.memory_space<hbm>>
    tpu.wait_dma2 semaphore(%arg8 : memref<!tpu.dma_semaphore, #tpu.memory_space<semaphore_mem>>) src(%dma_wait3A_300 : memref<32x768xf32, #tpu.memory_space<hbm>>) dst(%dma_wait3A_296 : memref<32x768xf32, #tpu.memory_space<vmem>>)
    %dma_wait3A_301 = arith.constant 0 : i32
    %dma_wait3A_302 = arith.constant 768 : i32
    %dma_wait3A_303 = tpu.memref_slice %arg6[%dma_wait3A_301, %dma_wait3A_302] : memref<32x1536xf32, #tpu.memory_space<vmem>> -> memref<32x768xf32, #tpu.memory_space<vmem>>
    %dma_wait3A_304 = arith.constant 96 : i32
    %dma_wait3A_305 = arith.constant 0 : i32
    %dma_wait3A_306 = tpu.memref_slice %arg3[%dma_wait3A_304, %dma_wait3A_305] : memref<576x768xf32, #tpu.memory_space<hbm>> -> memref<32x768xf32, #tpu.memory_space<hbm>>
    %dma_wait3A_307 = arith.constant 0 : i32
    %dma_wait3A_308 = arith.constant 768 : i32
    %dma_wait3A_309 = tpu.memref_slice %arg6[%dma_wait3A_307, %dma_wait3A_308] : memref<32x1536xf32, #tpu.memory_space<vmem>> -> memref<32x768xf32, #tpu.memory_space<vmem>>
    %dma_wait3A_310 = arith.constant 96 : i32
    %dma_wait3A_311 = arith.constant 0 : i32
    %dma_wait3A_312 = tpu.memref_slice %arg3[%dma_wait3A_310, %dma_wait3A_311] : memref<576x768xf32, #tpu.memory_space<hbm>> -> memref<32x768xf32, #tpu.memory_space<hbm>>
    tpu.wait_dma2 semaphore(%arg8 : memref<!tpu.dma_semaphore, #tpu.memory_space<semaphore_mem>>) src(%dma_wait3A_312 : memref<32x768xf32, #tpu.memory_space<hbm>>) dst(%dma_wait3A_309 : memref<32x768xf32, #tpu.memory_space<vmem>>)
    %mul3A_313 = arith.constant 2 : i32
    %mul3A_314 = arith.muli %add3A, %mul3A_313 : i32
    %add3A_315 = arith.constant 0 : i32
    %add3A_316 = arith.addi %mul3A_314, %add3A_315 : i32
    %dma_start3A_317 = arith.constant 96 : i32
    %dma_start3A_318 = arith.constant 0 : i32
    %dma_start3A_319 = tpu.memref_slice %arg4[%add3A_316, %dma_start3A_317, %dma_start3A_318] : memref<64x576x1536xf32, #tpu.memory_space<hbm>> -> memref<1x32x1536xf32, #tpu.memory_space<hbm>>
    %dma_start3A_320 = tpu.memref_squeeze %dma_start3A_319 : memref<1x32x1536xf32, #tpu.memory_space<hbm>> -> memref<32x1536xf32, #tpu.memory_space<hbm>>
    %dma_start3A_321 = arith.constant 96 : i32
    %dma_start3A_322 = arith.constant 0 : i32
    %dma_start3A_323 = tpu.memref_slice %arg4[%add3A_316, %dma_start3A_321, %dma_start3A_322] : memref<64x576x1536xf32, #tpu.memory_space<hbm>> -> memref<1x32x1536xf32, #tpu.memory_space<hbm>>
    %dma_start3A_324 = tpu.memref_squeeze %dma_start3A_323 : memref<1x32x1536xf32, #tpu.memory_space<hbm>> -> memref<32x1536xf32, #tpu.memory_space<hbm>>
    tpu.enqueue_dma source(%arg6 : memref<32x1536xf32, #tpu.memory_space<vmem>>) target(%dma_start3A_324 : memref<32x1536xf32, #tpu.memory_space<hbm>>) target_semaphore(%arg10 : memref<!tpu.dma_semaphore, #tpu.memory_space<semaphore_mem>>)
    %dma_wait3A_325 = arith.constant 96 : i32
    %dma_wait3A_326 = arith.constant 0 : i32
    %dma_wait3A_327 = tpu.memref_slice %arg4[%add3A_316, %dma_wait3A_325, %dma_wait3A_326] : memref<64x576x1536xf32, #tpu.memory_space<hbm>> -> memref<1x32x1536xf32, #tpu.memory_space<hbm>>
    %dma_wait3A_328 = tpu.memref_squeeze %dma_wait3A_327 : memref<1x32x1536xf32, #tpu.memory_space<hbm>> -> memref<32x1536xf32, #tpu.memory_space<hbm>>
    %dma_wait3A_329 = arith.constant 96 : i32
    %dma_wait3A_330 = arith.constant 0 : i32
    %dma_wait3A_331 = tpu.memref_slice %arg4[%add3A_316, %dma_wait3A_329, %dma_wait3A_330] : memref<64x576x1536xf32, #tpu.memory_space<hbm>> -> memref<1x32x1536xf32, #tpu.memory_space<hbm>>
    %dma_wait3A_332 = tpu.memref_squeeze %dma_wait3A_331 : memref<1x32x1536xf32, #tpu.memory_space<hbm>> -> memref<32x1536xf32, #tpu.memory_space<hbm>>
    tpu.wait_dma2 semaphore(%arg10 : memref<!tpu.dma_semaphore, #tpu.memory_space<semaphore_mem>>) src(%arg6 : memref<32x1536xf32, #tpu.memory_space<vmem>>) dst(%dma_wait3A_332 : memref<32x1536xf32, #tpu.memory_space<hbm>>)
    %mul3A_333 = arith.constant 2 : i32
    %mul3A_334 = arith.muli %add3A, %mul3A_333 : i32
    %add3A_335 = arith.constant 0 : i32
    %add3A_336 = arith.addi %mul3A_334, %add3A_335 : i32
    %dma_start3A_337 = arith.constant 0 : i32
    %dma_start3A_338 = arith.constant 0 : i32
    %dma_start3A_339 = tpu.memref_slice %arg6[%dma_start3A_337, %dma_start3A_338] : memref<32x1536xf32, #tpu.memory_space<vmem>> -> memref<32x768xf32, #tpu.memory_space<vmem>>
    %dma_start3A_340 = arith.constant 160 : i32
    %dma_start3A_341 = arith.constant 0 : i32
    %dma_start3A_342 = tpu.memref_slice %arg2[%add3A_336, %dma_start3A_340, %dma_start3A_341] : memref<64x576x768xf32, #tpu.memory_space<hbm>> -> memref<1x32x768xf32, #tpu.memory_space<hbm>>
    %dma_start3A_343 = tpu.memref_squeeze %dma_start3A_342 : memref<1x32x768xf32, #tpu.memory_space<hbm>> -> memref<32x768xf32, #tpu.memory_space<hbm>>
    %dma_start3A_344 = arith.constant 0 : i32
    %dma_start3A_345 = arith.constant 0 : i32
    %dma_start3A_346 = tpu.memref_slice %arg6[%dma_start3A_344, %dma_start3A_345] : memref<32x1536xf32, #tpu.memory_space<vmem>> -> memref<32x768xf32, #tpu.memory_space<vmem>>
    %dma_start3A_347 = arith.constant 160 : i32
    %dma_start3A_348 = arith.constant 0 : i32
    %dma_start3A_349 = tpu.memref_slice %arg2[%add3A_336, %dma_start3A_347, %dma_start3A_348] : memref<64x576x768xf32, #tpu.memory_space<hbm>> -> memref<1x32x768xf32, #tpu.memory_space<hbm>>
    %dma_start3A_350 = tpu.memref_squeeze %dma_start3A_349 : memref<1x32x768xf32, #tpu.memory_space<hbm>> -> memref<32x768xf32, #tpu.memory_space<hbm>>
    tpu.enqueue_dma source(%dma_start3A_350 : memref<32x768xf32, #tpu.memory_space<hbm>>) target(%dma_start3A_346 : memref<32x768xf32, #tpu.memory_space<vmem>>) target_semaphore(%arg8 : memref<!tpu.dma_semaphore, #tpu.memory_space<semaphore_mem>>)
    %dma_start3A_351 = arith.constant 0 : i32
    %dma_start3A_352 = arith.constant 768 : i32
    %dma_start3A_353 = tpu.memref_slice %arg6[%dma_start3A_351, %dma_start3A_352] : memref<32x1536xf32, #tpu.memory_space<vmem>> -> memref<32x768xf32, #tpu.memory_space<vmem>>
    %dma_start3A_354 = arith.constant 160 : i32
    %dma_start3A_355 = arith.constant 0 : i32
    %dma_start3A_356 = tpu.memref_slice %arg3[%dma_start3A_354, %dma_start3A_355] : memref<576x768xf32, #tpu.memory_space<hbm>> -> memref<32x768xf32, #tpu.memory_space<hbm>>
    %dma_start3A_357 = arith.constant 0 : i32
    %dma_start3A_358 = arith.constant 768 : i32
    %dma_start3A_359 = tpu.memref_slice %arg6[%dma_start3A_357, %dma_start3A_358] : memref<32x1536xf32, #tpu.memory_space<vmem>> -> memref<32x768xf32, #tpu.memory_space<vmem>>
    %dma_start3A_360 = arith.constant 160 : i32
    %dma_start3A_361 = arith.constant 0 : i32
    %dma_start3A_362 = tpu.memref_slice %arg3[%dma_start3A_360, %dma_start3A_361] : memref<576x768xf32, #tpu.memory_space<hbm>> -> memref<32x768xf32, #tpu.memory_space<hbm>>
    tpu.enqueue_dma source(%dma_start3A_362 : memref<32x768xf32, #tpu.memory_space<hbm>>) target(%dma_start3A_359 : memref<32x768xf32, #tpu.memory_space<vmem>>) target_semaphore(%arg8 : memref<!tpu.dma_semaphore, #tpu.memory_space<semaphore_mem>>)
    %dma_wait3A_363 = arith.constant 0 : i32
    %dma_wait3A_364 = arith.constant 0 : i32
    %dma_wait3A_365 = tpu.memref_slice %arg5[%dma_wait3A_363, %dma_wait3A_364] : memref<32x1536xf32, #tpu.memory_space<vmem>> -> memref<32x768xf32, #tpu.memory_space<vmem>>
    %dma_wait3A_366 = arith.constant 128 : i32
    %dma_wait3A_367 = arith.constant 0 : i32
    %dma_wait3A_368 = tpu.memref_slice %arg2[%add3A_260, %dma_wait3A_366, %dma_wait3A_367] : memref<64x576x768xf32, #tpu.memory_space<hbm>> -> memref<1x32x768xf32, #tpu.memory_space<hbm>>
    %dma_wait3A_369 = tpu.memref_squeeze %dma_wait3A_368 : memref<1x32x768xf32, #tpu.memory_space<hbm>> -> memref<32x768xf32, #tpu.memory_space<hbm>>
    %dma_wait3A_370 = arith.constant 0 : i32
    %dma_wait3A_371 = arith.constant 0 : i32
    %dma_wait3A_372 = tpu.memref_slice %arg5[%dma_wait3A_370, %dma_wait3A_371] : memref<32x1536xf32, #tpu.memory_space<vmem>> -> memref<32x768xf32, #tpu.memory_space<vmem>>
    %dma_wait3A_373 = arith.constant 128 : i32
    %dma_wait3A_374 = arith.constant 0 : i32
    %dma_wait3A_375 = tpu.memref_slice %arg2[%add3A_260, %dma_wait3A_373, %dma_wait3A_374] : memref<64x576x768xf32, #tpu.memory_space<hbm>> -> memref<1x32x768xf32, #tpu.memory_space<hbm>>
    %dma_wait3A_376 = tpu.memref_squeeze %dma_wait3A_375 : memref<1x32x768xf32, #tpu.memory_space<hbm>> -> memref<32x768xf32, #tpu.memory_space<hbm>>
    tpu.wait_dma2 semaphore(%arg7 : memref<!tpu.dma_semaphore, #tpu.memory_space<semaphore_mem>>) src(%dma_wait3A_376 : memref<32x768xf32, #tpu.memory_space<hbm>>) dst(%dma_wait3A_372 : memref<32x768xf32, #tpu.memory_space<vmem>>)
    %dma_wait3A_377 = arith.constant 0 : i32
    %dma_wait3A_378 = arith.constant 768 : i32
    %dma_wait3A_379 = tpu.memref_slice %arg5[%dma_wait3A_377, %dma_wait3A_378] : memref<32x1536xf32, #tpu.memory_space<vmem>> -> memref<32x768xf32, #tpu.memory_space<vmem>>
    %dma_wait3A_380 = arith.constant 128 : i32
    %dma_wait3A_381 = arith.constant 0 : i32
    %dma_wait3A_382 = tpu.memref_slice %arg3[%dma_wait3A_380, %dma_wait3A_381] : memref<576x768xf32, #tpu.memory_space<hbm>> -> memref<32x768xf32, #tpu.memory_space<hbm>>
    %dma_wait3A_383 = arith.constant 0 : i32
    %dma_wait3A_384 = arith.constant 768 : i32
    %dma_wait3A_385 = tpu.memref_slice %arg5[%dma_wait3A_383, %dma_wait3A_384] : memref<32x1536xf32, #tpu.memory_space<vmem>> -> memref<32x768xf32, #tpu.memory_space<vmem>>
    %dma_wait3A_386 = arith.constant 128 : i32
    %dma_wait3A_387 = arith.constant 0 : i32
    %dma_wait3A_388 = tpu.memref_slice %arg3[%dma_wait3A_386, %dma_wait3A_387] : memref<576x768xf32, #tpu.memory_space<hbm>> -> memref<32x768xf32, #tpu.memory_space<hbm>>
    tpu.wait_dma2 semaphore(%arg7 : memref<!tpu.dma_semaphore, #tpu.memory_space<semaphore_mem>>) src(%dma_wait3A_388 : memref<32x768xf32, #tpu.memory_space<hbm>>) dst(%dma_wait3A_385 : memref<32x768xf32, #tpu.memory_space<vmem>>)
    %mul3A_389 = arith.constant 2 : i32
    %mul3A_390 = arith.muli %add3A, %mul3A_389 : i32
    %add3A_391 = arith.constant 0 : i32
    %add3A_392 = arith.addi %mul3A_390, %add3A_391 : i32
    %dma_start3A_393 = arith.constant 128 : i32
    %dma_start3A_394 = arith.constant 0 : i32
    %dma_start3A_395 = tpu.memref_slice %arg4[%add3A_392, %dma_start3A_393, %dma_start3A_394] : memref<64x576x1536xf32, #tpu.memory_space<hbm>> -> memref<1x32x1536xf32, #tpu.memory_space<hbm>>
    %dma_start3A_396 = tpu.memref_squeeze %dma_start3A_395 : memref<1x32x1536xf32, #tpu.memory_space<hbm>> -> memref<32x1536xf32, #tpu.memory_space<hbm>>
    %dma_start3A_397 = arith.constant 128 : i32
    %dma_start3A_398 = arith.constant 0 : i32
    %dma_start3A_399 = tpu.memref_slice %arg4[%add3A_392, %dma_start3A_397, %dma_start3A_398] : memref<64x576x1536xf32, #tpu.memory_space<hbm>> -> memref<1x32x1536xf32, #tpu.memory_space<hbm>>
    %dma_start3A_400 = tpu.memref_squeeze %dma_start3A_399 : memref<1x32x1536xf32, #tpu.memory_space<hbm>> -> memref<32x1536xf32, #tpu.memory_space<hbm>>
    tpu.enqueue_dma source(%arg5 : memref<32x1536xf32, #tpu.memory_space<vmem>>) target(%dma_start3A_400 : memref<32x1536xf32, #tpu.memory_space<hbm>>) target_semaphore(%arg9 : memref<!tpu.dma_semaphore, #tpu.memory_space<semaphore_mem>>)
    %dma_wait3A_401 = arith.constant 128 : i32
    %dma_wait3A_402 = arith.constant 0 : i32
    %dma_wait3A_403 = tpu.memref_slice %arg4[%add3A_392, %dma_wait3A_401, %dma_wait3A_402] : memref<64x576x1536xf32, #tpu.memory_space<hbm>> -> memref<1x32x1536xf32, #tpu.memory_space<hbm>>
    %dma_wait3A_404 = tpu.memref_squeeze %dma_wait3A_403 : memref<1x32x1536xf32, #tpu.memory_space<hbm>> -> memref<32x1536xf32, #tpu.memory_space<hbm>>
    %dma_wait3A_405 = arith.constant 128 : i32
    %dma_wait3A_406 = arith.constant 0 : i32
    %dma_wait3A_407 = tpu.memref_slice %arg4[%add3A_392, %dma_wait3A_405, %dma_wait3A_406] : memref<64x576x1536xf32, #tpu.memory_space<hbm>> -> memref<1x32x1536xf32, #tpu.memory_space<hbm>>
    %dma_wait3A_408 = tpu.memref_squeeze %dma_wait3A_407 : memref<1x32x1536xf32, #tpu.memory_space<hbm>> -> memref<32x1536xf32, #tpu.memory_space<hbm>>
    tpu.wait_dma2 semaphore(%arg9 : memref<!tpu.dma_semaphore, #tpu.memory_space<semaphore_mem>>) src(%arg5 : memref<32x1536xf32, #tpu.memory_space<vmem>>) dst(%dma_wait3A_408 : memref<32x1536xf32, #tpu.memory_space<hbm>>)
    %mul3A_409 = arith.constant 2 : i32
    %mul3A_410 = arith.muli %add3A, %mul3A_409 : i32
    %add3A_411 = arith.constant 0 : i32
    %add3A_412 = arith.addi %mul3A_410, %add3A_411 : i32
    %dma_start3A_413 = arith.constant 0 : i32
    %dma_start3A_414 = arith.constant 0 : i32
    %dma_start3A_415 = tpu.memref_slice %arg5[%dma_start3A_413, %dma_start3A_414] : memref<32x1536xf32, #tpu.memory_space<vmem>> -> memref<32x768xf32, #tpu.memory_space<vmem>>
    %dma_start3A_416 = arith.constant 192 : i32
    %dma_start3A_417 = arith.constant 0 : i32
    %dma_start3A_418 = tpu.memref_slice %arg2[%add3A_412, %dma_start3A_416, %dma_start3A_417] : memref<64x576x768xf32, #tpu.memory_space<hbm>> -> memref<1x32x768xf32, #tpu.memory_space<hbm>>
    %dma_start3A_419 = tpu.memref_squeeze %dma_start3A_418 : memref<1x32x768xf32, #tpu.memory_space<hbm>> -> memref<32x768xf32, #tpu.memory_space<hbm>>
    %dma_start3A_420 = arith.constant 0 : i32
    %dma_start3A_421 = arith.constant 0 : i32
    %dma_start3A_422 = tpu.memref_slice %arg5[%dma_start3A_420, %dma_start3A_421] : memref<32x1536xf32, #tpu.memory_space<vmem>> -> memref<32x768xf32, #tpu.memory_space<vmem>>
    %dma_start3A_423 = arith.constant 192 : i32
    %dma_start3A_424 = arith.constant 0 : i32
    %dma_start3A_425 = tpu.memref_slice %arg2[%add3A_412, %dma_start3A_423, %dma_start3A_424] : memref<64x576x768xf32, #tpu.memory_space<hbm>> -> memref<1x32x768xf32, #tpu.memory_space<hbm>>
    %dma_start3A_426 = tpu.memref_squeeze %dma_start3A_425 : memref<1x32x768xf32, #tpu.memory_space<hbm>> -> memref<32x768xf32, #tpu.memory_space<hbm>>
    tpu.enqueue_dma source(%dma_start3A_426 : memref<32x768xf32, #tpu.memory_space<hbm>>) target(%dma_start3A_422 : memref<32x768xf32, #tpu.memory_space<vmem>>) target_semaphore(%arg7 : memref<!tpu.dma_semaphore, #tpu.memory_space<semaphore_mem>>)
    %dma_start3A_427 = arith.constant 0 : i32
    %dma_start3A_428 = arith.constant 768 : i32
    %dma_start3A_429 = tpu.memref_slice %arg5[%dma_start3A_427, %dma_start3A_428] : memref<32x1536xf32, #tpu.memory_space<vmem>> -> memref<32x768xf32, #tpu.memory_space<vmem>>
    %dma_start3A_430 = arith.constant 192 : i32
    %dma_start3A_431 = arith.constant 0 : i32
    %dma_start3A_432 = tpu.memref_slice %arg3[%dma_start3A_430, %dma_start3A_431] : memref<576x768xf32, #tpu.memory_space<hbm>> -> memref<32x768xf32, #tpu.memory_space<hbm>>
    %dma_start3A_433 = arith.constant 0 : i32
    %dma_start3A_434 = arith.constant 768 : i32
    %dma_start3A_435 = tpu.memref_slice %arg5[%dma_start3A_433, %dma_start3A_434] : memref<32x1536xf32, #tpu.memory_space<vmem>> -> memref<32x768xf32, #tpu.memory_space<vmem>>
    %dma_start3A_436 = arith.constant 192 : i32
    %dma_start3A_437 = arith.constant 0 : i32
    %dma_start3A_438 = tpu.memref_slice %arg3[%dma_start3A_436, %dma_start3A_437] : memref<576x768xf32, #tpu.memory_space<hbm>> -> memref<32x768xf32, #tpu.memory_space<hbm>>
    tpu.enqueue_dma source(%dma_start3A_438 : memref<32x768xf32, #tpu.memory_space<hbm>>) target(%dma_start3A_435 : memref<32x768xf32, #tpu.memory_space<vmem>>) target_semaphore(%arg7 : memref<!tpu.dma_semaphore, #tpu.memory_space<semaphore_mem>>)
    %dma_wait3A_439 = arith.constant 0 : i32
    %dma_wait3A_440 = arith.constant 0 : i32
    %dma_wait3A_441 = tpu.memref_slice %arg6[%dma_wait3A_439, %dma_wait3A_440] : memref<32x1536xf32, #tpu.memory_space<vmem>> -> memref<32x768xf32, #tpu.memory_space<vmem>>
    %dma_wait3A_442 = arith.constant 160 : i32
    %dma_wait3A_443 = arith.constant 0 : i32
    %dma_wait3A_444 = tpu.memref_slice %arg2[%add3A_336, %dma_wait3A_442, %dma_wait3A_443] : memref<64x576x768xf32, #tpu.memory_space<hbm>> -> memref<1x32x768xf32, #tpu.memory_space<hbm>>
    %dma_wait3A_445 = tpu.memref_squeeze %dma_wait3A_444 : memref<1x32x768xf32, #tpu.memory_space<hbm>> -> memref<32x768xf32, #tpu.memory_space<hbm>>
    %dma_wait3A_446 = arith.constant 0 : i32
    %dma_wait3A_447 = arith.constant 0 : i32
    %dma_wait3A_448 = tpu.memref_slice %arg6[%dma_wait3A_446, %dma_wait3A_447] : memref<32x1536xf32, #tpu.memory_space<vmem>> -> memref<32x768xf32, #tpu.memory_space<vmem>>
    %dma_wait3A_449 = arith.constant 160 : i32
    %dma_wait3A_450 = arith.constant 0 : i32
    %dma_wait3A_451 = tpu.memref_slice %arg2[%add3A_336, %dma_wait3A_449, %dma_wait3A_450] : memref<64x576x768xf32, #tpu.memory_space<hbm>> -> memref<1x32x768xf32, #tpu.memory_space<hbm>>
    %dma_wait3A_452 = tpu.memref_squeeze %dma_wait3A_451 : memref<1x32x768xf32, #tpu.memory_space<hbm>> -> memref<32x768xf32, #tpu.memory_space<hbm>>
    tpu.wait_dma2 semaphore(%arg8 : memref<!tpu.dma_semaphore, #tpu.memory_space<semaphore_mem>>) src(%dma_wait3A_452 : memref<32x768xf32, #tpu.memory_space<hbm>>) dst(%dma_wait3A_448 : memref<32x768xf32, #tpu.memory_space<vmem>>)
    %dma_wait3A_453 = arith.constant 0 : i32
    %dma_wait3A_454 = arith.constant 768 : i32
    %dma_wait3A_455 = tpu.memref_slice %arg6[%dma_wait3A_453, %dma_wait3A_454] : memref<32x1536xf32, #tpu.memory_space<vmem>> -> memref<32x768xf32, #tpu.memory_space<vmem>>
    %dma_wait3A_456 = arith.constant 160 : i32
    %dma_wait3A_457 = arith.constant 0 : i32
    %dma_wait3A_458 = tpu.memref_slice %arg3[%dma_wait3A_456, %dma_wait3A_457] : memref<576x768xf32, #tpu.memory_space<hbm>> -> memref<32x768xf32, #tpu.memory_space<hbm>>
    %dma_wait3A_459 = arith.constant 0 : i32
    %dma_wait3A_460 = arith.constant 768 : i32
    %dma_wait3A_461 = tpu.memref_slice %arg6[%dma_wait3A_459, %dma_wait3A_460] : memref<32x1536xf32, #tpu.memory_space<vmem>> -> memref<32x768xf32, #tpu.memory_space<vmem>>
    %dma_wait3A_462 = arith.constant 160 : i32
    %dma_wait3A_463 = arith.constant 0 : i32
    %dma_wait3A_464 = tpu.memref_slice %arg3[%dma_wait3A_462, %dma_wait3A_463] : memref<576x768xf32, #tpu.memory_space<hbm>> -> memref<32x768xf32, #tpu.memory_space<hbm>>
    tpu.wait_dma2 semaphore(%arg8 : memref<!tpu.dma_semaphore, #tpu.memory_space<semaphore_mem>>) src(%dma_wait3A_464 : memref<32x768xf32, #tpu.memory_space<hbm>>) dst(%dma_wait3A_461 : memref<32x768xf32, #tpu.memory_space<vmem>>)
    %mul3A_465 = arith.constant 2 : i32
    %mul3A_466 = arith.muli %add3A, %mul3A_465 : i32
    %add3A_467 = arith.constant 0 : i32
    %add3A_468 = arith.addi %mul3A_466, %add3A_467 : i32
    %dma_start3A_469 = arith.constant 160 : i32
    %dma_start3A_470 = arith.constant 0 : i32
    %dma_start3A_471 = tpu.memref_slice %arg4[%add3A_468, %dma_start3A_469, %dma_start3A_470] : memref<64x576x1536xf32, #tpu.memory_space<hbm>> -> memref<1x32x1536xf32, #tpu.memory_space<hbm>>
    %dma_start3A_472 = tpu.memref_squeeze %dma_start3A_471 : memref<1x32x1536xf32, #tpu.memory_space<hbm>> -> memref<32x1536xf32, #tpu.memory_space<hbm>>
    %dma_start3A_473 = arith.constant 160 : i32
    %dma_start3A_474 = arith.constant 0 : i32
    %dma_start3A_475 = tpu.memref_slice %arg4[%add3A_468, %dma_start3A_473, %dma_start3A_474] : memref<64x576x1536xf32, #tpu.memory_space<hbm>> -> memref<1x32x1536xf32, #tpu.memory_space<hbm>>
    %dma_start3A_476 = tpu.memref_squeeze %dma_start3A_475 : memref<1x32x1536xf32, #tpu.memory_space<hbm>> -> memref<32x1536xf32, #tpu.memory_space<hbm>>
    tpu.enqueue_dma source(%arg6 : memref<32x1536xf32, #tpu.memory_space<vmem>>) target(%dma_start3A_476 : memref<32x1536xf32, #tpu.memory_space<hbm>>) target_semaphore(%arg10 : memref<!tpu.dma_semaphore, #tpu.memory_space<semaphore_mem>>)
    %dma_wait3A_477 = arith.constant 160 : i32
    %dma_wait3A_478 = arith.constant 0 : i32
    %dma_wait3A_479 = tpu.memref_slice %arg4[%add3A_468, %dma_wait3A_477, %dma_wait3A_478] : memref<64x576x1536xf32, #tpu.memory_space<hbm>> -> memref<1x32x1536xf32, #tpu.memory_space<hbm>>
    %dma_wait3A_480 = tpu.memref_squeeze %dma_wait3A_479 : memref<1x32x1536xf32, #tpu.memory_space<hbm>> -> memref<32x1536xf32, #tpu.memory_space<hbm>>
    %dma_wait3A_481 = arith.constant 160 : i32
    %dma_wait3A_482 = arith.constant 0 : i32
    %dma_wait3A_483 = tpu.memref_slice %arg4[%add3A_468, %dma_wait3A_481, %dma_wait3A_482] : memref<64x576x1536xf32, #tpu.memory_space<hbm>> -> memref<1x32x1536xf32, #tpu.memory_space<hbm>>
    %dma_wait3A_484 = tpu.memref_squeeze %dma_wait3A_483 : memref<1x32x1536xf32, #tpu.memory_space<hbm>> -> memref<32x1536xf32, #tpu.memory_space<hbm>>
    tpu.wait_dma2 semaphore(%arg10 : memref<!tpu.dma_semaphore, #tpu.memory_space<semaphore_mem>>) src(%arg6 : memref<32x1536xf32, #tpu.memory_space<vmem>>) dst(%dma_wait3A_484 : memref<32x1536xf32, #tpu.memory_space<hbm>>)
    %mul3A_485 = arith.constant 2 : i32
    %mul3A_486 = arith.muli %add3A, %mul3A_485 : i32
    %add3A_487 = arith.constant 0 : i32
    %add3A_488 = arith.addi %mul3A_486, %add3A_487 : i32
    %dma_start3A_489 = arith.constant 0 : i32
    %dma_start3A_490 = arith.constant 0 : i32
    %dma_start3A_491 = tpu.memref_slice %arg6[%dma_start3A_489, %dma_start3A_490] : memref<32x1536xf32, #tpu.memory_space<vmem>> -> memref<32x768xf32, #tpu.memory_space<vmem>>
    %dma_start3A_492 = arith.constant 224 : i32
    %dma_start3A_493 = arith.constant 0 : i32
    %dma_start3A_494 = tpu.memref_slice %arg2[%add3A_488, %dma_start3A_492, %dma_start3A_493] : memref<64x576x768xf32, #tpu.memory_space<hbm>> -> memref<1x32x768xf32, #tpu.memory_space<hbm>>
    %dma_start3A_495 = tpu.memref_squeeze %dma_start3A_494 : memref<1x32x768xf32, #tpu.memory_space<hbm>> -> memref<32x768xf32, #tpu.memory_space<hbm>>
    %dma_start3A_496 = arith.constant 0 : i32
    %dma_start3A_497 = arith.constant 0 : i32
    %dma_start3A_498 = tpu.memref_slice %arg6[%dma_start3A_496, %dma_start3A_497] : memref<32x1536xf32, #tpu.memory_space<vmem>> -> memref<32x768xf32, #tpu.memory_space<vmem>>
    %dma_start3A_499 = arith.constant 224 : i32
    %dma_start3A_500 = arith.constant 0 : i32
    %dma_start3A_501 = tpu.memref_slice %arg2[%add3A_488, %dma_start3A_499, %dma_start3A_500] : memref<64x576x768xf32, #tpu.memory_space<hbm>> -> memref<1x32x768xf32, #tpu.memory_space<hbm>>
    %dma_start3A_502 = tpu.memref_squeeze %dma_start3A_501 : memref<1x32x768xf32, #tpu.memory_space<hbm>> -> memref<32x768xf32, #tpu.memory_space<hbm>>
    tpu.enqueue_dma source(%dma_start3A_502 : memref<32x768xf32, #tpu.memory_space<hbm>>) target(%dma_start3A_498 : memref<32x768xf32, #tpu.memory_space<vmem>>) target_semaphore(%arg8 : memref<!tpu.dma_semaphore, #tpu.memory_space<semaphore_mem>>)
    %dma_start3A_503 = arith.constant 0 : i32
    %dma_start3A_504 = arith.constant 768 : i32
    %dma_start3A_505 = tpu.memref_slice %arg6[%dma_start3A_503, %dma_start3A_504] : memref<32x1536xf32, #tpu.memory_space<vmem>> -> memref<32x768xf32, #tpu.memory_space<vmem>>
    %dma_start3A_506 = arith.constant 224 : i32
    %dma_start3A_507 = arith.constant 0 : i32
    %dma_start3A_508 = tpu.memref_slice %arg3[%dma_start3A_506, %dma_start3A_507] : memref<576x768xf32, #tpu.memory_space<hbm>> -> memref<32x768xf32, #tpu.memory_space<hbm>>
    %dma_start3A_509 = arith.constant 0 : i32
    %dma_start3A_510 = arith.constant 768 : i32
    %dma_start3A_511 = tpu.memref_slice %arg6[%dma_start3A_509, %dma_start3A_510] : memref<32x1536xf32, #tpu.memory_space<vmem>> -> memref<32x768xf32, #tpu.memory_space<vmem>>
    %dma_start3A_512 = arith.constant 224 : i32
    %dma_start3A_513 = arith.constant 0 : i32
    %dma_start3A_514 = tpu.memref_slice %arg3[%dma_start3A_512, %dma_start3A_513] : memref<576x768xf32, #tpu.memory_space<hbm>> -> memref<32x768xf32, #tpu.memory_space<hbm>>
    tpu.enqueue_dma source(%dma_start3A_514 : memref<32x768xf32, #tpu.memory_space<hbm>>) target(%dma_start3A_511 : memref<32x768xf32, #tpu.memory_space<vmem>>) target_semaphore(%arg8 : memref<!tpu.dma_semaphore, #tpu.memory_space<semaphore_mem>>)
    %dma_wait3A_515 = arith.constant 0 : i32
    %dma_wait3A_516 = arith.constant 0 : i32
    %dma_wait3A_517 = tpu.memref_slice %arg5[%dma_wait3A_515, %dma_wait3A_516] : memref<32x1536xf32, #tpu.memory_space<vmem>> -> memref<32x768xf32, #tpu.memory_space<vmem>>
    %dma_wait3A_518 = arith.constant 192 : i32
    %dma_wait3A_519 = arith.constant 0 : i32
    %dma_wait3A_520 = tpu.memref_slice %arg2[%add3A_412, %dma_wait3A_518, %dma_wait3A_519] : memref<64x576x768xf32, #tpu.memory_space<hbm>> -> memref<1x32x768xf32, #tpu.memory_space<hbm>>
    %dma_wait3A_521 = tpu.memref_squeeze %dma_wait3A_520 : memref<1x32x768xf32, #tpu.memory_space<hbm>> -> memref<32x768xf32, #tpu.memory_space<hbm>>
    %dma_wait3A_522 = arith.constant 0 : i32
    %dma_wait3A_523 = arith.constant 0 : i32
    %dma_wait3A_524 = tpu.memref_slice %arg5[%dma_wait3A_522, %dma_wait3A_523] : memref<32x1536xf32, #tpu.memory_space<vmem>> -> memref<32x768xf32, #tpu.memory_space<vmem>>
    %dma_wait3A_525 = arith.constant 192 : i32
    %dma_wait3A_526 = arith.constant 0 : i32
    %dma_wait3A_527 = tpu.memref_slice %arg2[%add3A_412, %dma_wait3A_525, %dma_wait3A_526] : memref<64x576x768xf32, #tpu.memory_space<hbm>> -> memref<1x32x768xf32, #tpu.memory_space<hbm>>
    %dma_wait3A_528 = tpu.memref_squeeze %dma_wait3A_527 : memref<1x32x768xf32, #tpu.memory_space<hbm>> -> memref<32x768xf32, #tpu.memory_space<hbm>>
    tpu.wait_dma2 semaphore(%arg7 : memref<!tpu.dma_semaphore, #tpu.memory_space<semaphore_mem>>) src(%dma_wait3A_528 : memref<32x768xf32, #tpu.memory_space<hbm>>) dst(%dma_wait3A_524 : memref<32x768xf32, #tpu.memory_space<vmem>>)
    %dma_wait3A_529 = arith.constant 0 : i32
    %dma_wait3A_530 = arith.constant 768 : i32
    %dma_wait3A_531 = tpu.memref_slice %arg5[%dma_wait3A_529, %dma_wait3A_530] : memref<32x1536xf32, #tpu.memory_space<vmem>> -> memref<32x768xf32, #tpu.memory_space<vmem>>
    %dma_wait3A_532 = arith.constant 192 : i32
    %dma_wait3A_533 = arith.constant 0 : i32
    %dma_wait3A_534 = tpu.memref_slice %arg3[%dma_wait3A_532, %dma_wait3A_533] : memref<576x768xf32, #tpu.memory_space<hbm>> -> memref<32x768xf32, #tpu.memory_space<hbm>>
    %dma_wait3A_535 = arith.constant 0 : i32
    %dma_wait3A_536 = arith.constant 768 : i32
    %dma_wait3A_537 = tpu.memref_slice %arg5[%dma_wait3A_535, %dma_wait3A_536] : memref<32x1536xf32, #tpu.memory_space<vmem>> -> memref<32x768xf32, #tpu.memory_space<vmem>>
    %dma_wait3A_538 = arith.constant 192 : i32
    %dma_wait3A_539 = arith.constant 0 : i32
    %dma_wait3A_540 = tpu.memref_slice %arg3[%dma_wait3A_538, %dma_wait3A_539] : memref<576x768xf32, #tpu.memory_space<hbm>> -> memref<32x768xf32, #tpu.memory_space<hbm>>
    tpu.wait_dma2 semaphore(%arg7 : memref<!tpu.dma_semaphore, #tpu.memory_space<semaphore_mem>>) src(%dma_wait3A_540 : memref<32x768xf32, #tpu.memory_space<hbm>>) dst(%dma_wait3A_537 : memref<32x768xf32, #tpu.memory_space<vmem>>)
    %mul3A_541 = arith.constant 2 : i32
    %mul3A_542 = arith.muli %add3A, %mul3A_541 : i32
    %add3A_543 = arith.constant 0 : i32
    %add3A_544 = arith.addi %mul3A_542, %add3A_543 : i32
    %dma_start3A_545 = arith.constant 192 : i32
    %dma_start3A_546 = arith.constant 0 : i32
    %dma_start3A_547 = tpu.memref_slice %arg4[%add3A_544, %dma_start3A_545, %dma_start3A_546] : memref<64x576x1536xf32, #tpu.memory_space<hbm>> -> memref<1x32x1536xf32, #tpu.memory_space<hbm>>
    %dma_start3A_548 = tpu.memref_squeeze %dma_start3A_547 : memref<1x32x1536xf32, #tpu.memory_space<hbm>> -> memref<32x1536xf32, #tpu.memory_space<hbm>>
    %dma_start3A_549 = arith.constant 192 : i32
    %dma_start3A_550 = arith.constant 0 : i32
    %dma_start3A_551 = tpu.memref_slice %arg4[%add3A_544, %dma_start3A_549, %dma_start3A_550] : memref<64x576x1536xf32, #tpu.memory_space<hbm>> -> memref<1x32x1536xf32, #tpu.memory_space<hbm>>
    %dma_start3A_552 = tpu.memref_squeeze %dma_start3A_551 : memref<1x32x1536xf32, #tpu.memory_space<hbm>> -> memref<32x1536xf32, #tpu.memory_space<hbm>>
    tpu.enqueue_dma source(%arg5 : memref<32x1536xf32, #tpu.memory_space<vmem>>) target(%dma_start3A_552 : memref<32x1536xf32, #tpu.memory_space<hbm>>) target_semaphore(%arg9 : memref<!tpu.dma_semaphore, #tpu.memory_space<semaphore_mem>>)
    %dma_wait3A_553 = arith.constant 192 : i32
    %dma_wait3A_554 = arith.constant 0 : i32
    %dma_wait3A_555 = tpu.memref_slice %arg4[%add3A_544, %dma_wait3A_553, %dma_wait3A_554] : memref<64x576x1536xf32, #tpu.memory_space<hbm>> -> memref<1x32x1536xf32, #tpu.memory_space<hbm>>
    %dma_wait3A_556 = tpu.memref_squeeze %dma_wait3A_555 : memref<1x32x1536xf32, #tpu.memory_space<hbm>> -> memref<32x1536xf32, #tpu.memory_space<hbm>>
    %dma_wait3A_557 = arith.constant 192 : i32
    %dma_wait3A_558 = arith.constant 0 : i32
    %dma_wait3A_559 = tpu.memref_slice %arg4[%add3A_544, %dma_wait3A_557, %dma_wait3A_558] : memref<64x576x1536xf32, #tpu.memory_space<hbm>> -> memref<1x32x1536xf32, #tpu.memory_space<hbm>>
    %dma_wait3A_560 = tpu.memref_squeeze %dma_wait3A_559 : memref<1x32x1536xf32, #tpu.memory_space<hbm>> -> memref<32x1536xf32, #tpu.memory_space<hbm>>
    tpu.wait_dma2 semaphore(%arg9 : memref<!tpu.dma_semaphore, #tpu.memory_space<semaphore_mem>>) src(%arg5 : memref<32x1536xf32, #tpu.memory_space<vmem>>) dst(%dma_wait3A_560 : memref<32x1536xf32, #tpu.memory_space<hbm>>)
    %mul3A_561 = arith.constant 2 : i32
    %mul3A_562 = arith.muli %add3A, %mul3A_561 : i32
    %add3A_563 = arith.constant 0 : i32
    %add3A_564 = arith.addi %mul3A_562, %add3A_563 : i32
    %dma_start3A_565 = arith.constant 0 : i32
    %dma_start3A_566 = arith.constant 0 : i32
    %dma_start3A_567 = tpu.memref_slice %arg5[%dma_start3A_565, %dma_start3A_566] : memref<32x1536xf32, #tpu.memory_space<vmem>> -> memref<32x768xf32, #tpu.memory_space<vmem>>
    %dma_start3A_568 = arith.constant 256 : i32
    %dma_start3A_569 = arith.constant 0 : i32
    %dma_start3A_570 = tpu.memref_slice %arg2[%add3A_564, %dma_start3A_568, %dma_start3A_569] : memref<64x576x768xf32, #tpu.memory_space<hbm>> -> memref<1x32x768xf32, #tpu.memory_space<hbm>>
    %dma_start3A_571 = tpu.memref_squeeze %dma_start3A_570 : memref<1x32x768xf32, #tpu.memory_space<hbm>> -> memref<32x768xf32, #tpu.memory_space<hbm>>
    %dma_start3A_572 = arith.constant 0 : i32
    %dma_start3A_573 = arith.constant 0 : i32
    %dma_start3A_574 = tpu.memref_slice %arg5[%dma_start3A_572, %dma_start3A_573] : memref<32x1536xf32, #tpu.memory_space<vmem>> -> memref<32x768xf32, #tpu.memory_space<vmem>>
    %dma_start3A_575 = arith.constant 256 : i32
    %dma_start3A_576 = arith.constant 0 : i32
    %dma_start3A_577 = tpu.memref_slice %arg2[%add3A_564, %dma_start3A_575, %dma_start3A_576] : memref<64x576x768xf32, #tpu.memory_space<hbm>> -> memref<1x32x768xf32, #tpu.memory_space<hbm>>
    %dma_start3A_578 = tpu.memref_squeeze %dma_start3A_577 : memref<1x32x768xf32, #tpu.memory_space<hbm>> -> memref<32x768xf32, #tpu.memory_space<hbm>>
    tpu.enqueue_dma source(%dma_start3A_578 : memref<32x768xf32, #tpu.memory_space<hbm>>) target(%dma_start3A_574 : memref<32x768xf32, #tpu.memory_space<vmem>>) target_semaphore(%arg7 : memref<!tpu.dma_semaphore, #tpu.memory_space<semaphore_mem>>)
    %dma_start3A_579 = arith.constant 0 : i32
    %dma_start3A_580 = arith.constant 768 : i32
    %dma_start3A_581 = tpu.memref_slice %arg5[%dma_start3A_579, %dma_start3A_580] : memref<32x1536xf32, #tpu.memory_space<vmem>> -> memref<32x768xf32, #tpu.memory_space<vmem>>
    %dma_start3A_582 = arith.constant 256 : i32
    %dma_start3A_583 = arith.constant 0 : i32
    %dma_start3A_584 = tpu.memref_slice %arg3[%dma_start3A_582, %dma_start3A_583] : memref<576x768xf32, #tpu.memory_space<hbm>> -> memref<32x768xf32, #tpu.memory_space<hbm>>
    %dma_start3A_585 = arith.constant 0 : i32
    %dma_start3A_586 = arith.constant 768 : i32
    %dma_start3A_587 = tpu.memref_slice %arg5[%dma_start3A_585, %dma_start3A_586] : memref<32x1536xf32, #tpu.memory_space<vmem>> -> memref<32x768xf32, #tpu.memory_space<vmem>>
    %dma_start3A_588 = arith.constant 256 : i32
    %dma_start3A_589 = arith.constant 0 : i32
    %dma_start3A_590 = tpu.memref_slice %arg3[%dma_start3A_588, %dma_start3A_589] : memref<576x768xf32, #tpu.memory_space<hbm>> -> memref<32x768xf32, #tpu.memory_space<hbm>>
    tpu.enqueue_dma source(%dma_start3A_590 : memref<32x768xf32, #tpu.memory_space<hbm>>) target(%dma_start3A_587 : memref<32x768xf32, #tpu.memory_space<vmem>>) target_semaphore(%arg7 : memref<!tpu.dma_semaphore, #tpu.memory_space<semaphore_mem>>)
    %dma_wait3A_591 = arith.constant 0 : i32
    %dma_wait3A_592 = arith.constant 0 : i32
    %dma_wait3A_593 = tpu.memref_slice %arg6[%dma_wait3A_591, %dma_wait3A_592] : memref<32x1536xf32, #tpu.memory_space<vmem>> -> memref<32x768xf32, #tpu.memory_space<vmem>>
    %dma_wait3A_594 = arith.constant 224 : i32
    %dma_wait3A_595 = arith.constant 0 : i32
    %dma_wait3A_596 = tpu.memref_slice %arg2[%add3A_488, %dma_wait3A_594, %dma_wait3A_595] : memref<64x576x768xf32, #tpu.memory_space<hbm>> -> memref<1x32x768xf32, #tpu.memory_space<hbm>>
    %dma_wait3A_597 = tpu.memref_squeeze %dma_wait3A_596 : memref<1x32x768xf32, #tpu.memory_space<hbm>> -> memref<32x768xf32, #tpu.memory_space<hbm>>
    %dma_wait3A_598 = arith.constant 0 : i32
    %dma_wait3A_599 = arith.constant 0 : i32
    %dma_wait3A_600 = tpu.memref_slice %arg6[%dma_wait3A_598, %dma_wait3A_599] : memref<32x1536xf32, #tpu.memory_space<vmem>> -> memref<32x768xf32, #tpu.memory_space<vmem>>
    %dma_wait3A_601 = arith.constant 224 : i32
    %dma_wait3A_602 = arith.constant 0 : i32
    %dma_wait3A_603 = tpu.memref_slice %arg2[%add3A_488, %dma_wait3A_601, %dma_wait3A_602] : memref<64x576x768xf32, #tpu.memory_space<hbm>> -> memref<1x32x768xf32, #tpu.memory_space<hbm>>
    %dma_wait3A_604 = tpu.memref_squeeze %dma_wait3A_603 : memref<1x32x768xf32, #tpu.memory_space<hbm>> -> memref<32x768xf32, #tpu.memory_space<hbm>>
    tpu.wait_dma2 semaphore(%arg8 : memref<!tpu.dma_semaphore, #tpu.memory_space<semaphore_mem>>) src(%dma_wait3A_604 : memref<32x768xf32, #tpu.memory_space<hbm>>) dst(%dma_wait3A_600 : memref<32x768xf32, #tpu.memory_space<vmem>>)
    %dma_wait3A_605 = arith.constant 0 : i32
    %dma_wait3A_606 = arith.constant 768 : i32
    %dma_wait3A_607 = tpu.memref_slice %arg6[%dma_wait3A_605, %dma_wait3A_606] : memref<32x1536xf32, #tpu.memory_space<vmem>> -> memref<32x768xf32, #tpu.memory_space<vmem>>
    %dma_wait3A_608 = arith.constant 224 : i32
    %dma_wait3A_609 = arith.constant 0 : i32
    %dma_wait3A_610 = tpu.memref_slice %arg3[%dma_wait3A_608, %dma_wait3A_609] : memref<576x768xf32, #tpu.memory_space<hbm>> -> memref<32x768xf32, #tpu.memory_space<hbm>>
    %dma_wait3A_611 = arith.constant 0 : i32
    %dma_wait3A_612 = arith.constant 768 : i32
    %dma_wait3A_613 = tpu.memref_slice %arg6[%dma_wait3A_611, %dma_wait3A_612] : memref<32x1536xf32, #tpu.memory_space<vmem>> -> memref<32x768xf32, #tpu.memory_space<vmem>>
    %dma_wait3A_614 = arith.constant 224 : i32
    %dma_wait3A_615 = arith.constant 0 : i32
    %dma_wait3A_616 = tpu.memref_slice %arg3[%dma_wait3A_614, %dma_wait3A_615] : memref<576x768xf32, #tpu.memory_space<hbm>> -> memref<32x768xf32, #tpu.memory_space<hbm>>
    tpu.wait_dma2 semaphore(%arg8 : memref<!tpu.dma_semaphore, #tpu.memory_space<semaphore_mem>>) src(%dma_wait3A_616 : memref<32x768xf32, #tpu.memory_space<hbm>>) dst(%dma_wait3A_613 : memref<32x768xf32, #tpu.memory_space<vmem>>)
    %mul3A_617 = arith.constant 2 : i32
    %mul3A_618 = arith.muli %add3A, %mul3A_617 : i32
    %add3A_619 = arith.constant 0 : i32
    %add3A_620 = arith.addi %mul3A_618, %add3A_619 : i32
    %dma_start3A_621 = arith.constant 224 : i32
    %dma_start3A_622 = arith.constant 0 : i32
    %dma_start3A_623 = tpu.memref_slice %arg4[%add3A_620, %dma_start3A_621, %dma_start3A_622] : memref<64x576x1536xf32, #tpu.memory_space<hbm>> -> memref<1x32x1536xf32, #tpu.memory_space<hbm>>
    %dma_start3A_624 = tpu.memref_squeeze %dma_start3A_623 : memref<1x32x1536xf32, #tpu.memory_space<hbm>> -> memref<32x1536xf32, #tpu.memory_space<hbm>>
    %dma_start3A_625 = arith.constant 224 : i32
    %dma_start3A_626 = arith.constant 0 : i32
    %dma_start3A_627 = tpu.memref_slice %arg4[%add3A_620, %dma_start3A_625, %dma_start3A_626] : memref<64x576x1536xf32, #tpu.memory_space<hbm>> -> memref<1x32x1536xf32, #tpu.memory_space<hbm>>
    %dma_start3A_628 = tpu.memref_squeeze %dma_start3A_627 : memref<1x32x1536xf32, #tpu.memory_space<hbm>> -> memref<32x1536xf32, #tpu.memory_space<hbm>>
    tpu.enqueue_dma source(%arg6 : memref<32x1536xf32, #tpu.memory_space<vmem>>) target(%dma_start3A_628 : memref<32x1536xf32, #tpu.memory_space<hbm>>) target_semaphore(%arg10 : memref<!tpu.dma_semaphore, #tpu.memory_space<semaphore_mem>>)
    %dma_wait3A_629 = arith.constant 224 : i32
    %dma_wait3A_630 = arith.constant 0 : i32
    %dma_wait3A_631 = tpu.memref_slice %arg4[%add3A_620, %dma_wait3A_629, %dma_wait3A_630] : memref<64x576x1536xf32, #tpu.memory_space<hbm>> -> memref<1x32x1536xf32, #tpu.memory_space<hbm>>
    %dma_wait3A_632 = tpu.memref_squeeze %dma_wait3A_631 : memref<1x32x1536xf32, #tpu.memory_space<hbm>> -> memref<32x1536xf32, #tpu.memory_space<hbm>>
    %dma_wait3A_633 = arith.constant 224 : i32
    %dma_wait3A_634 = arith.constant 0 : i32
    %dma_wait3A_635 = tpu.memref_slice %arg4[%add3A_620, %dma_wait3A_633, %dma_wait3A_634] : memref<64x576x1536xf32, #tpu.memory_space<hbm>> -> memref<1x32x1536xf32, #tpu.memory_space<hbm>>
    %dma_wait3A_636 = tpu.memref_squeeze %dma_wait3A_635 : memref<1x32x1536xf32, #tpu.memory_space<hbm>> -> memref<32x1536xf32, #tpu.memory_space<hbm>>
    tpu.wait_dma2 semaphore(%arg10 : memref<!tpu.dma_semaphore, #tpu.memory_space<semaphore_mem>>) src(%arg6 : memref<32x1536xf32, #tpu.memory_space<vmem>>) dst(%dma_wait3A_636 : memref<32x1536xf32, #tpu.memory_space<hbm>>)
    %mul3A_637 = arith.constant 2 : i32
    %mul3A_638 = arith.muli %add3A, %mul3A_637 : i32
    %add3A_639 = arith.constant 0 : i32
    %add3A_640 = arith.addi %mul3A_638, %add3A_639 : i32
    %dma_start3A_641 = arith.constant 0 : i32
    %dma_start3A_642 = arith.constant 0 : i32
    %dma_start3A_643 = tpu.memref_slice %arg6[%dma_start3A_641, %dma_start3A_642] : memref<32x1536xf32, #tpu.memory_space<vmem>> -> memref<32x768xf32, #tpu.memory_space<vmem>>
    %dma_start3A_644 = arith.constant 288 : i32
    %dma_start3A_645 = arith.constant 0 : i32
    %dma_start3A_646 = tpu.memref_slice %arg2[%add3A_640, %dma_start3A_644, %dma_start3A_645] : memref<64x576x768xf32, #tpu.memory_space<hbm>> -> memref<1x32x768xf32, #tpu.memory_space<hbm>>
    %dma_start3A_647 = tpu.memref_squeeze %dma_start3A_646 : memref<1x32x768xf32, #tpu.memory_space<hbm>> -> memref<32x768xf32, #tpu.memory_space<hbm>>
    %dma_start3A_648 = arith.constant 0 : i32
    %dma_start3A_649 = arith.constant 0 : i32
    %dma_start3A_650 = tpu.memref_slice %arg6[%dma_start3A_648, %dma_start3A_649] : memref<32x1536xf32, #tpu.memory_space<vmem>> -> memref<32x768xf32, #tpu.memory_space<vmem>>
    %dma_start3A_651 = arith.constant 288 : i32
    %dma_start3A_652 = arith.constant 0 : i32
    %dma_start3A_653 = tpu.memref_slice %arg2[%add3A_640, %dma_start3A_651, %dma_start3A_652] : memref<64x576x768xf32, #tpu.memory_space<hbm>> -> memref<1x32x768xf32, #tpu.memory_space<hbm>>
    %dma_start3A_654 = tpu.memref_squeeze %dma_start3A_653 : memref<1x32x768xf32, #tpu.memory_space<hbm>> -> memref<32x768xf32, #tpu.memory_space<hbm>>
    tpu.enqueue_dma source(%dma_start3A_654 : memref<32x768xf32, #tpu.memory_space<hbm>>) target(%dma_start3A_650 : memref<32x768xf32, #tpu.memory_space<vmem>>) target_semaphore(%arg8 : memref<!tpu.dma_semaphore, #tpu.memory_space<semaphore_mem>>)
    %dma_start3A_655 = arith.constant 0 : i32
    %dma_start3A_656 = arith.constant 768 : i32
    %dma_start3A_657 = tpu.memref_slice %arg6[%dma_start3A_655, %dma_start3A_656] : memref<32x1536xf32, #tpu.memory_space<vmem>> -> memref<32x768xf32, #tpu.memory_space<vmem>>
    %dma_start3A_658 = arith.constant 288 : i32
    %dma_start3A_659 = arith.constant 0 : i32
    %dma_start3A_660 = tpu.memref_slice %arg3[%dma_start3A_658, %dma_start3A_659] : memref<576x768xf32, #tpu.memory_space<hbm>> -> memref<32x768xf32, #tpu.memory_space<hbm>>
    %dma_start3A_661 = arith.constant 0 : i32
    %dma_start3A_662 = arith.constant 768 : i32
    %dma_start3A_663 = tpu.memref_slice %arg6[%dma_start3A_661, %dma_start3A_662] : memref<32x1536xf32, #tpu.memory_space<vmem>> -> memref<32x768xf32, #tpu.memory_space<vmem>>
    %dma_start3A_664 = arith.constant 288 : i32
    %dma_start3A_665 = arith.constant 0 : i32
    %dma_start3A_666 = tpu.memref_slice %arg3[%dma_start3A_664, %dma_start3A_665] : memref<576x768xf32, #tpu.memory_space<hbm>> -> memref<32x768xf32, #tpu.memory_space<hbm>>
    tpu.enqueue_dma source(%dma_start3A_666 : memref<32x768xf32, #tpu.memory_space<hbm>>) target(%dma_start3A_663 : memref<32x768xf32, #tpu.memory_space<vmem>>) target_semaphore(%arg8 : memref<!tpu.dma_semaphore, #tpu.memory_space<semaphore_mem>>)
    %dma_wait3A_667 = arith.constant 0 : i32
    %dma_wait3A_668 = arith.constant 0 : i32
    %dma_wait3A_669 = tpu.memref_slice %arg5[%dma_wait3A_667, %dma_wait3A_668] : memref<32x1536xf32, #tpu.memory_space<vmem>> -> memref<32x768xf32, #tpu.memory_space<vmem>>
    %dma_wait3A_670 = arith.constant 256 : i32
    %dma_wait3A_671 = arith.constant 0 : i32
    %dma_wait3A_672 = tpu.memref_slice %arg2[%add3A_564, %dma_wait3A_670, %dma_wait3A_671] : memref<64x576x768xf32, #tpu.memory_space<hbm>> -> memref<1x32x768xf32, #tpu.memory_space<hbm>>
    %dma_wait3A_673 = tpu.memref_squeeze %dma_wait3A_672 : memref<1x32x768xf32, #tpu.memory_space<hbm>> -> memref<32x768xf32, #tpu.memory_space<hbm>>
    %dma_wait3A_674 = arith.constant 0 : i32
    %dma_wait3A_675 = arith.constant 0 : i32
    %dma_wait3A_676 = tpu.memref_slice %arg5[%dma_wait3A_674, %dma_wait3A_675] : memref<32x1536xf32, #tpu.memory_space<vmem>> -> memref<32x768xf32, #tpu.memory_space<vmem>>
    %dma_wait3A_677 = arith.constant 256 : i32
    %dma_wait3A_678 = arith.constant 0 : i32
    %dma_wait3A_679 = tpu.memref_slice %arg2[%add3A_564, %dma_wait3A_677, %dma_wait3A_678] : memref<64x576x768xf32, #tpu.memory_space<hbm>> -> memref<1x32x768xf32, #tpu.memory_space<hbm>>
    %dma_wait3A_680 = tpu.memref_squeeze %dma_wait3A_679 : memref<1x32x768xf32, #tpu.memory_space<hbm>> -> memref<32x768xf32, #tpu.memory_space<hbm>>
    tpu.wait_dma2 semaphore(%arg7 : memref<!tpu.dma_semaphore, #tpu.memory_space<semaphore_mem>>) src(%dma_wait3A_680 : memref<32x768xf32, #tpu.memory_space<hbm>>) dst(%dma_wait3A_676 : memref<32x768xf32, #tpu.memory_space<vmem>>)
    %dma_wait3A_681 = arith.constant 0 : i32
    %dma_wait3A_682 = arith.constant 768 : i32
    %dma_wait3A_683 = tpu.memref_slice %arg5[%dma_wait3A_681, %dma_wait3A_682] : memref<32x1536xf32, #tpu.memory_space<vmem>> -> memref<32x768xf32, #tpu.memory_space<vmem>>
    %dma_wait3A_684 = arith.constant 256 : i32
    %dma_wait3A_685 = arith.constant 0 : i32
    %dma_wait3A_686 = tpu.memref_slice %arg3[%dma_wait3A_684, %dma_wait3A_685] : memref<576x768xf32, #tpu.memory_space<hbm>> -> memref<32x768xf32, #tpu.memory_space<hbm>>
    %dma_wait3A_687 = arith.constant 0 : i32
    %dma_wait3A_688 = arith.constant 768 : i32
    %dma_wait3A_689 = tpu.memref_slice %arg5[%dma_wait3A_687, %dma_wait3A_688] : memref<32x1536xf32, #tpu.memory_space<vmem>> -> memref<32x768xf32, #tpu.memory_space<vmem>>
    %dma_wait3A_690 = arith.constant 256 : i32
    %dma_wait3A_691 = arith.constant 0 : i32
    %dma_wait3A_692 = tpu.memref_slice %arg3[%dma_wait3A_690, %dma_wait3A_691] : memref<576x768xf32, #tpu.memory_space<hbm>> -> memref<32x768xf32, #tpu.memory_space<hbm>>
    tpu.wait_dma2 semaphore(%arg7 : memref<!tpu.dma_semaphore, #tpu.memory_space<semaphore_mem>>) src(%dma_wait3A_692 : memref<32x768xf32, #tpu.memory_space<hbm>>) dst(%dma_wait3A_689 : memref<32x768xf32, #tpu.memory_space<vmem>>)
    %mul3A_693 = arith.constant 2 : i32
    %mul3A_694 = arith.muli %add3A, %mul3A_693 : i32
    %add3A_695 = arith.constant 0 : i32
    %add3A_696 = arith.addi %mul3A_694, %add3A_695 : i32
    %dma_start3A_697 = arith.constant 256 : i32
    %dma_start3A_698 = arith.constant 0 : i32
    %dma_start3A_699 = tpu.memref_slice %arg4[%add3A_696, %dma_start3A_697, %dma_start3A_698] : memref<64x576x1536xf32, #tpu.memory_space<hbm>> -> memref<1x32x1536xf32, #tpu.memory_space<hbm>>
    %dma_start3A_700 = tpu.memref_squeeze %dma_start3A_699 : memref<1x32x1536xf32, #tpu.memory_space<hbm>> -> memref<32x1536xf32, #tpu.memory_space<hbm>>
    %dma_start3A_701 = arith.constant 256 : i32
    %dma_start3A_702 = arith.constant 0 : i32
    %dma_start3A_703 = tpu.memref_slice %arg4[%add3A_696, %dma_start3A_701, %dma_start3A_702] : memref<64x576x1536xf32, #tpu.memory_space<hbm>> -> memref<1x32x1536xf32, #tpu.memory_space<hbm>>
    %dma_start3A_704 = tpu.memref_squeeze %dma_start3A_703 : memref<1x32x1536xf32, #tpu.memory_space<hbm>> -> memref<32x1536xf32, #tpu.memory_space<hbm>>
    tpu.enqueue_dma source(%arg5 : memref<32x1536xf32, #tpu.memory_space<vmem>>) target(%dma_start3A_704 : memref<32x1536xf32, #tpu.memory_space<hbm>>) target_semaphore(%arg9 : memref<!tpu.dma_semaphore, #tpu.memory_space<semaphore_mem>>)
    %dma_wait3A_705 = arith.constant 256 : i32
    %dma_wait3A_706 = arith.constant 0 : i32
    %dma_wait3A_707 = tpu.memref_slice %arg4[%add3A_696, %dma_wait3A_705, %dma_wait3A_706] : memref<64x576x1536xf32, #tpu.memory_space<hbm>> -> memref<1x32x1536xf32, #tpu.memory_space<hbm>>
    %dma_wait3A_708 = tpu.memref_squeeze %dma_wait3A_707 : memref<1x32x1536xf32, #tpu.memory_space<hbm>> -> memref<32x1536xf32, #tpu.memory_space<hbm>>
    %dma_wait3A_709 = arith.constant 256 : i32
    %dma_wait3A_710 = arith.constant 0 : i32
    %dma_wait3A_711 = tpu.memref_slice %arg4[%add3A_696, %dma_wait3A_709, %dma_wait3A_710] : memref<64x576x1536xf32, #tpu.memory_space<hbm>> -> memref<1x32x1536xf32, #tpu.memory_space<hbm>>
    %dma_wait3A_712 = tpu.memref_squeeze %dma_wait3A_711 : memref<1x32x1536xf32, #tpu.memory_space<hbm>> -> memref<32x1536xf32, #tpu.memory_space<hbm>>
    tpu.wait_dma2 semaphore(%arg9 : memref<!tpu.dma_semaphore, #tpu.memory_space<semaphore_mem>>) src(%arg5 : memref<32x1536xf32, #tpu.memory_space<vmem>>) dst(%dma_wait3A_712 : memref<32x1536xf32, #tpu.memory_space<hbm>>)
    %mul3A_713 = arith.constant 2 : i32
    %mul3A_714 = arith.muli %add3A, %mul3A_713 : i32
    %add3A_715 = arith.constant 0 : i32
    %add3A_716 = arith.addi %mul3A_714, %add3A_715 : i32
    %dma_start3A_717 = arith.constant 0 : i32
    %dma_start3A_718 = arith.constant 0 : i32
    %dma_start3A_719 = tpu.memref_slice %arg5[%dma_start3A_717, %dma_start3A_718] : memref<32x1536xf32, #tpu.memory_space<vmem>> -> memref<32x768xf32, #tpu.memory_space<vmem>>
    %dma_start3A_720 = arith.constant 320 : i32
    %dma_start3A_721 = arith.constant 0 : i32
    %dma_start3A_722 = tpu.memref_slice %arg2[%add3A_716, %dma_start3A_720, %dma_start3A_721] : memref<64x576x768xf32, #tpu.memory_space<hbm>> -> memref<1x32x768xf32, #tpu.memory_space<hbm>>
    %dma_start3A_723 = tpu.memref_squeeze %dma_start3A_722 : memref<1x32x768xf32, #tpu.memory_space<hbm>> -> memref<32x768xf32, #tpu.memory_space<hbm>>
    %dma_start3A_724 = arith.constant 0 : i32
    %dma_start3A_725 = arith.constant 0 : i32
    %dma_start3A_726 = tpu.memref_slice %arg5[%dma_start3A_724, %dma_start3A_725] : memref<32x1536xf32, #tpu.memory_space<vmem>> -> memref<32x768xf32, #tpu.memory_space<vmem>>
    %dma_start3A_727 = arith.constant 320 : i32
    %dma_start3A_728 = arith.constant 0 : i32
    %dma_start3A_729 = tpu.memref_slice %arg2[%add3A_716, %dma_start3A_727, %dma_start3A_728] : memref<64x576x768xf32, #tpu.memory_space<hbm>> -> memref<1x32x768xf32, #tpu.memory_space<hbm>>
    %dma_start3A_730 = tpu.memref_squeeze %dma_start3A_729 : memref<1x32x768xf32, #tpu.memory_space<hbm>> -> memref<32x768xf32, #tpu.memory_space<hbm>>
    tpu.enqueue_dma source(%dma_start3A_730 : memref<32x768xf32, #tpu.memory_space<hbm>>) target(%dma_start3A_726 : memref<32x768xf32, #tpu.memory_space<vmem>>) target_semaphore(%arg7 : memref<!tpu.dma_semaphore, #tpu.memory_space<semaphore_mem>>)
    %dma_start3A_731 = arith.constant 0 : i32
    %dma_start3A_732 = arith.constant 768 : i32
    %dma_start3A_733 = tpu.memref_slice %arg5[%dma_start3A_731, %dma_start3A_732] : memref<32x1536xf32, #tpu.memory_space<vmem>> -> memref<32x768xf32, #tpu.memory_space<vmem>>
    %dma_start3A_734 = arith.constant 320 : i32
    %dma_start3A_735 = arith.constant 0 : i32
    %dma_start3A_736 = tpu.memref_slice %arg3[%dma_start3A_734, %dma_start3A_735] : memref<576x768xf32, #tpu.memory_space<hbm>> -> memref<32x768xf32, #tpu.memory_space<hbm>>
    %dma_start3A_737 = arith.constant 0 : i32
    %dma_start3A_738 = arith.constant 768 : i32
    %dma_start3A_739 = tpu.memref_slice %arg5[%dma_start3A_737, %dma_start3A_738] : memref<32x1536xf32, #tpu.memory_space<vmem>> -> memref<32x768xf32, #tpu.memory_space<vmem>>
    %dma_start3A_740 = arith.constant 320 : i32
    %dma_start3A_741 = arith.constant 0 : i32
    %dma_start3A_742 = tpu.memref_slice %arg3[%dma_start3A_740, %dma_start3A_741] : memref<576x768xf32, #tpu.memory_space<hbm>> -> memref<32x768xf32, #tpu.memory_space<hbm>>
    tpu.enqueue_dma source(%dma_start3A_742 : memref<32x768xf32, #tpu.memory_space<hbm>>) target(%dma_start3A_739 : memref<32x768xf32, #tpu.memory_space<vmem>>) target_semaphore(%arg7 : memref<!tpu.dma_semaphore, #tpu.memory_space<semaphore_mem>>)
    %dma_wait3A_743 = arith.constant 0 : i32
    %dma_wait3A_744 = arith.constant 0 : i32
    %dma_wait3A_745 = tpu.memref_slice %arg6[%dma_wait3A_743, %dma_wait3A_744] : memref<32x1536xf32, #tpu.memory_space<vmem>> -> memref<32x768xf32, #tpu.memory_space<vmem>>
    %dma_wait3A_746 = arith.constant 288 : i32
    %dma_wait3A_747 = arith.constant 0 : i32
    %dma_wait3A_748 = tpu.memref_slice %arg2[%add3A_640, %dma_wait3A_746, %dma_wait3A_747] : memref<64x576x768xf32, #tpu.memory_space<hbm>> -> memref<1x32x768xf32, #tpu.memory_space<hbm>>
    %dma_wait3A_749 = tpu.memref_squeeze %dma_wait3A_748 : memref<1x32x768xf32, #tpu.memory_space<hbm>> -> memref<32x768xf32, #tpu.memory_space<hbm>>
    %dma_wait3A_750 = arith.constant 0 : i32
    %dma_wait3A_751 = arith.constant 0 : i32
    %dma_wait3A_752 = tpu.memref_slice %arg6[%dma_wait3A_750, %dma_wait3A_751] : memref<32x1536xf32, #tpu.memory_space<vmem>> -> memref<32x768xf32, #tpu.memory_space<vmem>>
    %dma_wait3A_753 = arith.constant 288 : i32
    %dma_wait3A_754 = arith.constant 0 : i32
    %dma_wait3A_755 = tpu.memref_slice %arg2[%add3A_640, %dma_wait3A_753, %dma_wait3A_754] : memref<64x576x768xf32, #tpu.memory_space<hbm>> -> memref<1x32x768xf32, #tpu.memory_space<hbm>>
    %dma_wait3A_756 = tpu.memref_squeeze %dma_wait3A_755 : memref<1x32x768xf32, #tpu.memory_space<hbm>> -> memref<32x768xf32, #tpu.memory_space<hbm>>
    tpu.wait_dma2 semaphore(%arg8 : memref<!tpu.dma_semaphore, #tpu.memory_space<semaphore_mem>>) src(%dma_wait3A_756 : memref<32x768xf32, #tpu.memory_space<hbm>>) dst(%dma_wait3A_752 : memref<32x768xf32, #tpu.memory_space<vmem>>)
    %dma_wait3A_757 = arith.constant 0 : i32
    %dma_wait3A_758 = arith.constant 768 : i32
    %dma_wait3A_759 = tpu.memref_slice %arg6[%dma_wait3A_757, %dma_wait3A_758] : memref<32x1536xf32, #tpu.memory_space<vmem>> -> memref<32x768xf32, #tpu.memory_space<vmem>>
    %dma_wait3A_760 = arith.constant 288 : i32
    %dma_wait3A_761 = arith.constant 0 : i32
    %dma_wait3A_762 = tpu.memref_slice %arg3[%dma_wait3A_760, %dma_wait3A_761] : memref<576x768xf32, #tpu.memory_space<hbm>> -> memref<32x768xf32, #tpu.memory_space<hbm>>
    %dma_wait3A_763 = arith.constant 0 : i32
    %dma_wait3A_764 = arith.constant 768 : i32
    %dma_wait3A_765 = tpu.memref_slice %arg6[%dma_wait3A_763, %dma_wait3A_764] : memref<32x1536xf32, #tpu.memory_space<vmem>> -> memref<32x768xf32, #tpu.memory_space<vmem>>
    %dma_wait3A_766 = arith.constant 288 : i32
    %dma_wait3A_767 = arith.constant 0 : i32
    %dma_wait3A_768 = tpu.memref_slice %arg3[%dma_wait3A_766, %dma_wait3A_767] : memref<576x768xf32, #tpu.memory_space<hbm>> -> memref<32x768xf32, #tpu.memory_space<hbm>>
    tpu.wait_dma2 semaphore(%arg8 : memref<!tpu.dma_semaphore, #tpu.memory_space<semaphore_mem>>) src(%dma_wait3A_768 : memref<32x768xf32, #tpu.memory_space<hbm>>) dst(%dma_wait3A_765 : memref<32x768xf32, #tpu.memory_space<vmem>>)
    %mul3A_769 = arith.constant 2 : i32
    %mul3A_770 = arith.muli %add3A, %mul3A_769 : i32
    %add3A_771 = arith.constant 0 : i32
    %add3A_772 = arith.addi %mul3A_770, %add3A_771 : i32
    %dma_start3A_773 = arith.constant 288 : i32
    %dma_start3A_774 = arith.constant 0 : i32
    %dma_start3A_775 = tpu.memref_slice %arg4[%add3A_772, %dma_start3A_773, %dma_start3A_774] : memref<64x576x1536xf32, #tpu.memory_space<hbm>> -> memref<1x32x1536xf32, #tpu.memory_space<hbm>>
    %dma_start3A_776 = tpu.memref_squeeze %dma_start3A_775 : memref<1x32x1536xf32, #tpu.memory_space<hbm>> -> memref<32x1536xf32, #tpu.memory_space<hbm>>
    %dma_start3A_777 = arith.constant 288 : i32
    %dma_start3A_778 = arith.constant 0 : i32
    %dma_start3A_779 = tpu.memref_slice %arg4[%add3A_772, %dma_start3A_777, %dma_start3A_778] : memref<64x576x1536xf32, #tpu.memory_space<hbm>> -> memref<1x32x1536xf32, #tpu.memory_space<hbm>>
    %dma_start3A_780 = tpu.memref_squeeze %dma_start3A_779 : memref<1x32x1536xf32, #tpu.memory_space<hbm>> -> memref<32x1536xf32, #tpu.memory_space<hbm>>
    tpu.enqueue_dma source(%arg6 : memref<32x1536xf32, #tpu.memory_space<vmem>>) target(%dma_start3A_780 : memref<32x1536xf32, #tpu.memory_space<hbm>>) target_semaphore(%arg10 : memref<!tpu.dma_semaphore, #tpu.memory_space<semaphore_mem>>)
    %dma_wait3A_781 = arith.constant 288 : i32
    %dma_wait3A_782 = arith.constant 0 : i32
    %dma_wait3A_783 = tpu.memref_slice %arg4[%add3A_772, %dma_wait3A_781, %dma_wait3A_782] : memref<64x576x1536xf32, #tpu.memory_space<hbm>> -> memref<1x32x1536xf32, #tpu.memory_space<hbm>>
    %dma_wait3A_784 = tpu.memref_squeeze %dma_wait3A_783 : memref<1x32x1536xf32, #tpu.memory_space<hbm>> -> memref<32x1536xf32, #tpu.memory_space<hbm>>
    %dma_wait3A_785 = arith.constant 288 : i32
    %dma_wait3A_786 = arith.constant 0 : i32
    %dma_wait3A_787 = tpu.memref_slice %arg4[%add3A_772, %dma_wait3A_785, %dma_wait3A_786] : memref<64x576x1536xf32, #tpu.memory_space<hbm>> -> memref<1x32x1536xf32, #tpu.memory_space<hbm>>
    %dma_wait3A_788 = tpu.memref_squeeze %dma_wait3A_787 : memref<1x32x1536xf32, #tpu.memory_space<hbm>> -> memref<32x1536xf32, #tpu.memory_space<hbm>>
    tpu.wait_dma2 semaphore(%arg10 : memref<!tpu.dma_semaphore, #tpu.memory_space<semaphore_mem>>) src(%arg6 : memref<32x1536xf32, #tpu.memory_space<vmem>>) dst(%dma_wait3A_788 : memref<32x1536xf32, #tpu.memory_space<hbm>>)
    %mul3A_789 = arith.constant 2 : i32
    %mul3A_790 = arith.muli %add3A, %mul3A_789 : i32
    %add3A_791 = arith.constant 0 : i32
    %add3A_792 = arith.addi %mul3A_790, %add3A_791 : i32
    %dma_start3A_793 = arith.constant 0 : i32
    %dma_start3A_794 = arith.constant 0 : i32
    %dma_start3A_795 = tpu.memref_slice %arg6[%dma_start3A_793, %dma_start3A_794] : memref<32x1536xf32, #tpu.memory_space<vmem>> -> memref<32x768xf32, #tpu.memory_space<vmem>>
    %dma_start3A_796 = arith.constant 352 : i32
    %dma_start3A_797 = arith.constant 0 : i32
    %dma_start3A_798 = tpu.memref_slice %arg2[%add3A_792, %dma_start3A_796, %dma_start3A_797] : memref<64x576x768xf32, #tpu.memory_space<hbm>> -> memref<1x32x768xf32, #tpu.memory_space<hbm>>
    %dma_start3A_799 = tpu.memref_squeeze %dma_start3A_798 : memref<1x32x768xf32, #tpu.memory_space<hbm>> -> memref<32x768xf32, #tpu.memory_space<hbm>>
    %dma_start3A_800 = arith.constant 0 : i32
    %dma_start3A_801 = arith.constant 0 : i32
    %dma_start3A_802 = tpu.memref_slice %arg6[%dma_start3A_800, %dma_start3A_801] : memref<32x1536xf32, #tpu.memory_space<vmem>> -> memref<32x768xf32, #tpu.memory_space<vmem>>
    %dma_start3A_803 = arith.constant 352 : i32
    %dma_start3A_804 = arith.constant 0 : i32
    %dma_start3A_805 = tpu.memref_slice %arg2[%add3A_792, %dma_start3A_803, %dma_start3A_804] : memref<64x576x768xf32, #tpu.memory_space<hbm>> -> memref<1x32x768xf32, #tpu.memory_space<hbm>>
    %dma_start3A_806 = tpu.memref_squeeze %dma_start3A_805 : memref<1x32x768xf32, #tpu.memory_space<hbm>> -> memref<32x768xf32, #tpu.memory_space<hbm>>
    tpu.enqueue_dma source(%dma_start3A_806 : memref<32x768xf32, #tpu.memory_space<hbm>>) target(%dma_start3A_802 : memref<32x768xf32, #tpu.memory_space<vmem>>) target_semaphore(%arg8 : memref<!tpu.dma_semaphore, #tpu.memory_space<semaphore_mem>>)
    %dma_start3A_807 = arith.constant 0 : i32
    %dma_start3A_808 = arith.constant 768 : i32
    %dma_start3A_809 = tpu.memref_slice %arg6[%dma_start3A_807, %dma_start3A_808] : memref<32x1536xf32, #tpu.memory_space<vmem>> -> memref<32x768xf32, #tpu.memory_space<vmem>>
    %dma_start3A_810 = arith.constant 352 : i32
    %dma_start3A_811 = arith.constant 0 : i32
    %dma_start3A_812 = tpu.memref_slice %arg3[%dma_start3A_810, %dma_start3A_811] : memref<576x768xf32, #tpu.memory_space<hbm>> -> memref<32x768xf32, #tpu.memory_space<hbm>>
    %dma_start3A_813 = arith.constant 0 : i32
    %dma_start3A_814 = arith.constant 768 : i32
    %dma_start3A_815 = tpu.memref_slice %arg6[%dma_start3A_813, %dma_start3A_814] : memref<32x1536xf32, #tpu.memory_space<vmem>> -> memref<32x768xf32, #tpu.memory_space<vmem>>
    %dma_start3A_816 = arith.constant 352 : i32
    %dma_start3A_817 = arith.constant 0 : i32
    %dma_start3A_818 = tpu.memref_slice %arg3[%dma_start3A_816, %dma_start3A_817] : memref<576x768xf32, #tpu.memory_space<hbm>> -> memref<32x768xf32, #tpu.memory_space<hbm>>
    tpu.enqueue_dma source(%dma_start3A_818 : memref<32x768xf32, #tpu.memory_space<hbm>>) target(%dma_start3A_815 : memref<32x768xf32, #tpu.memory_space<vmem>>) target_semaphore(%arg8 : memref<!tpu.dma_semaphore, #tpu.memory_space<semaphore_mem>>)
    %dma_wait3A_819 = arith.constant 0 : i32
    %dma_wait3A_820 = arith.constant 0 : i32
    %dma_wait3A_821 = tpu.memref_slice %arg5[%dma_wait3A_819, %dma_wait3A_820] : memref<32x1536xf32, #tpu.memory_space<vmem>> -> memref<32x768xf32, #tpu.memory_space<vmem>>
    %dma_wait3A_822 = arith.constant 320 : i32
    %dma_wait3A_823 = arith.constant 0 : i32
    %dma_wait3A_824 = tpu.memref_slice %arg2[%add3A_716, %dma_wait3A_822, %dma_wait3A_823] : memref<64x576x768xf32, #tpu.memory_space<hbm>> -> memref<1x32x768xf32, #tpu.memory_space<hbm>>
    %dma_wait3A_825 = tpu.memref_squeeze %dma_wait3A_824 : memref<1x32x768xf32, #tpu.memory_space<hbm>> -> memref<32x768xf32, #tpu.memory_space<hbm>>
    %dma_wait3A_826 = arith.constant 0 : i32
    %dma_wait3A_827 = arith.constant 0 : i32
    %dma_wait3A_828 = tpu.memref_slice %arg5[%dma_wait3A_826, %dma_wait3A_827] : memref<32x1536xf32, #tpu.memory_space<vmem>> -> memref<32x768xf32, #tpu.memory_space<vmem>>
    %dma_wait3A_829 = arith.constant 320 : i32
    %dma_wait3A_830 = arith.constant 0 : i32
    %dma_wait3A_831 = tpu.memref_slice %arg2[%add3A_716, %dma_wait3A_829, %dma_wait3A_830] : memref<64x576x768xf32, #tpu.memory_space<hbm>> -> memref<1x32x768xf32, #tpu.memory_space<hbm>>
    %dma_wait3A_832 = tpu.memref_squeeze %dma_wait3A_831 : memref<1x32x768xf32, #tpu.memory_space<hbm>> -> memref<32x768xf32, #tpu.memory_space<hbm>>
    tpu.wait_dma2 semaphore(%arg7 : memref<!tpu.dma_semaphore, #tpu.memory_space<semaphore_mem>>) src(%dma_wait3A_832 : memref<32x768xf32, #tpu.memory_space<hbm>>) dst(%dma_wait3A_828 : memref<32x768xf32, #tpu.memory_space<vmem>>)
    %dma_wait3A_833 = arith.constant 0 : i32
    %dma_wait3A_834 = arith.constant 768 : i32
    %dma_wait3A_835 = tpu.memref_slice %arg5[%dma_wait3A_833, %dma_wait3A_834] : memref<32x1536xf32, #tpu.memory_space<vmem>> -> memref<32x768xf32, #tpu.memory_space<vmem>>
    %dma_wait3A_836 = arith.constant 320 : i32
    %dma_wait3A_837 = arith.constant 0 : i32
    %dma_wait3A_838 = tpu.memref_slice %arg3[%dma_wait3A_836, %dma_wait3A_837] : memref<576x768xf32, #tpu.memory_space<hbm>> -> memref<32x768xf32, #tpu.memory_space<hbm>>
    %dma_wait3A_839 = arith.constant 0 : i32
    %dma_wait3A_840 = arith.constant 768 : i32
    %dma_wait3A_841 = tpu.memref_slice %arg5[%dma_wait3A_839, %dma_wait3A_840] : memref<32x1536xf32, #tpu.memory_space<vmem>> -> memref<32x768xf32, #tpu.memory_space<vmem>>
    %dma_wait3A_842 = arith.constant 320 : i32
    %dma_wait3A_843 = arith.constant 0 : i32
    %dma_wait3A_844 = tpu.memref_slice %arg3[%dma_wait3A_842, %dma_wait3A_843] : memref<576x768xf32, #tpu.memory_space<hbm>> -> memref<32x768xf32, #tpu.memory_space<hbm>>
    tpu.wait_dma2 semaphore(%arg7 : memref<!tpu.dma_semaphore, #tpu.memory_space<semaphore_mem>>) src(%dma_wait3A_844 : memref<32x768xf32, #tpu.memory_space<hbm>>) dst(%dma_wait3A_841 : memref<32x768xf32, #tpu.memory_space<vmem>>)
    %mul3A_845 = arith.constant 2 : i32
    %mul3A_846 = arith.muli %add3A, %mul3A_845 : i32
    %add3A_847 = arith.constant 0 : i32
    %add3A_848 = arith.addi %mul3A_846, %add3A_847 : i32
    %dma_start3A_849 = arith.constant 320 : i32
    %dma_start3A_850 = arith.constant 0 : i32
    %dma_start3A_851 = tpu.memref_slice %arg4[%add3A_848, %dma_start3A_849, %dma_start3A_850] : memref<64x576x1536xf32, #tpu.memory_space<hbm>> -> memref<1x32x1536xf32, #tpu.memory_space<hbm>>
    %dma_start3A_852 = tpu.memref_squeeze %dma_start3A_851 : memref<1x32x1536xf32, #tpu.memory_space<hbm>> -> memref<32x1536xf32, #tpu.memory_space<hbm>>
    %dma_start3A_853 = arith.constant 320 : i32
    %dma_start3A_854 = arith.constant 0 : i32
    %dma_start3A_855 = tpu.memref_slice %arg4[%add3A_848, %dma_start3A_853, %dma_start3A_854] : memref<64x576x1536xf32, #tpu.memory_space<hbm>> -> memref<1x32x1536xf32, #tpu.memory_space<hbm>>
    %dma_start3A_856 = tpu.memref_squeeze %dma_start3A_855 : memref<1x32x1536xf32, #tpu.memory_space<hbm>> -> memref<32x1536xf32, #tpu.memory_space<hbm>>
    tpu.enqueue_dma source(%arg5 : memref<32x1536xf32, #tpu.memory_space<vmem>>) target(%dma_start3A_856 : memref<32x1536xf32, #tpu.memory_space<hbm>>) target_semaphore(%arg9 : memref<!tpu.dma_semaphore, #tpu.memory_space<semaphore_mem>>)
    %dma_wait3A_857 = arith.constant 320 : i32
    %dma_wait3A_858 = arith.constant 0 : i32
    %dma_wait3A_859 = tpu.memref_slice %arg4[%add3A_848, %dma_wait3A_857, %dma_wait3A_858] : memref<64x576x1536xf32, #tpu.memory_space<hbm>> -> memref<1x32x1536xf32, #tpu.memory_space<hbm>>
    %dma_wait3A_860 = tpu.memref_squeeze %dma_wait3A_859 : memref<1x32x1536xf32, #tpu.memory_space<hbm>> -> memref<32x1536xf32, #tpu.memory_space<hbm>>
    %dma_wait3A_861 = arith.constant 320 : i32
    %dma_wait3A_862 = arith.constant 0 : i32
    %dma_wait3A_863 = tpu.memref_slice %arg4[%add3A_848, %dma_wait3A_861, %dma_wait3A_862] : memref<64x576x1536xf32, #tpu.memory_space<hbm>> -> memref<1x32x1536xf32, #tpu.memory_space<hbm>>
    %dma_wait3A_864 = tpu.memref_squeeze %dma_wait3A_863 : memref<1x32x1536xf32, #tpu.memory_space<hbm>> -> memref<32x1536xf32, #tpu.memory_space<hbm>>
    tpu.wait_dma2 semaphore(%arg9 : memref<!tpu.dma_semaphore, #tpu.memory_space<semaphore_mem>>) src(%arg5 : memref<32x1536xf32, #tpu.memory_space<vmem>>) dst(%dma_wait3A_864 : memref<32x1536xf32, #tpu.memory_space<hbm>>)
    %mul3A_865 = arith.constant 2 : i32
    %mul3A_866 = arith.muli %add3A, %mul3A_865 : i32
    %add3A_867 = arith.constant 0 : i32
    %add3A_868 = arith.addi %mul3A_866, %add3A_867 : i32
    %dma_start3A_869 = arith.constant 0 : i32
    %dma_start3A_870 = arith.constant 0 : i32
    %dma_start3A_871 = tpu.memref_slice %arg5[%dma_start3A_869, %dma_start3A_870] : memref<32x1536xf32, #tpu.memory_space<vmem>> -> memref<32x768xf32, #tpu.memory_space<vmem>>
    %dma_start3A_872 = arith.constant 384 : i32
    %dma_start3A_873 = arith.constant 0 : i32
    %dma_start3A_874 = tpu.memref_slice %arg2[%add3A_868, %dma_start3A_872, %dma_start3A_873] : memref<64x576x768xf32, #tpu.memory_space<hbm>> -> memref<1x32x768xf32, #tpu.memory_space<hbm>>
    %dma_start3A_875 = tpu.memref_squeeze %dma_start3A_874 : memref<1x32x768xf32, #tpu.memory_space<hbm>> -> memref<32x768xf32, #tpu.memory_space<hbm>>
    %dma_start3A_876 = arith.constant 0 : i32
    %dma_start3A_877 = arith.constant 0 : i32
    %dma_start3A_878 = tpu.memref_slice %arg5[%dma_start3A_876, %dma_start3A_877] : memref<32x1536xf32, #tpu.memory_space<vmem>> -> memref<32x768xf32, #tpu.memory_space<vmem>>
    %dma_start3A_879 = arith.constant 384 : i32
    %dma_start3A_880 = arith.constant 0 : i32
    %dma_start3A_881 = tpu.memref_slice %arg2[%add3A_868, %dma_start3A_879, %dma_start3A_880] : memref<64x576x768xf32, #tpu.memory_space<hbm>> -> memref<1x32x768xf32, #tpu.memory_space<hbm>>
    %dma_start3A_882 = tpu.memref_squeeze %dma_start3A_881 : memref<1x32x768xf32, #tpu.memory_space<hbm>> -> memref<32x768xf32, #tpu.memory_space<hbm>>
    tpu.enqueue_dma source(%dma_start3A_882 : memref<32x768xf32, #tpu.memory_space<hbm>>) target(%dma_start3A_878 : memref<32x768xf32, #tpu.memory_space<vmem>>) target_semaphore(%arg7 : memref<!tpu.dma_semaphore, #tpu.memory_space<semaphore_mem>>)
    %dma_start3A_883 = arith.constant 0 : i32
    %dma_start3A_884 = arith.constant 768 : i32
    %dma_start3A_885 = tpu.memref_slice %arg5[%dma_start3A_883, %dma_start3A_884] : memref<32x1536xf32, #tpu.memory_space<vmem>> -> memref<32x768xf32, #tpu.memory_space<vmem>>
    %dma_start3A_886 = arith.constant 384 : i32
    %dma_start3A_887 = arith.constant 0 : i32
    %dma_start3A_888 = tpu.memref_slice %arg3[%dma_start3A_886, %dma_start3A_887] : memref<576x768xf32, #tpu.memory_space<hbm>> -> memref<32x768xf32, #tpu.memory_space<hbm>>
    %dma_start3A_889 = arith.constant 0 : i32
    %dma_start3A_890 = arith.constant 768 : i32
    %dma_start3A_891 = tpu.memref_slice %arg5[%dma_start3A_889, %dma_start3A_890] : memref<32x1536xf32, #tpu.memory_space<vmem>> -> memref<32x768xf32, #tpu.memory_space<vmem>>
    %dma_start3A_892 = arith.constant 384 : i32
    %dma_start3A_893 = arith.constant 0 : i32
    %dma_start3A_894 = tpu.memref_slice %arg3[%dma_start3A_892, %dma_start3A_893] : memref<576x768xf32, #tpu.memory_space<hbm>> -> memref<32x768xf32, #tpu.memory_space<hbm>>
    tpu.enqueue_dma source(%dma_start3A_894 : memref<32x768xf32, #tpu.memory_space<hbm>>) target(%dma_start3A_891 : memref<32x768xf32, #tpu.memory_space<vmem>>) target_semaphore(%arg7 : memref<!tpu.dma_semaphore, #tpu.memory_space<semaphore_mem>>)
    %dma_wait3A_895 = arith.constant 0 : i32
    %dma_wait3A_896 = arith.constant 0 : i32
    %dma_wait3A_897 = tpu.memref_slice %arg6[%dma_wait3A_895, %dma_wait3A_896] : memref<32x1536xf32, #tpu.memory_space<vmem>> -> memref<32x768xf32, #tpu.memory_space<vmem>>
    %dma_wait3A_898 = arith.constant 352 : i32
    %dma_wait3A_899 = arith.constant 0 : i32
    %dma_wait3A_900 = tpu.memref_slice %arg2[%add3A_792, %dma_wait3A_898, %dma_wait3A_899] : memref<64x576x768xf32, #tpu.memory_space<hbm>> -> memref<1x32x768xf32, #tpu.memory_space<hbm>>
    %dma_wait3A_901 = tpu.memref_squeeze %dma_wait3A_900 : memref<1x32x768xf32, #tpu.memory_space<hbm>> -> memref<32x768xf32, #tpu.memory_space<hbm>>
    %dma_wait3A_902 = arith.constant 0 : i32
    %dma_wait3A_903 = arith.constant 0 : i32
    %dma_wait3A_904 = tpu.memref_slice %arg6[%dma_wait3A_902, %dma_wait3A_903] : memref<32x1536xf32, #tpu.memory_space<vmem>> -> memref<32x768xf32, #tpu.memory_space<vmem>>
    %dma_wait3A_905 = arith.constant 352 : i32
    %dma_wait3A_906 = arith.constant 0 : i32
    %dma_wait3A_907 = tpu.memref_slice %arg2[%add3A_792, %dma_wait3A_905, %dma_wait3A_906] : memref<64x576x768xf32, #tpu.memory_space<hbm>> -> memref<1x32x768xf32, #tpu.memory_space<hbm>>
    %dma_wait3A_908 = tpu.memref_squeeze %dma_wait3A_907 : memref<1x32x768xf32, #tpu.memory_space<hbm>> -> memref<32x768xf32, #tpu.memory_space<hbm>>
    tpu.wait_dma2 semaphore(%arg8 : memref<!tpu.dma_semaphore, #tpu.memory_space<semaphore_mem>>) src(%dma_wait3A_908 : memref<32x768xf32, #tpu.memory_space<hbm>>) dst(%dma_wait3A_904 : memref<32x768xf32, #tpu.memory_space<vmem>>)
    %dma_wait3A_909 = arith.constant 0 : i32
    %dma_wait3A_910 = arith.constant 768 : i32
    %dma_wait3A_911 = tpu.memref_slice %arg6[%dma_wait3A_909, %dma_wait3A_910] : memref<32x1536xf32, #tpu.memory_space<vmem>> -> memref<32x768xf32, #tpu.memory_space<vmem>>
    %dma_wait3A_912 = arith.constant 352 : i32
    %dma_wait3A_913 = arith.constant 0 : i32
    %dma_wait3A_914 = tpu.memref_slice %arg3[%dma_wait3A_912, %dma_wait3A_913] : memref<576x768xf32, #tpu.memory_space<hbm>> -> memref<32x768xf32, #tpu.memory_space<hbm>>
    %dma_wait3A_915 = arith.constant 0 : i32
    %dma_wait3A_916 = arith.constant 768 : i32
    %dma_wait3A_917 = tpu.memref_slice %arg6[%dma_wait3A_915, %dma_wait3A_916] : memref<32x1536xf32, #tpu.memory_space<vmem>> -> memref<32x768xf32, #tpu.memory_space<vmem>>
    %dma_wait3A_918 = arith.constant 352 : i32
    %dma_wait3A_919 = arith.constant 0 : i32
    %dma_wait3A_920 = tpu.memref_slice %arg3[%dma_wait3A_918, %dma_wait3A_919] : memref<576x768xf32, #tpu.memory_space<hbm>> -> memref<32x768xf32, #tpu.memory_space<hbm>>
    tpu.wait_dma2 semaphore(%arg8 : memref<!tpu.dma_semaphore, #tpu.memory_space<semaphore_mem>>) src(%dma_wait3A_920 : memref<32x768xf32, #tpu.memory_space<hbm>>) dst(%dma_wait3A_917 : memref<32x768xf32, #tpu.memory_space<vmem>>)
    %mul3A_921 = arith.constant 2 : i32
    %mul3A_922 = arith.muli %add3A, %mul3A_921 : i32
    %add3A_923 = arith.constant 0 : i32
    %add3A_924 = arith.addi %mul3A_922, %add3A_923 : i32
    %dma_start3A_925 = arith.constant 352 : i32
    %dma_start3A_926 = arith.constant 0 : i32
    %dma_start3A_927 = tpu.memref_slice %arg4[%add3A_924, %dma_start3A_925, %dma_start3A_926] : memref<64x576x1536xf32, #tpu.memory_space<hbm>> -> memref<1x32x1536xf32, #tpu.memory_space<hbm>>
    %dma_start3A_928 = tpu.memref_squeeze %dma_start3A_927 : memref<1x32x1536xf32, #tpu.memory_space<hbm>> -> memref<32x1536xf32, #tpu.memory_space<hbm>>
    %dma_start3A_929 = arith.constant 352 : i32
    %dma_start3A_930 = arith.constant 0 : i32
    %dma_start3A_931 = tpu.memref_slice %arg4[%add3A_924, %dma_start3A_929, %dma_start3A_930] : memref<64x576x1536xf32, #tpu.memory_space<hbm>> -> memref<1x32x1536xf32, #tpu.memory_space<hbm>>
    %dma_start3A_932 = tpu.memref_squeeze %dma_start3A_931 : memref<1x32x1536xf32, #tpu.memory_space<hbm>> -> memref<32x1536xf32, #tpu.memory_space<hbm>>
    tpu.enqueue_dma source(%arg6 : memref<32x1536xf32, #tpu.memory_space<vmem>>) target(%dma_start3A_932 : memref<32x1536xf32, #tpu.memory_space<hbm>>) target_semaphore(%arg10 : memref<!tpu.dma_semaphore, #tpu.memory_space<semaphore_mem>>)
    %dma_wait3A_933 = arith.constant 352 : i32
    %dma_wait3A_934 = arith.constant 0 : i32
    %dma_wait3A_935 = tpu.memref_slice %arg4[%add3A_924, %dma_wait3A_933, %dma_wait3A_934] : memref<64x576x1536xf32, #tpu.memory_space<hbm>> -> memref<1x32x1536xf32, #tpu.memory_space<hbm>>
    %dma_wait3A_936 = tpu.memref_squeeze %dma_wait3A_935 : memref<1x32x1536xf32, #tpu.memory_space<hbm>> -> memref<32x1536xf32, #tpu.memory_space<hbm>>
    %dma_wait3A_937 = arith.constant 352 : i32
    %dma_wait3A_938 = arith.constant 0 : i32
    %dma_wait3A_939 = tpu.memref_slice %arg4[%add3A_924, %dma_wait3A_937, %dma_wait3A_938] : memref<64x576x1536xf32, #tpu.memory_space<hbm>> -> memref<1x32x1536xf32, #tpu.memory_space<hbm>>
    %dma_wait3A_940 = tpu.memref_squeeze %dma_wait3A_939 : memref<1x32x1536xf32, #tpu.memory_space<hbm>> -> memref<32x1536xf32, #tpu.memory_space<hbm>>
    tpu.wait_dma2 semaphore(%arg10 : memref<!tpu.dma_semaphore, #tpu.memory_space<semaphore_mem>>) src(%arg6 : memref<32x1536xf32, #tpu.memory_space<vmem>>) dst(%dma_wait3A_940 : memref<32x1536xf32, #tpu.memory_space<hbm>>)
    %mul3A_941 = arith.constant 2 : i32
    %mul3A_942 = arith.muli %add3A, %mul3A_941 : i32
    %add3A_943 = arith.constant 0 : i32
    %add3A_944 = arith.addi %mul3A_942, %add3A_943 : i32
    %dma_start3A_945 = arith.constant 0 : i32
    %dma_start3A_946 = arith.constant 0 : i32
    %dma_start3A_947 = tpu.memref_slice %arg6[%dma_start3A_945, %dma_start3A_946] : memref<32x1536xf32, #tpu.memory_space<vmem>> -> memref<32x768xf32, #tpu.memory_space<vmem>>
    %dma_start3A_948 = arith.constant 416 : i32
    %dma_start3A_949 = arith.constant 0 : i32
    %dma_start3A_950 = tpu.memref_slice %arg2[%add3A_944, %dma_start3A_948, %dma_start3A_949] : memref<64x576x768xf32, #tpu.memory_space<hbm>> -> memref<1x32x768xf32, #tpu.memory_space<hbm>>
    %dma_start3A_951 = tpu.memref_squeeze %dma_start3A_950 : memref<1x32x768xf32, #tpu.memory_space<hbm>> -> memref<32x768xf32, #tpu.memory_space<hbm>>
    %dma_start3A_952 = arith.constant 0 : i32
    %dma_start3A_953 = arith.constant 0 : i32
    %dma_start3A_954 = tpu.memref_slice %arg6[%dma_start3A_952, %dma_start3A_953] : memref<32x1536xf32, #tpu.memory_space<vmem>> -> memref<32x768xf32, #tpu.memory_space<vmem>>
    %dma_start3A_955 = arith.constant 416 : i32
    %dma_start3A_956 = arith.constant 0 : i32
    %dma_start3A_957 = tpu.memref_slice %arg2[%add3A_944, %dma_start3A_955, %dma_start3A_956] : memref<64x576x768xf32, #tpu.memory_space<hbm>> -> memref<1x32x768xf32, #tpu.memory_space<hbm>>
    %dma_start3A_958 = tpu.memref_squeeze %dma_start3A_957 : memref<1x32x768xf32, #tpu.memory_space<hbm>> -> memref<32x768xf32, #tpu.memory_space<hbm>>
    tpu.enqueue_dma source(%dma_start3A_958 : memref<32x768xf32, #tpu.memory_space<hbm>>) target(%dma_start3A_954 : memref<32x768xf32, #tpu.memory_space<vmem>>) target_semaphore(%arg8 : memref<!tpu.dma_semaphore, #tpu.memory_space<semaphore_mem>>)
    %dma_start3A_959 = arith.constant 0 : i32
    %dma_start3A_960 = arith.constant 768 : i32
    %dma_start3A_961 = tpu.memref_slice %arg6[%dma_start3A_959, %dma_start3A_960] : memref<32x1536xf32, #tpu.memory_space<vmem>> -> memref<32x768xf32, #tpu.memory_space<vmem>>
    %dma_start3A_962 = arith.constant 416 : i32
    %dma_start3A_963 = arith.constant 0 : i32
    %dma_start3A_964 = tpu.memref_slice %arg3[%dma_start3A_962, %dma_start3A_963] : memref<576x768xf32, #tpu.memory_space<hbm>> -> memref<32x768xf32, #tpu.memory_space<hbm>>
    %dma_start3A_965 = arith.constant 0 : i32
    %dma_start3A_966 = arith.constant 768 : i32
    %dma_start3A_967 = tpu.memref_slice %arg6[%dma_start3A_965, %dma_start3A_966] : memref<32x1536xf32, #tpu.memory_space<vmem>> -> memref<32x768xf32, #tpu.memory_space<vmem>>
    %dma_start3A_968 = arith.constant 416 : i32
    %dma_start3A_969 = arith.constant 0 : i32
    %dma_start3A_970 = tpu.memref_slice %arg3[%dma_start3A_968, %dma_start3A_969] : memref<576x768xf32, #tpu.memory_space<hbm>> -> memref<32x768xf32, #tpu.memory_space<hbm>>
    tpu.enqueue_dma source(%dma_start3A_970 : memref<32x768xf32, #tpu.memory_space<hbm>>) target(%dma_start3A_967 : memref<32x768xf32, #tpu.memory_space<vmem>>) target_semaphore(%arg8 : memref<!tpu.dma_semaphore, #tpu.memory_space<semaphore_mem>>)
    %dma_wait3A_971 = arith.constant 0 : i32
    %dma_wait3A_972 = arith.constant 0 : i32
    %dma_wait3A_973 = tpu.memref_slice %arg5[%dma_wait3A_971, %dma_wait3A_972] : memref<32x1536xf32, #tpu.memory_space<vmem>> -> memref<32x768xf32, #tpu.memory_space<vmem>>
    %dma_wait3A_974 = arith.constant 384 : i32
    %dma_wait3A_975 = arith.constant 0 : i32
    %dma_wait3A_976 = tpu.memref_slice %arg2[%add3A_868, %dma_wait3A_974, %dma_wait3A_975] : memref<64x576x768xf32, #tpu.memory_space<hbm>> -> memref<1x32x768xf32, #tpu.memory_space<hbm>>
    %dma_wait3A_977 = tpu.memref_squeeze %dma_wait3A_976 : memref<1x32x768xf32, #tpu.memory_space<hbm>> -> memref<32x768xf32, #tpu.memory_space<hbm>>
    %dma_wait3A_978 = arith.constant 0 : i32
    %dma_wait3A_979 = arith.constant 0 : i32
    %dma_wait3A_980 = tpu.memref_slice %arg5[%dma_wait3A_978, %dma_wait3A_979] : memref<32x1536xf32, #tpu.memory_space<vmem>> -> memref<32x768xf32, #tpu.memory_space<vmem>>
    %dma_wait3A_981 = arith.constant 384 : i32
    %dma_wait3A_982 = arith.constant 0 : i32
    %dma_wait3A_983 = tpu.memref_slice %arg2[%add3A_868, %dma_wait3A_981, %dma_wait3A_982] : memref<64x576x768xf32, #tpu.memory_space<hbm>> -> memref<1x32x768xf32, #tpu.memory_space<hbm>>
    %dma_wait3A_984 = tpu.memref_squeeze %dma_wait3A_983 : memref<1x32x768xf32, #tpu.memory_space<hbm>> -> memref<32x768xf32, #tpu.memory_space<hbm>>
    tpu.wait_dma2 semaphore(%arg7 : memref<!tpu.dma_semaphore, #tpu.memory_space<semaphore_mem>>) src(%dma_wait3A_984 : memref<32x768xf32, #tpu.memory_space<hbm>>) dst(%dma_wait3A_980 : memref<32x768xf32, #tpu.memory_space<vmem>>)
    %dma_wait3A_985 = arith.constant 0 : i32
    %dma_wait3A_986 = arith.constant 768 : i32
    %dma_wait3A_987 = tpu.memref_slice %arg5[%dma_wait3A_985, %dma_wait3A_986] : memref<32x1536xf32, #tpu.memory_space<vmem>> -> memref<32x768xf32, #tpu.memory_space<vmem>>
    %dma_wait3A_988 = arith.constant 384 : i32
    %dma_wait3A_989 = arith.constant 0 : i32
    %dma_wait3A_990 = tpu.memref_slice %arg3[%dma_wait3A_988, %dma_wait3A_989] : memref<576x768xf32, #tpu.memory_space<hbm>> -> memref<32x768xf32, #tpu.memory_space<hbm>>
    %dma_wait3A_991 = arith.constant 0 : i32
    %dma_wait3A_992 = arith.constant 768 : i32
    %dma_wait3A_993 = tpu.memref_slice %arg5[%dma_wait3A_991, %dma_wait3A_992] : memref<32x1536xf32, #tpu.memory_space<vmem>> -> memref<32x768xf32, #tpu.memory_space<vmem>>
    %dma_wait3A_994 = arith.constant 384 : i32
    %dma_wait3A_995 = arith.constant 0 : i32
    %dma_wait3A_996 = tpu.memref_slice %arg3[%dma_wait3A_994, %dma_wait3A_995] : memref<576x768xf32, #tpu.memory_space<hbm>> -> memref<32x768xf32, #tpu.memory_space<hbm>>
    tpu.wait_dma2 semaphore(%arg7 : memref<!tpu.dma_semaphore, #tpu.memory_space<semaphore_mem>>) src(%dma_wait3A_996 : memref<32x768xf32, #tpu.memory_space<hbm>>) dst(%dma_wait3A_993 : memref<32x768xf32, #tpu.memory_space<vmem>>)
    %mul3A_997 = arith.constant 2 : i32
    %mul3A_998 = arith.muli %add3A, %mul3A_997 : i32
    %add3A_999 = arith.constant 0 : i32
    %add3A_1000 = arith.addi %mul3A_998, %add3A_999 : i32
    %dma_start3A_1001 = arith.constant 384 : i32
    %dma_start3A_1002 = arith.constant 0 : i32
    %dma_start3A_1003 = tpu.memref_slice %arg4[%add3A_1000, %dma_start3A_1001, %dma_start3A_1002] : memref<64x576x1536xf32, #tpu.memory_space<hbm>> -> memref<1x32x1536xf32, #tpu.memory_space<hbm>>
    %dma_start3A_1004 = tpu.memref_squeeze %dma_start3A_1003 : memref<1x32x1536xf32, #tpu.memory_space<hbm>> -> memref<32x1536xf32, #tpu.memory_space<hbm>>
    %dma_start3A_1005 = arith.constant 384 : i32
    %dma_start3A_1006 = arith.constant 0 : i32
    %dma_start3A_1007 = tpu.memref_slice %arg4[%add3A_1000, %dma_start3A_1005, %dma_start3A_1006] : memref<64x576x1536xf32, #tpu.memory_space<hbm>> -> memref<1x32x1536xf32, #tpu.memory_space<hbm>>
    %dma_start3A_1008 = tpu.memref_squeeze %dma_start3A_1007 : memref<1x32x1536xf32, #tpu.memory_space<hbm>> -> memref<32x1536xf32, #tpu.memory_space<hbm>>
    tpu.enqueue_dma source(%arg5 : memref<32x1536xf32, #tpu.memory_space<vmem>>) target(%dma_start3A_1008 : memref<32x1536xf32, #tpu.memory_space<hbm>>) target_semaphore(%arg9 : memref<!tpu.dma_semaphore, #tpu.memory_space<semaphore_mem>>)
    %dma_wait3A_1009 = arith.constant 384 : i32
    %dma_wait3A_1010 = arith.constant 0 : i32
    %dma_wait3A_1011 = tpu.memref_slice %arg4[%add3A_1000, %dma_wait3A_1009, %dma_wait3A_1010] : memref<64x576x1536xf32, #tpu.memory_space<hbm>> -> memref<1x32x1536xf32, #tpu.memory_space<hbm>>
    %dma_wait3A_1012 = tpu.memref_squeeze %dma_wait3A_1011 : memref<1x32x1536xf32, #tpu.memory_space<hbm>> -> memref<32x1536xf32, #tpu.memory_space<hbm>>
    %dma_wait3A_1013 = arith.constant 384 : i32
    %dma_wait3A_1014 = arith.constant 0 : i32
    %dma_wait3A_1015 = tpu.memref_slice %arg4[%add3A_1000, %dma_wait3A_1013, %dma_wait3A_1014] : memref<64x576x1536xf32, #tpu.memory_space<hbm>> -> memref<1x32x1536xf32, #tpu.memory_space<hbm>>
    %dma_wait3A_1016 = tpu.memref_squeeze %dma_wait3A_1015 : memref<1x32x1536xf32, #tpu.memory_space<hbm>> -> memref<32x1536xf32, #tpu.memory_space<hbm>>
    tpu.wait_dma2 semaphore(%arg9 : memref<!tpu.dma_semaphore, #tpu.memory_space<semaphore_mem>>) src(%arg5 : memref<32x1536xf32, #tpu.memory_space<vmem>>) dst(%dma_wait3A_1016 : memref<32x1536xf32, #tpu.memory_space<hbm>>)
    %mul3A_1017 = arith.constant 2 : i32
    %mul3A_1018 = arith.muli %add3A, %mul3A_1017 : i32
    %add3A_1019 = arith.constant 0 : i32
    %add3A_1020 = arith.addi %mul3A_1018, %add3A_1019 : i32
    %dma_start3A_1021 = arith.constant 0 : i32
    %dma_start3A_1022 = arith.constant 0 : i32
    %dma_start3A_1023 = tpu.memref_slice %arg5[%dma_start3A_1021, %dma_start3A_1022] : memref<32x1536xf32, #tpu.memory_space<vmem>> -> memref<32x768xf32, #tpu.memory_space<vmem>>
    %dma_start3A_1024 = arith.constant 448 : i32
    %dma_start3A_1025 = arith.constant 0 : i32
    %dma_start3A_1026 = tpu.memref_slice %arg2[%add3A_1020, %dma_start3A_1024, %dma_start3A_1025] : memref<64x576x768xf32, #tpu.memory_space<hbm>> -> memref<1x32x768xf32, #tpu.memory_space<hbm>>
    %dma_start3A_1027 = tpu.memref_squeeze %dma_start3A_1026 : memref<1x32x768xf32, #tpu.memory_space<hbm>> -> memref<32x768xf32, #tpu.memory_space<hbm>>
    %dma_start3A_1028 = arith.constant 0 : i32
    %dma_start3A_1029 = arith.constant 0 : i32
    %dma_start3A_1030 = tpu.memref_slice %arg5[%dma_start3A_1028, %dma_start3A_1029] : memref<32x1536xf32, #tpu.memory_space<vmem>> -> memref<32x768xf32, #tpu.memory_space<vmem>>
    %dma_start3A_1031 = arith.constant 448 : i32
    %dma_start3A_1032 = arith.constant 0 : i32
    %dma_start3A_1033 = tpu.memref_slice %arg2[%add3A_1020, %dma_start3A_1031, %dma_start3A_1032] : memref<64x576x768xf32, #tpu.memory_space<hbm>> -> memref<1x32x768xf32, #tpu.memory_space<hbm>>
    %dma_start3A_1034 = tpu.memref_squeeze %dma_start3A_1033 : memref<1x32x768xf32, #tpu.memory_space<hbm>> -> memref<32x768xf32, #tpu.memory_space<hbm>>
    tpu.enqueue_dma source(%dma_start3A_1034 : memref<32x768xf32, #tpu.memory_space<hbm>>) target(%dma_start3A_1030 : memref<32x768xf32, #tpu.memory_space<vmem>>) target_semaphore(%arg7 : memref<!tpu.dma_semaphore, #tpu.memory_space<semaphore_mem>>)
    %dma_start3A_1035 = arith.constant 0 : i32
    %dma_start3A_1036 = arith.constant 768 : i32
    %dma_start3A_1037 = tpu.memref_slice %arg5[%dma_start3A_1035, %dma_start3A_1036] : memref<32x1536xf32, #tpu.memory_space<vmem>> -> memref<32x768xf32, #tpu.memory_space<vmem>>
    %dma_start3A_1038 = arith.constant 448 : i32
    %dma_start3A_1039 = arith.constant 0 : i32
    %dma_start3A_1040 = tpu.memref_slice %arg3[%dma_start3A_1038, %dma_start3A_1039] : memref<576x768xf32, #tpu.memory_space<hbm>> -> memref<32x768xf32, #tpu.memory_space<hbm>>
    %dma_start3A_1041 = arith.constant 0 : i32
    %dma_start3A_1042 = arith.constant 768 : i32
    %dma_start3A_1043 = tpu.memref_slice %arg5[%dma_start3A_1041, %dma_start3A_1042] : memref<32x1536xf32, #tpu.memory_space<vmem>> -> memref<32x768xf32, #tpu.memory_space<vmem>>
    %dma_start3A_1044 = arith.constant 448 : i32
    %dma_start3A_1045 = arith.constant 0 : i32
    %dma_start3A_1046 = tpu.memref_slice %arg3[%dma_start3A_1044, %dma_start3A_1045] : memref<576x768xf32, #tpu.memory_space<hbm>> -> memref<32x768xf32, #tpu.memory_space<hbm>>
    tpu.enqueue_dma source(%dma_start3A_1046 : memref<32x768xf32, #tpu.memory_space<hbm>>) target(%dma_start3A_1043 : memref<32x768xf32, #tpu.memory_space<vmem>>) target_semaphore(%arg7 : memref<!tpu.dma_semaphore, #tpu.memory_space<semaphore_mem>>)
    %dma_wait3A_1047 = arith.constant 0 : i32
    %dma_wait3A_1048 = arith.constant 0 : i32
    %dma_wait3A_1049 = tpu.memref_slice %arg6[%dma_wait3A_1047, %dma_wait3A_1048] : memref<32x1536xf32, #tpu.memory_space<vmem>> -> memref<32x768xf32, #tpu.memory_space<vmem>>
    %dma_wait3A_1050 = arith.constant 416 : i32
    %dma_wait3A_1051 = arith.constant 0 : i32
    %dma_wait3A_1052 = tpu.memref_slice %arg2[%add3A_944, %dma_wait3A_1050, %dma_wait3A_1051] : memref<64x576x768xf32, #tpu.memory_space<hbm>> -> memref<1x32x768xf32, #tpu.memory_space<hbm>>
    %dma_wait3A_1053 = tpu.memref_squeeze %dma_wait3A_1052 : memref<1x32x768xf32, #tpu.memory_space<hbm>> -> memref<32x768xf32, #tpu.memory_space<hbm>>
    %dma_wait3A_1054 = arith.constant 0 : i32
    %dma_wait3A_1055 = arith.constant 0 : i32
    %dma_wait3A_1056 = tpu.memref_slice %arg6[%dma_wait3A_1054, %dma_wait3A_1055] : memref<32x1536xf32, #tpu.memory_space<vmem>> -> memref<32x768xf32, #tpu.memory_space<vmem>>
    %dma_wait3A_1057 = arith.constant 416 : i32
    %dma_wait3A_1058 = arith.constant 0 : i32
    %dma_wait3A_1059 = tpu.memref_slice %arg2[%add3A_944, %dma_wait3A_1057, %dma_wait3A_1058] : memref<64x576x768xf32, #tpu.memory_space<hbm>> -> memref<1x32x768xf32, #tpu.memory_space<hbm>>
    %dma_wait3A_1060 = tpu.memref_squeeze %dma_wait3A_1059 : memref<1x32x768xf32, #tpu.memory_space<hbm>> -> memref<32x768xf32, #tpu.memory_space<hbm>>
    tpu.wait_dma2 semaphore(%arg8 : memref<!tpu.dma_semaphore, #tpu.memory_space<semaphore_mem>>) src(%dma_wait3A_1060 : memref<32x768xf32, #tpu.memory_space<hbm>>) dst(%dma_wait3A_1056 : memref<32x768xf32, #tpu.memory_space<vmem>>)
    %dma_wait3A_1061 = arith.constant 0 : i32
    %dma_wait3A_1062 = arith.constant 768 : i32
    %dma_wait3A_1063 = tpu.memref_slice %arg6[%dma_wait3A_1061, %dma_wait3A_1062] : memref<32x1536xf32, #tpu.memory_space<vmem>> -> memref<32x768xf32, #tpu.memory_space<vmem>>
    %dma_wait3A_1064 = arith.constant 416 : i32
    %dma_wait3A_1065 = arith.constant 0 : i32
    %dma_wait3A_1066 = tpu.memref_slice %arg3[%dma_wait3A_1064, %dma_wait3A_1065] : memref<576x768xf32, #tpu.memory_space<hbm>> -> memref<32x768xf32, #tpu.memory_space<hbm>>
    %dma_wait3A_1067 = arith.constant 0 : i32
    %dma_wait3A_1068 = arith.constant 768 : i32
    %dma_wait3A_1069 = tpu.memref_slice %arg6[%dma_wait3A_1067, %dma_wait3A_1068] : memref<32x1536xf32, #tpu.memory_space<vmem>> -> memref<32x768xf32, #tpu.memory_space<vmem>>
    %dma_wait3A_1070 = arith.constant 416 : i32
    %dma_wait3A_1071 = arith.constant 0 : i32
    %dma_wait3A_1072 = tpu.memref_slice %arg3[%dma_wait3A_1070, %dma_wait3A_1071] : memref<576x768xf32, #tpu.memory_space<hbm>> -> memref<32x768xf32, #tpu.memory_space<hbm>>
    tpu.wait_dma2 semaphore(%arg8 : memref<!tpu.dma_semaphore, #tpu.memory_space<semaphore_mem>>) src(%dma_wait3A_1072 : memref<32x768xf32, #tpu.memory_space<hbm>>) dst(%dma_wait3A_1069 : memref<32x768xf32, #tpu.memory_space<vmem>>)
    %mul3A_1073 = arith.constant 2 : i32
    %mul3A_1074 = arith.muli %add3A, %mul3A_1073 : i32
    %add3A_1075 = arith.constant 0 : i32
    %add3A_1076 = arith.addi %mul3A_1074, %add3A_1075 : i32
    %dma_start3A_1077 = arith.constant 416 : i32
    %dma_start3A_1078 = arith.constant 0 : i32
    %dma_start3A_1079 = tpu.memref_slice %arg4[%add3A_1076, %dma_start3A_1077, %dma_start3A_1078] : memref<64x576x1536xf32, #tpu.memory_space<hbm>> -> memref<1x32x1536xf32, #tpu.memory_space<hbm>>
    %dma_start3A_1080 = tpu.memref_squeeze %dma_start3A_1079 : memref<1x32x1536xf32, #tpu.memory_space<hbm>> -> memref<32x1536xf32, #tpu.memory_space<hbm>>
    %dma_start3A_1081 = arith.constant 416 : i32
    %dma_start3A_1082 = arith.constant 0 : i32
    %dma_start3A_1083 = tpu.memref_slice %arg4[%add3A_1076, %dma_start3A_1081, %dma_start3A_1082] : memref<64x576x1536xf32, #tpu.memory_space<hbm>> -> memref<1x32x1536xf32, #tpu.memory_space<hbm>>
    %dma_start3A_1084 = tpu.memref_squeeze %dma_start3A_1083 : memref<1x32x1536xf32, #tpu.memory_space<hbm>> -> memref<32x1536xf32, #tpu.memory_space<hbm>>
    tpu.enqueue_dma source(%arg6 : memref<32x1536xf32, #tpu.memory_space<vmem>>) target(%dma_start3A_1084 : memref<32x1536xf32, #tpu.memory_space<hbm>>) target_semaphore(%arg10 : memref<!tpu.dma_semaphore, #tpu.memory_space<semaphore_mem>>)
    %dma_wait3A_1085 = arith.constant 416 : i32
    %dma_wait3A_1086 = arith.constant 0 : i32
    %dma_wait3A_1087 = tpu.memref_slice %arg4[%add3A_1076, %dma_wait3A_1085, %dma_wait3A_1086] : memref<64x576x1536xf32, #tpu.memory_space<hbm>> -> memref<1x32x1536xf32, #tpu.memory_space<hbm>>
    %dma_wait3A_1088 = tpu.memref_squeeze %dma_wait3A_1087 : memref<1x32x1536xf32, #tpu.memory_space<hbm>> -> memref<32x1536xf32, #tpu.memory_space<hbm>>
    %dma_wait3A_1089 = arith.constant 416 : i32
    %dma_wait3A_1090 = arith.constant 0 : i32
    %dma_wait3A_1091 = tpu.memref_slice %arg4[%add3A_1076, %dma_wait3A_1089, %dma_wait3A_1090] : memref<64x576x1536xf32, #tpu.memory_space<hbm>> -> memref<1x32x1536xf32, #tpu.memory_space<hbm>>
    %dma_wait3A_1092 = tpu.memref_squeeze %dma_wait3A_1091 : memref<1x32x1536xf32, #tpu.memory_space<hbm>> -> memref<32x1536xf32, #tpu.memory_space<hbm>>
    tpu.wait_dma2 semaphore(%arg10 : memref<!tpu.dma_semaphore, #tpu.memory_space<semaphore_mem>>) src(%arg6 : memref<32x1536xf32, #tpu.memory_space<vmem>>) dst(%dma_wait3A_1092 : memref<32x1536xf32, #tpu.memory_space<hbm>>)
    %mul3A_1093 = arith.constant 2 : i32
    %mul3A_1094 = arith.muli %add3A, %mul3A_1093 : i32
    %add3A_1095 = arith.constant 0 : i32
    %add3A_1096 = arith.addi %mul3A_1094, %add3A_1095 : i32
    %dma_start3A_1097 = arith.constant 0 : i32
    %dma_start3A_1098 = arith.constant 0 : i32
    %dma_start3A_1099 = tpu.memref_slice %arg6[%dma_start3A_1097, %dma_start3A_1098] : memref<32x1536xf32, #tpu.memory_space<vmem>> -> memref<32x768xf32, #tpu.memory_space<vmem>>
    %dma_start3A_1100 = arith.constant 480 : i32
    %dma_start3A_1101 = arith.constant 0 : i32
    %dma_start3A_1102 = tpu.memref_slice %arg2[%add3A_1096, %dma_start3A_1100, %dma_start3A_1101] : memref<64x576x768xf32, #tpu.memory_space<hbm>> -> memref<1x32x768xf32, #tpu.memory_space<hbm>>
    %dma_start3A_1103 = tpu.memref_squeeze %dma_start3A_1102 : memref<1x32x768xf32, #tpu.memory_space<hbm>> -> memref<32x768xf32, #tpu.memory_space<hbm>>
    %dma_start3A_1104 = arith.constant 0 : i32
    %dma_start3A_1105 = arith.constant 0 : i32
    %dma_start3A_1106 = tpu.memref_slice %arg6[%dma_start3A_1104, %dma_start3A_1105] : memref<32x1536xf32, #tpu.memory_space<vmem>> -> memref<32x768xf32, #tpu.memory_space<vmem>>
    %dma_start3A_1107 = arith.constant 480 : i32
    %dma_start3A_1108 = arith.constant 0 : i32
    %dma_start3A_1109 = tpu.memref_slice %arg2[%add3A_1096, %dma_start3A_1107, %dma_start3A_1108] : memref<64x576x768xf32, #tpu.memory_space<hbm>> -> memref<1x32x768xf32, #tpu.memory_space<hbm>>
    %dma_start3A_1110 = tpu.memref_squeeze %dma_start3A_1109 : memref<1x32x768xf32, #tpu.memory_space<hbm>> -> memref<32x768xf32, #tpu.memory_space<hbm>>
    tpu.enqueue_dma source(%dma_start3A_1110 : memref<32x768xf32, #tpu.memory_space<hbm>>) target(%dma_start3A_1106 : memref<32x768xf32, #tpu.memory_space<vmem>>) target_semaphore(%arg8 : memref<!tpu.dma_semaphore, #tpu.memory_space<semaphore_mem>>)
    %dma_start3A_1111 = arith.constant 0 : i32
    %dma_start3A_1112 = arith.constant 768 : i32
    %dma_start3A_1113 = tpu.memref_slice %arg6[%dma_start3A_1111, %dma_start3A_1112] : memref<32x1536xf32, #tpu.memory_space<vmem>> -> memref<32x768xf32, #tpu.memory_space<vmem>>
    %dma_start3A_1114 = arith.constant 480 : i32
    %dma_start3A_1115 = arith.constant 0 : i32
    %dma_start3A_1116 = tpu.memref_slice %arg3[%dma_start3A_1114, %dma_start3A_1115] : memref<576x768xf32, #tpu.memory_space<hbm>> -> memref<32x768xf32, #tpu.memory_space<hbm>>
    %dma_start3A_1117 = arith.constant 0 : i32
    %dma_start3A_1118 = arith.constant 768 : i32
    %dma_start3A_1119 = tpu.memref_slice %arg6[%dma_start3A_1117, %dma_start3A_1118] : memref<32x1536xf32, #tpu.memory_space<vmem>> -> memref<32x768xf32, #tpu.memory_space<vmem>>
    %dma_start3A_1120 = arith.constant 480 : i32
    %dma_start3A_1121 = arith.constant 0 : i32
    %dma_start3A_1122 = tpu.memref_slice %arg3[%dma_start3A_1120, %dma_start3A_1121] : memref<576x768xf32, #tpu.memory_space<hbm>> -> memref<32x768xf32, #tpu.memory_space<hbm>>
    tpu.enqueue_dma source(%dma_start3A_1122 : memref<32x768xf32, #tpu.memory_space<hbm>>) target(%dma_start3A_1119 : memref<32x768xf32, #tpu.memory_space<vmem>>) target_semaphore(%arg8 : memref<!tpu.dma_semaphore, #tpu.memory_space<semaphore_mem>>)
    %dma_wait3A_1123 = arith.constant 0 : i32
    %dma_wait3A_1124 = arith.constant 0 : i32
    %dma_wait3A_1125 = tpu.memref_slice %arg5[%dma_wait3A_1123, %dma_wait3A_1124] : memref<32x1536xf32, #tpu.memory_space<vmem>> -> memref<32x768xf32, #tpu.memory_space<vmem>>
    %dma_wait3A_1126 = arith.constant 448 : i32
    %dma_wait3A_1127 = arith.constant 0 : i32
    %dma_wait3A_1128 = tpu.memref_slice %arg2[%add3A_1020, %dma_wait3A_1126, %dma_wait3A_1127] : memref<64x576x768xf32, #tpu.memory_space<hbm>> -> memref<1x32x768xf32, #tpu.memory_space<hbm>>
    %dma_wait3A_1129 = tpu.memref_squeeze %dma_wait3A_1128 : memref<1x32x768xf32, #tpu.memory_space<hbm>> -> memref<32x768xf32, #tpu.memory_space<hbm>>
    %dma_wait3A_1130 = arith.constant 0 : i32
    %dma_wait3A_1131 = arith.constant 0 : i32
    %dma_wait3A_1132 = tpu.memref_slice %arg5[%dma_wait3A_1130, %dma_wait3A_1131] : memref<32x1536xf32, #tpu.memory_space<vmem>> -> memref<32x768xf32, #tpu.memory_space<vmem>>
    %dma_wait3A_1133 = arith.constant 448 : i32
    %dma_wait3A_1134 = arith.constant 0 : i32
    %dma_wait3A_1135 = tpu.memref_slice %arg2[%add3A_1020, %dma_wait3A_1133, %dma_wait3A_1134] : memref<64x576x768xf32, #tpu.memory_space<hbm>> -> memref<1x32x768xf32, #tpu.memory_space<hbm>>
    %dma_wait3A_1136 = tpu.memref_squeeze %dma_wait3A_1135 : memref<1x32x768xf32, #tpu.memory_space<hbm>> -> memref<32x768xf32, #tpu.memory_space<hbm>>
    tpu.wait_dma2 semaphore(%arg7 : memref<!tpu.dma_semaphore, #tpu.memory_space<semaphore_mem>>) src(%dma_wait3A_1136 : memref<32x768xf32, #tpu.memory_space<hbm>>) dst(%dma_wait3A_1132 : memref<32x768xf32, #tpu.memory_space<vmem>>)
    %dma_wait3A_1137 = arith.constant 0 : i32
    %dma_wait3A_1138 = arith.constant 768 : i32
    %dma_wait3A_1139 = tpu.memref_slice %arg5[%dma_wait3A_1137, %dma_wait3A_1138] : memref<32x1536xf32, #tpu.memory_space<vmem>> -> memref<32x768xf32, #tpu.memory_space<vmem>>
    %dma_wait3A_1140 = arith.constant 448 : i32
    %dma_wait3A_1141 = arith.constant 0 : i32
    %dma_wait3A_1142 = tpu.memref_slice %arg3[%dma_wait3A_1140, %dma_wait3A_1141] : memref<576x768xf32, #tpu.memory_space<hbm>> -> memref<32x768xf32, #tpu.memory_space<hbm>>
    %dma_wait3A_1143 = arith.constant 0 : i32
    %dma_wait3A_1144 = arith.constant 768 : i32
    %dma_wait3A_1145 = tpu.memref_slice %arg5[%dma_wait3A_1143, %dma_wait3A_1144] : memref<32x1536xf32, #tpu.memory_space<vmem>> -> memref<32x768xf32, #tpu.memory_space<vmem>>
    %dma_wait3A_1146 = arith.constant 448 : i32
    %dma_wait3A_1147 = arith.constant 0 : i32
    %dma_wait3A_1148 = tpu.memref_slice %arg3[%dma_wait3A_1146, %dma_wait3A_1147] : memref<576x768xf32, #tpu.memory_space<hbm>> -> memref<32x768xf32, #tpu.memory_space<hbm>>
    tpu.wait_dma2 semaphore(%arg7 : memref<!tpu.dma_semaphore, #tpu.memory_space<semaphore_mem>>) src(%dma_wait3A_1148 : memref<32x768xf32, #tpu.memory_space<hbm>>) dst(%dma_wait3A_1145 : memref<32x768xf32, #tpu.memory_space<vmem>>)
    %mul3A_1149 = arith.constant 2 : i32
    %mul3A_1150 = arith.muli %add3A, %mul3A_1149 : i32
    %add3A_1151 = arith.constant 0 : i32
    %add3A_1152 = arith.addi %mul3A_1150, %add3A_1151 : i32
    %dma_start3A_1153 = arith.constant 448 : i32
    %dma_start3A_1154 = arith.constant 0 : i32
    %dma_start3A_1155 = tpu.memref_slice %arg4[%add3A_1152, %dma_start3A_1153, %dma_start3A_1154] : memref<64x576x1536xf32, #tpu.memory_space<hbm>> -> memref<1x32x1536xf32, #tpu.memory_space<hbm>>
    %dma_start3A_1156 = tpu.memref_squeeze %dma_start3A_1155 : memref<1x32x1536xf32, #tpu.memory_space<hbm>> -> memref<32x1536xf32, #tpu.memory_space<hbm>>
    %dma_start3A_1157 = arith.constant 448 : i32
    %dma_start3A_1158 = arith.constant 0 : i32
    %dma_start3A_1159 = tpu.memref_slice %arg4[%add3A_1152, %dma_start3A_1157, %dma_start3A_1158] : memref<64x576x1536xf32, #tpu.memory_space<hbm>> -> memref<1x32x1536xf32, #tpu.memory_space<hbm>>
    %dma_start3A_1160 = tpu.memref_squeeze %dma_start3A_1159 : memref<1x32x1536xf32, #tpu.memory_space<hbm>> -> memref<32x1536xf32, #tpu.memory_space<hbm>>
    tpu.enqueue_dma source(%arg5 : memref<32x1536xf32, #tpu.memory_space<vmem>>) target(%dma_start3A_1160 : memref<32x1536xf32, #tpu.memory_space<hbm>>) target_semaphore(%arg9 : memref<!tpu.dma_semaphore, #tpu.memory_space<semaphore_mem>>)
    %dma_wait3A_1161 = arith.constant 448 : i32
    %dma_wait3A_1162 = arith.constant 0 : i32
    %dma_wait3A_1163 = tpu.memref_slice %arg4[%add3A_1152, %dma_wait3A_1161, %dma_wait3A_1162] : memref<64x576x1536xf32, #tpu.memory_space<hbm>> -> memref<1x32x1536xf32, #tpu.memory_space<hbm>>
    %dma_wait3A_1164 = tpu.memref_squeeze %dma_wait3A_1163 : memref<1x32x1536xf32, #tpu.memory_space<hbm>> -> memref<32x1536xf32, #tpu.memory_space<hbm>>
    %dma_wait3A_1165 = arith.constant 448 : i32
    %dma_wait3A_1166 = arith.constant 0 : i32
    %dma_wait3A_1167 = tpu.memref_slice %arg4[%add3A_1152, %dma_wait3A_1165, %dma_wait3A_1166] : memref<64x576x1536xf32, #tpu.memory_space<hbm>> -> memref<1x32x1536xf32, #tpu.memory_space<hbm>>
    %dma_wait3A_1168 = tpu.memref_squeeze %dma_wait3A_1167 : memref<1x32x1536xf32, #tpu.memory_space<hbm>> -> memref<32x1536xf32, #tpu.memory_space<hbm>>
    tpu.wait_dma2 semaphore(%arg9 : memref<!tpu.dma_semaphore, #tpu.memory_space<semaphore_mem>>) src(%arg5 : memref<32x1536xf32, #tpu.memory_space<vmem>>) dst(%dma_wait3A_1168 : memref<32x1536xf32, #tpu.memory_space<hbm>>)
    %mul3A_1169 = arith.constant 2 : i32
    %mul3A_1170 = arith.muli %add3A, %mul3A_1169 : i32
    %add3A_1171 = arith.constant 0 : i32
    %add3A_1172 = arith.addi %mul3A_1170, %add3A_1171 : i32
    %dma_start3A_1173 = arith.constant 0 : i32
    %dma_start3A_1174 = arith.constant 0 : i32
    %dma_start3A_1175 = tpu.memref_slice %arg5[%dma_start3A_1173, %dma_start3A_1174] : memref<32x1536xf32, #tpu.memory_space<vmem>> -> memref<32x768xf32, #tpu.memory_space<vmem>>
    %dma_start3A_1176 = arith.constant 512 : i32
    %dma_start3A_1177 = arith.constant 0 : i32
    %dma_start3A_1178 = tpu.memref_slice %arg2[%add3A_1172, %dma_start3A_1176, %dma_start3A_1177] : memref<64x576x768xf32, #tpu.memory_space<hbm>> -> memref<1x32x768xf32, #tpu.memory_space<hbm>>
    %dma_start3A_1179 = tpu.memref_squeeze %dma_start3A_1178 : memref<1x32x768xf32, #tpu.memory_space<hbm>> -> memref<32x768xf32, #tpu.memory_space<hbm>>
    %dma_start3A_1180 = arith.constant 0 : i32
    %dma_start3A_1181 = arith.constant 0 : i32
    %dma_start3A_1182 = tpu.memref_slice %arg5[%dma_start3A_1180, %dma_start3A_1181] : memref<32x1536xf32, #tpu.memory_space<vmem>> -> memref<32x768xf32, #tpu.memory_space<vmem>>
    %dma_start3A_1183 = arith.constant 512 : i32
    %dma_start3A_1184 = arith.constant 0 : i32
    %dma_start3A_1185 = tpu.memref_slice %arg2[%add3A_1172, %dma_start3A_1183, %dma_start3A_1184] : memref<64x576x768xf32, #tpu.memory_space<hbm>> -> memref<1x32x768xf32, #tpu.memory_space<hbm>>
    %dma_start3A_1186 = tpu.memref_squeeze %dma_start3A_1185 : memref<1x32x768xf32, #tpu.memory_space<hbm>> -> memref<32x768xf32, #tpu.memory_space<hbm>>
    tpu.enqueue_dma source(%dma_start3A_1186 : memref<32x768xf32, #tpu.memory_space<hbm>>) target(%dma_start3A_1182 : memref<32x768xf32, #tpu.memory_space<vmem>>) target_semaphore(%arg7 : memref<!tpu.dma_semaphore, #tpu.memory_space<semaphore_mem>>)
    %dma_start3A_1187 = arith.constant 0 : i32
    %dma_start3A_1188 = arith.constant 768 : i32
    %dma_start3A_1189 = tpu.memref_slice %arg5[%dma_start3A_1187, %dma_start3A_1188] : memref<32x1536xf32, #tpu.memory_space<vmem>> -> memref<32x768xf32, #tpu.memory_space<vmem>>
    %dma_start3A_1190 = arith.constant 512 : i32
    %dma_start3A_1191 = arith.constant 0 : i32
    %dma_start3A_1192 = tpu.memref_slice %arg3[%dma_start3A_1190, %dma_start3A_1191] : memref<576x768xf32, #tpu.memory_space<hbm>> -> memref<32x768xf32, #tpu.memory_space<hbm>>
    %dma_start3A_1193 = arith.constant 0 : i32
    %dma_start3A_1194 = arith.constant 768 : i32
    %dma_start3A_1195 = tpu.memref_slice %arg5[%dma_start3A_1193, %dma_start3A_1194] : memref<32x1536xf32, #tpu.memory_space<vmem>> -> memref<32x768xf32, #tpu.memory_space<vmem>>
    %dma_start3A_1196 = arith.constant 512 : i32
    %dma_start3A_1197 = arith.constant 0 : i32
    %dma_start3A_1198 = tpu.memref_slice %arg3[%dma_start3A_1196, %dma_start3A_1197] : memref<576x768xf32, #tpu.memory_space<hbm>> -> memref<32x768xf32, #tpu.memory_space<hbm>>
    tpu.enqueue_dma source(%dma_start3A_1198 : memref<32x768xf32, #tpu.memory_space<hbm>>) target(%dma_start3A_1195 : memref<32x768xf32, #tpu.memory_space<vmem>>) target_semaphore(%arg7 : memref<!tpu.dma_semaphore, #tpu.memory_space<semaphore_mem>>)
    %dma_wait3A_1199 = arith.constant 0 : i32
    %dma_wait3A_1200 = arith.constant 0 : i32
    %dma_wait3A_1201 = tpu.memref_slice %arg6[%dma_wait3A_1199, %dma_wait3A_1200] : memref<32x1536xf32, #tpu.memory_space<vmem>> -> memref<32x768xf32, #tpu.memory_space<vmem>>
    %dma_wait3A_1202 = arith.constant 480 : i32
    %dma_wait3A_1203 = arith.constant 0 : i32
    %dma_wait3A_1204 = tpu.memref_slice %arg2[%add3A_1096, %dma_wait3A_1202, %dma_wait3A_1203] : memref<64x576x768xf32, #tpu.memory_space<hbm>> -> memref<1x32x768xf32, #tpu.memory_space<hbm>>
    %dma_wait3A_1205 = tpu.memref_squeeze %dma_wait3A_1204 : memref<1x32x768xf32, #tpu.memory_space<hbm>> -> memref<32x768xf32, #tpu.memory_space<hbm>>
    %dma_wait3A_1206 = arith.constant 0 : i32
    %dma_wait3A_1207 = arith.constant 0 : i32
    %dma_wait3A_1208 = tpu.memref_slice %arg6[%dma_wait3A_1206, %dma_wait3A_1207] : memref<32x1536xf32, #tpu.memory_space<vmem>> -> memref<32x768xf32, #tpu.memory_space<vmem>>
    %dma_wait3A_1209 = arith.constant 480 : i32
    %dma_wait3A_1210 = arith.constant 0 : i32
    %dma_wait3A_1211 = tpu.memref_slice %arg2[%add3A_1096, %dma_wait3A_1209, %dma_wait3A_1210] : memref<64x576x768xf32, #tpu.memory_space<hbm>> -> memref<1x32x768xf32, #tpu.memory_space<hbm>>
    %dma_wait3A_1212 = tpu.memref_squeeze %dma_wait3A_1211 : memref<1x32x768xf32, #tpu.memory_space<hbm>> -> memref<32x768xf32, #tpu.memory_space<hbm>>
    tpu.wait_dma2 semaphore(%arg8 : memref<!tpu.dma_semaphore, #tpu.memory_space<semaphore_mem>>) src(%dma_wait3A_1212 : memref<32x768xf32, #tpu.memory_space<hbm>>) dst(%dma_wait3A_1208 : memref<32x768xf32, #tpu.memory_space<vmem>>)
    %dma_wait3A_1213 = arith.constant 0 : i32
    %dma_wait3A_1214 = arith.constant 768 : i32
    %dma_wait3A_1215 = tpu.memref_slice %arg6[%dma_wait3A_1213, %dma_wait3A_1214] : memref<32x1536xf32, #tpu.memory_space<vmem>> -> memref<32x768xf32, #tpu.memory_space<vmem>>
    %dma_wait3A_1216 = arith.constant 480 : i32
    %dma_wait3A_1217 = arith.constant 0 : i32
    %dma_wait3A_1218 = tpu.memref_slice %arg3[%dma_wait3A_1216, %dma_wait3A_1217] : memref<576x768xf32, #tpu.memory_space<hbm>> -> memref<32x768xf32, #tpu.memory_space<hbm>>
    %dma_wait3A_1219 = arith.constant 0 : i32
    %dma_wait3A_1220 = arith.constant 768 : i32
    %dma_wait3A_1221 = tpu.memref_slice %arg6[%dma_wait3A_1219, %dma_wait3A_1220] : memref<32x1536xf32, #tpu.memory_space<vmem>> -> memref<32x768xf32, #tpu.memory_space<vmem>>
    %dma_wait3A_1222 = arith.constant 480 : i32
    %dma_wait3A_1223 = arith.constant 0 : i32
    %dma_wait3A_1224 = tpu.memref_slice %arg3[%dma_wait3A_1222, %dma_wait3A_1223] : memref<576x768xf32, #tpu.memory_space<hbm>> -> memref<32x768xf32, #tpu.memory_space<hbm>>
    tpu.wait_dma2 semaphore(%arg8 : memref<!tpu.dma_semaphore, #tpu.memory_space<semaphore_mem>>) src(%dma_wait3A_1224 : memref<32x768xf32, #tpu.memory_space<hbm>>) dst(%dma_wait3A_1221 : memref<32x768xf32, #tpu.memory_space<vmem>>)
    %mul3A_1225 = arith.constant 2 : i32
    %mul3A_1226 = arith.muli %add3A, %mul3A_1225 : i32
    %add3A_1227 = arith.constant 0 : i32
    %add3A_1228 = arith.addi %mul3A_1226, %add3A_1227 : i32
    %dma_start3A_1229 = arith.constant 480 : i32
    %dma_start3A_1230 = arith.constant 0 : i32
    %dma_start3A_1231 = tpu.memref_slice %arg4[%add3A_1228, %dma_start3A_1229, %dma_start3A_1230] : memref<64x576x1536xf32, #tpu.memory_space<hbm>> -> memref<1x32x1536xf32, #tpu.memory_space<hbm>>
    %dma_start3A_1232 = tpu.memref_squeeze %dma_start3A_1231 : memref<1x32x1536xf32, #tpu.memory_space<hbm>> -> memref<32x1536xf32, #tpu.memory_space<hbm>>
    %dma_start3A_1233 = arith.constant 480 : i32
    %dma_start3A_1234 = arith.constant 0 : i32
    %dma_start3A_1235 = tpu.memref_slice %arg4[%add3A_1228, %dma_start3A_1233, %dma_start3A_1234] : memref<64x576x1536xf32, #tpu.memory_space<hbm>> -> memref<1x32x1536xf32, #tpu.memory_space<hbm>>
    %dma_start3A_1236 = tpu.memref_squeeze %dma_start3A_1235 : memref<1x32x1536xf32, #tpu.memory_space<hbm>> -> memref<32x1536xf32, #tpu.memory_space<hbm>>
    tpu.enqueue_dma source(%arg6 : memref<32x1536xf32, #tpu.memory_space<vmem>>) target(%dma_start3A_1236 : memref<32x1536xf32, #tpu.memory_space<hbm>>) target_semaphore(%arg10 : memref<!tpu.dma_semaphore, #tpu.memory_space<semaphore_mem>>)
    %dma_wait3A_1237 = arith.constant 480 : i32
    %dma_wait3A_1238 = arith.constant 0 : i32
    %dma_wait3A_1239 = tpu.memref_slice %arg4[%add3A_1228, %dma_wait3A_1237, %dma_wait3A_1238] : memref<64x576x1536xf32, #tpu.memory_space<hbm>> -> memref<1x32x1536xf32, #tpu.memory_space<hbm>>
    %dma_wait3A_1240 = tpu.memref_squeeze %dma_wait3A_1239 : memref<1x32x1536xf32, #tpu.memory_space<hbm>> -> memref<32x1536xf32, #tpu.memory_space<hbm>>
    %dma_wait3A_1241 = arith.constant 480 : i32
    %dma_wait3A_1242 = arith.constant 0 : i32
    %dma_wait3A_1243 = tpu.memref_slice %arg4[%add3A_1228, %dma_wait3A_1241, %dma_wait3A_1242] : memref<64x576x1536xf32, #tpu.memory_space<hbm>> -> memref<1x32x1536xf32, #tpu.memory_space<hbm>>
    %dma_wait3A_1244 = tpu.memref_squeeze %dma_wait3A_1243 : memref<1x32x1536xf32, #tpu.memory_space<hbm>> -> memref<32x1536xf32, #tpu.memory_space<hbm>>
    tpu.wait_dma2 semaphore(%arg10 : memref<!tpu.dma_semaphore, #tpu.memory_space<semaphore_mem>>) src(%arg6 : memref<32x1536xf32, #tpu.memory_space<vmem>>) dst(%dma_wait3A_1244 : memref<32x1536xf32, #tpu.memory_space<hbm>>)
    %mul3A_1245 = arith.constant 2 : i32
    %mul3A_1246 = arith.muli %add3A, %mul3A_1245 : i32
    %add3A_1247 = arith.constant 0 : i32
    %add3A_1248 = arith.addi %mul3A_1246, %add3A_1247 : i32
    %dma_start3A_1249 = arith.constant 0 : i32
    %dma_start3A_1250 = arith.constant 0 : i32
    %dma_start3A_1251 = tpu.memref_slice %arg6[%dma_start3A_1249, %dma_start3A_1250] : memref<32x1536xf32, #tpu.memory_space<vmem>> -> memref<32x768xf32, #tpu.memory_space<vmem>>
    %dma_start3A_1252 = arith.constant 544 : i32
    %dma_start3A_1253 = arith.constant 0 : i32
    %dma_start3A_1254 = tpu.memref_slice %arg2[%add3A_1248, %dma_start3A_1252, %dma_start3A_1253] : memref<64x576x768xf32, #tpu.memory_space<hbm>> -> memref<1x32x768xf32, #tpu.memory_space<hbm>>
    %dma_start3A_1255 = tpu.memref_squeeze %dma_start3A_1254 : memref<1x32x768xf32, #tpu.memory_space<hbm>> -> memref<32x768xf32, #tpu.memory_space<hbm>>
    %dma_start3A_1256 = arith.constant 0 : i32
    %dma_start3A_1257 = arith.constant 0 : i32
    %dma_start3A_1258 = tpu.memref_slice %arg6[%dma_start3A_1256, %dma_start3A_1257] : memref<32x1536xf32, #tpu.memory_space<vmem>> -> memref<32x768xf32, #tpu.memory_space<vmem>>
    %dma_start3A_1259 = arith.constant 544 : i32
    %dma_start3A_1260 = arith.constant 0 : i32
    %dma_start3A_1261 = tpu.memref_slice %arg2[%add3A_1248, %dma_start3A_1259, %dma_start3A_1260] : memref<64x576x768xf32, #tpu.memory_space<hbm>> -> memref<1x32x768xf32, #tpu.memory_space<hbm>>
    %dma_start3A_1262 = tpu.memref_squeeze %dma_start3A_1261 : memref<1x32x768xf32, #tpu.memory_space<hbm>> -> memref<32x768xf32, #tpu.memory_space<hbm>>
    tpu.enqueue_dma source(%dma_start3A_1262 : memref<32x768xf32, #tpu.memory_space<hbm>>) target(%dma_start3A_1258 : memref<32x768xf32, #tpu.memory_space<vmem>>) target_semaphore(%arg8 : memref<!tpu.dma_semaphore, #tpu.memory_space<semaphore_mem>>)
    %dma_start3A_1263 = arith.constant 0 : i32
    %dma_start3A_1264 = arith.constant 768 : i32
    %dma_start3A_1265 = tpu.memref_slice %arg6[%dma_start3A_1263, %dma_start3A_1264] : memref<32x1536xf32, #tpu.memory_space<vmem>> -> memref<32x768xf32, #tpu.memory_space<vmem>>
    %dma_start3A_1266 = arith.constant 544 : i32
    %dma_start3A_1267 = arith.constant 0 : i32
    %dma_start3A_1268 = tpu.memref_slice %arg3[%dma_start3A_1266, %dma_start3A_1267] : memref<576x768xf32, #tpu.memory_space<hbm>> -> memref<32x768xf32, #tpu.memory_space<hbm>>
    %dma_start3A_1269 = arith.constant 0 : i32
    %dma_start3A_1270 = arith.constant 768 : i32
    %dma_start3A_1271 = tpu.memref_slice %arg6[%dma_start3A_1269, %dma_start3A_1270] : memref<32x1536xf32, #tpu.memory_space<vmem>> -> memref<32x768xf32, #tpu.memory_space<vmem>>
    %dma_start3A_1272 = arith.constant 544 : i32
    %dma_start3A_1273 = arith.constant 0 : i32
    %dma_start3A_1274 = tpu.memref_slice %arg3[%dma_start3A_1272, %dma_start3A_1273] : memref<576x768xf32, #tpu.memory_space<hbm>> -> memref<32x768xf32, #tpu.memory_space<hbm>>
    tpu.enqueue_dma source(%dma_start3A_1274 : memref<32x768xf32, #tpu.memory_space<hbm>>) target(%dma_start3A_1271 : memref<32x768xf32, #tpu.memory_space<vmem>>) target_semaphore(%arg8 : memref<!tpu.dma_semaphore, #tpu.memory_space<semaphore_mem>>)
    %dma_wait3A_1275 = arith.constant 0 : i32
    %dma_wait3A_1276 = arith.constant 0 : i32
    %dma_wait3A_1277 = tpu.memref_slice %arg5[%dma_wait3A_1275, %dma_wait3A_1276] : memref<32x1536xf32, #tpu.memory_space<vmem>> -> memref<32x768xf32, #tpu.memory_space<vmem>>
    %dma_wait3A_1278 = arith.constant 512 : i32
    %dma_wait3A_1279 = arith.constant 0 : i32
    %dma_wait3A_1280 = tpu.memref_slice %arg2[%add3A_1172, %dma_wait3A_1278, %dma_wait3A_1279] : memref<64x576x768xf32, #tpu.memory_space<hbm>> -> memref<1x32x768xf32, #tpu.memory_space<hbm>>
    %dma_wait3A_1281 = tpu.memref_squeeze %dma_wait3A_1280 : memref<1x32x768xf32, #tpu.memory_space<hbm>> -> memref<32x768xf32, #tpu.memory_space<hbm>>
    %dma_wait3A_1282 = arith.constant 0 : i32
    %dma_wait3A_1283 = arith.constant 0 : i32
    %dma_wait3A_1284 = tpu.memref_slice %arg5[%dma_wait3A_1282, %dma_wait3A_1283] : memref<32x1536xf32, #tpu.memory_space<vmem>> -> memref<32x768xf32, #tpu.memory_space<vmem>>
    %dma_wait3A_1285 = arith.constant 512 : i32
    %dma_wait3A_1286 = arith.constant 0 : i32
    %dma_wait3A_1287 = tpu.memref_slice %arg2[%add3A_1172, %dma_wait3A_1285, %dma_wait3A_1286] : memref<64x576x768xf32, #tpu.memory_space<hbm>> -> memref<1x32x768xf32, #tpu.memory_space<hbm>>
    %dma_wait3A_1288 = tpu.memref_squeeze %dma_wait3A_1287 : memref<1x32x768xf32, #tpu.memory_space<hbm>> -> memref<32x768xf32, #tpu.memory_space<hbm>>
    tpu.wait_dma2 semaphore(%arg7 : memref<!tpu.dma_semaphore, #tpu.memory_space<semaphore_mem>>) src(%dma_wait3A_1288 : memref<32x768xf32, #tpu.memory_space<hbm>>) dst(%dma_wait3A_1284 : memref<32x768xf32, #tpu.memory_space<vmem>>)
    %dma_wait3A_1289 = arith.constant 0 : i32
    %dma_wait3A_1290 = arith.constant 768 : i32
    %dma_wait3A_1291 = tpu.memref_slice %arg5[%dma_wait3A_1289, %dma_wait3A_1290] : memref<32x1536xf32, #tpu.memory_space<vmem>> -> memref<32x768xf32, #tpu.memory_space<vmem>>
    %dma_wait3A_1292 = arith.constant 512 : i32
    %dma_wait3A_1293 = arith.constant 0 : i32
    %dma_wait3A_1294 = tpu.memref_slice %arg3[%dma_wait3A_1292, %dma_wait3A_1293] : memref<576x768xf32, #tpu.memory_space<hbm>> -> memref<32x768xf32, #tpu.memory_space<hbm>>
    %dma_wait3A_1295 = arith.constant 0 : i32
    %dma_wait3A_1296 = arith.constant 768 : i32
    %dma_wait3A_1297 = tpu.memref_slice %arg5[%dma_wait3A_1295, %dma_wait3A_1296] : memref<32x1536xf32, #tpu.memory_space<vmem>> -> memref<32x768xf32, #tpu.memory_space<vmem>>
    %dma_wait3A_1298 = arith.constant 512 : i32
    %dma_wait3A_1299 = arith.constant 0 : i32
    %dma_wait3A_1300 = tpu.memref_slice %arg3[%dma_wait3A_1298, %dma_wait3A_1299] : memref<576x768xf32, #tpu.memory_space<hbm>> -> memref<32x768xf32, #tpu.memory_space<hbm>>
    tpu.wait_dma2 semaphore(%arg7 : memref<!tpu.dma_semaphore, #tpu.memory_space<semaphore_mem>>) src(%dma_wait3A_1300 : memref<32x768xf32, #tpu.memory_space<hbm>>) dst(%dma_wait3A_1297 : memref<32x768xf32, #tpu.memory_space<vmem>>)
    %mul3A_1301 = arith.constant 2 : i32
    %mul3A_1302 = arith.muli %add3A, %mul3A_1301 : i32
    %add3A_1303 = arith.constant 0 : i32
    %add3A_1304 = arith.addi %mul3A_1302, %add3A_1303 : i32
    %dma_start3A_1305 = arith.constant 512 : i32
    %dma_start3A_1306 = arith.constant 0 : i32
    %dma_start3A_1307 = tpu.memref_slice %arg4[%add3A_1304, %dma_start3A_1305, %dma_start3A_1306] : memref<64x576x1536xf32, #tpu.memory_space<hbm>> -> memref<1x32x1536xf32, #tpu.memory_space<hbm>>
    %dma_start3A_1308 = tpu.memref_squeeze %dma_start3A_1307 : memref<1x32x1536xf32, #tpu.memory_space<hbm>> -> memref<32x1536xf32, #tpu.memory_space<hbm>>
    %dma_start3A_1309 = arith.constant 512 : i32
    %dma_start3A_1310 = arith.constant 0 : i32
    %dma_start3A_1311 = tpu.memref_slice %arg4[%add3A_1304, %dma_start3A_1309, %dma_start3A_1310] : memref<64x576x1536xf32, #tpu.memory_space<hbm>> -> memref<1x32x1536xf32, #tpu.memory_space<hbm>>
    %dma_start3A_1312 = tpu.memref_squeeze %dma_start3A_1311 : memref<1x32x1536xf32, #tpu.memory_space<hbm>> -> memref<32x1536xf32, #tpu.memory_space<hbm>>
    tpu.enqueue_dma source(%arg5 : memref<32x1536xf32, #tpu.memory_space<vmem>>) target(%dma_start3A_1312 : memref<32x1536xf32, #tpu.memory_space<hbm>>) target_semaphore(%arg9 : memref<!tpu.dma_semaphore, #tpu.memory_space<semaphore_mem>>)
    %dma_wait3A_1313 = arith.constant 512 : i32
    %dma_wait3A_1314 = arith.constant 0 : i32
    %dma_wait3A_1315 = tpu.memref_slice %arg4[%add3A_1304, %dma_wait3A_1313, %dma_wait3A_1314] : memref<64x576x1536xf32, #tpu.memory_space<hbm>> -> memref<1x32x1536xf32, #tpu.memory_space<hbm>>
    %dma_wait3A_1316 = tpu.memref_squeeze %dma_wait3A_1315 : memref<1x32x1536xf32, #tpu.memory_space<hbm>> -> memref<32x1536xf32, #tpu.memory_space<hbm>>
    %dma_wait3A_1317 = arith.constant 512 : i32
    %dma_wait3A_1318 = arith.constant 0 : i32
    %dma_wait3A_1319 = tpu.memref_slice %arg4[%add3A_1304, %dma_wait3A_1317, %dma_wait3A_1318] : memref<64x576x1536xf32, #tpu.memory_space<hbm>> -> memref<1x32x1536xf32, #tpu.memory_space<hbm>>
    %dma_wait3A_1320 = tpu.memref_squeeze %dma_wait3A_1319 : memref<1x32x1536xf32, #tpu.memory_space<hbm>> -> memref<32x1536xf32, #tpu.memory_space<hbm>>
    tpu.wait_dma2 semaphore(%arg9 : memref<!tpu.dma_semaphore, #tpu.memory_space<semaphore_mem>>) src(%arg5 : memref<32x1536xf32, #tpu.memory_space<vmem>>) dst(%dma_wait3A_1320 : memref<32x1536xf32, #tpu.memory_space<hbm>>)
    %mul3A_1321 = arith.constant 2 : i32
    %mul3A_1322 = arith.muli %add3A, %mul3A_1321 : i32
    %add3A_1323 = arith.constant 1 : i32
    %add3A_1324 = arith.addi %mul3A_1322, %add3A_1323 : i32
    %dma_start3A_1325 = arith.constant 0 : i32
    %dma_start3A_1326 = arith.constant 0 : i32
    %dma_start3A_1327 = tpu.memref_slice %arg5[%dma_start3A_1325, %dma_start3A_1326] : memref<32x1536xf32, #tpu.memory_space<vmem>> -> memref<32x768xf32, #tpu.memory_space<vmem>>
    %dma_start3A_1328 = arith.constant 0 : i32
    %dma_start3A_1329 = arith.constant 0 : i32
    %dma_start3A_1330 = tpu.memref_slice %arg2[%add3A_1324, %dma_start3A_1328, %dma_start3A_1329] : memref<64x576x768xf32, #tpu.memory_space<hbm>> -> memref<1x32x768xf32, #tpu.memory_space<hbm>>
    %dma_start3A_1331 = tpu.memref_squeeze %dma_start3A_1330 : memref<1x32x768xf32, #tpu.memory_space<hbm>> -> memref<32x768xf32, #tpu.memory_space<hbm>>
    %dma_start3A_1332 = arith.constant 0 : i32
    %dma_start3A_1333 = arith.constant 0 : i32
    %dma_start3A_1334 = tpu.memref_slice %arg5[%dma_start3A_1332, %dma_start3A_1333] : memref<32x1536xf32, #tpu.memory_space<vmem>> -> memref<32x768xf32, #tpu.memory_space<vmem>>
    %dma_start3A_1335 = arith.constant 0 : i32
    %dma_start3A_1336 = arith.constant 0 : i32
    %dma_start3A_1337 = tpu.memref_slice %arg2[%add3A_1324, %dma_start3A_1335, %dma_start3A_1336] : memref<64x576x768xf32, #tpu.memory_space<hbm>> -> memref<1x32x768xf32, #tpu.memory_space<hbm>>
    %dma_start3A_1338 = tpu.memref_squeeze %dma_start3A_1337 : memref<1x32x768xf32, #tpu.memory_space<hbm>> -> memref<32x768xf32, #tpu.memory_space<hbm>>
    tpu.enqueue_dma source(%dma_start3A_1338 : memref<32x768xf32, #tpu.memory_space<hbm>>) target(%dma_start3A_1334 : memref<32x768xf32, #tpu.memory_space<vmem>>) target_semaphore(%arg7 : memref<!tpu.dma_semaphore, #tpu.memory_space<semaphore_mem>>)
    %dma_start3A_1339 = arith.constant 0 : i32
    %dma_start3A_1340 = arith.constant 768 : i32
    %dma_start3A_1341 = tpu.memref_slice %arg5[%dma_start3A_1339, %dma_start3A_1340] : memref<32x1536xf32, #tpu.memory_space<vmem>> -> memref<32x768xf32, #tpu.memory_space<vmem>>
    %dma_start3A_1342 = arith.constant 0 : i32
    %dma_start3A_1343 = arith.constant 0 : i32
    %dma_start3A_1344 = tpu.memref_slice %arg3[%dma_start3A_1342, %dma_start3A_1343] : memref<576x768xf32, #tpu.memory_space<hbm>> -> memref<32x768xf32, #tpu.memory_space<hbm>>
    %dma_start3A_1345 = arith.constant 0 : i32
    %dma_start3A_1346 = arith.constant 768 : i32
    %dma_start3A_1347 = tpu.memref_slice %arg5[%dma_start3A_1345, %dma_start3A_1346] : memref<32x1536xf32, #tpu.memory_space<vmem>> -> memref<32x768xf32, #tpu.memory_space<vmem>>
    %dma_start3A_1348 = arith.constant 0 : i32
    %dma_start3A_1349 = arith.constant 0 : i32
    %dma_start3A_1350 = tpu.memref_slice %arg3[%dma_start3A_1348, %dma_start3A_1349] : memref<576x768xf32, #tpu.memory_space<hbm>> -> memref<32x768xf32, #tpu.memory_space<hbm>>
    tpu.enqueue_dma source(%dma_start3A_1350 : memref<32x768xf32, #tpu.memory_space<hbm>>) target(%dma_start3A_1347 : memref<32x768xf32, #tpu.memory_space<vmem>>) target_semaphore(%arg7 : memref<!tpu.dma_semaphore, #tpu.memory_space<semaphore_mem>>)
    %dma_wait3A_1351 = arith.constant 0 : i32
    %dma_wait3A_1352 = arith.constant 0 : i32
    %dma_wait3A_1353 = tpu.memref_slice %arg6[%dma_wait3A_1351, %dma_wait3A_1352] : memref<32x1536xf32, #tpu.memory_space<vmem>> -> memref<32x768xf32, #tpu.memory_space<vmem>>
    %dma_wait3A_1354 = arith.constant 544 : i32
    %dma_wait3A_1355 = arith.constant 0 : i32
    %dma_wait3A_1356 = tpu.memref_slice %arg2[%add3A_1248, %dma_wait3A_1354, %dma_wait3A_1355] : memref<64x576x768xf32, #tpu.memory_space<hbm>> -> memref<1x32x768xf32, #tpu.memory_space<hbm>>
    %dma_wait3A_1357 = tpu.memref_squeeze %dma_wait3A_1356 : memref<1x32x768xf32, #tpu.memory_space<hbm>> -> memref<32x768xf32, #tpu.memory_space<hbm>>
    %dma_wait3A_1358 = arith.constant 0 : i32
    %dma_wait3A_1359 = arith.constant 0 : i32
    %dma_wait3A_1360 = tpu.memref_slice %arg6[%dma_wait3A_1358, %dma_wait3A_1359] : memref<32x1536xf32, #tpu.memory_space<vmem>> -> memref<32x768xf32, #tpu.memory_space<vmem>>
    %dma_wait3A_1361 = arith.constant 544 : i32
    %dma_wait3A_1362 = arith.constant 0 : i32
    %dma_wait3A_1363 = tpu.memref_slice %arg2[%add3A_1248, %dma_wait3A_1361, %dma_wait3A_1362] : memref<64x576x768xf32, #tpu.memory_space<hbm>> -> memref<1x32x768xf32, #tpu.memory_space<hbm>>
    %dma_wait3A_1364 = tpu.memref_squeeze %dma_wait3A_1363 : memref<1x32x768xf32, #tpu.memory_space<hbm>> -> memref<32x768xf32, #tpu.memory_space<hbm>>
    tpu.wait_dma2 semaphore(%arg8 : memref<!tpu.dma_semaphore, #tpu.memory_space<semaphore_mem>>) src(%dma_wait3A_1364 : memref<32x768xf32, #tpu.memory_space<hbm>>) dst(%dma_wait3A_1360 : memref<32x768xf32, #tpu.memory_space<vmem>>)
    %dma_wait3A_1365 = arith.constant 0 : i32
    %dma_wait3A_1366 = arith.constant 768 : i32
    %dma_wait3A_1367 = tpu.memref_slice %arg6[%dma_wait3A_1365, %dma_wait3A_1366] : memref<32x1536xf32, #tpu.memory_space<vmem>> -> memref<32x768xf32, #tpu.memory_space<vmem>>
    %dma_wait3A_1368 = arith.constant 544 : i32
    %dma_wait3A_1369 = arith.constant 0 : i32
    %dma_wait3A_1370 = tpu.memref_slice %arg3[%dma_wait3A_1368, %dma_wait3A_1369] : memref<576x768xf32, #tpu.memory_space<hbm>> -> memref<32x768xf32, #tpu.memory_space<hbm>>
    %dma_wait3A_1371 = arith.constant 0 : i32
    %dma_wait3A_1372 = arith.constant 768 : i32
    %dma_wait3A_1373 = tpu.memref_slice %arg6[%dma_wait3A_1371, %dma_wait3A_1372] : memref<32x1536xf32, #tpu.memory_space<vmem>> -> memref<32x768xf32, #tpu.memory_space<vmem>>
    %dma_wait3A_1374 = arith.constant 544 : i32
    %dma_wait3A_1375 = arith.constant 0 : i32
    %dma_wait3A_1376 = tpu.memref_slice %arg3[%dma_wait3A_1374, %dma_wait3A_1375] : memref<576x768xf32, #tpu.memory_space<hbm>> -> memref<32x768xf32, #tpu.memory_space<hbm>>
    tpu.wait_dma2 semaphore(%arg8 : memref<!tpu.dma_semaphore, #tpu.memory_space<semaphore_mem>>) src(%dma_wait3A_1376 : memref<32x768xf32, #tpu.memory_space<hbm>>) dst(%dma_wait3A_1373 : memref<32x768xf32, #tpu.memory_space<vmem>>)
    %mul3A_1377 = arith.constant 2 : i32
    %mul3A_1378 = arith.muli %add3A, %mul3A_1377 : i32
    %add3A_1379 = arith.constant 0 : i32
    %add3A_1380 = arith.addi %mul3A_1378, %add3A_1379 : i32
    %dma_start3A_1381 = arith.constant 544 : i32
    %dma_start3A_1382 = arith.constant 0 : i32
    %dma_start3A_1383 = tpu.memref_slice %arg4[%add3A_1380, %dma_start3A_1381, %dma_start3A_1382] : memref<64x576x1536xf32, #tpu.memory_space<hbm>> -> memref<1x32x1536xf32, #tpu.memory_space<hbm>>
    %dma_start3A_1384 = tpu.memref_squeeze %dma_start3A_1383 : memref<1x32x1536xf32, #tpu.memory_space<hbm>> -> memref<32x1536xf32, #tpu.memory_space<hbm>>
    %dma_start3A_1385 = arith.constant 544 : i32
    %dma_start3A_1386 = arith.constant 0 : i32
    %dma_start3A_1387 = tpu.memref_slice %arg4[%add3A_1380, %dma_start3A_1385, %dma_start3A_1386] : memref<64x576x1536xf32, #tpu.memory_space<hbm>> -> memref<1x32x1536xf32, #tpu.memory_space<hbm>>
    %dma_start3A_1388 = tpu.memref_squeeze %dma_start3A_1387 : memref<1x32x1536xf32, #tpu.memory_space<hbm>> -> memref<32x1536xf32, #tpu.memory_space<hbm>>
    tpu.enqueue_dma source(%arg6 : memref<32x1536xf32, #tpu.memory_space<vmem>>) target(%dma_start3A_1388 : memref<32x1536xf32, #tpu.memory_space<hbm>>) target_semaphore(%arg10 : memref<!tpu.dma_semaphore, #tpu.memory_space<semaphore_mem>>)
    %dma_wait3A_1389 = arith.constant 544 : i32
    %dma_wait3A_1390 = arith.constant 0 : i32
    %dma_wait3A_1391 = tpu.memref_slice %arg4[%add3A_1380, %dma_wait3A_1389, %dma_wait3A_1390] : memref<64x576x1536xf32, #tpu.memory_space<hbm>> -> memref<1x32x1536xf32, #tpu.memory_space<hbm>>
    %dma_wait3A_1392 = tpu.memref_squeeze %dma_wait3A_1391 : memref<1x32x1536xf32, #tpu.memory_space<hbm>> -> memref<32x1536xf32, #tpu.memory_space<hbm>>
    %dma_wait3A_1393 = arith.constant 544 : i32
    %dma_wait3A_1394 = arith.constant 0 : i32
    %dma_wait3A_1395 = tpu.memref_slice %arg4[%add3A_1380, %dma_wait3A_1393, %dma_wait3A_1394] : memref<64x576x1536xf32, #tpu.memory_space<hbm>> -> memref<1x32x1536xf32, #tpu.memory_space<hbm>>
    %dma_wait3A_1396 = tpu.memref_squeeze %dma_wait3A_1395 : memref<1x32x1536xf32, #tpu.memory_space<hbm>> -> memref<32x1536xf32, #tpu.memory_space<hbm>>
    tpu.wait_dma2 semaphore(%arg10 : memref<!tpu.dma_semaphore, #tpu.memory_space<semaphore_mem>>) src(%arg6 : memref<32x1536xf32, #tpu.memory_space<vmem>>) dst(%dma_wait3A_1396 : memref<32x1536xf32, #tpu.memory_space<hbm>>)
    %mul3A_1397 = arith.constant 2 : i32
    %mul3A_1398 = arith.muli %add3A, %mul3A_1397 : i32
    %add3A_1399 = arith.constant 1 : i32
    %add3A_1400 = arith.addi %mul3A_1398, %add3A_1399 : i32
    %dma_start3A_1401 = arith.constant 0 : i32
    %dma_start3A_1402 = arith.constant 0 : i32
    %dma_start3A_1403 = tpu.memref_slice %arg6[%dma_start3A_1401, %dma_start3A_1402] : memref<32x1536xf32, #tpu.memory_space<vmem>> -> memref<32x768xf32, #tpu.memory_space<vmem>>
    %dma_start3A_1404 = arith.constant 32 : i32
    %dma_start3A_1405 = arith.constant 0 : i32
    %dma_start3A_1406 = tpu.memref_slice %arg2[%add3A_1400, %dma_start3A_1404, %dma_start3A_1405] : memref<64x576x768xf32, #tpu.memory_space<hbm>> -> memref<1x32x768xf32, #tpu.memory_space<hbm>>
    %dma_start3A_1407 = tpu.memref_squeeze %dma_start3A_1406 : memref<1x32x768xf32, #tpu.memory_space<hbm>> -> memref<32x768xf32, #tpu.memory_space<hbm>>
    %dma_start3A_1408 = arith.constant 0 : i32
    %dma_start3A_1409 = arith.constant 0 : i32
    %dma_start3A_1410 = tpu.memref_slice %arg6[%dma_start3A_1408, %dma_start3A_1409] : memref<32x1536xf32, #tpu.memory_space<vmem>> -> memref<32x768xf32, #tpu.memory_space<vmem>>
    %dma_start3A_1411 = arith.constant 32 : i32
    %dma_start3A_1412 = arith.constant 0 : i32
    %dma_start3A_1413 = tpu.memref_slice %arg2[%add3A_1400, %dma_start3A_1411, %dma_start3A_1412] : memref<64x576x768xf32, #tpu.memory_space<hbm>> -> memref<1x32x768xf32, #tpu.memory_space<hbm>>
    %dma_start3A_1414 = tpu.memref_squeeze %dma_start3A_1413 : memref<1x32x768xf32, #tpu.memory_space<hbm>> -> memref<32x768xf32, #tpu.memory_space<hbm>>
    tpu.enqueue_dma source(%dma_start3A_1414 : memref<32x768xf32, #tpu.memory_space<hbm>>) target(%dma_start3A_1410 : memref<32x768xf32, #tpu.memory_space<vmem>>) target_semaphore(%arg8 : memref<!tpu.dma_semaphore, #tpu.memory_space<semaphore_mem>>)
    %dma_start3A_1415 = arith.constant 0 : i32
    %dma_start3A_1416 = arith.constant 768 : i32
    %dma_start3A_1417 = tpu.memref_slice %arg6[%dma_start3A_1415, %dma_start3A_1416] : memref<32x1536xf32, #tpu.memory_space<vmem>> -> memref<32x768xf32, #tpu.memory_space<vmem>>
    %dma_start3A_1418 = arith.constant 32 : i32
    %dma_start3A_1419 = arith.constant 0 : i32
    %dma_start3A_1420 = tpu.memref_slice %arg3[%dma_start3A_1418, %dma_start3A_1419] : memref<576x768xf32, #tpu.memory_space<hbm>> -> memref<32x768xf32, #tpu.memory_space<hbm>>
    %dma_start3A_1421 = arith.constant 0 : i32
    %dma_start3A_1422 = arith.constant 768 : i32
    %dma_start3A_1423 = tpu.memref_slice %arg6[%dma_start3A_1421, %dma_start3A_1422] : memref<32x1536xf32, #tpu.memory_space<vmem>> -> memref<32x768xf32, #tpu.memory_space<vmem>>
    %dma_start3A_1424 = arith.constant 32 : i32
    %dma_start3A_1425 = arith.constant 0 : i32
    %dma_start3A_1426 = tpu.memref_slice %arg3[%dma_start3A_1424, %dma_start3A_1425] : memref<576x768xf32, #tpu.memory_space<hbm>> -> memref<32x768xf32, #tpu.memory_space<hbm>>
    tpu.enqueue_dma source(%dma_start3A_1426 : memref<32x768xf32, #tpu.memory_space<hbm>>) target(%dma_start3A_1423 : memref<32x768xf32, #tpu.memory_space<vmem>>) target_semaphore(%arg8 : memref<!tpu.dma_semaphore, #tpu.memory_space<semaphore_mem>>)
    %dma_wait3A_1427 = arith.constant 0 : i32
    %dma_wait3A_1428 = arith.constant 0 : i32
    %dma_wait3A_1429 = tpu.memref_slice %arg5[%dma_wait3A_1427, %dma_wait3A_1428] : memref<32x1536xf32, #tpu.memory_space<vmem>> -> memref<32x768xf32, #tpu.memory_space<vmem>>
    %dma_wait3A_1430 = arith.constant 0 : i32
    %dma_wait3A_1431 = arith.constant 0 : i32
    %dma_wait3A_1432 = tpu.memref_slice %arg2[%add3A_1324, %dma_wait3A_1430, %dma_wait3A_1431] : memref<64x576x768xf32, #tpu.memory_space<hbm>> -> memref<1x32x768xf32, #tpu.memory_space<hbm>>
    %dma_wait3A_1433 = tpu.memref_squeeze %dma_wait3A_1432 : memref<1x32x768xf32, #tpu.memory_space<hbm>> -> memref<32x768xf32, #tpu.memory_space<hbm>>
    %dma_wait3A_1434 = arith.constant 0 : i32
    %dma_wait3A_1435 = arith.constant 0 : i32
    %dma_wait3A_1436 = tpu.memref_slice %arg5[%dma_wait3A_1434, %dma_wait3A_1435] : memref<32x1536xf32, #tpu.memory_space<vmem>> -> memref<32x768xf32, #tpu.memory_space<vmem>>
    %dma_wait3A_1437 = arith.constant 0 : i32
    %dma_wait3A_1438 = arith.constant 0 : i32
    %dma_wait3A_1439 = tpu.memref_slice %arg2[%add3A_1324, %dma_wait3A_1437, %dma_wait3A_1438] : memref<64x576x768xf32, #tpu.memory_space<hbm>> -> memref<1x32x768xf32, #tpu.memory_space<hbm>>
    %dma_wait3A_1440 = tpu.memref_squeeze %dma_wait3A_1439 : memref<1x32x768xf32, #tpu.memory_space<hbm>> -> memref<32x768xf32, #tpu.memory_space<hbm>>
    tpu.wait_dma2 semaphore(%arg7 : memref<!tpu.dma_semaphore, #tpu.memory_space<semaphore_mem>>) src(%dma_wait3A_1440 : memref<32x768xf32, #tpu.memory_space<hbm>>) dst(%dma_wait3A_1436 : memref<32x768xf32, #tpu.memory_space<vmem>>)
    %dma_wait3A_1441 = arith.constant 0 : i32
    %dma_wait3A_1442 = arith.constant 768 : i32
    %dma_wait3A_1443 = tpu.memref_slice %arg5[%dma_wait3A_1441, %dma_wait3A_1442] : memref<32x1536xf32, #tpu.memory_space<vmem>> -> memref<32x768xf32, #tpu.memory_space<vmem>>
    %dma_wait3A_1444 = arith.constant 0 : i32
    %dma_wait3A_1445 = arith.constant 0 : i32
    %dma_wait3A_1446 = tpu.memref_slice %arg3[%dma_wait3A_1444, %dma_wait3A_1445] : memref<576x768xf32, #tpu.memory_space<hbm>> -> memref<32x768xf32, #tpu.memory_space<hbm>>
    %dma_wait3A_1447 = arith.constant 0 : i32
    %dma_wait3A_1448 = arith.constant 768 : i32
    %dma_wait3A_1449 = tpu.memref_slice %arg5[%dma_wait3A_1447, %dma_wait3A_1448] : memref<32x1536xf32, #tpu.memory_space<vmem>> -> memref<32x768xf32, #tpu.memory_space<vmem>>
    %dma_wait3A_1450 = arith.constant 0 : i32
    %dma_wait3A_1451 = arith.constant 0 : i32
    %dma_wait3A_1452 = tpu.memref_slice %arg3[%dma_wait3A_1450, %dma_wait3A_1451] : memref<576x768xf32, #tpu.memory_space<hbm>> -> memref<32x768xf32, #tpu.memory_space<hbm>>
    tpu.wait_dma2 semaphore(%arg7 : memref<!tpu.dma_semaphore, #tpu.memory_space<semaphore_mem>>) src(%dma_wait3A_1452 : memref<32x768xf32, #tpu.memory_space<hbm>>) dst(%dma_wait3A_1449 : memref<32x768xf32, #tpu.memory_space<vmem>>)
    %mul3A_1453 = arith.constant 2 : i32
    %mul3A_1454 = arith.muli %add3A, %mul3A_1453 : i32
    %add3A_1455 = arith.constant 1 : i32
    %add3A_1456 = arith.addi %mul3A_1454, %add3A_1455 : i32
    %dma_start3A_1457 = arith.constant 0 : i32
    %dma_start3A_1458 = arith.constant 0 : i32
    %dma_start3A_1459 = tpu.memref_slice %arg4[%add3A_1456, %dma_start3A_1457, %dma_start3A_1458] : memref<64x576x1536xf32, #tpu.memory_space<hbm>> -> memref<1x32x1536xf32, #tpu.memory_space<hbm>>
    %dma_start3A_1460 = tpu.memref_squeeze %dma_start3A_1459 : memref<1x32x1536xf32, #tpu.memory_space<hbm>> -> memref<32x1536xf32, #tpu.memory_space<hbm>>
    %dma_start3A_1461 = arith.constant 0 : i32
    %dma_start3A_1462 = arith.constant 0 : i32
    %dma_start3A_1463 = tpu.memref_slice %arg4[%add3A_1456, %dma_start3A_1461, %dma_start3A_1462] : memref<64x576x1536xf32, #tpu.memory_space<hbm>> -> memref<1x32x1536xf32, #tpu.memory_space<hbm>>
    %dma_start3A_1464 = tpu.memref_squeeze %dma_start3A_1463 : memref<1x32x1536xf32, #tpu.memory_space<hbm>> -> memref<32x1536xf32, #tpu.memory_space<hbm>>
    tpu.enqueue_dma source(%arg5 : memref<32x1536xf32, #tpu.memory_space<vmem>>) target(%dma_start3A_1464 : memref<32x1536xf32, #tpu.memory_space<hbm>>) target_semaphore(%arg9 : memref<!tpu.dma_semaphore, #tpu.memory_space<semaphore_mem>>)
    %dma_wait3A_1465 = arith.constant 0 : i32
    %dma_wait3A_1466 = arith.constant 0 : i32
    %dma_wait3A_1467 = tpu.memref_slice %arg4[%add3A_1456, %dma_wait3A_1465, %dma_wait3A_1466] : memref<64x576x1536xf32, #tpu.memory_space<hbm>> -> memref<1x32x1536xf32, #tpu.memory_space<hbm>>
    %dma_wait3A_1468 = tpu.memref_squeeze %dma_wait3A_1467 : memref<1x32x1536xf32, #tpu.memory_space<hbm>> -> memref<32x1536xf32, #tpu.memory_space<hbm>>
    %dma_wait3A_1469 = arith.constant 0 : i32
    %dma_wait3A_1470 = arith.constant 0 : i32
    %dma_wait3A_1471 = tpu.memref_slice %arg4[%add3A_1456, %dma_wait3A_1469, %dma_wait3A_1470] : memref<64x576x1536xf32, #tpu.memory_space<hbm>> -> memref<1x32x1536xf32, #tpu.memory_space<hbm>>
    %dma_wait3A_1472 = tpu.memref_squeeze %dma_wait3A_1471 : memref<1x32x1536xf32, #tpu.memory_space<hbm>> -> memref<32x1536xf32, #tpu.memory_space<hbm>>
    tpu.wait_dma2 semaphore(%arg9 : memref<!tpu.dma_semaphore, #tpu.memory_space<semaphore_mem>>) src(%arg5 : memref<32x1536xf32, #tpu.memory_space<vmem>>) dst(%dma_wait3A_1472 : memref<32x1536xf32, #tpu.memory_space<hbm>>)
    %mul3A_1473 = arith.constant 2 : i32
    %mul3A_1474 = arith.muli %add3A, %mul3A_1473 : i32
    %add3A_1475 = arith.constant 1 : i32
    %add3A_1476 = arith.addi %mul3A_1474, %add3A_1475 : i32
    %dma_start3A_1477 = arith.constant 0 : i32
    %dma_start3A_1478 = arith.constant 0 : i32
    %dma_start3A_1479 = tpu.memref_slice %arg5[%dma_start3A_1477, %dma_start3A_1478] : memref<32x1536xf32, #tpu.memory_space<vmem>> -> memref<32x768xf32, #tpu.memory_space<vmem>>
    %dma_start3A_1480 = arith.constant 64 : i32
    %dma_start3A_1481 = arith.constant 0 : i32
    %dma_start3A_1482 = tpu.memref_slice %arg2[%add3A_1476, %dma_start3A_1480, %dma_start3A_1481] : memref<64x576x768xf32, #tpu.memory_space<hbm>> -> memref<1x32x768xf32, #tpu.memory_space<hbm>>
    %dma_start3A_1483 = tpu.memref_squeeze %dma_start3A_1482 : memref<1x32x768xf32, #tpu.memory_space<hbm>> -> memref<32x768xf32, #tpu.memory_space<hbm>>
    %dma_start3A_1484 = arith.constant 0 : i32
    %dma_start3A_1485 = arith.constant 0 : i32
    %dma_start3A_1486 = tpu.memref_slice %arg5[%dma_start3A_1484, %dma_start3A_1485] : memref<32x1536xf32, #tpu.memory_space<vmem>> -> memref<32x768xf32, #tpu.memory_space<vmem>>
    %dma_start3A_1487 = arith.constant 64 : i32
    %dma_start3A_1488 = arith.constant 0 : i32
    %dma_start3A_1489 = tpu.memref_slice %arg2[%add3A_1476, %dma_start3A_1487, %dma_start3A_1488] : memref<64x576x768xf32, #tpu.memory_space<hbm>> -> memref<1x32x768xf32, #tpu.memory_space<hbm>>
    %dma_start3A_1490 = tpu.memref_squeeze %dma_start3A_1489 : memref<1x32x768xf32, #tpu.memory_space<hbm>> -> memref<32x768xf32, #tpu.memory_space<hbm>>
    tpu.enqueue_dma source(%dma_start3A_1490 : memref<32x768xf32, #tpu.memory_space<hbm>>) target(%dma_start3A_1486 : memref<32x768xf32, #tpu.memory_space<vmem>>) target_semaphore(%arg7 : memref<!tpu.dma_semaphore, #tpu.memory_space<semaphore_mem>>)
    %dma_start3A_1491 = arith.constant 0 : i32
    %dma_start3A_1492 = arith.constant 768 : i32
    %dma_start3A_1493 = tpu.memref_slice %arg5[%dma_start3A_1491, %dma_start3A_1492] : memref<32x1536xf32, #tpu.memory_space<vmem>> -> memref<32x768xf32, #tpu.memory_space<vmem>>
    %dma_start3A_1494 = arith.constant 64 : i32
    %dma_start3A_1495 = arith.constant 0 : i32
    %dma_start3A_1496 = tpu.memref_slice %arg3[%dma_start3A_1494, %dma_start3A_1495] : memref<576x768xf32, #tpu.memory_space<hbm>> -> memref<32x768xf32, #tpu.memory_space<hbm>>
    %dma_start3A_1497 = arith.constant 0 : i32
    %dma_start3A_1498 = arith.constant 768 : i32
    %dma_start3A_1499 = tpu.memref_slice %arg5[%dma_start3A_1497, %dma_start3A_1498] : memref<32x1536xf32, #tpu.memory_space<vmem>> -> memref<32x768xf32, #tpu.memory_space<vmem>>
    %dma_start3A_1500 = arith.constant 64 : i32
    %dma_start3A_1501 = arith.constant 0 : i32
    %dma_start3A_1502 = tpu.memref_slice %arg3[%dma_start3A_1500, %dma_start3A_1501] : memref<576x768xf32, #tpu.memory_space<hbm>> -> memref<32x768xf32, #tpu.memory_space<hbm>>
    tpu.enqueue_dma source(%dma_start3A_1502 : memref<32x768xf32, #tpu.memory_space<hbm>>) target(%dma_start3A_1499 : memref<32x768xf32, #tpu.memory_space<vmem>>) target_semaphore(%arg7 : memref<!tpu.dma_semaphore, #tpu.memory_space<semaphore_mem>>)
    %dma_wait3A_1503 = arith.constant 0 : i32
    %dma_wait3A_1504 = arith.constant 0 : i32
    %dma_wait3A_1505 = tpu.memref_slice %arg6[%dma_wait3A_1503, %dma_wait3A_1504] : memref<32x1536xf32, #tpu.memory_space<vmem>> -> memref<32x768xf32, #tpu.memory_space<vmem>>
    %dma_wait3A_1506 = arith.constant 32 : i32
    %dma_wait3A_1507 = arith.constant 0 : i32
    %dma_wait3A_1508 = tpu.memref_slice %arg2[%add3A_1400, %dma_wait3A_1506, %dma_wait3A_1507] : memref<64x576x768xf32, #tpu.memory_space<hbm>> -> memref<1x32x768xf32, #tpu.memory_space<hbm>>
    %dma_wait3A_1509 = tpu.memref_squeeze %dma_wait3A_1508 : memref<1x32x768xf32, #tpu.memory_space<hbm>> -> memref<32x768xf32, #tpu.memory_space<hbm>>
    %dma_wait3A_1510 = arith.constant 0 : i32
    %dma_wait3A_1511 = arith.constant 0 : i32
    %dma_wait3A_1512 = tpu.memref_slice %arg6[%dma_wait3A_1510, %dma_wait3A_1511] : memref<32x1536xf32, #tpu.memory_space<vmem>> -> memref<32x768xf32, #tpu.memory_space<vmem>>
    %dma_wait3A_1513 = arith.constant 32 : i32
    %dma_wait3A_1514 = arith.constant 0 : i32
    %dma_wait3A_1515 = tpu.memref_slice %arg2[%add3A_1400, %dma_wait3A_1513, %dma_wait3A_1514] : memref<64x576x768xf32, #tpu.memory_space<hbm>> -> memref<1x32x768xf32, #tpu.memory_space<hbm>>
    %dma_wait3A_1516 = tpu.memref_squeeze %dma_wait3A_1515 : memref<1x32x768xf32, #tpu.memory_space<hbm>> -> memref<32x768xf32, #tpu.memory_space<hbm>>
    tpu.wait_dma2 semaphore(%arg8 : memref<!tpu.dma_semaphore, #tpu.memory_space<semaphore_mem>>) src(%dma_wait3A_1516 : memref<32x768xf32, #tpu.memory_space<hbm>>) dst(%dma_wait3A_1512 : memref<32x768xf32, #tpu.memory_space<vmem>>)
    %dma_wait3A_1517 = arith.constant 0 : i32
    %dma_wait3A_1518 = arith.constant 768 : i32
    %dma_wait3A_1519 = tpu.memref_slice %arg6[%dma_wait3A_1517, %dma_wait3A_1518] : memref<32x1536xf32, #tpu.memory_space<vmem>> -> memref<32x768xf32, #tpu.memory_space<vmem>>
    %dma_wait3A_1520 = arith.constant 32 : i32
    %dma_wait3A_1521 = arith.constant 0 : i32
    %dma_wait3A_1522 = tpu.memref_slice %arg3[%dma_wait3A_1520, %dma_wait3A_1521] : memref<576x768xf32, #tpu.memory_space<hbm>> -> memref<32x768xf32, #tpu.memory_space<hbm>>
    %dma_wait3A_1523 = arith.constant 0 : i32
    %dma_wait3A_1524 = arith.constant 768 : i32
    %dma_wait3A_1525 = tpu.memref_slice %arg6[%dma_wait3A_1523, %dma_wait3A_1524] : memref<32x1536xf32, #tpu.memory_space<vmem>> -> memref<32x768xf32, #tpu.memory_space<vmem>>
    %dma_wait3A_1526 = arith.constant 32 : i32
    %dma_wait3A_1527 = arith.constant 0 : i32
    %dma_wait3A_1528 = tpu.memref_slice %arg3[%dma_wait3A_1526, %dma_wait3A_1527] : memref<576x768xf32, #tpu.memory_space<hbm>> -> memref<32x768xf32, #tpu.memory_space<hbm>>
    tpu.wait_dma2 semaphore(%arg8 : memref<!tpu.dma_semaphore, #tpu.memory_space<semaphore_mem>>) src(%dma_wait3A_1528 : memref<32x768xf32, #tpu.memory_space<hbm>>) dst(%dma_wait3A_1525 : memref<32x768xf32, #tpu.memory_space<vmem>>)
    %mul3A_1529 = arith.constant 2 : i32
    %mul3A_1530 = arith.muli %add3A, %mul3A_1529 : i32
    %add3A_1531 = arith.constant 1 : i32
    %add3A_1532 = arith.addi %mul3A_1530, %add3A_1531 : i32
    %dma_start3A_1533 = arith.constant 32 : i32
    %dma_start3A_1534 = arith.constant 0 : i32
    %dma_start3A_1535 = tpu.memref_slice %arg4[%add3A_1532, %dma_start3A_1533, %dma_start3A_1534] : memref<64x576x1536xf32, #tpu.memory_space<hbm>> -> memref<1x32x1536xf32, #tpu.memory_space<hbm>>
    %dma_start3A_1536 = tpu.memref_squeeze %dma_start3A_1535 : memref<1x32x1536xf32, #tpu.memory_space<hbm>> -> memref<32x1536xf32, #tpu.memory_space<hbm>>
    %dma_start3A_1537 = arith.constant 32 : i32
    %dma_start3A_1538 = arith.constant 0 : i32
    %dma_start3A_1539 = tpu.memref_slice %arg4[%add3A_1532, %dma_start3A_1537, %dma_start3A_1538] : memref<64x576x1536xf32, #tpu.memory_space<hbm>> -> memref<1x32x1536xf32, #tpu.memory_space<hbm>>
    %dma_start3A_1540 = tpu.memref_squeeze %dma_start3A_1539 : memref<1x32x1536xf32, #tpu.memory_space<hbm>> -> memref<32x1536xf32, #tpu.memory_space<hbm>>
    tpu.enqueue_dma source(%arg6 : memref<32x1536xf32, #tpu.memory_space<vmem>>) target(%dma_start3A_1540 : memref<32x1536xf32, #tpu.memory_space<hbm>>) target_semaphore(%arg10 : memref<!tpu.dma_semaphore, #tpu.memory_space<semaphore_mem>>)
    %dma_wait3A_1541 = arith.constant 32 : i32
    %dma_wait3A_1542 = arith.constant 0 : i32
    %dma_wait3A_1543 = tpu.memref_slice %arg4[%add3A_1532, %dma_wait3A_1541, %dma_wait3A_1542] : memref<64x576x1536xf32, #tpu.memory_space<hbm>> -> memref<1x32x1536xf32, #tpu.memory_space<hbm>>
    %dma_wait3A_1544 = tpu.memref_squeeze %dma_wait3A_1543 : memref<1x32x1536xf32, #tpu.memory_space<hbm>> -> memref<32x1536xf32, #tpu.memory_space<hbm>>
    %dma_wait3A_1545 = arith.constant 32 : i32
    %dma_wait3A_1546 = arith.constant 0 : i32
    %dma_wait3A_1547 = tpu.memref_slice %arg4[%add3A_1532, %dma_wait3A_1545, %dma_wait3A_1546] : memref<64x576x1536xf32, #tpu.memory_space<hbm>> -> memref<1x32x1536xf32, #tpu.memory_space<hbm>>
    %dma_wait3A_1548 = tpu.memref_squeeze %dma_wait3A_1547 : memref<1x32x1536xf32, #tpu.memory_space<hbm>> -> memref<32x1536xf32, #tpu.memory_space<hbm>>
    tpu.wait_dma2 semaphore(%arg10 : memref<!tpu.dma_semaphore, #tpu.memory_space<semaphore_mem>>) src(%arg6 : memref<32x1536xf32, #tpu.memory_space<vmem>>) dst(%dma_wait3A_1548 : memref<32x1536xf32, #tpu.memory_space<hbm>>)
    %mul3A_1549 = arith.constant 2 : i32
    %mul3A_1550 = arith.muli %add3A, %mul3A_1549 : i32
    %add3A_1551 = arith.constant 1 : i32
    %add3A_1552 = arith.addi %mul3A_1550, %add3A_1551 : i32
    %dma_start3A_1553 = arith.constant 0 : i32
    %dma_start3A_1554 = arith.constant 0 : i32
    %dma_start3A_1555 = tpu.memref_slice %arg6[%dma_start3A_1553, %dma_start3A_1554] : memref<32x1536xf32, #tpu.memory_space<vmem>> -> memref<32x768xf32, #tpu.memory_space<vmem>>
    %dma_start3A_1556 = arith.constant 96 : i32
    %dma_start3A_1557 = arith.constant 0 : i32
    %dma_start3A_1558 = tpu.memref_slice %arg2[%add3A_1552, %dma_start3A_1556, %dma_start3A_1557] : memref<64x576x768xf32, #tpu.memory_space<hbm>> -> memref<1x32x768xf32, #tpu.memory_space<hbm>>
    %dma_start3A_1559 = tpu.memref_squeeze %dma_start3A_1558 : memref<1x32x768xf32, #tpu.memory_space<hbm>> -> memref<32x768xf32, #tpu.memory_space<hbm>>
    %dma_start3A_1560 = arith.constant 0 : i32
    %dma_start3A_1561 = arith.constant 0 : i32
    %dma_start3A_1562 = tpu.memref_slice %arg6[%dma_start3A_1560, %dma_start3A_1561] : memref<32x1536xf32, #tpu.memory_space<vmem>> -> memref<32x768xf32, #tpu.memory_space<vmem>>
    %dma_start3A_1563 = arith.constant 96 : i32
    %dma_start3A_1564 = arith.constant 0 : i32
    %dma_start3A_1565 = tpu.memref_slice %arg2[%add3A_1552, %dma_start3A_1563, %dma_start3A_1564] : memref<64x576x768xf32, #tpu.memory_space<hbm>> -> memref<1x32x768xf32, #tpu.memory_space<hbm>>
    %dma_start3A_1566 = tpu.memref_squeeze %dma_start3A_1565 : memref<1x32x768xf32, #tpu.memory_space<hbm>> -> memref<32x768xf32, #tpu.memory_space<hbm>>
    tpu.enqueue_dma source(%dma_start3A_1566 : memref<32x768xf32, #tpu.memory_space<hbm>>) target(%dma_start3A_1562 : memref<32x768xf32, #tpu.memory_space<vmem>>) target_semaphore(%arg8 : memref<!tpu.dma_semaphore, #tpu.memory_space<semaphore_mem>>)
    %dma_start3A_1567 = arith.constant 0 : i32
    %dma_start3A_1568 = arith.constant 768 : i32
    %dma_start3A_1569 = tpu.memref_slice %arg6[%dma_start3A_1567, %dma_start3A_1568] : memref<32x1536xf32, #tpu.memory_space<vmem>> -> memref<32x768xf32, #tpu.memory_space<vmem>>
    %dma_start3A_1570 = arith.constant 96 : i32
    %dma_start3A_1571 = arith.constant 0 : i32
    %dma_start3A_1572 = tpu.memref_slice %arg3[%dma_start3A_1570, %dma_start3A_1571] : memref<576x768xf32, #tpu.memory_space<hbm>> -> memref<32x768xf32, #tpu.memory_space<hbm>>
    %dma_start3A_1573 = arith.constant 0 : i32
    %dma_start3A_1574 = arith.constant 768 : i32
    %dma_start3A_1575 = tpu.memref_slice %arg6[%dma_start3A_1573, %dma_start3A_1574] : memref<32x1536xf32, #tpu.memory_space<vmem>> -> memref<32x768xf32, #tpu.memory_space<vmem>>
    %dma_start3A_1576 = arith.constant 96 : i32
    %dma_start3A_1577 = arith.constant 0 : i32
    %dma_start3A_1578 = tpu.memref_slice %arg3[%dma_start3A_1576, %dma_start3A_1577] : memref<576x768xf32, #tpu.memory_space<hbm>> -> memref<32x768xf32, #tpu.memory_space<hbm>>
    tpu.enqueue_dma source(%dma_start3A_1578 : memref<32x768xf32, #tpu.memory_space<hbm>>) target(%dma_start3A_1575 : memref<32x768xf32, #tpu.memory_space<vmem>>) target_semaphore(%arg8 : memref<!tpu.dma_semaphore, #tpu.memory_space<semaphore_mem>>)
    %dma_wait3A_1579 = arith.constant 0 : i32
    %dma_wait3A_1580 = arith.constant 0 : i32
    %dma_wait3A_1581 = tpu.memref_slice %arg5[%dma_wait3A_1579, %dma_wait3A_1580] : memref<32x1536xf32, #tpu.memory_space<vmem>> -> memref<32x768xf32, #tpu.memory_space<vmem>>
    %dma_wait3A_1582 = arith.constant 64 : i32
    %dma_wait3A_1583 = arith.constant 0 : i32
    %dma_wait3A_1584 = tpu.memref_slice %arg2[%add3A_1476, %dma_wait3A_1582, %dma_wait3A_1583] : memref<64x576x768xf32, #tpu.memory_space<hbm>> -> memref<1x32x768xf32, #tpu.memory_space<hbm>>
    %dma_wait3A_1585 = tpu.memref_squeeze %dma_wait3A_1584 : memref<1x32x768xf32, #tpu.memory_space<hbm>> -> memref<32x768xf32, #tpu.memory_space<hbm>>
    %dma_wait3A_1586 = arith.constant 0 : i32
    %dma_wait3A_1587 = arith.constant 0 : i32
    %dma_wait3A_1588 = tpu.memref_slice %arg5[%dma_wait3A_1586, %dma_wait3A_1587] : memref<32x1536xf32, #tpu.memory_space<vmem>> -> memref<32x768xf32, #tpu.memory_space<vmem>>
    %dma_wait3A_1589 = arith.constant 64 : i32
    %dma_wait3A_1590 = arith.constant 0 : i32
    %dma_wait3A_1591 = tpu.memref_slice %arg2[%add3A_1476, %dma_wait3A_1589, %dma_wait3A_1590] : memref<64x576x768xf32, #tpu.memory_space<hbm>> -> memref<1x32x768xf32, #tpu.memory_space<hbm>>
    %dma_wait3A_1592 = tpu.memref_squeeze %dma_wait3A_1591 : memref<1x32x768xf32, #tpu.memory_space<hbm>> -> memref<32x768xf32, #tpu.memory_space<hbm>>
    tpu.wait_dma2 semaphore(%arg7 : memref<!tpu.dma_semaphore, #tpu.memory_space<semaphore_mem>>) src(%dma_wait3A_1592 : memref<32x768xf32, #tpu.memory_space<hbm>>) dst(%dma_wait3A_1588 : memref<32x768xf32, #tpu.memory_space<vmem>>)
    %dma_wait3A_1593 = arith.constant 0 : i32
    %dma_wait3A_1594 = arith.constant 768 : i32
    %dma_wait3A_1595 = tpu.memref_slice %arg5[%dma_wait3A_1593, %dma_wait3A_1594] : memref<32x1536xf32, #tpu.memory_space<vmem>> -> memref<32x768xf32, #tpu.memory_space<vmem>>
    %dma_wait3A_1596 = arith.constant 64 : i32
    %dma_wait3A_1597 = arith.constant 0 : i32
    %dma_wait3A_1598 = tpu.memref_slice %arg3[%dma_wait3A_1596, %dma_wait3A_1597] : memref<576x768xf32, #tpu.memory_space<hbm>> -> memref<32x768xf32, #tpu.memory_space<hbm>>
    %dma_wait3A_1599 = arith.constant 0 : i32
    %dma_wait3A_1600 = arith.constant 768 : i32
    %dma_wait3A_1601 = tpu.memref_slice %arg5[%dma_wait3A_1599, %dma_wait3A_1600] : memref<32x1536xf32, #tpu.memory_space<vmem>> -> memref<32x768xf32, #tpu.memory_space<vmem>>
    %dma_wait3A_1602 = arith.constant 64 : i32
    %dma_wait3A_1603 = arith.constant 0 : i32
    %dma_wait3A_1604 = tpu.memref_slice %arg3[%dma_wait3A_1602, %dma_wait3A_1603] : memref<576x768xf32, #tpu.memory_space<hbm>> -> memref<32x768xf32, #tpu.memory_space<hbm>>
    tpu.wait_dma2 semaphore(%arg7 : memref<!tpu.dma_semaphore, #tpu.memory_space<semaphore_mem>>) src(%dma_wait3A_1604 : memref<32x768xf32, #tpu.memory_space<hbm>>) dst(%dma_wait3A_1601 : memref<32x768xf32, #tpu.memory_space<vmem>>)
    %mul3A_1605 = arith.constant 2 : i32
    %mul3A_1606 = arith.muli %add3A, %mul3A_1605 : i32
    %add3A_1607 = arith.constant 1 : i32
    %add3A_1608 = arith.addi %mul3A_1606, %add3A_1607 : i32
    %dma_start3A_1609 = arith.constant 64 : i32
    %dma_start3A_1610 = arith.constant 0 : i32
    %dma_start3A_1611 = tpu.memref_slice %arg4[%add3A_1608, %dma_start3A_1609, %dma_start3A_1610] : memref<64x576x1536xf32, #tpu.memory_space<hbm>> -> memref<1x32x1536xf32, #tpu.memory_space<hbm>>
    %dma_start3A_1612 = tpu.memref_squeeze %dma_start3A_1611 : memref<1x32x1536xf32, #tpu.memory_space<hbm>> -> memref<32x1536xf32, #tpu.memory_space<hbm>>
    %dma_start3A_1613 = arith.constant 64 : i32
    %dma_start3A_1614 = arith.constant 0 : i32
    %dma_start3A_1615 = tpu.memref_slice %arg4[%add3A_1608, %dma_start3A_1613, %dma_start3A_1614] : memref<64x576x1536xf32, #tpu.memory_space<hbm>> -> memref<1x32x1536xf32, #tpu.memory_space<hbm>>
    %dma_start3A_1616 = tpu.memref_squeeze %dma_start3A_1615 : memref<1x32x1536xf32, #tpu.memory_space<hbm>> -> memref<32x1536xf32, #tpu.memory_space<hbm>>
    tpu.enqueue_dma source(%arg5 : memref<32x1536xf32, #tpu.memory_space<vmem>>) target(%dma_start3A_1616 : memref<32x1536xf32, #tpu.memory_space<hbm>>) target_semaphore(%arg9 : memref<!tpu.dma_semaphore, #tpu.memory_space<semaphore_mem>>)
    %dma_wait3A_1617 = arith.constant 64 : i32
    %dma_wait3A_1618 = arith.constant 0 : i32
    %dma_wait3A_1619 = tpu.memref_slice %arg4[%add3A_1608, %dma_wait3A_1617, %dma_wait3A_1618] : memref<64x576x1536xf32, #tpu.memory_space<hbm>> -> memref<1x32x1536xf32, #tpu.memory_space<hbm>>
    %dma_wait3A_1620 = tpu.memref_squeeze %dma_wait3A_1619 : memref<1x32x1536xf32, #tpu.memory_space<hbm>> -> memref<32x1536xf32, #tpu.memory_space<hbm>>
    %dma_wait3A_1621 = arith.constant 64 : i32
    %dma_wait3A_1622 = arith.constant 0 : i32
    %dma_wait3A_1623 = tpu.memref_slice %arg4[%add3A_1608, %dma_wait3A_1621, %dma_wait3A_1622] : memref<64x576x1536xf32, #tpu.memory_space<hbm>> -> memref<1x32x1536xf32, #tpu.memory_space<hbm>>
    %dma_wait3A_1624 = tpu.memref_squeeze %dma_wait3A_1623 : memref<1x32x1536xf32, #tpu.memory_space<hbm>> -> memref<32x1536xf32, #tpu.memory_space<hbm>>
    tpu.wait_dma2 semaphore(%arg9 : memref<!tpu.dma_semaphore, #tpu.memory_space<semaphore_mem>>) src(%arg5 : memref<32x1536xf32, #tpu.memory_space<vmem>>) dst(%dma_wait3A_1624 : memref<32x1536xf32, #tpu.memory_space<hbm>>)
    %mul3A_1625 = arith.constant 2 : i32
    %mul3A_1626 = arith.muli %add3A, %mul3A_1625 : i32
    %add3A_1627 = arith.constant 1 : i32
    %add3A_1628 = arith.addi %mul3A_1626, %add3A_1627 : i32
    %dma_start3A_1629 = arith.constant 0 : i32
    %dma_start3A_1630 = arith.constant 0 : i32
    %dma_start3A_1631 = tpu.memref_slice %arg5[%dma_start3A_1629, %dma_start3A_1630] : memref<32x1536xf32, #tpu.memory_space<vmem>> -> memref<32x768xf32, #tpu.memory_space<vmem>>
    %dma_start3A_1632 = arith.constant 128 : i32
    %dma_start3A_1633 = arith.constant 0 : i32
    %dma_start3A_1634 = tpu.memref_slice %arg2[%add3A_1628, %dma_start3A_1632, %dma_start3A_1633] : memref<64x576x768xf32, #tpu.memory_space<hbm>> -> memref<1x32x768xf32, #tpu.memory_space<hbm>>
    %dma_start3A_1635 = tpu.memref_squeeze %dma_start3A_1634 : memref<1x32x768xf32, #tpu.memory_space<hbm>> -> memref<32x768xf32, #tpu.memory_space<hbm>>
    %dma_start3A_1636 = arith.constant 0 : i32
    %dma_start3A_1637 = arith.constant 0 : i32
    %dma_start3A_1638 = tpu.memref_slice %arg5[%dma_start3A_1636, %dma_start3A_1637] : memref<32x1536xf32, #tpu.memory_space<vmem>> -> memref<32x768xf32, #tpu.memory_space<vmem>>
    %dma_start3A_1639 = arith.constant 128 : i32
    %dma_start3A_1640 = arith.constant 0 : i32
    %dma_start3A_1641 = tpu.memref_slice %arg2[%add3A_1628, %dma_start3A_1639, %dma_start3A_1640] : memref<64x576x768xf32, #tpu.memory_space<hbm>> -> memref<1x32x768xf32, #tpu.memory_space<hbm>>
    %dma_start3A_1642 = tpu.memref_squeeze %dma_start3A_1641 : memref<1x32x768xf32, #tpu.memory_space<hbm>> -> memref<32x768xf32, #tpu.memory_space<hbm>>
    tpu.enqueue_dma source(%dma_start3A_1642 : memref<32x768xf32, #tpu.memory_space<hbm>>) target(%dma_start3A_1638 : memref<32x768xf32, #tpu.memory_space<vmem>>) target_semaphore(%arg7 : memref<!tpu.dma_semaphore, #tpu.memory_space<semaphore_mem>>)
    %dma_start3A_1643 = arith.constant 0 : i32
    %dma_start3A_1644 = arith.constant 768 : i32
    %dma_start3A_1645 = tpu.memref_slice %arg5[%dma_start3A_1643, %dma_start3A_1644] : memref<32x1536xf32, #tpu.memory_space<vmem>> -> memref<32x768xf32, #tpu.memory_space<vmem>>
    %dma_start3A_1646 = arith.constant 128 : i32
    %dma_start3A_1647 = arith.constant 0 : i32
    %dma_start3A_1648 = tpu.memref_slice %arg3[%dma_start3A_1646, %dma_start3A_1647] : memref<576x768xf32, #tpu.memory_space<hbm>> -> memref<32x768xf32, #tpu.memory_space<hbm>>
    %dma_start3A_1649 = arith.constant 0 : i32
    %dma_start3A_1650 = arith.constant 768 : i32
    %dma_start3A_1651 = tpu.memref_slice %arg5[%dma_start3A_1649, %dma_start3A_1650] : memref<32x1536xf32, #tpu.memory_space<vmem>> -> memref<32x768xf32, #tpu.memory_space<vmem>>
    %dma_start3A_1652 = arith.constant 128 : i32
    %dma_start3A_1653 = arith.constant 0 : i32
    %dma_start3A_1654 = tpu.memref_slice %arg3[%dma_start3A_1652, %dma_start3A_1653] : memref<576x768xf32, #tpu.memory_space<hbm>> -> memref<32x768xf32, #tpu.memory_space<hbm>>
    tpu.enqueue_dma source(%dma_start3A_1654 : memref<32x768xf32, #tpu.memory_space<hbm>>) target(%dma_start3A_1651 : memref<32x768xf32, #tpu.memory_space<vmem>>) target_semaphore(%arg7 : memref<!tpu.dma_semaphore, #tpu.memory_space<semaphore_mem>>)
    %dma_wait3A_1655 = arith.constant 0 : i32
    %dma_wait3A_1656 = arith.constant 0 : i32
    %dma_wait3A_1657 = tpu.memref_slice %arg6[%dma_wait3A_1655, %dma_wait3A_1656] : memref<32x1536xf32, #tpu.memory_space<vmem>> -> memref<32x768xf32, #tpu.memory_space<vmem>>
    %dma_wait3A_1658 = arith.constant 96 : i32
    %dma_wait3A_1659 = arith.constant 0 : i32
    %dma_wait3A_1660 = tpu.memref_slice %arg2[%add3A_1552, %dma_wait3A_1658, %dma_wait3A_1659] : memref<64x576x768xf32, #tpu.memory_space<hbm>> -> memref<1x32x768xf32, #tpu.memory_space<hbm>>
    %dma_wait3A_1661 = tpu.memref_squeeze %dma_wait3A_1660 : memref<1x32x768xf32, #tpu.memory_space<hbm>> -> memref<32x768xf32, #tpu.memory_space<hbm>>
    %dma_wait3A_1662 = arith.constant 0 : i32
    %dma_wait3A_1663 = arith.constant 0 : i32
    %dma_wait3A_1664 = tpu.memref_slice %arg6[%dma_wait3A_1662, %dma_wait3A_1663] : memref<32x1536xf32, #tpu.memory_space<vmem>> -> memref<32x768xf32, #tpu.memory_space<vmem>>
    %dma_wait3A_1665 = arith.constant 96 : i32
    %dma_wait3A_1666 = arith.constant 0 : i32
    %dma_wait3A_1667 = tpu.memref_slice %arg2[%add3A_1552, %dma_wait3A_1665, %dma_wait3A_1666] : memref<64x576x768xf32, #tpu.memory_space<hbm>> -> memref<1x32x768xf32, #tpu.memory_space<hbm>>
    %dma_wait3A_1668 = tpu.memref_squeeze %dma_wait3A_1667 : memref<1x32x768xf32, #tpu.memory_space<hbm>> -> memref<32x768xf32, #tpu.memory_space<hbm>>
    tpu.wait_dma2 semaphore(%arg8 : memref<!tpu.dma_semaphore, #tpu.memory_space<semaphore_mem>>) src(%dma_wait3A_1668 : memref<32x768xf32, #tpu.memory_space<hbm>>) dst(%dma_wait3A_1664 : memref<32x768xf32, #tpu.memory_space<vmem>>)
    %dma_wait3A_1669 = arith.constant 0 : i32
    %dma_wait3A_1670 = arith.constant 768 : i32
    %dma_wait3A_1671 = tpu.memref_slice %arg6[%dma_wait3A_1669, %dma_wait3A_1670] : memref<32x1536xf32, #tpu.memory_space<vmem>> -> memref<32x768xf32, #tpu.memory_space<vmem>>
    %dma_wait3A_1672 = arith.constant 96 : i32
    %dma_wait3A_1673 = arith.constant 0 : i32
    %dma_wait3A_1674 = tpu.memref_slice %arg3[%dma_wait3A_1672, %dma_wait3A_1673] : memref<576x768xf32, #tpu.memory_space<hbm>> -> memref<32x768xf32, #tpu.memory_space<hbm>>
    %dma_wait3A_1675 = arith.constant 0 : i32
    %dma_wait3A_1676 = arith.constant 768 : i32
    %dma_wait3A_1677 = tpu.memref_slice %arg6[%dma_wait3A_1675, %dma_wait3A_1676] : memref<32x1536xf32, #tpu.memory_space<vmem>> -> memref<32x768xf32, #tpu.memory_space<vmem>>
    %dma_wait3A_1678 = arith.constant 96 : i32
    %dma_wait3A_1679 = arith.constant 0 : i32
    %dma_wait3A_1680 = tpu.memref_slice %arg3[%dma_wait3A_1678, %dma_wait3A_1679] : memref<576x768xf32, #tpu.memory_space<hbm>> -> memref<32x768xf32, #tpu.memory_space<hbm>>
    tpu.wait_dma2 semaphore(%arg8 : memref<!tpu.dma_semaphore, #tpu.memory_space<semaphore_mem>>) src(%dma_wait3A_1680 : memref<32x768xf32, #tpu.memory_space<hbm>>) dst(%dma_wait3A_1677 : memref<32x768xf32, #tpu.memory_space<vmem>>)
    %mul3A_1681 = arith.constant 2 : i32
    %mul3A_1682 = arith.muli %add3A, %mul3A_1681 : i32
    %add3A_1683 = arith.constant 1 : i32
    %add3A_1684 = arith.addi %mul3A_1682, %add3A_1683 : i32
    %dma_start3A_1685 = arith.constant 96 : i32
    %dma_start3A_1686 = arith.constant 0 : i32
    %dma_start3A_1687 = tpu.memref_slice %arg4[%add3A_1684, %dma_start3A_1685, %dma_start3A_1686] : memref<64x576x1536xf32, #tpu.memory_space<hbm>> -> memref<1x32x1536xf32, #tpu.memory_space<hbm>>
    %dma_start3A_1688 = tpu.memref_squeeze %dma_start3A_1687 : memref<1x32x1536xf32, #tpu.memory_space<hbm>> -> memref<32x1536xf32, #tpu.memory_space<hbm>>
    %dma_start3A_1689 = arith.constant 96 : i32
    %dma_start3A_1690 = arith.constant 0 : i32
    %dma_start3A_1691 = tpu.memref_slice %arg4[%add3A_1684, %dma_start3A_1689, %dma_start3A_1690] : memref<64x576x1536xf32, #tpu.memory_space<hbm>> -> memref<1x32x1536xf32, #tpu.memory_space<hbm>>
    %dma_start3A_1692 = tpu.memref_squeeze %dma_start3A_1691 : memref<1x32x1536xf32, #tpu.memory_space<hbm>> -> memref<32x1536xf32, #tpu.memory_space<hbm>>
    tpu.enqueue_dma source(%arg6 : memref<32x1536xf32, #tpu.memory_space<vmem>>) target(%dma_start3A_1692 : memref<32x1536xf32, #tpu.memory_space<hbm>>) target_semaphore(%arg10 : memref<!tpu.dma_semaphore, #tpu.memory_space<semaphore_mem>>)
    %dma_wait3A_1693 = arith.constant 96 : i32
    %dma_wait3A_1694 = arith.constant 0 : i32
    %dma_wait3A_1695 = tpu.memref_slice %arg4[%add3A_1684, %dma_wait3A_1693, %dma_wait3A_1694] : memref<64x576x1536xf32, #tpu.memory_space<hbm>> -> memref<1x32x1536xf32, #tpu.memory_space<hbm>>
    %dma_wait3A_1696 = tpu.memref_squeeze %dma_wait3A_1695 : memref<1x32x1536xf32, #tpu.memory_space<hbm>> -> memref<32x1536xf32, #tpu.memory_space<hbm>>
    %dma_wait3A_1697 = arith.constant 96 : i32
    %dma_wait3A_1698 = arith.constant 0 : i32
    %dma_wait3A_1699 = tpu.memref_slice %arg4[%add3A_1684, %dma_wait3A_1697, %dma_wait3A_1698] : memref<64x576x1536xf32, #tpu.memory_space<hbm>> -> memref<1x32x1536xf32, #tpu.memory_space<hbm>>
    %dma_wait3A_1700 = tpu.memref_squeeze %dma_wait3A_1699 : memref<1x32x1536xf32, #tpu.memory_space<hbm>> -> memref<32x1536xf32, #tpu.memory_space<hbm>>
    tpu.wait_dma2 semaphore(%arg10 : memref<!tpu.dma_semaphore, #tpu.memory_space<semaphore_mem>>) src(%arg6 : memref<32x1536xf32, #tpu.memory_space<vmem>>) dst(%dma_wait3A_1700 : memref<32x1536xf32, #tpu.memory_space<hbm>>)
    %mul3A_1701 = arith.constant 2 : i32
    %mul3A_1702 = arith.muli %add3A, %mul3A_1701 : i32
    %add3A_1703 = arith.constant 1 : i32
    %add3A_1704 = arith.addi %mul3A_1702, %add3A_1703 : i32
    %dma_start3A_1705 = arith.constant 0 : i32
    %dma_start3A_1706 = arith.constant 0 : i32
    %dma_start3A_1707 = tpu.memref_slice %arg6[%dma_start3A_1705, %dma_start3A_1706] : memref<32x1536xf32, #tpu.memory_space<vmem>> -> memref<32x768xf32, #tpu.memory_space<vmem>>
    %dma_start3A_1708 = arith.constant 160 : i32
    %dma_start3A_1709 = arith.constant 0 : i32
    %dma_start3A_1710 = tpu.memref_slice %arg2[%add3A_1704, %dma_start3A_1708, %dma_start3A_1709] : memref<64x576x768xf32, #tpu.memory_space<hbm>> -> memref<1x32x768xf32, #tpu.memory_space<hbm>>
    %dma_start3A_1711 = tpu.memref_squeeze %dma_start3A_1710 : memref<1x32x768xf32, #tpu.memory_space<hbm>> -> memref<32x768xf32, #tpu.memory_space<hbm>>
    %dma_start3A_1712 = arith.constant 0 : i32
    %dma_start3A_1713 = arith.constant 0 : i32
    %dma_start3A_1714 = tpu.memref_slice %arg6[%dma_start3A_1712, %dma_start3A_1713] : memref<32x1536xf32, #tpu.memory_space<vmem>> -> memref<32x768xf32, #tpu.memory_space<vmem>>
    %dma_start3A_1715 = arith.constant 160 : i32
    %dma_start3A_1716 = arith.constant 0 : i32
    %dma_start3A_1717 = tpu.memref_slice %arg2[%add3A_1704, %dma_start3A_1715, %dma_start3A_1716] : memref<64x576x768xf32, #tpu.memory_space<hbm>> -> memref<1x32x768xf32, #tpu.memory_space<hbm>>
    %dma_start3A_1718 = tpu.memref_squeeze %dma_start3A_1717 : memref<1x32x768xf32, #tpu.memory_space<hbm>> -> memref<32x768xf32, #tpu.memory_space<hbm>>
    tpu.enqueue_dma source(%dma_start3A_1718 : memref<32x768xf32, #tpu.memory_space<hbm>>) target(%dma_start3A_1714 : memref<32x768xf32, #tpu.memory_space<vmem>>) target_semaphore(%arg8 : memref<!tpu.dma_semaphore, #tpu.memory_space<semaphore_mem>>)
    %dma_start3A_1719 = arith.constant 0 : i32
    %dma_start3A_1720 = arith.constant 768 : i32
    %dma_start3A_1721 = tpu.memref_slice %arg6[%dma_start3A_1719, %dma_start3A_1720] : memref<32x1536xf32, #tpu.memory_space<vmem>> -> memref<32x768xf32, #tpu.memory_space<vmem>>
    %dma_start3A_1722 = arith.constant 160 : i32
    %dma_start3A_1723 = arith.constant 0 : i32
    %dma_start3A_1724 = tpu.memref_slice %arg3[%dma_start3A_1722, %dma_start3A_1723] : memref<576x768xf32, #tpu.memory_space<hbm>> -> memref<32x768xf32, #tpu.memory_space<hbm>>
    %dma_start3A_1725 = arith.constant 0 : i32
    %dma_start3A_1726 = arith.constant 768 : i32
    %dma_start3A_1727 = tpu.memref_slice %arg6[%dma_start3A_1725, %dma_start3A_1726] : memref<32x1536xf32, #tpu.memory_space<vmem>> -> memref<32x768xf32, #tpu.memory_space<vmem>>
    %dma_start3A_1728 = arith.constant 160 : i32
    %dma_start3A_1729 = arith.constant 0 : i32
    %dma_start3A_1730 = tpu.memref_slice %arg3[%dma_start3A_1728, %dma_start3A_1729] : memref<576x768xf32, #tpu.memory_space<hbm>> -> memref<32x768xf32, #tpu.memory_space<hbm>>
    tpu.enqueue_dma source(%dma_start3A_1730 : memref<32x768xf32, #tpu.memory_space<hbm>>) target(%dma_start3A_1727 : memref<32x768xf32, #tpu.memory_space<vmem>>) target_semaphore(%arg8 : memref<!tpu.dma_semaphore, #tpu.memory_space<semaphore_mem>>)
    %dma_wait3A_1731 = arith.constant 0 : i32
    %dma_wait3A_1732 = arith.constant 0 : i32
    %dma_wait3A_1733 = tpu.memref_slice %arg5[%dma_wait3A_1731, %dma_wait3A_1732] : memref<32x1536xf32, #tpu.memory_space<vmem>> -> memref<32x768xf32, #tpu.memory_space<vmem>>
    %dma_wait3A_1734 = arith.constant 128 : i32
    %dma_wait3A_1735 = arith.constant 0 : i32
    %dma_wait3A_1736 = tpu.memref_slice %arg2[%add3A_1628, %dma_wait3A_1734, %dma_wait3A_1735] : memref<64x576x768xf32, #tpu.memory_space<hbm>> -> memref<1x32x768xf32, #tpu.memory_space<hbm>>
    %dma_wait3A_1737 = tpu.memref_squeeze %dma_wait3A_1736 : memref<1x32x768xf32, #tpu.memory_space<hbm>> -> memref<32x768xf32, #tpu.memory_space<hbm>>
    %dma_wait3A_1738 = arith.constant 0 : i32
    %dma_wait3A_1739 = arith.constant 0 : i32
    %dma_wait3A_1740 = tpu.memref_slice %arg5[%dma_wait3A_1738, %dma_wait3A_1739] : memref<32x1536xf32, #tpu.memory_space<vmem>> -> memref<32x768xf32, #tpu.memory_space<vmem>>
    %dma_wait3A_1741 = arith.constant 128 : i32
    %dma_wait3A_1742 = arith.constant 0 : i32
    %dma_wait3A_1743 = tpu.memref_slice %arg2[%add3A_1628, %dma_wait3A_1741, %dma_wait3A_1742] : memref<64x576x768xf32, #tpu.memory_space<hbm>> -> memref<1x32x768xf32, #tpu.memory_space<hbm>>
    %dma_wait3A_1744 = tpu.memref_squeeze %dma_wait3A_1743 : memref<1x32x768xf32, #tpu.memory_space<hbm>> -> memref<32x768xf32, #tpu.memory_space<hbm>>
    tpu.wait_dma2 semaphore(%arg7 : memref<!tpu.dma_semaphore, #tpu.memory_space<semaphore_mem>>) src(%dma_wait3A_1744 : memref<32x768xf32, #tpu.memory_space<hbm>>) dst(%dma_wait3A_1740 : memref<32x768xf32, #tpu.memory_space<vmem>>)
    %dma_wait3A_1745 = arith.constant 0 : i32
    %dma_wait3A_1746 = arith.constant 768 : i32
    %dma_wait3A_1747 = tpu.memref_slice %arg5[%dma_wait3A_1745, %dma_wait3A_1746] : memref<32x1536xf32, #tpu.memory_space<vmem>> -> memref<32x768xf32, #tpu.memory_space<vmem>>
    %dma_wait3A_1748 = arith.constant 128 : i32
    %dma_wait3A_1749 = arith.constant 0 : i32
    %dma_wait3A_1750 = tpu.memref_slice %arg3[%dma_wait3A_1748, %dma_wait3A_1749] : memref<576x768xf32, #tpu.memory_space<hbm>> -> memref<32x768xf32, #tpu.memory_space<hbm>>
    %dma_wait3A_1751 = arith.constant 0 : i32
    %dma_wait3A_1752 = arith.constant 768 : i32
    %dma_wait3A_1753 = tpu.memref_slice %arg5[%dma_wait3A_1751, %dma_wait3A_1752] : memref<32x1536xf32, #tpu.memory_space<vmem>> -> memref<32x768xf32, #tpu.memory_space<vmem>>
    %dma_wait3A_1754 = arith.constant 128 : i32
    %dma_wait3A_1755 = arith.constant 0 : i32
    %dma_wait3A_1756 = tpu.memref_slice %arg3[%dma_wait3A_1754, %dma_wait3A_1755] : memref<576x768xf32, #tpu.memory_space<hbm>> -> memref<32x768xf32, #tpu.memory_space<hbm>>
    tpu.wait_dma2 semaphore(%arg7 : memref<!tpu.dma_semaphore, #tpu.memory_space<semaphore_mem>>) src(%dma_wait3A_1756 : memref<32x768xf32, #tpu.memory_space<hbm>>) dst(%dma_wait3A_1753 : memref<32x768xf32, #tpu.memory_space<vmem>>)
    %mul3A_1757 = arith.constant 2 : i32
    %mul3A_1758 = arith.muli %add3A, %mul3A_1757 : i32
    %add3A_1759 = arith.constant 1 : i32
    %add3A_1760 = arith.addi %mul3A_1758, %add3A_1759 : i32
    %dma_start3A_1761 = arith.constant 128 : i32
    %dma_start3A_1762 = arith.constant 0 : i32
    %dma_start3A_1763 = tpu.memref_slice %arg4[%add3A_1760, %dma_start3A_1761, %dma_start3A_1762] : memref<64x576x1536xf32, #tpu.memory_space<hbm>> -> memref<1x32x1536xf32, #tpu.memory_space<hbm>>
    %dma_start3A_1764 = tpu.memref_squeeze %dma_start3A_1763 : memref<1x32x1536xf32, #tpu.memory_space<hbm>> -> memref<32x1536xf32, #tpu.memory_space<hbm>>
    %dma_start3A_1765 = arith.constant 128 : i32
    %dma_start3A_1766 = arith.constant 0 : i32
    %dma_start3A_1767 = tpu.memref_slice %arg4[%add3A_1760, %dma_start3A_1765, %dma_start3A_1766] : memref<64x576x1536xf32, #tpu.memory_space<hbm>> -> memref<1x32x1536xf32, #tpu.memory_space<hbm>>
    %dma_start3A_1768 = tpu.memref_squeeze %dma_start3A_1767 : memref<1x32x1536xf32, #tpu.memory_space<hbm>> -> memref<32x1536xf32, #tpu.memory_space<hbm>>
    tpu.enqueue_dma source(%arg5 : memref<32x1536xf32, #tpu.memory_space<vmem>>) target(%dma_start3A_1768 : memref<32x1536xf32, #tpu.memory_space<hbm>>) target_semaphore(%arg9 : memref<!tpu.dma_semaphore, #tpu.memory_space<semaphore_mem>>)
    %dma_wait3A_1769 = arith.constant 128 : i32
    %dma_wait3A_1770 = arith.constant 0 : i32
    %dma_wait3A_1771 = tpu.memref_slice %arg4[%add3A_1760, %dma_wait3A_1769, %dma_wait3A_1770] : memref<64x576x1536xf32, #tpu.memory_space<hbm>> -> memref<1x32x1536xf32, #tpu.memory_space<hbm>>
    %dma_wait3A_1772 = tpu.memref_squeeze %dma_wait3A_1771 : memref<1x32x1536xf32, #tpu.memory_space<hbm>> -> memref<32x1536xf32, #tpu.memory_space<hbm>>
    %dma_wait3A_1773 = arith.constant 128 : i32
    %dma_wait3A_1774 = arith.constant 0 : i32
    %dma_wait3A_1775 = tpu.memref_slice %arg4[%add3A_1760, %dma_wait3A_1773, %dma_wait3A_1774] : memref<64x576x1536xf32, #tpu.memory_space<hbm>> -> memref<1x32x1536xf32, #tpu.memory_space<hbm>>
    %dma_wait3A_1776 = tpu.memref_squeeze %dma_wait3A_1775 : memref<1x32x1536xf32, #tpu.memory_space<hbm>> -> memref<32x1536xf32, #tpu.memory_space<hbm>>
    tpu.wait_dma2 semaphore(%arg9 : memref<!tpu.dma_semaphore, #tpu.memory_space<semaphore_mem>>) src(%arg5 : memref<32x1536xf32, #tpu.memory_space<vmem>>) dst(%dma_wait3A_1776 : memref<32x1536xf32, #tpu.memory_space<hbm>>)
    %mul3A_1777 = arith.constant 2 : i32
    %mul3A_1778 = arith.muli %add3A, %mul3A_1777 : i32
    %add3A_1779 = arith.constant 1 : i32
    %add3A_1780 = arith.addi %mul3A_1778, %add3A_1779 : i32
    %dma_start3A_1781 = arith.constant 0 : i32
    %dma_start3A_1782 = arith.constant 0 : i32
    %dma_start3A_1783 = tpu.memref_slice %arg5[%dma_start3A_1781, %dma_start3A_1782] : memref<32x1536xf32, #tpu.memory_space<vmem>> -> memref<32x768xf32, #tpu.memory_space<vmem>>
    %dma_start3A_1784 = arith.constant 192 : i32
    %dma_start3A_1785 = arith.constant 0 : i32
    %dma_start3A_1786 = tpu.memref_slice %arg2[%add3A_1780, %dma_start3A_1784, %dma_start3A_1785] : memref<64x576x768xf32, #tpu.memory_space<hbm>> -> memref<1x32x768xf32, #tpu.memory_space<hbm>>
    %dma_start3A_1787 = tpu.memref_squeeze %dma_start3A_1786 : memref<1x32x768xf32, #tpu.memory_space<hbm>> -> memref<32x768xf32, #tpu.memory_space<hbm>>
    %dma_start3A_1788 = arith.constant 0 : i32
    %dma_start3A_1789 = arith.constant 0 : i32
    %dma_start3A_1790 = tpu.memref_slice %arg5[%dma_start3A_1788, %dma_start3A_1789] : memref<32x1536xf32, #tpu.memory_space<vmem>> -> memref<32x768xf32, #tpu.memory_space<vmem>>
    %dma_start3A_1791 = arith.constant 192 : i32
    %dma_start3A_1792 = arith.constant 0 : i32
    %dma_start3A_1793 = tpu.memref_slice %arg2[%add3A_1780, %dma_start3A_1791, %dma_start3A_1792] : memref<64x576x768xf32, #tpu.memory_space<hbm>> -> memref<1x32x768xf32, #tpu.memory_space<hbm>>
    %dma_start3A_1794 = tpu.memref_squeeze %dma_start3A_1793 : memref<1x32x768xf32, #tpu.memory_space<hbm>> -> memref<32x768xf32, #tpu.memory_space<hbm>>
    tpu.enqueue_dma source(%dma_start3A_1794 : memref<32x768xf32, #tpu.memory_space<hbm>>) target(%dma_start3A_1790 : memref<32x768xf32, #tpu.memory_space<vmem>>) target_semaphore(%arg7 : memref<!tpu.dma_semaphore, #tpu.memory_space<semaphore_mem>>)
    %dma_start3A_1795 = arith.constant 0 : i32
    %dma_start3A_1796 = arith.constant 768 : i32
    %dma_start3A_1797 = tpu.memref_slice %arg5[%dma_start3A_1795, %dma_start3A_1796] : memref<32x1536xf32, #tpu.memory_space<vmem>> -> memref<32x768xf32, #tpu.memory_space<vmem>>
    %dma_start3A_1798 = arith.constant 192 : i32
    %dma_start3A_1799 = arith.constant 0 : i32
    %dma_start3A_1800 = tpu.memref_slice %arg3[%dma_start3A_1798, %dma_start3A_1799] : memref<576x768xf32, #tpu.memory_space<hbm>> -> memref<32x768xf32, #tpu.memory_space<hbm>>
    %dma_start3A_1801 = arith.constant 0 : i32
    %dma_start3A_1802 = arith.constant 768 : i32
    %dma_start3A_1803 = tpu.memref_slice %arg5[%dma_start3A_1801, %dma_start3A_1802] : memref<32x1536xf32, #tpu.memory_space<vmem>> -> memref<32x768xf32, #tpu.memory_space<vmem>>
    %dma_start3A_1804 = arith.constant 192 : i32
    %dma_start3A_1805 = arith.constant 0 : i32
    %dma_start3A_1806 = tpu.memref_slice %arg3[%dma_start3A_1804, %dma_start3A_1805] : memref<576x768xf32, #tpu.memory_space<hbm>> -> memref<32x768xf32, #tpu.memory_space<hbm>>
    tpu.enqueue_dma source(%dma_start3A_1806 : memref<32x768xf32, #tpu.memory_space<hbm>>) target(%dma_start3A_1803 : memref<32x768xf32, #tpu.memory_space<vmem>>) target_semaphore(%arg7 : memref<!tpu.dma_semaphore, #tpu.memory_space<semaphore_mem>>)
    %dma_wait3A_1807 = arith.constant 0 : i32
    %dma_wait3A_1808 = arith.constant 0 : i32
    %dma_wait3A_1809 = tpu.memref_slice %arg6[%dma_wait3A_1807, %dma_wait3A_1808] : memref<32x1536xf32, #tpu.memory_space<vmem>> -> memref<32x768xf32, #tpu.memory_space<vmem>>
    %dma_wait3A_1810 = arith.constant 160 : i32
    %dma_wait3A_1811 = arith.constant 0 : i32
    %dma_wait3A_1812 = tpu.memref_slice %arg2[%add3A_1704, %dma_wait3A_1810, %dma_wait3A_1811] : memref<64x576x768xf32, #tpu.memory_space<hbm>> -> memref<1x32x768xf32, #tpu.memory_space<hbm>>
    %dma_wait3A_1813 = tpu.memref_squeeze %dma_wait3A_1812 : memref<1x32x768xf32, #tpu.memory_space<hbm>> -> memref<32x768xf32, #tpu.memory_space<hbm>>
    %dma_wait3A_1814 = arith.constant 0 : i32
    %dma_wait3A_1815 = arith.constant 0 : i32
    %dma_wait3A_1816 = tpu.memref_slice %arg6[%dma_wait3A_1814, %dma_wait3A_1815] : memref<32x1536xf32, #tpu.memory_space<vmem>> -> memref<32x768xf32, #tpu.memory_space<vmem>>
    %dma_wait3A_1817 = arith.constant 160 : i32
    %dma_wait3A_1818 = arith.constant 0 : i32
    %dma_wait3A_1819 = tpu.memref_slice %arg2[%add3A_1704, %dma_wait3A_1817, %dma_wait3A_1818] : memref<64x576x768xf32, #tpu.memory_space<hbm>> -> memref<1x32x768xf32, #tpu.memory_space<hbm>>
    %dma_wait3A_1820 = tpu.memref_squeeze %dma_wait3A_1819 : memref<1x32x768xf32, #tpu.memory_space<hbm>> -> memref<32x768xf32, #tpu.memory_space<hbm>>
    tpu.wait_dma2 semaphore(%arg8 : memref<!tpu.dma_semaphore, #tpu.memory_space<semaphore_mem>>) src(%dma_wait3A_1820 : memref<32x768xf32, #tpu.memory_space<hbm>>) dst(%dma_wait3A_1816 : memref<32x768xf32, #tpu.memory_space<vmem>>)
    %dma_wait3A_1821 = arith.constant 0 : i32
    %dma_wait3A_1822 = arith.constant 768 : i32
    %dma_wait3A_1823 = tpu.memref_slice %arg6[%dma_wait3A_1821, %dma_wait3A_1822] : memref<32x1536xf32, #tpu.memory_space<vmem>> -> memref<32x768xf32, #tpu.memory_space<vmem>>
    %dma_wait3A_1824 = arith.constant 160 : i32
    %dma_wait3A_1825 = arith.constant 0 : i32
    %dma_wait3A_1826 = tpu.memref_slice %arg3[%dma_wait3A_1824, %dma_wait3A_1825] : memref<576x768xf32, #tpu.memory_space<hbm>> -> memref<32x768xf32, #tpu.memory_space<hbm>>
    %dma_wait3A_1827 = arith.constant 0 : i32
    %dma_wait3A_1828 = arith.constant 768 : i32
    %dma_wait3A_1829 = tpu.memref_slice %arg6[%dma_wait3A_1827, %dma_wait3A_1828] : memref<32x1536xf32, #tpu.memory_space<vmem>> -> memref<32x768xf32, #tpu.memory_space<vmem>>
    %dma_wait3A_1830 = arith.constant 160 : i32
    %dma_wait3A_1831 = arith.constant 0 : i32
    %dma_wait3A_1832 = tpu.memref_slice %arg3[%dma_wait3A_1830, %dma_wait3A_1831] : memref<576x768xf32, #tpu.memory_space<hbm>> -> memref<32x768xf32, #tpu.memory_space<hbm>>
    tpu.wait_dma2 semaphore(%arg8 : memref<!tpu.dma_semaphore, #tpu.memory_space<semaphore_mem>>) src(%dma_wait3A_1832 : memref<32x768xf32, #tpu.memory_space<hbm>>) dst(%dma_wait3A_1829 : memref<32x768xf32, #tpu.memory_space<vmem>>)
    %mul3A_1833 = arith.constant 2 : i32
    %mul3A_1834 = arith.muli %add3A, %mul3A_1833 : i32
    %add3A_1835 = arith.constant 1 : i32
    %add3A_1836 = arith.addi %mul3A_1834, %add3A_1835 : i32
    %dma_start3A_1837 = arith.constant 160 : i32
    %dma_start3A_1838 = arith.constant 0 : i32
    %dma_start3A_1839 = tpu.memref_slice %arg4[%add3A_1836, %dma_start3A_1837, %dma_start3A_1838] : memref<64x576x1536xf32, #tpu.memory_space<hbm>> -> memref<1x32x1536xf32, #tpu.memory_space<hbm>>
    %dma_start3A_1840 = tpu.memref_squeeze %dma_start3A_1839 : memref<1x32x1536xf32, #tpu.memory_space<hbm>> -> memref<32x1536xf32, #tpu.memory_space<hbm>>
    %dma_start3A_1841 = arith.constant 160 : i32
    %dma_start3A_1842 = arith.constant 0 : i32
    %dma_start3A_1843 = tpu.memref_slice %arg4[%add3A_1836, %dma_start3A_1841, %dma_start3A_1842] : memref<64x576x1536xf32, #tpu.memory_space<hbm>> -> memref<1x32x1536xf32, #tpu.memory_space<hbm>>
    %dma_start3A_1844 = tpu.memref_squeeze %dma_start3A_1843 : memref<1x32x1536xf32, #tpu.memory_space<hbm>> -> memref<32x1536xf32, #tpu.memory_space<hbm>>
    tpu.enqueue_dma source(%arg6 : memref<32x1536xf32, #tpu.memory_space<vmem>>) target(%dma_start3A_1844 : memref<32x1536xf32, #tpu.memory_space<hbm>>) target_semaphore(%arg10 : memref<!tpu.dma_semaphore, #tpu.memory_space<semaphore_mem>>)
    %dma_wait3A_1845 = arith.constant 160 : i32
    %dma_wait3A_1846 = arith.constant 0 : i32
    %dma_wait3A_1847 = tpu.memref_slice %arg4[%add3A_1836, %dma_wait3A_1845, %dma_wait3A_1846] : memref<64x576x1536xf32, #tpu.memory_space<hbm>> -> memref<1x32x1536xf32, #tpu.memory_space<hbm>>
    %dma_wait3A_1848 = tpu.memref_squeeze %dma_wait3A_1847 : memref<1x32x1536xf32, #tpu.memory_space<hbm>> -> memref<32x1536xf32, #tpu.memory_space<hbm>>
    %dma_wait3A_1849 = arith.constant 160 : i32
    %dma_wait3A_1850 = arith.constant 0 : i32
    %dma_wait3A_1851 = tpu.memref_slice %arg4[%add3A_1836, %dma_wait3A_1849, %dma_wait3A_1850] : memref<64x576x1536xf32, #tpu.memory_space<hbm>> -> memref<1x32x1536xf32, #tpu.memory_space<hbm>>
    %dma_wait3A_1852 = tpu.memref_squeeze %dma_wait3A_1851 : memref<1x32x1536xf32, #tpu.memory_space<hbm>> -> memref<32x1536xf32, #tpu.memory_space<hbm>>
    tpu.wait_dma2 semaphore(%arg10 : memref<!tpu.dma_semaphore, #tpu.memory_space<semaphore_mem>>) src(%arg6 : memref<32x1536xf32, #tpu.memory_space<vmem>>) dst(%dma_wait3A_1852 : memref<32x1536xf32, #tpu.memory_space<hbm>>)
    %mul3A_1853 = arith.constant 2 : i32
    %mul3A_1854 = arith.muli %add3A, %mul3A_1853 : i32
    %add3A_1855 = arith.constant 1 : i32
    %add3A_1856 = arith.addi %mul3A_1854, %add3A_1855 : i32
    %dma_start3A_1857 = arith.constant 0 : i32
    %dma_start3A_1858 = arith.constant 0 : i32
    %dma_start3A_1859 = tpu.memref_slice %arg6[%dma_start3A_1857, %dma_start3A_1858] : memref<32x1536xf32, #tpu.memory_space<vmem>> -> memref<32x768xf32, #tpu.memory_space<vmem>>
    %dma_start3A_1860 = arith.constant 224 : i32
    %dma_start3A_1861 = arith.constant 0 : i32
    %dma_start3A_1862 = tpu.memref_slice %arg2[%add3A_1856, %dma_start3A_1860, %dma_start3A_1861] : memref<64x576x768xf32, #tpu.memory_space<hbm>> -> memref<1x32x768xf32, #tpu.memory_space<hbm>>
    %dma_start3A_1863 = tpu.memref_squeeze %dma_start3A_1862 : memref<1x32x768xf32, #tpu.memory_space<hbm>> -> memref<32x768xf32, #tpu.memory_space<hbm>>
    %dma_start3A_1864 = arith.constant 0 : i32
    %dma_start3A_1865 = arith.constant 0 : i32
    %dma_start3A_1866 = tpu.memref_slice %arg6[%dma_start3A_1864, %dma_start3A_1865] : memref<32x1536xf32, #tpu.memory_space<vmem>> -> memref<32x768xf32, #tpu.memory_space<vmem>>
    %dma_start3A_1867 = arith.constant 224 : i32
    %dma_start3A_1868 = arith.constant 0 : i32
    %dma_start3A_1869 = tpu.memref_slice %arg2[%add3A_1856, %dma_start3A_1867, %dma_start3A_1868] : memref<64x576x768xf32, #tpu.memory_space<hbm>> -> memref<1x32x768xf32, #tpu.memory_space<hbm>>
    %dma_start3A_1870 = tpu.memref_squeeze %dma_start3A_1869 : memref<1x32x768xf32, #tpu.memory_space<hbm>> -> memref<32x768xf32, #tpu.memory_space<hbm>>
    tpu.enqueue_dma source(%dma_start3A_1870 : memref<32x768xf32, #tpu.memory_space<hbm>>) target(%dma_start3A_1866 : memref<32x768xf32, #tpu.memory_space<vmem>>) target_semaphore(%arg8 : memref<!tpu.dma_semaphore, #tpu.memory_space<semaphore_mem>>)
    %dma_start3A_1871 = arith.constant 0 : i32
    %dma_start3A_1872 = arith.constant 768 : i32
    %dma_start3A_1873 = tpu.memref_slice %arg6[%dma_start3A_1871, %dma_start3A_1872] : memref<32x1536xf32, #tpu.memory_space<vmem>> -> memref<32x768xf32, #tpu.memory_space<vmem>>
    %dma_start3A_1874 = arith.constant 224 : i32
    %dma_start3A_1875 = arith.constant 0 : i32
    %dma_start3A_1876 = tpu.memref_slice %arg3[%dma_start3A_1874, %dma_start3A_1875] : memref<576x768xf32, #tpu.memory_space<hbm>> -> memref<32x768xf32, #tpu.memory_space<hbm>>
    %dma_start3A_1877 = arith.constant 0 : i32
    %dma_start3A_1878 = arith.constant 768 : i32
    %dma_start3A_1879 = tpu.memref_slice %arg6[%dma_start3A_1877, %dma_start3A_1878] : memref<32x1536xf32, #tpu.memory_space<vmem>> -> memref<32x768xf32, #tpu.memory_space<vmem>>
    %dma_start3A_1880 = arith.constant 224 : i32
    %dma_start3A_1881 = arith.constant 0 : i32
    %dma_start3A_1882 = tpu.memref_slice %arg3[%dma_start3A_1880, %dma_start3A_1881] : memref<576x768xf32, #tpu.memory_space<hbm>> -> memref<32x768xf32, #tpu.memory_space<hbm>>
    tpu.enqueue_dma source(%dma_start3A_1882 : memref<32x768xf32, #tpu.memory_space<hbm>>) target(%dma_start3A_1879 : memref<32x768xf32, #tpu.memory_space<vmem>>) target_semaphore(%arg8 : memref<!tpu.dma_semaphore, #tpu.memory_space<semaphore_mem>>)
    %dma_wait3A_1883 = arith.constant 0 : i32
    %dma_wait3A_1884 = arith.constant 0 : i32
    %dma_wait3A_1885 = tpu.memref_slice %arg5[%dma_wait3A_1883, %dma_wait3A_1884] : memref<32x1536xf32, #tpu.memory_space<vmem>> -> memref<32x768xf32, #tpu.memory_space<vmem>>
    %dma_wait3A_1886 = arith.constant 192 : i32
    %dma_wait3A_1887 = arith.constant 0 : i32
    %dma_wait3A_1888 = tpu.memref_slice %arg2[%add3A_1780, %dma_wait3A_1886, %dma_wait3A_1887] : memref<64x576x768xf32, #tpu.memory_space<hbm>> -> memref<1x32x768xf32, #tpu.memory_space<hbm>>
    %dma_wait3A_1889 = tpu.memref_squeeze %dma_wait3A_1888 : memref<1x32x768xf32, #tpu.memory_space<hbm>> -> memref<32x768xf32, #tpu.memory_space<hbm>>
    %dma_wait3A_1890 = arith.constant 0 : i32
    %dma_wait3A_1891 = arith.constant 0 : i32
    %dma_wait3A_1892 = tpu.memref_slice %arg5[%dma_wait3A_1890, %dma_wait3A_1891] : memref<32x1536xf32, #tpu.memory_space<vmem>> -> memref<32x768xf32, #tpu.memory_space<vmem>>
    %dma_wait3A_1893 = arith.constant 192 : i32
    %dma_wait3A_1894 = arith.constant 0 : i32
    %dma_wait3A_1895 = tpu.memref_slice %arg2[%add3A_1780, %dma_wait3A_1893, %dma_wait3A_1894] : memref<64x576x768xf32, #tpu.memory_space<hbm>> -> memref<1x32x768xf32, #tpu.memory_space<hbm>>
    %dma_wait3A_1896 = tpu.memref_squeeze %dma_wait3A_1895 : memref<1x32x768xf32, #tpu.memory_space<hbm>> -> memref<32x768xf32, #tpu.memory_space<hbm>>
    tpu.wait_dma2 semaphore(%arg7 : memref<!tpu.dma_semaphore, #tpu.memory_space<semaphore_mem>>) src(%dma_wait3A_1896 : memref<32x768xf32, #tpu.memory_space<hbm>>) dst(%dma_wait3A_1892 : memref<32x768xf32, #tpu.memory_space<vmem>>)
    %dma_wait3A_1897 = arith.constant 0 : i32
    %dma_wait3A_1898 = arith.constant 768 : i32
    %dma_wait3A_1899 = tpu.memref_slice %arg5[%dma_wait3A_1897, %dma_wait3A_1898] : memref<32x1536xf32, #tpu.memory_space<vmem>> -> memref<32x768xf32, #tpu.memory_space<vmem>>
    %dma_wait3A_1900 = arith.constant 192 : i32
    %dma_wait3A_1901 = arith.constant 0 : i32
    %dma_wait3A_1902 = tpu.memref_slice %arg3[%dma_wait3A_1900, %dma_wait3A_1901] : memref<576x768xf32, #tpu.memory_space<hbm>> -> memref<32x768xf32, #tpu.memory_space<hbm>>
    %dma_wait3A_1903 = arith.constant 0 : i32
    %dma_wait3A_1904 = arith.constant 768 : i32
    %dma_wait3A_1905 = tpu.memref_slice %arg5[%dma_wait3A_1903, %dma_wait3A_1904] : memref<32x1536xf32, #tpu.memory_space<vmem>> -> memref<32x768xf32, #tpu.memory_space<vmem>>
    %dma_wait3A_1906 = arith.constant 192 : i32
    %dma_wait3A_1907 = arith.constant 0 : i32
    %dma_wait3A_1908 = tpu.memref_slice %arg3[%dma_wait3A_1906, %dma_wait3A_1907] : memref<576x768xf32, #tpu.memory_space<hbm>> -> memref<32x768xf32, #tpu.memory_space<hbm>>
    tpu.wait_dma2 semaphore(%arg7 : memref<!tpu.dma_semaphore, #tpu.memory_space<semaphore_mem>>) src(%dma_wait3A_1908 : memref<32x768xf32, #tpu.memory_space<hbm>>) dst(%dma_wait3A_1905 : memref<32x768xf32, #tpu.memory_space<vmem>>)
    %mul3A_1909 = arith.constant 2 : i32
    %mul3A_1910 = arith.muli %add3A, %mul3A_1909 : i32
    %add3A_1911 = arith.constant 1 : i32
    %add3A_1912 = arith.addi %mul3A_1910, %add3A_1911 : i32
    %dma_start3A_1913 = arith.constant 192 : i32
    %dma_start3A_1914 = arith.constant 0 : i32
    %dma_start3A_1915 = tpu.memref_slice %arg4[%add3A_1912, %dma_start3A_1913, %dma_start3A_1914] : memref<64x576x1536xf32, #tpu.memory_space<hbm>> -> memref<1x32x1536xf32, #tpu.memory_space<hbm>>
    %dma_start3A_1916 = tpu.memref_squeeze %dma_start3A_1915 : memref<1x32x1536xf32, #tpu.memory_space<hbm>> -> memref<32x1536xf32, #tpu.memory_space<hbm>>
    %dma_start3A_1917 = arith.constant 192 : i32
    %dma_start3A_1918 = arith.constant 0 : i32
    %dma_start3A_1919 = tpu.memref_slice %arg4[%add3A_1912, %dma_start3A_1917, %dma_start3A_1918] : memref<64x576x1536xf32, #tpu.memory_space<hbm>> -> memref<1x32x1536xf32, #tpu.memory_space<hbm>>
    %dma_start3A_1920 = tpu.memref_squeeze %dma_start3A_1919 : memref<1x32x1536xf32, #tpu.memory_space<hbm>> -> memref<32x1536xf32, #tpu.memory_space<hbm>>
    tpu.enqueue_dma source(%arg5 : memref<32x1536xf32, #tpu.memory_space<vmem>>) target(%dma_start3A_1920 : memref<32x1536xf32, #tpu.memory_space<hbm>>) target_semaphore(%arg9 : memref<!tpu.dma_semaphore, #tpu.memory_space<semaphore_mem>>)
    %dma_wait3A_1921 = arith.constant 192 : i32
    %dma_wait3A_1922 = arith.constant 0 : i32
    %dma_wait3A_1923 = tpu.memref_slice %arg4[%add3A_1912, %dma_wait3A_1921, %dma_wait3A_1922] : memref<64x576x1536xf32, #tpu.memory_space<hbm>> -> memref<1x32x1536xf32, #tpu.memory_space<hbm>>
    %dma_wait3A_1924 = tpu.memref_squeeze %dma_wait3A_1923 : memref<1x32x1536xf32, #tpu.memory_space<hbm>> -> memref<32x1536xf32, #tpu.memory_space<hbm>>
    %dma_wait3A_1925 = arith.constant 192 : i32
    %dma_wait3A_1926 = arith.constant 0 : i32
    %dma_wait3A_1927 = tpu.memref_slice %arg4[%add3A_1912, %dma_wait3A_1925, %dma_wait3A_1926] : memref<64x576x1536xf32, #tpu.memory_space<hbm>> -> memref<1x32x1536xf32, #tpu.memory_space<hbm>>
    %dma_wait3A_1928 = tpu.memref_squeeze %dma_wait3A_1927 : memref<1x32x1536xf32, #tpu.memory_space<hbm>> -> memref<32x1536xf32, #tpu.memory_space<hbm>>
    tpu.wait_dma2 semaphore(%arg9 : memref<!tpu.dma_semaphore, #tpu.memory_space<semaphore_mem>>) src(%arg5 : memref<32x1536xf32, #tpu.memory_space<vmem>>) dst(%dma_wait3A_1928 : memref<32x1536xf32, #tpu.memory_space<hbm>>)
    %mul3A_1929 = arith.constant 2 : i32
    %mul3A_1930 = arith.muli %add3A, %mul3A_1929 : i32
    %add3A_1931 = arith.constant 1 : i32
    %add3A_1932 = arith.addi %mul3A_1930, %add3A_1931 : i32
    %dma_start3A_1933 = arith.constant 0 : i32
    %dma_start3A_1934 = arith.constant 0 : i32
    %dma_start3A_1935 = tpu.memref_slice %arg5[%dma_start3A_1933, %dma_start3A_1934] : memref<32x1536xf32, #tpu.memory_space<vmem>> -> memref<32x768xf32, #tpu.memory_space<vmem>>
    %dma_start3A_1936 = arith.constant 256 : i32
    %dma_start3A_1937 = arith.constant 0 : i32
    %dma_start3A_1938 = tpu.memref_slice %arg2[%add3A_1932, %dma_start3A_1936, %dma_start3A_1937] : memref<64x576x768xf32, #tpu.memory_space<hbm>> -> memref<1x32x768xf32, #tpu.memory_space<hbm>>
    %dma_start3A_1939 = tpu.memref_squeeze %dma_start3A_1938 : memref<1x32x768xf32, #tpu.memory_space<hbm>> -> memref<32x768xf32, #tpu.memory_space<hbm>>
    %dma_start3A_1940 = arith.constant 0 : i32
    %dma_start3A_1941 = arith.constant 0 : i32
    %dma_start3A_1942 = tpu.memref_slice %arg5[%dma_start3A_1940, %dma_start3A_1941] : memref<32x1536xf32, #tpu.memory_space<vmem>> -> memref<32x768xf32, #tpu.memory_space<vmem>>
    %dma_start3A_1943 = arith.constant 256 : i32
    %dma_start3A_1944 = arith.constant 0 : i32
    %dma_start3A_1945 = tpu.memref_slice %arg2[%add3A_1932, %dma_start3A_1943, %dma_start3A_1944] : memref<64x576x768xf32, #tpu.memory_space<hbm>> -> memref<1x32x768xf32, #tpu.memory_space<hbm>>
    %dma_start3A_1946 = tpu.memref_squeeze %dma_start3A_1945 : memref<1x32x768xf32, #tpu.memory_space<hbm>> -> memref<32x768xf32, #tpu.memory_space<hbm>>
    tpu.enqueue_dma source(%dma_start3A_1946 : memref<32x768xf32, #tpu.memory_space<hbm>>) target(%dma_start3A_1942 : memref<32x768xf32, #tpu.memory_space<vmem>>) target_semaphore(%arg7 : memref<!tpu.dma_semaphore, #tpu.memory_space<semaphore_mem>>)
    %dma_start3A_1947 = arith.constant 0 : i32
    %dma_start3A_1948 = arith.constant 768 : i32
    %dma_start3A_1949 = tpu.memref_slice %arg5[%dma_start3A_1947, %dma_start3A_1948] : memref<32x1536xf32, #tpu.memory_space<vmem>> -> memref<32x768xf32, #tpu.memory_space<vmem>>
    %dma_start3A_1950 = arith.constant 256 : i32
    %dma_start3A_1951 = arith.constant 0 : i32
    %dma_start3A_1952 = tpu.memref_slice %arg3[%dma_start3A_1950, %dma_start3A_1951] : memref<576x768xf32, #tpu.memory_space<hbm>> -> memref<32x768xf32, #tpu.memory_space<hbm>>
    %dma_start3A_1953 = arith.constant 0 : i32
    %dma_start3A_1954 = arith.constant 768 : i32
    %dma_start3A_1955 = tpu.memref_slice %arg5[%dma_start3A_1953, %dma_start3A_1954] : memref<32x1536xf32, #tpu.memory_space<vmem>> -> memref<32x768xf32, #tpu.memory_space<vmem>>
    %dma_start3A_1956 = arith.constant 256 : i32
    %dma_start3A_1957 = arith.constant 0 : i32
    %dma_start3A_1958 = tpu.memref_slice %arg3[%dma_start3A_1956, %dma_start3A_1957] : memref<576x768xf32, #tpu.memory_space<hbm>> -> memref<32x768xf32, #tpu.memory_space<hbm>>
    tpu.enqueue_dma source(%dma_start3A_1958 : memref<32x768xf32, #tpu.memory_space<hbm>>) target(%dma_start3A_1955 : memref<32x768xf32, #tpu.memory_space<vmem>>) target_semaphore(%arg7 : memref<!tpu.dma_semaphore, #tpu.memory_space<semaphore_mem>>)
    %dma_wait3A_1959 = arith.constant 0 : i32
    %dma_wait3A_1960 = arith.constant 0 : i32
    %dma_wait3A_1961 = tpu.memref_slice %arg6[%dma_wait3A_1959, %dma_wait3A_1960] : memref<32x1536xf32, #tpu.memory_space<vmem>> -> memref<32x768xf32, #tpu.memory_space<vmem>>
    %dma_wait3A_1962 = arith.constant 224 : i32
    %dma_wait3A_1963 = arith.constant 0 : i32
    %dma_wait3A_1964 = tpu.memref_slice %arg2[%add3A_1856, %dma_wait3A_1962, %dma_wait3A_1963] : memref<64x576x768xf32, #tpu.memory_space<hbm>> -> memref<1x32x768xf32, #tpu.memory_space<hbm>>
    %dma_wait3A_1965 = tpu.memref_squeeze %dma_wait3A_1964 : memref<1x32x768xf32, #tpu.memory_space<hbm>> -> memref<32x768xf32, #tpu.memory_space<hbm>>
    %dma_wait3A_1966 = arith.constant 0 : i32
    %dma_wait3A_1967 = arith.constant 0 : i32
    %dma_wait3A_1968 = tpu.memref_slice %arg6[%dma_wait3A_1966, %dma_wait3A_1967] : memref<32x1536xf32, #tpu.memory_space<vmem>> -> memref<32x768xf32, #tpu.memory_space<vmem>>
    %dma_wait3A_1969 = arith.constant 224 : i32
    %dma_wait3A_1970 = arith.constant 0 : i32
    %dma_wait3A_1971 = tpu.memref_slice %arg2[%add3A_1856, %dma_wait3A_1969, %dma_wait3A_1970] : memref<64x576x768xf32, #tpu.memory_space<hbm>> -> memref<1x32x768xf32, #tpu.memory_space<hbm>>
    %dma_wait3A_1972 = tpu.memref_squeeze %dma_wait3A_1971 : memref<1x32x768xf32, #tpu.memory_space<hbm>> -> memref<32x768xf32, #tpu.memory_space<hbm>>
    tpu.wait_dma2 semaphore(%arg8 : memref<!tpu.dma_semaphore, #tpu.memory_space<semaphore_mem>>) src(%dma_wait3A_1972 : memref<32x768xf32, #tpu.memory_space<hbm>>) dst(%dma_wait3A_1968 : memref<32x768xf32, #tpu.memory_space<vmem>>)
    %dma_wait3A_1973 = arith.constant 0 : i32
    %dma_wait3A_1974 = arith.constant 768 : i32
    %dma_wait3A_1975 = tpu.memref_slice %arg6[%dma_wait3A_1973, %dma_wait3A_1974] : memref<32x1536xf32, #tpu.memory_space<vmem>> -> memref<32x768xf32, #tpu.memory_space<vmem>>
    %dma_wait3A_1976 = arith.constant 224 : i32
    %dma_wait3A_1977 = arith.constant 0 : i32
    %dma_wait3A_1978 = tpu.memref_slice %arg3[%dma_wait3A_1976, %dma_wait3A_1977] : memref<576x768xf32, #tpu.memory_space<hbm>> -> memref<32x768xf32, #tpu.memory_space<hbm>>
    %dma_wait3A_1979 = arith.constant 0 : i32
    %dma_wait3A_1980 = arith.constant 768 : i32
    %dma_wait3A_1981 = tpu.memref_slice %arg6[%dma_wait3A_1979, %dma_wait3A_1980] : memref<32x1536xf32, #tpu.memory_space<vmem>> -> memref<32x768xf32, #tpu.memory_space<vmem>>
    %dma_wait3A_1982 = arith.constant 224 : i32
    %dma_wait3A_1983 = arith.constant 0 : i32
    %dma_wait3A_1984 = tpu.memref_slice %arg3[%dma_wait3A_1982, %dma_wait3A_1983] : memref<576x768xf32, #tpu.memory_space<hbm>> -> memref<32x768xf32, #tpu.memory_space<hbm>>
    tpu.wait_dma2 semaphore(%arg8 : memref<!tpu.dma_semaphore, #tpu.memory_space<semaphore_mem>>) src(%dma_wait3A_1984 : memref<32x768xf32, #tpu.memory_space<hbm>>) dst(%dma_wait3A_1981 : memref<32x768xf32, #tpu.memory_space<vmem>>)
    %mul3A_1985 = arith.constant 2 : i32
    %mul3A_1986 = arith.muli %add3A, %mul3A_1985 : i32
    %add3A_1987 = arith.constant 1 : i32
    %add3A_1988 = arith.addi %mul3A_1986, %add3A_1987 : i32
    %dma_start3A_1989 = arith.constant 224 : i32
    %dma_start3A_1990 = arith.constant 0 : i32
    %dma_start3A_1991 = tpu.memref_slice %arg4[%add3A_1988, %dma_start3A_1989, %dma_start3A_1990] : memref<64x576x1536xf32, #tpu.memory_space<hbm>> -> memref<1x32x1536xf32, #tpu.memory_space<hbm>>
    %dma_start3A_1992 = tpu.memref_squeeze %dma_start3A_1991 : memref<1x32x1536xf32, #tpu.memory_space<hbm>> -> memref<32x1536xf32, #tpu.memory_space<hbm>>
    %dma_start3A_1993 = arith.constant 224 : i32
    %dma_start3A_1994 = arith.constant 0 : i32
    %dma_start3A_1995 = tpu.memref_slice %arg4[%add3A_1988, %dma_start3A_1993, %dma_start3A_1994] : memref<64x576x1536xf32, #tpu.memory_space<hbm>> -> memref<1x32x1536xf32, #tpu.memory_space<hbm>>
    %dma_start3A_1996 = tpu.memref_squeeze %dma_start3A_1995 : memref<1x32x1536xf32, #tpu.memory_space<hbm>> -> memref<32x1536xf32, #tpu.memory_space<hbm>>
    tpu.enqueue_dma source(%arg6 : memref<32x1536xf32, #tpu.memory_space<vmem>>) target(%dma_start3A_1996 : memref<32x1536xf32, #tpu.memory_space<hbm>>) target_semaphore(%arg10 : memref<!tpu.dma_semaphore, #tpu.memory_space<semaphore_mem>>)
    %dma_wait3A_1997 = arith.constant 224 : i32
    %dma_wait3A_1998 = arith.constant 0 : i32
    %dma_wait3A_1999 = tpu.memref_slice %arg4[%add3A_1988, %dma_wait3A_1997, %dma_wait3A_1998] : memref<64x576x1536xf32, #tpu.memory_space<hbm>> -> memref<1x32x1536xf32, #tpu.memory_space<hbm>>
    %dma_wait3A_2000 = tpu.memref_squeeze %dma_wait3A_1999 : memref<1x32x1536xf32, #tpu.memory_space<hbm>> -> memref<32x1536xf32, #tpu.memory_space<hbm>>
    %dma_wait3A_2001 = arith.constant 224 : i32
    %dma_wait3A_2002 = arith.constant 0 : i32
    %dma_wait3A_2003 = tpu.memref_slice %arg4[%add3A_1988, %dma_wait3A_2001, %dma_wait3A_2002] : memref<64x576x1536xf32, #tpu.memory_space<hbm>> -> memref<1x32x1536xf32, #tpu.memory_space<hbm>>
    %dma_wait3A_2004 = tpu.memref_squeeze %dma_wait3A_2003 : memref<1x32x1536xf32, #tpu.memory_space<hbm>> -> memref<32x1536xf32, #tpu.memory_space<hbm>>
    tpu.wait_dma2 semaphore(%arg10 : memref<!tpu.dma_semaphore, #tpu.memory_space<semaphore_mem>>) src(%arg6 : memref<32x1536xf32, #tpu.memory_space<vmem>>) dst(%dma_wait3A_2004 : memref<32x1536xf32, #tpu.memory_space<hbm>>)
    %mul3A_2005 = arith.constant 2 : i32
    %mul3A_2006 = arith.muli %add3A, %mul3A_2005 : i32
    %add3A_2007 = arith.constant 1 : i32
    %add3A_2008 = arith.addi %mul3A_2006, %add3A_2007 : i32
    %dma_start3A_2009 = arith.constant 0 : i32
    %dma_start3A_2010 = arith.constant 0 : i32
    %dma_start3A_2011 = tpu.memref_slice %arg6[%dma_start3A_2009, %dma_start3A_2010] : memref<32x1536xf32, #tpu.memory_space<vmem>> -> memref<32x768xf32, #tpu.memory_space<vmem>>
    %dma_start3A_2012 = arith.constant 288 : i32
    %dma_start3A_2013 = arith.constant 0 : i32
    %dma_start3A_2014 = tpu.memref_slice %arg2[%add3A_2008, %dma_start3A_2012, %dma_start3A_2013] : memref<64x576x768xf32, #tpu.memory_space<hbm>> -> memref<1x32x768xf32, #tpu.memory_space<hbm>>
    %dma_start3A_2015 = tpu.memref_squeeze %dma_start3A_2014 : memref<1x32x768xf32, #tpu.memory_space<hbm>> -> memref<32x768xf32, #tpu.memory_space<hbm>>
    %dma_start3A_2016 = arith.constant 0 : i32
    %dma_start3A_2017 = arith.constant 0 : i32
    %dma_start3A_2018 = tpu.memref_slice %arg6[%dma_start3A_2016, %dma_start3A_2017] : memref<32x1536xf32, #tpu.memory_space<vmem>> -> memref<32x768xf32, #tpu.memory_space<vmem>>
    %dma_start3A_2019 = arith.constant 288 : i32
    %dma_start3A_2020 = arith.constant 0 : i32
    %dma_start3A_2021 = tpu.memref_slice %arg2[%add3A_2008, %dma_start3A_2019, %dma_start3A_2020] : memref<64x576x768xf32, #tpu.memory_space<hbm>> -> memref<1x32x768xf32, #tpu.memory_space<hbm>>
    %dma_start3A_2022 = tpu.memref_squeeze %dma_start3A_2021 : memref<1x32x768xf32, #tpu.memory_space<hbm>> -> memref<32x768xf32, #tpu.memory_space<hbm>>
    tpu.enqueue_dma source(%dma_start3A_2022 : memref<32x768xf32, #tpu.memory_space<hbm>>) target(%dma_start3A_2018 : memref<32x768xf32, #tpu.memory_space<vmem>>) target_semaphore(%arg8 : memref<!tpu.dma_semaphore, #tpu.memory_space<semaphore_mem>>)
    %dma_start3A_2023 = arith.constant 0 : i32
    %dma_start3A_2024 = arith.constant 768 : i32
    %dma_start3A_2025 = tpu.memref_slice %arg6[%dma_start3A_2023, %dma_start3A_2024] : memref<32x1536xf32, #tpu.memory_space<vmem>> -> memref<32x768xf32, #tpu.memory_space<vmem>>
    %dma_start3A_2026 = arith.constant 288 : i32
    %dma_start3A_2027 = arith.constant 0 : i32
    %dma_start3A_2028 = tpu.memref_slice %arg3[%dma_start3A_2026, %dma_start3A_2027] : memref<576x768xf32, #tpu.memory_space<hbm>> -> memref<32x768xf32, #tpu.memory_space<hbm>>
    %dma_start3A_2029 = arith.constant 0 : i32
    %dma_start3A_2030 = arith.constant 768 : i32
    %dma_start3A_2031 = tpu.memref_slice %arg6[%dma_start3A_2029, %dma_start3A_2030] : memref<32x1536xf32, #tpu.memory_space<vmem>> -> memref<32x768xf32, #tpu.memory_space<vmem>>
    %dma_start3A_2032 = arith.constant 288 : i32
    %dma_start3A_2033 = arith.constant 0 : i32
    %dma_start3A_2034 = tpu.memref_slice %arg3[%dma_start3A_2032, %dma_start3A_2033] : memref<576x768xf32, #tpu.memory_space<hbm>> -> memref<32x768xf32, #tpu.memory_space<hbm>>
    tpu.enqueue_dma source(%dma_start3A_2034 : memref<32x768xf32, #tpu.memory_space<hbm>>) target(%dma_start3A_2031 : memref<32x768xf32, #tpu.memory_space<vmem>>) target_semaphore(%arg8 : memref<!tpu.dma_semaphore, #tpu.memory_space<semaphore_mem>>)
    %dma_wait3A_2035 = arith.constant 0 : i32
    %dma_wait3A_2036 = arith.constant 0 : i32
    %dma_wait3A_2037 = tpu.memref_slice %arg5[%dma_wait3A_2035, %dma_wait3A_2036] : memref<32x1536xf32, #tpu.memory_space<vmem>> -> memref<32x768xf32, #tpu.memory_space<vmem>>
    %dma_wait3A_2038 = arith.constant 256 : i32
    %dma_wait3A_2039 = arith.constant 0 : i32
    %dma_wait3A_2040 = tpu.memref_slice %arg2[%add3A_1932, %dma_wait3A_2038, %dma_wait3A_2039] : memref<64x576x768xf32, #tpu.memory_space<hbm>> -> memref<1x32x768xf32, #tpu.memory_space<hbm>>
    %dma_wait3A_2041 = tpu.memref_squeeze %dma_wait3A_2040 : memref<1x32x768xf32, #tpu.memory_space<hbm>> -> memref<32x768xf32, #tpu.memory_space<hbm>>
    %dma_wait3A_2042 = arith.constant 0 : i32
    %dma_wait3A_2043 = arith.constant 0 : i32
    %dma_wait3A_2044 = tpu.memref_slice %arg5[%dma_wait3A_2042, %dma_wait3A_2043] : memref<32x1536xf32, #tpu.memory_space<vmem>> -> memref<32x768xf32, #tpu.memory_space<vmem>>
    %dma_wait3A_2045 = arith.constant 256 : i32
    %dma_wait3A_2046 = arith.constant 0 : i32
    %dma_wait3A_2047 = tpu.memref_slice %arg2[%add3A_1932, %dma_wait3A_2045, %dma_wait3A_2046] : memref<64x576x768xf32, #tpu.memory_space<hbm>> -> memref<1x32x768xf32, #tpu.memory_space<hbm>>
    %dma_wait3A_2048 = tpu.memref_squeeze %dma_wait3A_2047 : memref<1x32x768xf32, #tpu.memory_space<hbm>> -> memref<32x768xf32, #tpu.memory_space<hbm>>
    tpu.wait_dma2 semaphore(%arg7 : memref<!tpu.dma_semaphore, #tpu.memory_space<semaphore_mem>>) src(%dma_wait3A_2048 : memref<32x768xf32, #tpu.memory_space<hbm>>) dst(%dma_wait3A_2044 : memref<32x768xf32, #tpu.memory_space<vmem>>)
    %dma_wait3A_2049 = arith.constant 0 : i32
    %dma_wait3A_2050 = arith.constant 768 : i32
    %dma_wait3A_2051 = tpu.memref_slice %arg5[%dma_wait3A_2049, %dma_wait3A_2050] : memref<32x1536xf32, #tpu.memory_space<vmem>> -> memref<32x768xf32, #tpu.memory_space<vmem>>
    %dma_wait3A_2052 = arith.constant 256 : i32
    %dma_wait3A_2053 = arith.constant 0 : i32
    %dma_wait3A_2054 = tpu.memref_slice %arg3[%dma_wait3A_2052, %dma_wait3A_2053] : memref<576x768xf32, #tpu.memory_space<hbm>> -> memref<32x768xf32, #tpu.memory_space<hbm>>
    %dma_wait3A_2055 = arith.constant 0 : i32
    %dma_wait3A_2056 = arith.constant 768 : i32
    %dma_wait3A_2057 = tpu.memref_slice %arg5[%dma_wait3A_2055, %dma_wait3A_2056] : memref<32x1536xf32, #tpu.memory_space<vmem>> -> memref<32x768xf32, #tpu.memory_space<vmem>>
    %dma_wait3A_2058 = arith.constant 256 : i32
    %dma_wait3A_2059 = arith.constant 0 : i32
    %dma_wait3A_2060 = tpu.memref_slice %arg3[%dma_wait3A_2058, %dma_wait3A_2059] : memref<576x768xf32, #tpu.memory_space<hbm>> -> memref<32x768xf32, #tpu.memory_space<hbm>>
    tpu.wait_dma2 semaphore(%arg7 : memref<!tpu.dma_semaphore, #tpu.memory_space<semaphore_mem>>) src(%dma_wait3A_2060 : memref<32x768xf32, #tpu.memory_space<hbm>>) dst(%dma_wait3A_2057 : memref<32x768xf32, #tpu.memory_space<vmem>>)
    %mul3A_2061 = arith.constant 2 : i32
    %mul3A_2062 = arith.muli %add3A, %mul3A_2061 : i32
    %add3A_2063 = arith.constant 1 : i32
    %add3A_2064 = arith.addi %mul3A_2062, %add3A_2063 : i32
    %dma_start3A_2065 = arith.constant 256 : i32
    %dma_start3A_2066 = arith.constant 0 : i32
    %dma_start3A_2067 = tpu.memref_slice %arg4[%add3A_2064, %dma_start3A_2065, %dma_start3A_2066] : memref<64x576x1536xf32, #tpu.memory_space<hbm>> -> memref<1x32x1536xf32, #tpu.memory_space<hbm>>
    %dma_start3A_2068 = tpu.memref_squeeze %dma_start3A_2067 : memref<1x32x1536xf32, #tpu.memory_space<hbm>> -> memref<32x1536xf32, #tpu.memory_space<hbm>>
    %dma_start3A_2069 = arith.constant 256 : i32
    %dma_start3A_2070 = arith.constant 0 : i32
    %dma_start3A_2071 = tpu.memref_slice %arg4[%add3A_2064, %dma_start3A_2069, %dma_start3A_2070] : memref<64x576x1536xf32, #tpu.memory_space<hbm>> -> memref<1x32x1536xf32, #tpu.memory_space<hbm>>
    %dma_start3A_2072 = tpu.memref_squeeze %dma_start3A_2071 : memref<1x32x1536xf32, #tpu.memory_space<hbm>> -> memref<32x1536xf32, #tpu.memory_space<hbm>>
    tpu.enqueue_dma source(%arg5 : memref<32x1536xf32, #tpu.memory_space<vmem>>) target(%dma_start3A_2072 : memref<32x1536xf32, #tpu.memory_space<hbm>>) target_semaphore(%arg9 : memref<!tpu.dma_semaphore, #tpu.memory_space<semaphore_mem>>)
    %dma_wait3A_2073 = arith.constant 256 : i32
    %dma_wait3A_2074 = arith.constant 0 : i32
    %dma_wait3A_2075 = tpu.memref_slice %arg4[%add3A_2064, %dma_wait3A_2073, %dma_wait3A_2074] : memref<64x576x1536xf32, #tpu.memory_space<hbm>> -> memref<1x32x1536xf32, #tpu.memory_space<hbm>>
    %dma_wait3A_2076 = tpu.memref_squeeze %dma_wait3A_2075 : memref<1x32x1536xf32, #tpu.memory_space<hbm>> -> memref<32x1536xf32, #tpu.memory_space<hbm>>
    %dma_wait3A_2077 = arith.constant 256 : i32
    %dma_wait3A_2078 = arith.constant 0 : i32
    %dma_wait3A_2079 = tpu.memref_slice %arg4[%add3A_2064, %dma_wait3A_2077, %dma_wait3A_2078] : memref<64x576x1536xf32, #tpu.memory_space<hbm>> -> memref<1x32x1536xf32, #tpu.memory_space<hbm>>
    %dma_wait3A_2080 = tpu.memref_squeeze %dma_wait3A_2079 : memref<1x32x1536xf32, #tpu.memory_space<hbm>> -> memref<32x1536xf32, #tpu.memory_space<hbm>>
    tpu.wait_dma2 semaphore(%arg9 : memref<!tpu.dma_semaphore, #tpu.memory_space<semaphore_mem>>) src(%arg5 : memref<32x1536xf32, #tpu.memory_space<vmem>>) dst(%dma_wait3A_2080 : memref<32x1536xf32, #tpu.memory_space<hbm>>)
    %mul3A_2081 = arith.constant 2 : i32
    %mul3A_2082 = arith.muli %add3A, %mul3A_2081 : i32
    %add3A_2083 = arith.constant 1 : i32
    %add3A_2084 = arith.addi %mul3A_2082, %add3A_2083 : i32
    %dma_start3A_2085 = arith.constant 0 : i32
    %dma_start3A_2086 = arith.constant 0 : i32
    %dma_start3A_2087 = tpu.memref_slice %arg5[%dma_start3A_2085, %dma_start3A_2086] : memref<32x1536xf32, #tpu.memory_space<vmem>> -> memref<32x768xf32, #tpu.memory_space<vmem>>
    %dma_start3A_2088 = arith.constant 320 : i32
    %dma_start3A_2089 = arith.constant 0 : i32
    %dma_start3A_2090 = tpu.memref_slice %arg2[%add3A_2084, %dma_start3A_2088, %dma_start3A_2089] : memref<64x576x768xf32, #tpu.memory_space<hbm>> -> memref<1x32x768xf32, #tpu.memory_space<hbm>>
    %dma_start3A_2091 = tpu.memref_squeeze %dma_start3A_2090 : memref<1x32x768xf32, #tpu.memory_space<hbm>> -> memref<32x768xf32, #tpu.memory_space<hbm>>
    %dma_start3A_2092 = arith.constant 0 : i32
    %dma_start3A_2093 = arith.constant 0 : i32
    %dma_start3A_2094 = tpu.memref_slice %arg5[%dma_start3A_2092, %dma_start3A_2093] : memref<32x1536xf32, #tpu.memory_space<vmem>> -> memref<32x768xf32, #tpu.memory_space<vmem>>
    %dma_start3A_2095 = arith.constant 320 : i32
    %dma_start3A_2096 = arith.constant 0 : i32
    %dma_start3A_2097 = tpu.memref_slice %arg2[%add3A_2084, %dma_start3A_2095, %dma_start3A_2096] : memref<64x576x768xf32, #tpu.memory_space<hbm>> -> memref<1x32x768xf32, #tpu.memory_space<hbm>>
    %dma_start3A_2098 = tpu.memref_squeeze %dma_start3A_2097 : memref<1x32x768xf32, #tpu.memory_space<hbm>> -> memref<32x768xf32, #tpu.memory_space<hbm>>
    tpu.enqueue_dma source(%dma_start3A_2098 : memref<32x768xf32, #tpu.memory_space<hbm>>) target(%dma_start3A_2094 : memref<32x768xf32, #tpu.memory_space<vmem>>) target_semaphore(%arg7 : memref<!tpu.dma_semaphore, #tpu.memory_space<semaphore_mem>>)
    %dma_start3A_2099 = arith.constant 0 : i32
    %dma_start3A_2100 = arith.constant 768 : i32
    %dma_start3A_2101 = tpu.memref_slice %arg5[%dma_start3A_2099, %dma_start3A_2100] : memref<32x1536xf32, #tpu.memory_space<vmem>> -> memref<32x768xf32, #tpu.memory_space<vmem>>
    %dma_start3A_2102 = arith.constant 320 : i32
    %dma_start3A_2103 = arith.constant 0 : i32
    %dma_start3A_2104 = tpu.memref_slice %arg3[%dma_start3A_2102, %dma_start3A_2103] : memref<576x768xf32, #tpu.memory_space<hbm>> -> memref<32x768xf32, #tpu.memory_space<hbm>>
    %dma_start3A_2105 = arith.constant 0 : i32
    %dma_start3A_2106 = arith.constant 768 : i32
    %dma_start3A_2107 = tpu.memref_slice %arg5[%dma_start3A_2105, %dma_start3A_2106] : memref<32x1536xf32, #tpu.memory_space<vmem>> -> memref<32x768xf32, #tpu.memory_space<vmem>>
    %dma_start3A_2108 = arith.constant 320 : i32
    %dma_start3A_2109 = arith.constant 0 : i32
    %dma_start3A_2110 = tpu.memref_slice %arg3[%dma_start3A_2108, %dma_start3A_2109] : memref<576x768xf32, #tpu.memory_space<hbm>> -> memref<32x768xf32, #tpu.memory_space<hbm>>
    tpu.enqueue_dma source(%dma_start3A_2110 : memref<32x768xf32, #tpu.memory_space<hbm>>) target(%dma_start3A_2107 : memref<32x768xf32, #tpu.memory_space<vmem>>) target_semaphore(%arg7 : memref<!tpu.dma_semaphore, #tpu.memory_space<semaphore_mem>>)
    %dma_wait3A_2111 = arith.constant 0 : i32
    %dma_wait3A_2112 = arith.constant 0 : i32
    %dma_wait3A_2113 = tpu.memref_slice %arg6[%dma_wait3A_2111, %dma_wait3A_2112] : memref<32x1536xf32, #tpu.memory_space<vmem>> -> memref<32x768xf32, #tpu.memory_space<vmem>>
    %dma_wait3A_2114 = arith.constant 288 : i32
    %dma_wait3A_2115 = arith.constant 0 : i32
    %dma_wait3A_2116 = tpu.memref_slice %arg2[%add3A_2008, %dma_wait3A_2114, %dma_wait3A_2115] : memref<64x576x768xf32, #tpu.memory_space<hbm>> -> memref<1x32x768xf32, #tpu.memory_space<hbm>>
    %dma_wait3A_2117 = tpu.memref_squeeze %dma_wait3A_2116 : memref<1x32x768xf32, #tpu.memory_space<hbm>> -> memref<32x768xf32, #tpu.memory_space<hbm>>
    %dma_wait3A_2118 = arith.constant 0 : i32
    %dma_wait3A_2119 = arith.constant 0 : i32
    %dma_wait3A_2120 = tpu.memref_slice %arg6[%dma_wait3A_2118, %dma_wait3A_2119] : memref<32x1536xf32, #tpu.memory_space<vmem>> -> memref<32x768xf32, #tpu.memory_space<vmem>>
    %dma_wait3A_2121 = arith.constant 288 : i32
    %dma_wait3A_2122 = arith.constant 0 : i32
    %dma_wait3A_2123 = tpu.memref_slice %arg2[%add3A_2008, %dma_wait3A_2121, %dma_wait3A_2122] : memref<64x576x768xf32, #tpu.memory_space<hbm>> -> memref<1x32x768xf32, #tpu.memory_space<hbm>>
    %dma_wait3A_2124 = tpu.memref_squeeze %dma_wait3A_2123 : memref<1x32x768xf32, #tpu.memory_space<hbm>> -> memref<32x768xf32, #tpu.memory_space<hbm>>
    tpu.wait_dma2 semaphore(%arg8 : memref<!tpu.dma_semaphore, #tpu.memory_space<semaphore_mem>>) src(%dma_wait3A_2124 : memref<32x768xf32, #tpu.memory_space<hbm>>) dst(%dma_wait3A_2120 : memref<32x768xf32, #tpu.memory_space<vmem>>)
    %dma_wait3A_2125 = arith.constant 0 : i32
    %dma_wait3A_2126 = arith.constant 768 : i32
    %dma_wait3A_2127 = tpu.memref_slice %arg6[%dma_wait3A_2125, %dma_wait3A_2126] : memref<32x1536xf32, #tpu.memory_space<vmem>> -> memref<32x768xf32, #tpu.memory_space<vmem>>
    %dma_wait3A_2128 = arith.constant 288 : i32
    %dma_wait3A_2129 = arith.constant 0 : i32
    %dma_wait3A_2130 = tpu.memref_slice %arg3[%dma_wait3A_2128, %dma_wait3A_2129] : memref<576x768xf32, #tpu.memory_space<hbm>> -> memref<32x768xf32, #tpu.memory_space<hbm>>
    %dma_wait3A_2131 = arith.constant 0 : i32
    %dma_wait3A_2132 = arith.constant 768 : i32
    %dma_wait3A_2133 = tpu.memref_slice %arg6[%dma_wait3A_2131, %dma_wait3A_2132] : memref<32x1536xf32, #tpu.memory_space<vmem>> -> memref<32x768xf32, #tpu.memory_space<vmem>>
    %dma_wait3A_2134 = arith.constant 288 : i32
    %dma_wait3A_2135 = arith.constant 0 : i32
    %dma_wait3A_2136 = tpu.memref_slice %arg3[%dma_wait3A_2134, %dma_wait3A_2135] : memref<576x768xf32, #tpu.memory_space<hbm>> -> memref<32x768xf32, #tpu.memory_space<hbm>>
    tpu.wait_dma2 semaphore(%arg8 : memref<!tpu.dma_semaphore, #tpu.memory_space<semaphore_mem>>) src(%dma_wait3A_2136 : memref<32x768xf32, #tpu.memory_space<hbm>>) dst(%dma_wait3A_2133 : memref<32x768xf32, #tpu.memory_space<vmem>>)
    %mul3A_2137 = arith.constant 2 : i32
    %mul3A_2138 = arith.muli %add3A, %mul3A_2137 : i32
    %add3A_2139 = arith.constant 1 : i32
    %add3A_2140 = arith.addi %mul3A_2138, %add3A_2139 : i32
    %dma_start3A_2141 = arith.constant 288 : i32
    %dma_start3A_2142 = arith.constant 0 : i32
    %dma_start3A_2143 = tpu.memref_slice %arg4[%add3A_2140, %dma_start3A_2141, %dma_start3A_2142] : memref<64x576x1536xf32, #tpu.memory_space<hbm>> -> memref<1x32x1536xf32, #tpu.memory_space<hbm>>
    %dma_start3A_2144 = tpu.memref_squeeze %dma_start3A_2143 : memref<1x32x1536xf32, #tpu.memory_space<hbm>> -> memref<32x1536xf32, #tpu.memory_space<hbm>>
    %dma_start3A_2145 = arith.constant 288 : i32
    %dma_start3A_2146 = arith.constant 0 : i32
    %dma_start3A_2147 = tpu.memref_slice %arg4[%add3A_2140, %dma_start3A_2145, %dma_start3A_2146] : memref<64x576x1536xf32, #tpu.memory_space<hbm>> -> memref<1x32x1536xf32, #tpu.memory_space<hbm>>
    %dma_start3A_2148 = tpu.memref_squeeze %dma_start3A_2147 : memref<1x32x1536xf32, #tpu.memory_space<hbm>> -> memref<32x1536xf32, #tpu.memory_space<hbm>>
    tpu.enqueue_dma source(%arg6 : memref<32x1536xf32, #tpu.memory_space<vmem>>) target(%dma_start3A_2148 : memref<32x1536xf32, #tpu.memory_space<hbm>>) target_semaphore(%arg10 : memref<!tpu.dma_semaphore, #tpu.memory_space<semaphore_mem>>)
    %dma_wait3A_2149 = arith.constant 288 : i32
    %dma_wait3A_2150 = arith.constant 0 : i32
    %dma_wait3A_2151 = tpu.memref_slice %arg4[%add3A_2140, %dma_wait3A_2149, %dma_wait3A_2150] : memref<64x576x1536xf32, #tpu.memory_space<hbm>> -> memref<1x32x1536xf32, #tpu.memory_space<hbm>>
    %dma_wait3A_2152 = tpu.memref_squeeze %dma_wait3A_2151 : memref<1x32x1536xf32, #tpu.memory_space<hbm>> -> memref<32x1536xf32, #tpu.memory_space<hbm>>
    %dma_wait3A_2153 = arith.constant 288 : i32
    %dma_wait3A_2154 = arith.constant 0 : i32
    %dma_wait3A_2155 = tpu.memref_slice %arg4[%add3A_2140, %dma_wait3A_2153, %dma_wait3A_2154] : memref<64x576x1536xf32, #tpu.memory_space<hbm>> -> memref<1x32x1536xf32, #tpu.memory_space<hbm>>
    %dma_wait3A_2156 = tpu.memref_squeeze %dma_wait3A_2155 : memref<1x32x1536xf32, #tpu.memory_space<hbm>> -> memref<32x1536xf32, #tpu.memory_space<hbm>>
    tpu.wait_dma2 semaphore(%arg10 : memref<!tpu.dma_semaphore, #tpu.memory_space<semaphore_mem>>) src(%arg6 : memref<32x1536xf32, #tpu.memory_space<vmem>>) dst(%dma_wait3A_2156 : memref<32x1536xf32, #tpu.memory_space<hbm>>)
    %mul3A_2157 = arith.constant 2 : i32
    %mul3A_2158 = arith.muli %add3A, %mul3A_2157 : i32
    %add3A_2159 = arith.constant 1 : i32
    %add3A_2160 = arith.addi %mul3A_2158, %add3A_2159 : i32
    %dma_start3A_2161 = arith.constant 0 : i32
    %dma_start3A_2162 = arith.constant 0 : i32
    %dma_start3A_2163 = tpu.memref_slice %arg6[%dma_start3A_2161, %dma_start3A_2162] : memref<32x1536xf32, #tpu.memory_space<vmem>> -> memref<32x768xf32, #tpu.memory_space<vmem>>
    %dma_start3A_2164 = arith.constant 352 : i32
    %dma_start3A_2165 = arith.constant 0 : i32
    %dma_start3A_2166 = tpu.memref_slice %arg2[%add3A_2160, %dma_start3A_2164, %dma_start3A_2165] : memref<64x576x768xf32, #tpu.memory_space<hbm>> -> memref<1x32x768xf32, #tpu.memory_space<hbm>>
    %dma_start3A_2167 = tpu.memref_squeeze %dma_start3A_2166 : memref<1x32x768xf32, #tpu.memory_space<hbm>> -> memref<32x768xf32, #tpu.memory_space<hbm>>
    %dma_start3A_2168 = arith.constant 0 : i32
    %dma_start3A_2169 = arith.constant 0 : i32
    %dma_start3A_2170 = tpu.memref_slice %arg6[%dma_start3A_2168, %dma_start3A_2169] : memref<32x1536xf32, #tpu.memory_space<vmem>> -> memref<32x768xf32, #tpu.memory_space<vmem>>
    %dma_start3A_2171 = arith.constant 352 : i32
    %dma_start3A_2172 = arith.constant 0 : i32
    %dma_start3A_2173 = tpu.memref_slice %arg2[%add3A_2160, %dma_start3A_2171, %dma_start3A_2172] : memref<64x576x768xf32, #tpu.memory_space<hbm>> -> memref<1x32x768xf32, #tpu.memory_space<hbm>>
    %dma_start3A_2174 = tpu.memref_squeeze %dma_start3A_2173 : memref<1x32x768xf32, #tpu.memory_space<hbm>> -> memref<32x768xf32, #tpu.memory_space<hbm>>
    tpu.enqueue_dma source(%dma_start3A_2174 : memref<32x768xf32, #tpu.memory_space<hbm>>) target(%dma_start3A_2170 : memref<32x768xf32, #tpu.memory_space<vmem>>) target_semaphore(%arg8 : memref<!tpu.dma_semaphore, #tpu.memory_space<semaphore_mem>>)
    %dma_start3A_2175 = arith.constant 0 : i32
    %dma_start3A_2176 = arith.constant 768 : i32
    %dma_start3A_2177 = tpu.memref_slice %arg6[%dma_start3A_2175, %dma_start3A_2176] : memref<32x1536xf32, #tpu.memory_space<vmem>> -> memref<32x768xf32, #tpu.memory_space<vmem>>
    %dma_start3A_2178 = arith.constant 352 : i32
    %dma_start3A_2179 = arith.constant 0 : i32
    %dma_start3A_2180 = tpu.memref_slice %arg3[%dma_start3A_2178, %dma_start3A_2179] : memref<576x768xf32, #tpu.memory_space<hbm>> -> memref<32x768xf32, #tpu.memory_space<hbm>>
    %dma_start3A_2181 = arith.constant 0 : i32
    %dma_start3A_2182 = arith.constant 768 : i32
    %dma_start3A_2183 = tpu.memref_slice %arg6[%dma_start3A_2181, %dma_start3A_2182] : memref<32x1536xf32, #tpu.memory_space<vmem>> -> memref<32x768xf32, #tpu.memory_space<vmem>>
    %dma_start3A_2184 = arith.constant 352 : i32
    %dma_start3A_2185 = arith.constant 0 : i32
    %dma_start3A_2186 = tpu.memref_slice %arg3[%dma_start3A_2184, %dma_start3A_2185] : memref<576x768xf32, #tpu.memory_space<hbm>> -> memref<32x768xf32, #tpu.memory_space<hbm>>
    tpu.enqueue_dma source(%dma_start3A_2186 : memref<32x768xf32, #tpu.memory_space<hbm>>) target(%dma_start3A_2183 : memref<32x768xf32, #tpu.memory_space<vmem>>) target_semaphore(%arg8 : memref<!tpu.dma_semaphore, #tpu.memory_space<semaphore_mem>>)
    %dma_wait3A_2187 = arith.constant 0 : i32
    %dma_wait3A_2188 = arith.constant 0 : i32
    %dma_wait3A_2189 = tpu.memref_slice %arg5[%dma_wait3A_2187, %dma_wait3A_2188] : memref<32x1536xf32, #tpu.memory_space<vmem>> -> memref<32x768xf32, #tpu.memory_space<vmem>>
    %dma_wait3A_2190 = arith.constant 320 : i32
    %dma_wait3A_2191 = arith.constant 0 : i32
    %dma_wait3A_2192 = tpu.memref_slice %arg2[%add3A_2084, %dma_wait3A_2190, %dma_wait3A_2191] : memref<64x576x768xf32, #tpu.memory_space<hbm>> -> memref<1x32x768xf32, #tpu.memory_space<hbm>>
    %dma_wait3A_2193 = tpu.memref_squeeze %dma_wait3A_2192 : memref<1x32x768xf32, #tpu.memory_space<hbm>> -> memref<32x768xf32, #tpu.memory_space<hbm>>
    %dma_wait3A_2194 = arith.constant 0 : i32
    %dma_wait3A_2195 = arith.constant 0 : i32
    %dma_wait3A_2196 = tpu.memref_slice %arg5[%dma_wait3A_2194, %dma_wait3A_2195] : memref<32x1536xf32, #tpu.memory_space<vmem>> -> memref<32x768xf32, #tpu.memory_space<vmem>>
    %dma_wait3A_2197 = arith.constant 320 : i32
    %dma_wait3A_2198 = arith.constant 0 : i32
    %dma_wait3A_2199 = tpu.memref_slice %arg2[%add3A_2084, %dma_wait3A_2197, %dma_wait3A_2198] : memref<64x576x768xf32, #tpu.memory_space<hbm>> -> memref<1x32x768xf32, #tpu.memory_space<hbm>>
    %dma_wait3A_2200 = tpu.memref_squeeze %dma_wait3A_2199 : memref<1x32x768xf32, #tpu.memory_space<hbm>> -> memref<32x768xf32, #tpu.memory_space<hbm>>
    tpu.wait_dma2 semaphore(%arg7 : memref<!tpu.dma_semaphore, #tpu.memory_space<semaphore_mem>>) src(%dma_wait3A_2200 : memref<32x768xf32, #tpu.memory_space<hbm>>) dst(%dma_wait3A_2196 : memref<32x768xf32, #tpu.memory_space<vmem>>)
    %dma_wait3A_2201 = arith.constant 0 : i32
    %dma_wait3A_2202 = arith.constant 768 : i32
    %dma_wait3A_2203 = tpu.memref_slice %arg5[%dma_wait3A_2201, %dma_wait3A_2202] : memref<32x1536xf32, #tpu.memory_space<vmem>> -> memref<32x768xf32, #tpu.memory_space<vmem>>
    %dma_wait3A_2204 = arith.constant 320 : i32
    %dma_wait3A_2205 = arith.constant 0 : i32
    %dma_wait3A_2206 = tpu.memref_slice %arg3[%dma_wait3A_2204, %dma_wait3A_2205] : memref<576x768xf32, #tpu.memory_space<hbm>> -> memref<32x768xf32, #tpu.memory_space<hbm>>
    %dma_wait3A_2207 = arith.constant 0 : i32
    %dma_wait3A_2208 = arith.constant 768 : i32
    %dma_wait3A_2209 = tpu.memref_slice %arg5[%dma_wait3A_2207, %dma_wait3A_2208] : memref<32x1536xf32, #tpu.memory_space<vmem>> -> memref<32x768xf32, #tpu.memory_space<vmem>>
    %dma_wait3A_2210 = arith.constant 320 : i32
    %dma_wait3A_2211 = arith.constant 0 : i32
    %dma_wait3A_2212 = tpu.memref_slice %arg3[%dma_wait3A_2210, %dma_wait3A_2211] : memref<576x768xf32, #tpu.memory_space<hbm>> -> memref<32x768xf32, #tpu.memory_space<hbm>>
    tpu.wait_dma2 semaphore(%arg7 : memref<!tpu.dma_semaphore, #tpu.memory_space<semaphore_mem>>) src(%dma_wait3A_2212 : memref<32x768xf32, #tpu.memory_space<hbm>>) dst(%dma_wait3A_2209 : memref<32x768xf32, #tpu.memory_space<vmem>>)
    %mul3A_2213 = arith.constant 2 : i32
    %mul3A_2214 = arith.muli %add3A, %mul3A_2213 : i32
    %add3A_2215 = arith.constant 1 : i32
    %add3A_2216 = arith.addi %mul3A_2214, %add3A_2215 : i32
    %dma_start3A_2217 = arith.constant 320 : i32
    %dma_start3A_2218 = arith.constant 0 : i32
    %dma_start3A_2219 = tpu.memref_slice %arg4[%add3A_2216, %dma_start3A_2217, %dma_start3A_2218] : memref<64x576x1536xf32, #tpu.memory_space<hbm>> -> memref<1x32x1536xf32, #tpu.memory_space<hbm>>
    %dma_start3A_2220 = tpu.memref_squeeze %dma_start3A_2219 : memref<1x32x1536xf32, #tpu.memory_space<hbm>> -> memref<32x1536xf32, #tpu.memory_space<hbm>>
    %dma_start3A_2221 = arith.constant 320 : i32
    %dma_start3A_2222 = arith.constant 0 : i32
    %dma_start3A_2223 = tpu.memref_slice %arg4[%add3A_2216, %dma_start3A_2221, %dma_start3A_2222] : memref<64x576x1536xf32, #tpu.memory_space<hbm>> -> memref<1x32x1536xf32, #tpu.memory_space<hbm>>
    %dma_start3A_2224 = tpu.memref_squeeze %dma_start3A_2223 : memref<1x32x1536xf32, #tpu.memory_space<hbm>> -> memref<32x1536xf32, #tpu.memory_space<hbm>>
    tpu.enqueue_dma source(%arg5 : memref<32x1536xf32, #tpu.memory_space<vmem>>) target(%dma_start3A_2224 : memref<32x1536xf32, #tpu.memory_space<hbm>>) target_semaphore(%arg9 : memref<!tpu.dma_semaphore, #tpu.memory_space<semaphore_mem>>)
    %dma_wait3A_2225 = arith.constant 320 : i32
    %dma_wait3A_2226 = arith.constant 0 : i32
    %dma_wait3A_2227 = tpu.memref_slice %arg4[%add3A_2216, %dma_wait3A_2225, %dma_wait3A_2226] : memref<64x576x1536xf32, #tpu.memory_space<hbm>> -> memref<1x32x1536xf32, #tpu.memory_space<hbm>>
    %dma_wait3A_2228 = tpu.memref_squeeze %dma_wait3A_2227 : memref<1x32x1536xf32, #tpu.memory_space<hbm>> -> memref<32x1536xf32, #tpu.memory_space<hbm>>
    %dma_wait3A_2229 = arith.constant 320 : i32
    %dma_wait3A_2230 = arith.constant 0 : i32
    %dma_wait3A_2231 = tpu.memref_slice %arg4[%add3A_2216, %dma_wait3A_2229, %dma_wait3A_2230] : memref<64x576x1536xf32, #tpu.memory_space<hbm>> -> memref<1x32x1536xf32, #tpu.memory_space<hbm>>
    %dma_wait3A_2232 = tpu.memref_squeeze %dma_wait3A_2231 : memref<1x32x1536xf32, #tpu.memory_space<hbm>> -> memref<32x1536xf32, #tpu.memory_space<hbm>>
    tpu.wait_dma2 semaphore(%arg9 : memref<!tpu.dma_semaphore, #tpu.memory_space<semaphore_mem>>) src(%arg5 : memref<32x1536xf32, #tpu.memory_space<vmem>>) dst(%dma_wait3A_2232 : memref<32x1536xf32, #tpu.memory_space<hbm>>)
    %mul3A_2233 = arith.constant 2 : i32
    %mul3A_2234 = arith.muli %add3A, %mul3A_2233 : i32
    %add3A_2235 = arith.constant 1 : i32
    %add3A_2236 = arith.addi %mul3A_2234, %add3A_2235 : i32
    %dma_start3A_2237 = arith.constant 0 : i32
    %dma_start3A_2238 = arith.constant 0 : i32
    %dma_start3A_2239 = tpu.memref_slice %arg5[%dma_start3A_2237, %dma_start3A_2238] : memref<32x1536xf32, #tpu.memory_space<vmem>> -> memref<32x768xf32, #tpu.memory_space<vmem>>
    %dma_start3A_2240 = arith.constant 384 : i32
    %dma_start3A_2241 = arith.constant 0 : i32
    %dma_start3A_2242 = tpu.memref_slice %arg2[%add3A_2236, %dma_start3A_2240, %dma_start3A_2241] : memref<64x576x768xf32, #tpu.memory_space<hbm>> -> memref<1x32x768xf32, #tpu.memory_space<hbm>>
    %dma_start3A_2243 = tpu.memref_squeeze %dma_start3A_2242 : memref<1x32x768xf32, #tpu.memory_space<hbm>> -> memref<32x768xf32, #tpu.memory_space<hbm>>
    %dma_start3A_2244 = arith.constant 0 : i32
    %dma_start3A_2245 = arith.constant 0 : i32
    %dma_start3A_2246 = tpu.memref_slice %arg5[%dma_start3A_2244, %dma_start3A_2245] : memref<32x1536xf32, #tpu.memory_space<vmem>> -> memref<32x768xf32, #tpu.memory_space<vmem>>
    %dma_start3A_2247 = arith.constant 384 : i32
    %dma_start3A_2248 = arith.constant 0 : i32
    %dma_start3A_2249 = tpu.memref_slice %arg2[%add3A_2236, %dma_start3A_2247, %dma_start3A_2248] : memref<64x576x768xf32, #tpu.memory_space<hbm>> -> memref<1x32x768xf32, #tpu.memory_space<hbm>>
    %dma_start3A_2250 = tpu.memref_squeeze %dma_start3A_2249 : memref<1x32x768xf32, #tpu.memory_space<hbm>> -> memref<32x768xf32, #tpu.memory_space<hbm>>
    tpu.enqueue_dma source(%dma_start3A_2250 : memref<32x768xf32, #tpu.memory_space<hbm>>) target(%dma_start3A_2246 : memref<32x768xf32, #tpu.memory_space<vmem>>) target_semaphore(%arg7 : memref<!tpu.dma_semaphore, #tpu.memory_space<semaphore_mem>>)
    %dma_start3A_2251 = arith.constant 0 : i32
    %dma_start3A_2252 = arith.constant 768 : i32
    %dma_start3A_2253 = tpu.memref_slice %arg5[%dma_start3A_2251, %dma_start3A_2252] : memref<32x1536xf32, #tpu.memory_space<vmem>> -> memref<32x768xf32, #tpu.memory_space<vmem>>
    %dma_start3A_2254 = arith.constant 384 : i32
    %dma_start3A_2255 = arith.constant 0 : i32
    %dma_start3A_2256 = tpu.memref_slice %arg3[%dma_start3A_2254, %dma_start3A_2255] : memref<576x768xf32, #tpu.memory_space<hbm>> -> memref<32x768xf32, #tpu.memory_space<hbm>>
    %dma_start3A_2257 = arith.constant 0 : i32
    %dma_start3A_2258 = arith.constant 768 : i32
    %dma_start3A_2259 = tpu.memref_slice %arg5[%dma_start3A_2257, %dma_start3A_2258] : memref<32x1536xf32, #tpu.memory_space<vmem>> -> memref<32x768xf32, #tpu.memory_space<vmem>>
    %dma_start3A_2260 = arith.constant 384 : i32
    %dma_start3A_2261 = arith.constant 0 : i32
    %dma_start3A_2262 = tpu.memref_slice %arg3[%dma_start3A_2260, %dma_start3A_2261] : memref<576x768xf32, #tpu.memory_space<hbm>> -> memref<32x768xf32, #tpu.memory_space<hbm>>
    tpu.enqueue_dma source(%dma_start3A_2262 : memref<32x768xf32, #tpu.memory_space<hbm>>) target(%dma_start3A_2259 : memref<32x768xf32, #tpu.memory_space<vmem>>) target_semaphore(%arg7 : memref<!tpu.dma_semaphore, #tpu.memory_space<semaphore_mem>>)
    %dma_wait3A_2263 = arith.constant 0 : i32
    %dma_wait3A_2264 = arith.constant 0 : i32
    %dma_wait3A_2265 = tpu.memref_slice %arg6[%dma_wait3A_2263, %dma_wait3A_2264] : memref<32x1536xf32, #tpu.memory_space<vmem>> -> memref<32x768xf32, #tpu.memory_space<vmem>>
    %dma_wait3A_2266 = arith.constant 352 : i32
    %dma_wait3A_2267 = arith.constant 0 : i32
    %dma_wait3A_2268 = tpu.memref_slice %arg2[%add3A_2160, %dma_wait3A_2266, %dma_wait3A_2267] : memref<64x576x768xf32, #tpu.memory_space<hbm>> -> memref<1x32x768xf32, #tpu.memory_space<hbm>>
    %dma_wait3A_2269 = tpu.memref_squeeze %dma_wait3A_2268 : memref<1x32x768xf32, #tpu.memory_space<hbm>> -> memref<32x768xf32, #tpu.memory_space<hbm>>
    %dma_wait3A_2270 = arith.constant 0 : i32
    %dma_wait3A_2271 = arith.constant 0 : i32
    %dma_wait3A_2272 = tpu.memref_slice %arg6[%dma_wait3A_2270, %dma_wait3A_2271] : memref<32x1536xf32, #tpu.memory_space<vmem>> -> memref<32x768xf32, #tpu.memory_space<vmem>>
    %dma_wait3A_2273 = arith.constant 352 : i32
    %dma_wait3A_2274 = arith.constant 0 : i32
    %dma_wait3A_2275 = tpu.memref_slice %arg2[%add3A_2160, %dma_wait3A_2273, %dma_wait3A_2274] : memref<64x576x768xf32, #tpu.memory_space<hbm>> -> memref<1x32x768xf32, #tpu.memory_space<hbm>>
    %dma_wait3A_2276 = tpu.memref_squeeze %dma_wait3A_2275 : memref<1x32x768xf32, #tpu.memory_space<hbm>> -> memref<32x768xf32, #tpu.memory_space<hbm>>
    tpu.wait_dma2 semaphore(%arg8 : memref<!tpu.dma_semaphore, #tpu.memory_space<semaphore_mem>>) src(%dma_wait3A_2276 : memref<32x768xf32, #tpu.memory_space<hbm>>) dst(%dma_wait3A_2272 : memref<32x768xf32, #tpu.memory_space<vmem>>)
    %dma_wait3A_2277 = arith.constant 0 : i32
    %dma_wait3A_2278 = arith.constant 768 : i32
    %dma_wait3A_2279 = tpu.memref_slice %arg6[%dma_wait3A_2277, %dma_wait3A_2278] : memref<32x1536xf32, #tpu.memory_space<vmem>> -> memref<32x768xf32, #tpu.memory_space<vmem>>
    %dma_wait3A_2280 = arith.constant 352 : i32
    %dma_wait3A_2281 = arith.constant 0 : i32
    %dma_wait3A_2282 = tpu.memref_slice %arg3[%dma_wait3A_2280, %dma_wait3A_2281] : memref<576x768xf32, #tpu.memory_space<hbm>> -> memref<32x768xf32, #tpu.memory_space<hbm>>
    %dma_wait3A_2283 = arith.constant 0 : i32
    %dma_wait3A_2284 = arith.constant 768 : i32
    %dma_wait3A_2285 = tpu.memref_slice %arg6[%dma_wait3A_2283, %dma_wait3A_2284] : memref<32x1536xf32, #tpu.memory_space<vmem>> -> memref<32x768xf32, #tpu.memory_space<vmem>>
    %dma_wait3A_2286 = arith.constant 352 : i32
    %dma_wait3A_2287 = arith.constant 0 : i32
    %dma_wait3A_2288 = tpu.memref_slice %arg3[%dma_wait3A_2286, %dma_wait3A_2287] : memref<576x768xf32, #tpu.memory_space<hbm>> -> memref<32x768xf32, #tpu.memory_space<hbm>>
    tpu.wait_dma2 semaphore(%arg8 : memref<!tpu.dma_semaphore, #tpu.memory_space<semaphore_mem>>) src(%dma_wait3A_2288 : memref<32x768xf32, #tpu.memory_space<hbm>>) dst(%dma_wait3A_2285 : memref<32x768xf32, #tpu.memory_space<vmem>>)
    %mul3A_2289 = arith.constant 2 : i32
    %mul3A_2290 = arith.muli %add3A, %mul3A_2289 : i32
    %add3A_2291 = arith.constant 1 : i32
    %add3A_2292 = arith.addi %mul3A_2290, %add3A_2291 : i32
    %dma_start3A_2293 = arith.constant 352 : i32
    %dma_start3A_2294 = arith.constant 0 : i32
    %dma_start3A_2295 = tpu.memref_slice %arg4[%add3A_2292, %dma_start3A_2293, %dma_start3A_2294] : memref<64x576x1536xf32, #tpu.memory_space<hbm>> -> memref<1x32x1536xf32, #tpu.memory_space<hbm>>
    %dma_start3A_2296 = tpu.memref_squeeze %dma_start3A_2295 : memref<1x32x1536xf32, #tpu.memory_space<hbm>> -> memref<32x1536xf32, #tpu.memory_space<hbm>>
    %dma_start3A_2297 = arith.constant 352 : i32
    %dma_start3A_2298 = arith.constant 0 : i32
    %dma_start3A_2299 = tpu.memref_slice %arg4[%add3A_2292, %dma_start3A_2297, %dma_start3A_2298] : memref<64x576x1536xf32, #tpu.memory_space<hbm>> -> memref<1x32x1536xf32, #tpu.memory_space<hbm>>
    %dma_start3A_2300 = tpu.memref_squeeze %dma_start3A_2299 : memref<1x32x1536xf32, #tpu.memory_space<hbm>> -> memref<32x1536xf32, #tpu.memory_space<hbm>>
    tpu.enqueue_dma source(%arg6 : memref<32x1536xf32, #tpu.memory_space<vmem>>) target(%dma_start3A_2300 : memref<32x1536xf32, #tpu.memory_space<hbm>>) target_semaphore(%arg10 : memref<!tpu.dma_semaphore, #tpu.memory_space<semaphore_mem>>)
    %dma_wait3A_2301 = arith.constant 352 : i32
    %dma_wait3A_2302 = arith.constant 0 : i32
    %dma_wait3A_2303 = tpu.memref_slice %arg4[%add3A_2292, %dma_wait3A_2301, %dma_wait3A_2302] : memref<64x576x1536xf32, #tpu.memory_space<hbm>> -> memref<1x32x1536xf32, #tpu.memory_space<hbm>>
    %dma_wait3A_2304 = tpu.memref_squeeze %dma_wait3A_2303 : memref<1x32x1536xf32, #tpu.memory_space<hbm>> -> memref<32x1536xf32, #tpu.memory_space<hbm>>
    %dma_wait3A_2305 = arith.constant 352 : i32
    %dma_wait3A_2306 = arith.constant 0 : i32
    %dma_wait3A_2307 = tpu.memref_slice %arg4[%add3A_2292, %dma_wait3A_2305, %dma_wait3A_2306] : memref<64x576x1536xf32, #tpu.memory_space<hbm>> -> memref<1x32x1536xf32, #tpu.memory_space<hbm>>
    %dma_wait3A_2308 = tpu.memref_squeeze %dma_wait3A_2307 : memref<1x32x1536xf32, #tpu.memory_space<hbm>> -> memref<32x1536xf32, #tpu.memory_space<hbm>>
    tpu.wait_dma2 semaphore(%arg10 : memref<!tpu.dma_semaphore, #tpu.memory_space<semaphore_mem>>) src(%arg6 : memref<32x1536xf32, #tpu.memory_space<vmem>>) dst(%dma_wait3A_2308 : memref<32x1536xf32, #tpu.memory_space<hbm>>)
    %mul3A_2309 = arith.constant 2 : i32
    %mul3A_2310 = arith.muli %add3A, %mul3A_2309 : i32
    %add3A_2311 = arith.constant 1 : i32
    %add3A_2312 = arith.addi %mul3A_2310, %add3A_2311 : i32
    %dma_start3A_2313 = arith.constant 0 : i32
    %dma_start3A_2314 = arith.constant 0 : i32
    %dma_start3A_2315 = tpu.memref_slice %arg6[%dma_start3A_2313, %dma_start3A_2314] : memref<32x1536xf32, #tpu.memory_space<vmem>> -> memref<32x768xf32, #tpu.memory_space<vmem>>
    %dma_start3A_2316 = arith.constant 416 : i32
    %dma_start3A_2317 = arith.constant 0 : i32
    %dma_start3A_2318 = tpu.memref_slice %arg2[%add3A_2312, %dma_start3A_2316, %dma_start3A_2317] : memref<64x576x768xf32, #tpu.memory_space<hbm>> -> memref<1x32x768xf32, #tpu.memory_space<hbm>>
    %dma_start3A_2319 = tpu.memref_squeeze %dma_start3A_2318 : memref<1x32x768xf32, #tpu.memory_space<hbm>> -> memref<32x768xf32, #tpu.memory_space<hbm>>
    %dma_start3A_2320 = arith.constant 0 : i32
    %dma_start3A_2321 = arith.constant 0 : i32
    %dma_start3A_2322 = tpu.memref_slice %arg6[%dma_start3A_2320, %dma_start3A_2321] : memref<32x1536xf32, #tpu.memory_space<vmem>> -> memref<32x768xf32, #tpu.memory_space<vmem>>
    %dma_start3A_2323 = arith.constant 416 : i32
    %dma_start3A_2324 = arith.constant 0 : i32
    %dma_start3A_2325 = tpu.memref_slice %arg2[%add3A_2312, %dma_start3A_2323, %dma_start3A_2324] : memref<64x576x768xf32, #tpu.memory_space<hbm>> -> memref<1x32x768xf32, #tpu.memory_space<hbm>>
    %dma_start3A_2326 = tpu.memref_squeeze %dma_start3A_2325 : memref<1x32x768xf32, #tpu.memory_space<hbm>> -> memref<32x768xf32, #tpu.memory_space<hbm>>
    tpu.enqueue_dma source(%dma_start3A_2326 : memref<32x768xf32, #tpu.memory_space<hbm>>) target(%dma_start3A_2322 : memref<32x768xf32, #tpu.memory_space<vmem>>) target_semaphore(%arg8 : memref<!tpu.dma_semaphore, #tpu.memory_space<semaphore_mem>>)
    %dma_start3A_2327 = arith.constant 0 : i32
    %dma_start3A_2328 = arith.constant 768 : i32
    %dma_start3A_2329 = tpu.memref_slice %arg6[%dma_start3A_2327, %dma_start3A_2328] : memref<32x1536xf32, #tpu.memory_space<vmem>> -> memref<32x768xf32, #tpu.memory_space<vmem>>
    %dma_start3A_2330 = arith.constant 416 : i32
    %dma_start3A_2331 = arith.constant 0 : i32
    %dma_start3A_2332 = tpu.memref_slice %arg3[%dma_start3A_2330, %dma_start3A_2331] : memref<576x768xf32, #tpu.memory_space<hbm>> -> memref<32x768xf32, #tpu.memory_space<hbm>>
    %dma_start3A_2333 = arith.constant 0 : i32
    %dma_start3A_2334 = arith.constant 768 : i32
    %dma_start3A_2335 = tpu.memref_slice %arg6[%dma_start3A_2333, %dma_start3A_2334] : memref<32x1536xf32, #tpu.memory_space<vmem>> -> memref<32x768xf32, #tpu.memory_space<vmem>>
    %dma_start3A_2336 = arith.constant 416 : i32
    %dma_start3A_2337 = arith.constant 0 : i32
    %dma_start3A_2338 = tpu.memref_slice %arg3[%dma_start3A_2336, %dma_start3A_2337] : memref<576x768xf32, #tpu.memory_space<hbm>> -> memref<32x768xf32, #tpu.memory_space<hbm>>
    tpu.enqueue_dma source(%dma_start3A_2338 : memref<32x768xf32, #tpu.memory_space<hbm>>) target(%dma_start3A_2335 : memref<32x768xf32, #tpu.memory_space<vmem>>) target_semaphore(%arg8 : memref<!tpu.dma_semaphore, #tpu.memory_space<semaphore_mem>>)
    %dma_wait3A_2339 = arith.constant 0 : i32
    %dma_wait3A_2340 = arith.constant 0 : i32
    %dma_wait3A_2341 = tpu.memref_slice %arg5[%dma_wait3A_2339, %dma_wait3A_2340] : memref<32x1536xf32, #tpu.memory_space<vmem>> -> memref<32x768xf32, #tpu.memory_space<vmem>>
    %dma_wait3A_2342 = arith.constant 384 : i32
    %dma_wait3A_2343 = arith.constant 0 : i32
    %dma_wait3A_2344 = tpu.memref_slice %arg2[%add3A_2236, %dma_wait3A_2342, %dma_wait3A_2343] : memref<64x576x768xf32, #tpu.memory_space<hbm>> -> memref<1x32x768xf32, #tpu.memory_space<hbm>>
    %dma_wait3A_2345 = tpu.memref_squeeze %dma_wait3A_2344 : memref<1x32x768xf32, #tpu.memory_space<hbm>> -> memref<32x768xf32, #tpu.memory_space<hbm>>
    %dma_wait3A_2346 = arith.constant 0 : i32
    %dma_wait3A_2347 = arith.constant 0 : i32
    %dma_wait3A_2348 = tpu.memref_slice %arg5[%dma_wait3A_2346, %dma_wait3A_2347] : memref<32x1536xf32, #tpu.memory_space<vmem>> -> memref<32x768xf32, #tpu.memory_space<vmem>>
    %dma_wait3A_2349 = arith.constant 384 : i32
    %dma_wait3A_2350 = arith.constant 0 : i32
    %dma_wait3A_2351 = tpu.memref_slice %arg2[%add3A_2236, %dma_wait3A_2349, %dma_wait3A_2350] : memref<64x576x768xf32, #tpu.memory_space<hbm>> -> memref<1x32x768xf32, #tpu.memory_space<hbm>>
    %dma_wait3A_2352 = tpu.memref_squeeze %dma_wait3A_2351 : memref<1x32x768xf32, #tpu.memory_space<hbm>> -> memref<32x768xf32, #tpu.memory_space<hbm>>
    tpu.wait_dma2 semaphore(%arg7 : memref<!tpu.dma_semaphore, #tpu.memory_space<semaphore_mem>>) src(%dma_wait3A_2352 : memref<32x768xf32, #tpu.memory_space<hbm>>) dst(%dma_wait3A_2348 : memref<32x768xf32, #tpu.memory_space<vmem>>)
    %dma_wait3A_2353 = arith.constant 0 : i32
    %dma_wait3A_2354 = arith.constant 768 : i32
    %dma_wait3A_2355 = tpu.memref_slice %arg5[%dma_wait3A_2353, %dma_wait3A_2354] : memref<32x1536xf32, #tpu.memory_space<vmem>> -> memref<32x768xf32, #tpu.memory_space<vmem>>
    %dma_wait3A_2356 = arith.constant 384 : i32
    %dma_wait3A_2357 = arith.constant 0 : i32
    %dma_wait3A_2358 = tpu.memref_slice %arg3[%dma_wait3A_2356, %dma_wait3A_2357] : memref<576x768xf32, #tpu.memory_space<hbm>> -> memref<32x768xf32, #tpu.memory_space<hbm>>
    %dma_wait3A_2359 = arith.constant 0 : i32
    %dma_wait3A_2360 = arith.constant 768 : i32
    %dma_wait3A_2361 = tpu.memref_slice %arg5[%dma_wait3A_2359, %dma_wait3A_2360] : memref<32x1536xf32, #tpu.memory_space<vmem>> -> memref<32x768xf32, #tpu.memory_space<vmem>>
    %dma_wait3A_2362 = arith.constant 384 : i32
    %dma_wait3A_2363 = arith.constant 0 : i32
    %dma_wait3A_2364 = tpu.memref_slice %arg3[%dma_wait3A_2362, %dma_wait3A_2363] : memref<576x768xf32, #tpu.memory_space<hbm>> -> memref<32x768xf32, #tpu.memory_space<hbm>>
    tpu.wait_dma2 semaphore(%arg7 : memref<!tpu.dma_semaphore, #tpu.memory_space<semaphore_mem>>) src(%dma_wait3A_2364 : memref<32x768xf32, #tpu.memory_space<hbm>>) dst(%dma_wait3A_2361 : memref<32x768xf32, #tpu.memory_space<vmem>>)
    %mul3A_2365 = arith.constant 2 : i32
    %mul3A_2366 = arith.muli %add3A, %mul3A_2365 : i32
    %add3A_2367 = arith.constant 1 : i32
    %add3A_2368 = arith.addi %mul3A_2366, %add3A_2367 : i32
    %dma_start3A_2369 = arith.constant 384 : i32
    %dma_start3A_2370 = arith.constant 0 : i32
    %dma_start3A_2371 = tpu.memref_slice %arg4[%add3A_2368, %dma_start3A_2369, %dma_start3A_2370] : memref<64x576x1536xf32, #tpu.memory_space<hbm>> -> memref<1x32x1536xf32, #tpu.memory_space<hbm>>
    %dma_start3A_2372 = tpu.memref_squeeze %dma_start3A_2371 : memref<1x32x1536xf32, #tpu.memory_space<hbm>> -> memref<32x1536xf32, #tpu.memory_space<hbm>>
    %dma_start3A_2373 = arith.constant 384 : i32
    %dma_start3A_2374 = arith.constant 0 : i32
    %dma_start3A_2375 = tpu.memref_slice %arg4[%add3A_2368, %dma_start3A_2373, %dma_start3A_2374] : memref<64x576x1536xf32, #tpu.memory_space<hbm>> -> memref<1x32x1536xf32, #tpu.memory_space<hbm>>
    %dma_start3A_2376 = tpu.memref_squeeze %dma_start3A_2375 : memref<1x32x1536xf32, #tpu.memory_space<hbm>> -> memref<32x1536xf32, #tpu.memory_space<hbm>>
    tpu.enqueue_dma source(%arg5 : memref<32x1536xf32, #tpu.memory_space<vmem>>) target(%dma_start3A_2376 : memref<32x1536xf32, #tpu.memory_space<hbm>>) target_semaphore(%arg9 : memref<!tpu.dma_semaphore, #tpu.memory_space<semaphore_mem>>)
    %dma_wait3A_2377 = arith.constant 384 : i32
    %dma_wait3A_2378 = arith.constant 0 : i32
    %dma_wait3A_2379 = tpu.memref_slice %arg4[%add3A_2368, %dma_wait3A_2377, %dma_wait3A_2378] : memref<64x576x1536xf32, #tpu.memory_space<hbm>> -> memref<1x32x1536xf32, #tpu.memory_space<hbm>>
    %dma_wait3A_2380 = tpu.memref_squeeze %dma_wait3A_2379 : memref<1x32x1536xf32, #tpu.memory_space<hbm>> -> memref<32x1536xf32, #tpu.memory_space<hbm>>
    %dma_wait3A_2381 = arith.constant 384 : i32
    %dma_wait3A_2382 = arith.constant 0 : i32
    %dma_wait3A_2383 = tpu.memref_slice %arg4[%add3A_2368, %dma_wait3A_2381, %dma_wait3A_2382] : memref<64x576x1536xf32, #tpu.memory_space<hbm>> -> memref<1x32x1536xf32, #tpu.memory_space<hbm>>
    %dma_wait3A_2384 = tpu.memref_squeeze %dma_wait3A_2383 : memref<1x32x1536xf32, #tpu.memory_space<hbm>> -> memref<32x1536xf32, #tpu.memory_space<hbm>>
    tpu.wait_dma2 semaphore(%arg9 : memref<!tpu.dma_semaphore, #tpu.memory_space<semaphore_mem>>) src(%arg5 : memref<32x1536xf32, #tpu.memory_space<vmem>>) dst(%dma_wait3A_2384 : memref<32x1536xf32, #tpu.memory_space<hbm>>)
    %mul3A_2385 = arith.constant 2 : i32
    %mul3A_2386 = arith.muli %add3A, %mul3A_2385 : i32
    %add3A_2387 = arith.constant 1 : i32
    %add3A_2388 = arith.addi %mul3A_2386, %add3A_2387 : i32
    %dma_start3A_2389 = arith.constant 0 : i32
    %dma_start3A_2390 = arith.constant 0 : i32
    %dma_start3A_2391 = tpu.memref_slice %arg5[%dma_start3A_2389, %dma_start3A_2390] : memref<32x1536xf32, #tpu.memory_space<vmem>> -> memref<32x768xf32, #tpu.memory_space<vmem>>
    %dma_start3A_2392 = arith.constant 448 : i32
    %dma_start3A_2393 = arith.constant 0 : i32
    %dma_start3A_2394 = tpu.memref_slice %arg2[%add3A_2388, %dma_start3A_2392, %dma_start3A_2393] : memref<64x576x768xf32, #tpu.memory_space<hbm>> -> memref<1x32x768xf32, #tpu.memory_space<hbm>>
    %dma_start3A_2395 = tpu.memref_squeeze %dma_start3A_2394 : memref<1x32x768xf32, #tpu.memory_space<hbm>> -> memref<32x768xf32, #tpu.memory_space<hbm>>
    %dma_start3A_2396 = arith.constant 0 : i32
    %dma_start3A_2397 = arith.constant 0 : i32
    %dma_start3A_2398 = tpu.memref_slice %arg5[%dma_start3A_2396, %dma_start3A_2397] : memref<32x1536xf32, #tpu.memory_space<vmem>> -> memref<32x768xf32, #tpu.memory_space<vmem>>
    %dma_start3A_2399 = arith.constant 448 : i32
    %dma_start3A_2400 = arith.constant 0 : i32
    %dma_start3A_2401 = tpu.memref_slice %arg2[%add3A_2388, %dma_start3A_2399, %dma_start3A_2400] : memref<64x576x768xf32, #tpu.memory_space<hbm>> -> memref<1x32x768xf32, #tpu.memory_space<hbm>>
    %dma_start3A_2402 = tpu.memref_squeeze %dma_start3A_2401 : memref<1x32x768xf32, #tpu.memory_space<hbm>> -> memref<32x768xf32, #tpu.memory_space<hbm>>
    tpu.enqueue_dma source(%dma_start3A_2402 : memref<32x768xf32, #tpu.memory_space<hbm>>) target(%dma_start3A_2398 : memref<32x768xf32, #tpu.memory_space<vmem>>) target_semaphore(%arg7 : memref<!tpu.dma_semaphore, #tpu.memory_space<semaphore_mem>>)
    %dma_start3A_2403 = arith.constant 0 : i32
    %dma_start3A_2404 = arith.constant 768 : i32
    %dma_start3A_2405 = tpu.memref_slice %arg5[%dma_start3A_2403, %dma_start3A_2404] : memref<32x1536xf32, #tpu.memory_space<vmem>> -> memref<32x768xf32, #tpu.memory_space<vmem>>
    %dma_start3A_2406 = arith.constant 448 : i32
    %dma_start3A_2407 = arith.constant 0 : i32
    %dma_start3A_2408 = tpu.memref_slice %arg3[%dma_start3A_2406, %dma_start3A_2407] : memref<576x768xf32, #tpu.memory_space<hbm>> -> memref<32x768xf32, #tpu.memory_space<hbm>>
    %dma_start3A_2409 = arith.constant 0 : i32
    %dma_start3A_2410 = arith.constant 768 : i32
    %dma_start3A_2411 = tpu.memref_slice %arg5[%dma_start3A_2409, %dma_start3A_2410] : memref<32x1536xf32, #tpu.memory_space<vmem>> -> memref<32x768xf32, #tpu.memory_space<vmem>>
    %dma_start3A_2412 = arith.constant 448 : i32
    %dma_start3A_2413 = arith.constant 0 : i32
    %dma_start3A_2414 = tpu.memref_slice %arg3[%dma_start3A_2412, %dma_start3A_2413] : memref<576x768xf32, #tpu.memory_space<hbm>> -> memref<32x768xf32, #tpu.memory_space<hbm>>
    tpu.enqueue_dma source(%dma_start3A_2414 : memref<32x768xf32, #tpu.memory_space<hbm>>) target(%dma_start3A_2411 : memref<32x768xf32, #tpu.memory_space<vmem>>) target_semaphore(%arg7 : memref<!tpu.dma_semaphore, #tpu.memory_space<semaphore_mem>>)
    %dma_wait3A_2415 = arith.constant 0 : i32
    %dma_wait3A_2416 = arith.constant 0 : i32
    %dma_wait3A_2417 = tpu.memref_slice %arg6[%dma_wait3A_2415, %dma_wait3A_2416] : memref<32x1536xf32, #tpu.memory_space<vmem>> -> memref<32x768xf32, #tpu.memory_space<vmem>>
    %dma_wait3A_2418 = arith.constant 416 : i32
    %dma_wait3A_2419 = arith.constant 0 : i32
    %dma_wait3A_2420 = tpu.memref_slice %arg2[%add3A_2312, %dma_wait3A_2418, %dma_wait3A_2419] : memref<64x576x768xf32, #tpu.memory_space<hbm>> -> memref<1x32x768xf32, #tpu.memory_space<hbm>>
    %dma_wait3A_2421 = tpu.memref_squeeze %dma_wait3A_2420 : memref<1x32x768xf32, #tpu.memory_space<hbm>> -> memref<32x768xf32, #tpu.memory_space<hbm>>
    %dma_wait3A_2422 = arith.constant 0 : i32
    %dma_wait3A_2423 = arith.constant 0 : i32
    %dma_wait3A_2424 = tpu.memref_slice %arg6[%dma_wait3A_2422, %dma_wait3A_2423] : memref<32x1536xf32, #tpu.memory_space<vmem>> -> memref<32x768xf32, #tpu.memory_space<vmem>>
    %dma_wait3A_2425 = arith.constant 416 : i32
    %dma_wait3A_2426 = arith.constant 0 : i32
    %dma_wait3A_2427 = tpu.memref_slice %arg2[%add3A_2312, %dma_wait3A_2425, %dma_wait3A_2426] : memref<64x576x768xf32, #tpu.memory_space<hbm>> -> memref<1x32x768xf32, #tpu.memory_space<hbm>>
    %dma_wait3A_2428 = tpu.memref_squeeze %dma_wait3A_2427 : memref<1x32x768xf32, #tpu.memory_space<hbm>> -> memref<32x768xf32, #tpu.memory_space<hbm>>
    tpu.wait_dma2 semaphore(%arg8 : memref<!tpu.dma_semaphore, #tpu.memory_space<semaphore_mem>>) src(%dma_wait3A_2428 : memref<32x768xf32, #tpu.memory_space<hbm>>) dst(%dma_wait3A_2424 : memref<32x768xf32, #tpu.memory_space<vmem>>)
    %dma_wait3A_2429 = arith.constant 0 : i32
    %dma_wait3A_2430 = arith.constant 768 : i32
    %dma_wait3A_2431 = tpu.memref_slice %arg6[%dma_wait3A_2429, %dma_wait3A_2430] : memref<32x1536xf32, #tpu.memory_space<vmem>> -> memref<32x768xf32, #tpu.memory_space<vmem>>
    %dma_wait3A_2432 = arith.constant 416 : i32
    %dma_wait3A_2433 = arith.constant 0 : i32
    %dma_wait3A_2434 = tpu.memref_slice %arg3[%dma_wait3A_2432, %dma_wait3A_2433] : memref<576x768xf32, #tpu.memory_space<hbm>> -> memref<32x768xf32, #tpu.memory_space<hbm>>
    %dma_wait3A_2435 = arith.constant 0 : i32
    %dma_wait3A_2436 = arith.constant 768 : i32
    %dma_wait3A_2437 = tpu.memref_slice %arg6[%dma_wait3A_2435, %dma_wait3A_2436] : memref<32x1536xf32, #tpu.memory_space<vmem>> -> memref<32x768xf32, #tpu.memory_space<vmem>>
    %dma_wait3A_2438 = arith.constant 416 : i32
    %dma_wait3A_2439 = arith.constant 0 : i32
    %dma_wait3A_2440 = tpu.memref_slice %arg3[%dma_wait3A_2438, %dma_wait3A_2439] : memref<576x768xf32, #tpu.memory_space<hbm>> -> memref<32x768xf32, #tpu.memory_space<hbm>>
    tpu.wait_dma2 semaphore(%arg8 : memref<!tpu.dma_semaphore, #tpu.memory_space<semaphore_mem>>) src(%dma_wait3A_2440 : memref<32x768xf32, #tpu.memory_space<hbm>>) dst(%dma_wait3A_2437 : memref<32x768xf32, #tpu.memory_space<vmem>>)
    %mul3A_2441 = arith.constant 2 : i32
    %mul3A_2442 = arith.muli %add3A, %mul3A_2441 : i32
    %add3A_2443 = arith.constant 1 : i32
    %add3A_2444 = arith.addi %mul3A_2442, %add3A_2443 : i32
    %dma_start3A_2445 = arith.constant 416 : i32
    %dma_start3A_2446 = arith.constant 0 : i32
    %dma_start3A_2447 = tpu.memref_slice %arg4[%add3A_2444, %dma_start3A_2445, %dma_start3A_2446] : memref<64x576x1536xf32, #tpu.memory_space<hbm>> -> memref<1x32x1536xf32, #tpu.memory_space<hbm>>
    %dma_start3A_2448 = tpu.memref_squeeze %dma_start3A_2447 : memref<1x32x1536xf32, #tpu.memory_space<hbm>> -> memref<32x1536xf32, #tpu.memory_space<hbm>>
    %dma_start3A_2449 = arith.constant 416 : i32
    %dma_start3A_2450 = arith.constant 0 : i32
    %dma_start3A_2451 = tpu.memref_slice %arg4[%add3A_2444, %dma_start3A_2449, %dma_start3A_2450] : memref<64x576x1536xf32, #tpu.memory_space<hbm>> -> memref<1x32x1536xf32, #tpu.memory_space<hbm>>
    %dma_start3A_2452 = tpu.memref_squeeze %dma_start3A_2451 : memref<1x32x1536xf32, #tpu.memory_space<hbm>> -> memref<32x1536xf32, #tpu.memory_space<hbm>>
    tpu.enqueue_dma source(%arg6 : memref<32x1536xf32, #tpu.memory_space<vmem>>) target(%dma_start3A_2452 : memref<32x1536xf32, #tpu.memory_space<hbm>>) target_semaphore(%arg10 : memref<!tpu.dma_semaphore, #tpu.memory_space<semaphore_mem>>)
    %dma_wait3A_2453 = arith.constant 416 : i32
    %dma_wait3A_2454 = arith.constant 0 : i32
    %dma_wait3A_2455 = tpu.memref_slice %arg4[%add3A_2444, %dma_wait3A_2453, %dma_wait3A_2454] : memref<64x576x1536xf32, #tpu.memory_space<hbm>> -> memref<1x32x1536xf32, #tpu.memory_space<hbm>>
    %dma_wait3A_2456 = tpu.memref_squeeze %dma_wait3A_2455 : memref<1x32x1536xf32, #tpu.memory_space<hbm>> -> memref<32x1536xf32, #tpu.memory_space<hbm>>
    %dma_wait3A_2457 = arith.constant 416 : i32
    %dma_wait3A_2458 = arith.constant 0 : i32
    %dma_wait3A_2459 = tpu.memref_slice %arg4[%add3A_2444, %dma_wait3A_2457, %dma_wait3A_2458] : memref<64x576x1536xf32, #tpu.memory_space<hbm>> -> memref<1x32x1536xf32, #tpu.memory_space<hbm>>
    %dma_wait3A_2460 = tpu.memref_squeeze %dma_wait3A_2459 : memref<1x32x1536xf32, #tpu.memory_space<hbm>> -> memref<32x1536xf32, #tpu.memory_space<hbm>>
    tpu.wait_dma2 semaphore(%arg10 : memref<!tpu.dma_semaphore, #tpu.memory_space<semaphore_mem>>) src(%arg6 : memref<32x1536xf32, #tpu.memory_space<vmem>>) dst(%dma_wait3A_2460 : memref<32x1536xf32, #tpu.memory_space<hbm>>)
    %mul3A_2461 = arith.constant 2 : i32
    %mul3A_2462 = arith.muli %add3A, %mul3A_2461 : i32
    %add3A_2463 = arith.constant 1 : i32
    %add3A_2464 = arith.addi %mul3A_2462, %add3A_2463 : i32
    %dma_start3A_2465 = arith.constant 0 : i32
    %dma_start3A_2466 = arith.constant 0 : i32
    %dma_start3A_2467 = tpu.memref_slice %arg6[%dma_start3A_2465, %dma_start3A_2466] : memref<32x1536xf32, #tpu.memory_space<vmem>> -> memref<32x768xf32, #tpu.memory_space<vmem>>
    %dma_start3A_2468 = arith.constant 480 : i32
    %dma_start3A_2469 = arith.constant 0 : i32
    %dma_start3A_2470 = tpu.memref_slice %arg2[%add3A_2464, %dma_start3A_2468, %dma_start3A_2469] : memref<64x576x768xf32, #tpu.memory_space<hbm>> -> memref<1x32x768xf32, #tpu.memory_space<hbm>>
    %dma_start3A_2471 = tpu.memref_squeeze %dma_start3A_2470 : memref<1x32x768xf32, #tpu.memory_space<hbm>> -> memref<32x768xf32, #tpu.memory_space<hbm>>
    %dma_start3A_2472 = arith.constant 0 : i32
    %dma_start3A_2473 = arith.constant 0 : i32
    %dma_start3A_2474 = tpu.memref_slice %arg6[%dma_start3A_2472, %dma_start3A_2473] : memref<32x1536xf32, #tpu.memory_space<vmem>> -> memref<32x768xf32, #tpu.memory_space<vmem>>
    %dma_start3A_2475 = arith.constant 480 : i32
    %dma_start3A_2476 = arith.constant 0 : i32
    %dma_start3A_2477 = tpu.memref_slice %arg2[%add3A_2464, %dma_start3A_2475, %dma_start3A_2476] : memref<64x576x768xf32, #tpu.memory_space<hbm>> -> memref<1x32x768xf32, #tpu.memory_space<hbm>>
    %dma_start3A_2478 = tpu.memref_squeeze %dma_start3A_2477 : memref<1x32x768xf32, #tpu.memory_space<hbm>> -> memref<32x768xf32, #tpu.memory_space<hbm>>
    tpu.enqueue_dma source(%dma_start3A_2478 : memref<32x768xf32, #tpu.memory_space<hbm>>) target(%dma_start3A_2474 : memref<32x768xf32, #tpu.memory_space<vmem>>) target_semaphore(%arg8 : memref<!tpu.dma_semaphore, #tpu.memory_space<semaphore_mem>>)
    %dma_start3A_2479 = arith.constant 0 : i32
    %dma_start3A_2480 = arith.constant 768 : i32
    %dma_start3A_2481 = tpu.memref_slice %arg6[%dma_start3A_2479, %dma_start3A_2480] : memref<32x1536xf32, #tpu.memory_space<vmem>> -> memref<32x768xf32, #tpu.memory_space<vmem>>
    %dma_start3A_2482 = arith.constant 480 : i32
    %dma_start3A_2483 = arith.constant 0 : i32
    %dma_start3A_2484 = tpu.memref_slice %arg3[%dma_start3A_2482, %dma_start3A_2483] : memref<576x768xf32, #tpu.memory_space<hbm>> -> memref<32x768xf32, #tpu.memory_space<hbm>>
    %dma_start3A_2485 = arith.constant 0 : i32
    %dma_start3A_2486 = arith.constant 768 : i32
    %dma_start3A_2487 = tpu.memref_slice %arg6[%dma_start3A_2485, %dma_start3A_2486] : memref<32x1536xf32, #tpu.memory_space<vmem>> -> memref<32x768xf32, #tpu.memory_space<vmem>>
    %dma_start3A_2488 = arith.constant 480 : i32
    %dma_start3A_2489 = arith.constant 0 : i32
    %dma_start3A_2490 = tpu.memref_slice %arg3[%dma_start3A_2488, %dma_start3A_2489] : memref<576x768xf32, #tpu.memory_space<hbm>> -> memref<32x768xf32, #tpu.memory_space<hbm>>
    tpu.enqueue_dma source(%dma_start3A_2490 : memref<32x768xf32, #tpu.memory_space<hbm>>) target(%dma_start3A_2487 : memref<32x768xf32, #tpu.memory_space<vmem>>) target_semaphore(%arg8 : memref<!tpu.dma_semaphore, #tpu.memory_space<semaphore_mem>>)
    %dma_wait3A_2491 = arith.constant 0 : i32
    %dma_wait3A_2492 = arith.constant 0 : i32
    %dma_wait3A_2493 = tpu.memref_slice %arg5[%dma_wait3A_2491, %dma_wait3A_2492] : memref<32x1536xf32, #tpu.memory_space<vmem>> -> memref<32x768xf32, #tpu.memory_space<vmem>>
    %dma_wait3A_2494 = arith.constant 448 : i32
    %dma_wait3A_2495 = arith.constant 0 : i32
    %dma_wait3A_2496 = tpu.memref_slice %arg2[%add3A_2388, %dma_wait3A_2494, %dma_wait3A_2495] : memref<64x576x768xf32, #tpu.memory_space<hbm>> -> memref<1x32x768xf32, #tpu.memory_space<hbm>>
    %dma_wait3A_2497 = tpu.memref_squeeze %dma_wait3A_2496 : memref<1x32x768xf32, #tpu.memory_space<hbm>> -> memref<32x768xf32, #tpu.memory_space<hbm>>
    %dma_wait3A_2498 = arith.constant 0 : i32
    %dma_wait3A_2499 = arith.constant 0 : i32
    %dma_wait3A_2500 = tpu.memref_slice %arg5[%dma_wait3A_2498, %dma_wait3A_2499] : memref<32x1536xf32, #tpu.memory_space<vmem>> -> memref<32x768xf32, #tpu.memory_space<vmem>>
    %dma_wait3A_2501 = arith.constant 448 : i32
    %dma_wait3A_2502 = arith.constant 0 : i32
    %dma_wait3A_2503 = tpu.memref_slice %arg2[%add3A_2388, %dma_wait3A_2501, %dma_wait3A_2502] : memref<64x576x768xf32, #tpu.memory_space<hbm>> -> memref<1x32x768xf32, #tpu.memory_space<hbm>>
    %dma_wait3A_2504 = tpu.memref_squeeze %dma_wait3A_2503 : memref<1x32x768xf32, #tpu.memory_space<hbm>> -> memref<32x768xf32, #tpu.memory_space<hbm>>
    tpu.wait_dma2 semaphore(%arg7 : memref<!tpu.dma_semaphore, #tpu.memory_space<semaphore_mem>>) src(%dma_wait3A_2504 : memref<32x768xf32, #tpu.memory_space<hbm>>) dst(%dma_wait3A_2500 : memref<32x768xf32, #tpu.memory_space<vmem>>)
    %dma_wait3A_2505 = arith.constant 0 : i32
    %dma_wait3A_2506 = arith.constant 768 : i32
    %dma_wait3A_2507 = tpu.memref_slice %arg5[%dma_wait3A_2505, %dma_wait3A_2506] : memref<32x1536xf32, #tpu.memory_space<vmem>> -> memref<32x768xf32, #tpu.memory_space<vmem>>
    %dma_wait3A_2508 = arith.constant 448 : i32
    %dma_wait3A_2509 = arith.constant 0 : i32
    %dma_wait3A_2510 = tpu.memref_slice %arg3[%dma_wait3A_2508, %dma_wait3A_2509] : memref<576x768xf32, #tpu.memory_space<hbm>> -> memref<32x768xf32, #tpu.memory_space<hbm>>
    %dma_wait3A_2511 = arith.constant 0 : i32
    %dma_wait3A_2512 = arith.constant 768 : i32
    %dma_wait3A_2513 = tpu.memref_slice %arg5[%dma_wait3A_2511, %dma_wait3A_2512] : memref<32x1536xf32, #tpu.memory_space<vmem>> -> memref<32x768xf32, #tpu.memory_space<vmem>>
    %dma_wait3A_2514 = arith.constant 448 : i32
    %dma_wait3A_2515 = arith.constant 0 : i32
    %dma_wait3A_2516 = tpu.memref_slice %arg3[%dma_wait3A_2514, %dma_wait3A_2515] : memref<576x768xf32, #tpu.memory_space<hbm>> -> memref<32x768xf32, #tpu.memory_space<hbm>>
    tpu.wait_dma2 semaphore(%arg7 : memref<!tpu.dma_semaphore, #tpu.memory_space<semaphore_mem>>) src(%dma_wait3A_2516 : memref<32x768xf32, #tpu.memory_space<hbm>>) dst(%dma_wait3A_2513 : memref<32x768xf32, #tpu.memory_space<vmem>>)
    %mul3A_2517 = arith.constant 2 : i32
    %mul3A_2518 = arith.muli %add3A, %mul3A_2517 : i32
    %add3A_2519 = arith.constant 1 : i32
    %add3A_2520 = arith.addi %mul3A_2518, %add3A_2519 : i32
    %dma_start3A_2521 = arith.constant 448 : i32
    %dma_start3A_2522 = arith.constant 0 : i32
    %dma_start3A_2523 = tpu.memref_slice %arg4[%add3A_2520, %dma_start3A_2521, %dma_start3A_2522] : memref<64x576x1536xf32, #tpu.memory_space<hbm>> -> memref<1x32x1536xf32, #tpu.memory_space<hbm>>
    %dma_start3A_2524 = tpu.memref_squeeze %dma_start3A_2523 : memref<1x32x1536xf32, #tpu.memory_space<hbm>> -> memref<32x1536xf32, #tpu.memory_space<hbm>>
    %dma_start3A_2525 = arith.constant 448 : i32
    %dma_start3A_2526 = arith.constant 0 : i32
    %dma_start3A_2527 = tpu.memref_slice %arg4[%add3A_2520, %dma_start3A_2525, %dma_start3A_2526] : memref<64x576x1536xf32, #tpu.memory_space<hbm>> -> memref<1x32x1536xf32, #tpu.memory_space<hbm>>
    %dma_start3A_2528 = tpu.memref_squeeze %dma_start3A_2527 : memref<1x32x1536xf32, #tpu.memory_space<hbm>> -> memref<32x1536xf32, #tpu.memory_space<hbm>>
    tpu.enqueue_dma source(%arg5 : memref<32x1536xf32, #tpu.memory_space<vmem>>) target(%dma_start3A_2528 : memref<32x1536xf32, #tpu.memory_space<hbm>>) target_semaphore(%arg9 : memref<!tpu.dma_semaphore, #tpu.memory_space<semaphore_mem>>)
    %dma_wait3A_2529 = arith.constant 448 : i32
    %dma_wait3A_2530 = arith.constant 0 : i32
    %dma_wait3A_2531 = tpu.memref_slice %arg4[%add3A_2520, %dma_wait3A_2529, %dma_wait3A_2530] : memref<64x576x1536xf32, #tpu.memory_space<hbm>> -> memref<1x32x1536xf32, #tpu.memory_space<hbm>>
    %dma_wait3A_2532 = tpu.memref_squeeze %dma_wait3A_2531 : memref<1x32x1536xf32, #tpu.memory_space<hbm>> -> memref<32x1536xf32, #tpu.memory_space<hbm>>
    %dma_wait3A_2533 = arith.constant 448 : i32
    %dma_wait3A_2534 = arith.constant 0 : i32
    %dma_wait3A_2535 = tpu.memref_slice %arg4[%add3A_2520, %dma_wait3A_2533, %dma_wait3A_2534] : memref<64x576x1536xf32, #tpu.memory_space<hbm>> -> memref<1x32x1536xf32, #tpu.memory_space<hbm>>
    %dma_wait3A_2536 = tpu.memref_squeeze %dma_wait3A_2535 : memref<1x32x1536xf32, #tpu.memory_space<hbm>> -> memref<32x1536xf32, #tpu.memory_space<hbm>>
    tpu.wait_dma2 semaphore(%arg9 : memref<!tpu.dma_semaphore, #tpu.memory_space<semaphore_mem>>) src(%arg5 : memref<32x1536xf32, #tpu.memory_space<vmem>>) dst(%dma_wait3A_2536 : memref<32x1536xf32, #tpu.memory_space<hbm>>)
    %mul3A_2537 = arith.constant 2 : i32
    %mul3A_2538 = arith.muli %add3A, %mul3A_2537 : i32
    %add3A_2539 = arith.constant 1 : i32
    %add3A_2540 = arith.addi %mul3A_2538, %add3A_2539 : i32
    %dma_start3A_2541 = arith.constant 0 : i32
    %dma_start3A_2542 = arith.constant 0 : i32
    %dma_start3A_2543 = tpu.memref_slice %arg5[%dma_start3A_2541, %dma_start3A_2542] : memref<32x1536xf32, #tpu.memory_space<vmem>> -> memref<32x768xf32, #tpu.memory_space<vmem>>
    %dma_start3A_2544 = arith.constant 512 : i32
    %dma_start3A_2545 = arith.constant 0 : i32
    %dma_start3A_2546 = tpu.memref_slice %arg2[%add3A_2540, %dma_start3A_2544, %dma_start3A_2545] : memref<64x576x768xf32, #tpu.memory_space<hbm>> -> memref<1x32x768xf32, #tpu.memory_space<hbm>>
    %dma_start3A_2547 = tpu.memref_squeeze %dma_start3A_2546 : memref<1x32x768xf32, #tpu.memory_space<hbm>> -> memref<32x768xf32, #tpu.memory_space<hbm>>
    %dma_start3A_2548 = arith.constant 0 : i32
    %dma_start3A_2549 = arith.constant 0 : i32
    %dma_start3A_2550 = tpu.memref_slice %arg5[%dma_start3A_2548, %dma_start3A_2549] : memref<32x1536xf32, #tpu.memory_space<vmem>> -> memref<32x768xf32, #tpu.memory_space<vmem>>
    %dma_start3A_2551 = arith.constant 512 : i32
    %dma_start3A_2552 = arith.constant 0 : i32
    %dma_start3A_2553 = tpu.memref_slice %arg2[%add3A_2540, %dma_start3A_2551, %dma_start3A_2552] : memref<64x576x768xf32, #tpu.memory_space<hbm>> -> memref<1x32x768xf32, #tpu.memory_space<hbm>>
    %dma_start3A_2554 = tpu.memref_squeeze %dma_start3A_2553 : memref<1x32x768xf32, #tpu.memory_space<hbm>> -> memref<32x768xf32, #tpu.memory_space<hbm>>
    tpu.enqueue_dma source(%dma_start3A_2554 : memref<32x768xf32, #tpu.memory_space<hbm>>) target(%dma_start3A_2550 : memref<32x768xf32, #tpu.memory_space<vmem>>) target_semaphore(%arg7 : memref<!tpu.dma_semaphore, #tpu.memory_space<semaphore_mem>>)
    %dma_start3A_2555 = arith.constant 0 : i32
    %dma_start3A_2556 = arith.constant 768 : i32
    %dma_start3A_2557 = tpu.memref_slice %arg5[%dma_start3A_2555, %dma_start3A_2556] : memref<32x1536xf32, #tpu.memory_space<vmem>> -> memref<32x768xf32, #tpu.memory_space<vmem>>
    %dma_start3A_2558 = arith.constant 512 : i32
    %dma_start3A_2559 = arith.constant 0 : i32
    %dma_start3A_2560 = tpu.memref_slice %arg3[%dma_start3A_2558, %dma_start3A_2559] : memref<576x768xf32, #tpu.memory_space<hbm>> -> memref<32x768xf32, #tpu.memory_space<hbm>>
    %dma_start3A_2561 = arith.constant 0 : i32
    %dma_start3A_2562 = arith.constant 768 : i32
    %dma_start3A_2563 = tpu.memref_slice %arg5[%dma_start3A_2561, %dma_start3A_2562] : memref<32x1536xf32, #tpu.memory_space<vmem>> -> memref<32x768xf32, #tpu.memory_space<vmem>>
    %dma_start3A_2564 = arith.constant 512 : i32
    %dma_start3A_2565 = arith.constant 0 : i32
    %dma_start3A_2566 = tpu.memref_slice %arg3[%dma_start3A_2564, %dma_start3A_2565] : memref<576x768xf32, #tpu.memory_space<hbm>> -> memref<32x768xf32, #tpu.memory_space<hbm>>
    tpu.enqueue_dma source(%dma_start3A_2566 : memref<32x768xf32, #tpu.memory_space<hbm>>) target(%dma_start3A_2563 : memref<32x768xf32, #tpu.memory_space<vmem>>) target_semaphore(%arg7 : memref<!tpu.dma_semaphore, #tpu.memory_space<semaphore_mem>>)
    %dma_wait3A_2567 = arith.constant 0 : i32
    %dma_wait3A_2568 = arith.constant 0 : i32
    %dma_wait3A_2569 = tpu.memref_slice %arg6[%dma_wait3A_2567, %dma_wait3A_2568] : memref<32x1536xf32, #tpu.memory_space<vmem>> -> memref<32x768xf32, #tpu.memory_space<vmem>>
    %dma_wait3A_2570 = arith.constant 480 : i32
    %dma_wait3A_2571 = arith.constant 0 : i32
    %dma_wait3A_2572 = tpu.memref_slice %arg2[%add3A_2464, %dma_wait3A_2570, %dma_wait3A_2571] : memref<64x576x768xf32, #tpu.memory_space<hbm>> -> memref<1x32x768xf32, #tpu.memory_space<hbm>>
    %dma_wait3A_2573 = tpu.memref_squeeze %dma_wait3A_2572 : memref<1x32x768xf32, #tpu.memory_space<hbm>> -> memref<32x768xf32, #tpu.memory_space<hbm>>
    %dma_wait3A_2574 = arith.constant 0 : i32
    %dma_wait3A_2575 = arith.constant 0 : i32
    %dma_wait3A_2576 = tpu.memref_slice %arg6[%dma_wait3A_2574, %dma_wait3A_2575] : memref<32x1536xf32, #tpu.memory_space<vmem>> -> memref<32x768xf32, #tpu.memory_space<vmem>>
    %dma_wait3A_2577 = arith.constant 480 : i32
    %dma_wait3A_2578 = arith.constant 0 : i32
    %dma_wait3A_2579 = tpu.memref_slice %arg2[%add3A_2464, %dma_wait3A_2577, %dma_wait3A_2578] : memref<64x576x768xf32, #tpu.memory_space<hbm>> -> memref<1x32x768xf32, #tpu.memory_space<hbm>>
    %dma_wait3A_2580 = tpu.memref_squeeze %dma_wait3A_2579 : memref<1x32x768xf32, #tpu.memory_space<hbm>> -> memref<32x768xf32, #tpu.memory_space<hbm>>
    tpu.wait_dma2 semaphore(%arg8 : memref<!tpu.dma_semaphore, #tpu.memory_space<semaphore_mem>>) src(%dma_wait3A_2580 : memref<32x768xf32, #tpu.memory_space<hbm>>) dst(%dma_wait3A_2576 : memref<32x768xf32, #tpu.memory_space<vmem>>)
    %dma_wait3A_2581 = arith.constant 0 : i32
    %dma_wait3A_2582 = arith.constant 768 : i32
    %dma_wait3A_2583 = tpu.memref_slice %arg6[%dma_wait3A_2581, %dma_wait3A_2582] : memref<32x1536xf32, #tpu.memory_space<vmem>> -> memref<32x768xf32, #tpu.memory_space<vmem>>
    %dma_wait3A_2584 = arith.constant 480 : i32
    %dma_wait3A_2585 = arith.constant 0 : i32
    %dma_wait3A_2586 = tpu.memref_slice %arg3[%dma_wait3A_2584, %dma_wait3A_2585] : memref<576x768xf32, #tpu.memory_space<hbm>> -> memref<32x768xf32, #tpu.memory_space<hbm>>
    %dma_wait3A_2587 = arith.constant 0 : i32
    %dma_wait3A_2588 = arith.constant 768 : i32
    %dma_wait3A_2589 = tpu.memref_slice %arg6[%dma_wait3A_2587, %dma_wait3A_2588] : memref<32x1536xf32, #tpu.memory_space<vmem>> -> memref<32x768xf32, #tpu.memory_space<vmem>>
    %dma_wait3A_2590 = arith.constant 480 : i32
    %dma_wait3A_2591 = arith.constant 0 : i32
    %dma_wait3A_2592 = tpu.memref_slice %arg3[%dma_wait3A_2590, %dma_wait3A_2591] : memref<576x768xf32, #tpu.memory_space<hbm>> -> memref<32x768xf32, #tpu.memory_space<hbm>>
    tpu.wait_dma2 semaphore(%arg8 : memref<!tpu.dma_semaphore, #tpu.memory_space<semaphore_mem>>) src(%dma_wait3A_2592 : memref<32x768xf32, #tpu.memory_space<hbm>>) dst(%dma_wait3A_2589 : memref<32x768xf32, #tpu.memory_space<vmem>>)
    %mul3A_2593 = arith.constant 2 : i32
    %mul3A_2594 = arith.muli %add3A, %mul3A_2593 : i32
    %add3A_2595 = arith.constant 1 : i32
    %add3A_2596 = arith.addi %mul3A_2594, %add3A_2595 : i32
    %dma_start3A_2597 = arith.constant 480 : i32
    %dma_start3A_2598 = arith.constant 0 : i32
    %dma_start3A_2599 = tpu.memref_slice %arg4[%add3A_2596, %dma_start3A_2597, %dma_start3A_2598] : memref<64x576x1536xf32, #tpu.memory_space<hbm>> -> memref<1x32x1536xf32, #tpu.memory_space<hbm>>
    %dma_start3A_2600 = tpu.memref_squeeze %dma_start3A_2599 : memref<1x32x1536xf32, #tpu.memory_space<hbm>> -> memref<32x1536xf32, #tpu.memory_space<hbm>>
    %dma_start3A_2601 = arith.constant 480 : i32
    %dma_start3A_2602 = arith.constant 0 : i32
    %dma_start3A_2603 = tpu.memref_slice %arg4[%add3A_2596, %dma_start3A_2601, %dma_start3A_2602] : memref<64x576x1536xf32, #tpu.memory_space<hbm>> -> memref<1x32x1536xf32, #tpu.memory_space<hbm>>
    %dma_start3A_2604 = tpu.memref_squeeze %dma_start3A_2603 : memref<1x32x1536xf32, #tpu.memory_space<hbm>> -> memref<32x1536xf32, #tpu.memory_space<hbm>>
    tpu.enqueue_dma source(%arg6 : memref<32x1536xf32, #tpu.memory_space<vmem>>) target(%dma_start3A_2604 : memref<32x1536xf32, #tpu.memory_space<hbm>>) target_semaphore(%arg10 : memref<!tpu.dma_semaphore, #tpu.memory_space<semaphore_mem>>)
    %dma_wait3A_2605 = arith.constant 480 : i32
    %dma_wait3A_2606 = arith.constant 0 : i32
    %dma_wait3A_2607 = tpu.memref_slice %arg4[%add3A_2596, %dma_wait3A_2605, %dma_wait3A_2606] : memref<64x576x1536xf32, #tpu.memory_space<hbm>> -> memref<1x32x1536xf32, #tpu.memory_space<hbm>>
    %dma_wait3A_2608 = tpu.memref_squeeze %dma_wait3A_2607 : memref<1x32x1536xf32, #tpu.memory_space<hbm>> -> memref<32x1536xf32, #tpu.memory_space<hbm>>
    %dma_wait3A_2609 = arith.constant 480 : i32
    %dma_wait3A_2610 = arith.constant 0 : i32
    %dma_wait3A_2611 = tpu.memref_slice %arg4[%add3A_2596, %dma_wait3A_2609, %dma_wait3A_2610] : memref<64x576x1536xf32, #tpu.memory_space<hbm>> -> memref<1x32x1536xf32, #tpu.memory_space<hbm>>
    %dma_wait3A_2612 = tpu.memref_squeeze %dma_wait3A_2611 : memref<1x32x1536xf32, #tpu.memory_space<hbm>> -> memref<32x1536xf32, #tpu.memory_space<hbm>>
    tpu.wait_dma2 semaphore(%arg10 : memref<!tpu.dma_semaphore, #tpu.memory_space<semaphore_mem>>) src(%arg6 : memref<32x1536xf32, #tpu.memory_space<vmem>>) dst(%dma_wait3A_2612 : memref<32x1536xf32, #tpu.memory_space<hbm>>)
    %mul3A_2613 = arith.constant 2 : i32
    %mul3A_2614 = arith.muli %add3A, %mul3A_2613 : i32
    %add3A_2615 = arith.constant 1 : i32
    %add3A_2616 = arith.addi %mul3A_2614, %add3A_2615 : i32
    %dma_start3A_2617 = arith.constant 0 : i32
    %dma_start3A_2618 = arith.constant 0 : i32
    %dma_start3A_2619 = tpu.memref_slice %arg6[%dma_start3A_2617, %dma_start3A_2618] : memref<32x1536xf32, #tpu.memory_space<vmem>> -> memref<32x768xf32, #tpu.memory_space<vmem>>
    %dma_start3A_2620 = arith.constant 544 : i32
    %dma_start3A_2621 = arith.constant 0 : i32
    %dma_start3A_2622 = tpu.memref_slice %arg2[%add3A_2616, %dma_start3A_2620, %dma_start3A_2621] : memref<64x576x768xf32, #tpu.memory_space<hbm>> -> memref<1x32x768xf32, #tpu.memory_space<hbm>>
    %dma_start3A_2623 = tpu.memref_squeeze %dma_start3A_2622 : memref<1x32x768xf32, #tpu.memory_space<hbm>> -> memref<32x768xf32, #tpu.memory_space<hbm>>
    %dma_start3A_2624 = arith.constant 0 : i32
    %dma_start3A_2625 = arith.constant 0 : i32
    %dma_start3A_2626 = tpu.memref_slice %arg6[%dma_start3A_2624, %dma_start3A_2625] : memref<32x1536xf32, #tpu.memory_space<vmem>> -> memref<32x768xf32, #tpu.memory_space<vmem>>
    %dma_start3A_2627 = arith.constant 544 : i32
    %dma_start3A_2628 = arith.constant 0 : i32
    %dma_start3A_2629 = tpu.memref_slice %arg2[%add3A_2616, %dma_start3A_2627, %dma_start3A_2628] : memref<64x576x768xf32, #tpu.memory_space<hbm>> -> memref<1x32x768xf32, #tpu.memory_space<hbm>>
    %dma_start3A_2630 = tpu.memref_squeeze %dma_start3A_2629 : memref<1x32x768xf32, #tpu.memory_space<hbm>> -> memref<32x768xf32, #tpu.memory_space<hbm>>
    tpu.enqueue_dma source(%dma_start3A_2630 : memref<32x768xf32, #tpu.memory_space<hbm>>) target(%dma_start3A_2626 : memref<32x768xf32, #tpu.memory_space<vmem>>) target_semaphore(%arg8 : memref<!tpu.dma_semaphore, #tpu.memory_space<semaphore_mem>>)
    %dma_start3A_2631 = arith.constant 0 : i32
    %dma_start3A_2632 = arith.constant 768 : i32
    %dma_start3A_2633 = tpu.memref_slice %arg6[%dma_start3A_2631, %dma_start3A_2632] : memref<32x1536xf32, #tpu.memory_space<vmem>> -> memref<32x768xf32, #tpu.memory_space<vmem>>
    %dma_start3A_2634 = arith.constant 544 : i32
    %dma_start3A_2635 = arith.constant 0 : i32
    %dma_start3A_2636 = tpu.memref_slice %arg3[%dma_start3A_2634, %dma_start3A_2635] : memref<576x768xf32, #tpu.memory_space<hbm>> -> memref<32x768xf32, #tpu.memory_space<hbm>>
    %dma_start3A_2637 = arith.constant 0 : i32
    %dma_start3A_2638 = arith.constant 768 : i32
    %dma_start3A_2639 = tpu.memref_slice %arg6[%dma_start3A_2637, %dma_start3A_2638] : memref<32x1536xf32, #tpu.memory_space<vmem>> -> memref<32x768xf32, #tpu.memory_space<vmem>>
    %dma_start3A_2640 = arith.constant 544 : i32
    %dma_start3A_2641 = arith.constant 0 : i32
    %dma_start3A_2642 = tpu.memref_slice %arg3[%dma_start3A_2640, %dma_start3A_2641] : memref<576x768xf32, #tpu.memory_space<hbm>> -> memref<32x768xf32, #tpu.memory_space<hbm>>
    tpu.enqueue_dma source(%dma_start3A_2642 : memref<32x768xf32, #tpu.memory_space<hbm>>) target(%dma_start3A_2639 : memref<32x768xf32, #tpu.memory_space<vmem>>) target_semaphore(%arg8 : memref<!tpu.dma_semaphore, #tpu.memory_space<semaphore_mem>>)
    %dma_wait3A_2643 = arith.constant 0 : i32
    %dma_wait3A_2644 = arith.constant 0 : i32
    %dma_wait3A_2645 = tpu.memref_slice %arg5[%dma_wait3A_2643, %dma_wait3A_2644] : memref<32x1536xf32, #tpu.memory_space<vmem>> -> memref<32x768xf32, #tpu.memory_space<vmem>>
    %dma_wait3A_2646 = arith.constant 512 : i32
    %dma_wait3A_2647 = arith.constant 0 : i32
    %dma_wait3A_2648 = tpu.memref_slice %arg2[%add3A_2540, %dma_wait3A_2646, %dma_wait3A_2647] : memref<64x576x768xf32, #tpu.memory_space<hbm>> -> memref<1x32x768xf32, #tpu.memory_space<hbm>>
    %dma_wait3A_2649 = tpu.memref_squeeze %dma_wait3A_2648 : memref<1x32x768xf32, #tpu.memory_space<hbm>> -> memref<32x768xf32, #tpu.memory_space<hbm>>
    %dma_wait3A_2650 = arith.constant 0 : i32
    %dma_wait3A_2651 = arith.constant 0 : i32
    %dma_wait3A_2652 = tpu.memref_slice %arg5[%dma_wait3A_2650, %dma_wait3A_2651] : memref<32x1536xf32, #tpu.memory_space<vmem>> -> memref<32x768xf32, #tpu.memory_space<vmem>>
    %dma_wait3A_2653 = arith.constant 512 : i32
    %dma_wait3A_2654 = arith.constant 0 : i32
    %dma_wait3A_2655 = tpu.memref_slice %arg2[%add3A_2540, %dma_wait3A_2653, %dma_wait3A_2654] : memref<64x576x768xf32, #tpu.memory_space<hbm>> -> memref<1x32x768xf32, #tpu.memory_space<hbm>>
    %dma_wait3A_2656 = tpu.memref_squeeze %dma_wait3A_2655 : memref<1x32x768xf32, #tpu.memory_space<hbm>> -> memref<32x768xf32, #tpu.memory_space<hbm>>
    tpu.wait_dma2 semaphore(%arg7 : memref<!tpu.dma_semaphore, #tpu.memory_space<semaphore_mem>>) src(%dma_wait3A_2656 : memref<32x768xf32, #tpu.memory_space<hbm>>) dst(%dma_wait3A_2652 : memref<32x768xf32, #tpu.memory_space<vmem>>)
    %dma_wait3A_2657 = arith.constant 0 : i32
    %dma_wait3A_2658 = arith.constant 768 : i32
    %dma_wait3A_2659 = tpu.memref_slice %arg5[%dma_wait3A_2657, %dma_wait3A_2658] : memref<32x1536xf32, #tpu.memory_space<vmem>> -> memref<32x768xf32, #tpu.memory_space<vmem>>
    %dma_wait3A_2660 = arith.constant 512 : i32
    %dma_wait3A_2661 = arith.constant 0 : i32
    %dma_wait3A_2662 = tpu.memref_slice %arg3[%dma_wait3A_2660, %dma_wait3A_2661] : memref<576x768xf32, #tpu.memory_space<hbm>> -> memref<32x768xf32, #tpu.memory_space<hbm>>
    %dma_wait3A_2663 = arith.constant 0 : i32
    %dma_wait3A_2664 = arith.constant 768 : i32
    %dma_wait3A_2665 = tpu.memref_slice %arg5[%dma_wait3A_2663, %dma_wait3A_2664] : memref<32x1536xf32, #tpu.memory_space<vmem>> -> memref<32x768xf32, #tpu.memory_space<vmem>>
    %dma_wait3A_2666 = arith.constant 512 : i32
    %dma_wait3A_2667 = arith.constant 0 : i32
    %dma_wait3A_2668 = tpu.memref_slice %arg3[%dma_wait3A_2666, %dma_wait3A_2667] : memref<576x768xf32, #tpu.memory_space<hbm>> -> memref<32x768xf32, #tpu.memory_space<hbm>>
    tpu.wait_dma2 semaphore(%arg7 : memref<!tpu.dma_semaphore, #tpu.memory_space<semaphore_mem>>) src(%dma_wait3A_2668 : memref<32x768xf32, #tpu.memory_space<hbm>>) dst(%dma_wait3A_2665 : memref<32x768xf32, #tpu.memory_space<vmem>>)
    %mul3A_2669 = arith.constant 2 : i32
    %mul3A_2670 = arith.muli %add3A, %mul3A_2669 : i32
    %add3A_2671 = arith.constant 1 : i32
    %add3A_2672 = arith.addi %mul3A_2670, %add3A_2671 : i32
    %dma_start3A_2673 = arith.constant 512 : i32
    %dma_start3A_2674 = arith.constant 0 : i32
    %dma_start3A_2675 = tpu.memref_slice %arg4[%add3A_2672, %dma_start3A_2673, %dma_start3A_2674] : memref<64x576x1536xf32, #tpu.memory_space<hbm>> -> memref<1x32x1536xf32, #tpu.memory_space<hbm>>
    %dma_start3A_2676 = tpu.memref_squeeze %dma_start3A_2675 : memref<1x32x1536xf32, #tpu.memory_space<hbm>> -> memref<32x1536xf32, #tpu.memory_space<hbm>>
    %dma_start3A_2677 = arith.constant 512 : i32
    %dma_start3A_2678 = arith.constant 0 : i32
    %dma_start3A_2679 = tpu.memref_slice %arg4[%add3A_2672, %dma_start3A_2677, %dma_start3A_2678] : memref<64x576x1536xf32, #tpu.memory_space<hbm>> -> memref<1x32x1536xf32, #tpu.memory_space<hbm>>
    %dma_start3A_2680 = tpu.memref_squeeze %dma_start3A_2679 : memref<1x32x1536xf32, #tpu.memory_space<hbm>> -> memref<32x1536xf32, #tpu.memory_space<hbm>>
    tpu.enqueue_dma source(%arg5 : memref<32x1536xf32, #tpu.memory_space<vmem>>) target(%dma_start3A_2680 : memref<32x1536xf32, #tpu.memory_space<hbm>>) target_semaphore(%arg9 : memref<!tpu.dma_semaphore, #tpu.memory_space<semaphore_mem>>)
    %dma_wait3A_2681 = arith.constant 0 : i32
    %dma_wait3A_2682 = arith.constant 0 : i32
    %dma_wait3A_2683 = tpu.memref_slice %arg6[%dma_wait3A_2681, %dma_wait3A_2682] : memref<32x1536xf32, #tpu.memory_space<vmem>> -> memref<32x768xf32, #tpu.memory_space<vmem>>
    %dma_wait3A_2684 = arith.constant 544 : i32
    %dma_wait3A_2685 = arith.constant 0 : i32
    %dma_wait3A_2686 = tpu.memref_slice %arg2[%add3A_2616, %dma_wait3A_2684, %dma_wait3A_2685] : memref<64x576x768xf32, #tpu.memory_space<hbm>> -> memref<1x32x768xf32, #tpu.memory_space<hbm>>
    %dma_wait3A_2687 = tpu.memref_squeeze %dma_wait3A_2686 : memref<1x32x768xf32, #tpu.memory_space<hbm>> -> memref<32x768xf32, #tpu.memory_space<hbm>>
    %dma_wait3A_2688 = arith.constant 0 : i32
    %dma_wait3A_2689 = arith.constant 0 : i32
    %dma_wait3A_2690 = tpu.memref_slice %arg6[%dma_wait3A_2688, %dma_wait3A_2689] : memref<32x1536xf32, #tpu.memory_space<vmem>> -> memref<32x768xf32, #tpu.memory_space<vmem>>
    %dma_wait3A_2691 = arith.constant 544 : i32
    %dma_wait3A_2692 = arith.constant 0 : i32
    %dma_wait3A_2693 = tpu.memref_slice %arg2[%add3A_2616, %dma_wait3A_2691, %dma_wait3A_2692] : memref<64x576x768xf32, #tpu.memory_space<hbm>> -> memref<1x32x768xf32, #tpu.memory_space<hbm>>
    %dma_wait3A_2694 = tpu.memref_squeeze %dma_wait3A_2693 : memref<1x32x768xf32, #tpu.memory_space<hbm>> -> memref<32x768xf32, #tpu.memory_space<hbm>>
    tpu.wait_dma2 semaphore(%arg8 : memref<!tpu.dma_semaphore, #tpu.memory_space<semaphore_mem>>) src(%dma_wait3A_2694 : memref<32x768xf32, #tpu.memory_space<hbm>>) dst(%dma_wait3A_2690 : memref<32x768xf32, #tpu.memory_space<vmem>>)
    %dma_wait3A_2695 = arith.constant 0 : i32
    %dma_wait3A_2696 = arith.constant 768 : i32
    %dma_wait3A_2697 = tpu.memref_slice %arg6[%dma_wait3A_2695, %dma_wait3A_2696] : memref<32x1536xf32, #tpu.memory_space<vmem>> -> memref<32x768xf32, #tpu.memory_space<vmem>>
    %dma_wait3A_2698 = arith.constant 544 : i32
    %dma_wait3A_2699 = arith.constant 0 : i32
    %dma_wait3A_2700 = tpu.memref_slice %arg3[%dma_wait3A_2698, %dma_wait3A_2699] : memref<576x768xf32, #tpu.memory_space<hbm>> -> memref<32x768xf32, #tpu.memory_space<hbm>>
    %dma_wait3A_2701 = arith.constant 0 : i32
    %dma_wait3A_2702 = arith.constant 768 : i32
    %dma_wait3A_2703 = tpu.memref_slice %arg6[%dma_wait3A_2701, %dma_wait3A_2702] : memref<32x1536xf32, #tpu.memory_space<vmem>> -> memref<32x768xf32, #tpu.memory_space<vmem>>
    %dma_wait3A_2704 = arith.constant 544 : i32
    %dma_wait3A_2705 = arith.constant 0 : i32
    %dma_wait3A_2706 = tpu.memref_slice %arg3[%dma_wait3A_2704, %dma_wait3A_2705] : memref<576x768xf32, #tpu.memory_space<hbm>> -> memref<32x768xf32, #tpu.memory_space<hbm>>
    tpu.wait_dma2 semaphore(%arg8 : memref<!tpu.dma_semaphore, #tpu.memory_space<semaphore_mem>>) src(%dma_wait3A_2706 : memref<32x768xf32, #tpu.memory_space<hbm>>) dst(%dma_wait3A_2703 : memref<32x768xf32, #tpu.memory_space<vmem>>)
    %mul3A_2707 = arith.constant 2 : i32
    %mul3A_2708 = arith.muli %add3A, %mul3A_2707 : i32
    %add3A_2709 = arith.constant 1 : i32
    %add3A_2710 = arith.addi %mul3A_2708, %add3A_2709 : i32
    %dma_start3A_2711 = arith.constant 544 : i32
    %dma_start3A_2712 = arith.constant 0 : i32
    %dma_start3A_2713 = tpu.memref_slice %arg4[%add3A_2710, %dma_start3A_2711, %dma_start3A_2712] : memref<64x576x1536xf32, #tpu.memory_space<hbm>> -> memref<1x32x1536xf32, #tpu.memory_space<hbm>>
    %dma_start3A_2714 = tpu.memref_squeeze %dma_start3A_2713 : memref<1x32x1536xf32, #tpu.memory_space<hbm>> -> memref<32x1536xf32, #tpu.memory_space<hbm>>
    %dma_start3A_2715 = arith.constant 544 : i32
    %dma_start3A_2716 = arith.constant 0 : i32
    %dma_start3A_2717 = tpu.memref_slice %arg4[%add3A_2710, %dma_start3A_2715, %dma_start3A_2716] : memref<64x576x1536xf32, #tpu.memory_space<hbm>> -> memref<1x32x1536xf32, #tpu.memory_space<hbm>>
    %dma_start3A_2718 = tpu.memref_squeeze %dma_start3A_2717 : memref<1x32x1536xf32, #tpu.memory_space<hbm>> -> memref<32x1536xf32, #tpu.memory_space<hbm>>
    tpu.enqueue_dma source(%arg6 : memref<32x1536xf32, #tpu.memory_space<vmem>>) target(%dma_start3A_2718 : memref<32x1536xf32, #tpu.memory_space<hbm>>) target_semaphore(%arg10 : memref<!tpu.dma_semaphore, #tpu.memory_space<semaphore_mem>>)
    %dma_wait3A_2719 = arith.constant 512 : i32
    %dma_wait3A_2720 = arith.constant 0 : i32
    %dma_wait3A_2721 = tpu.memref_slice %arg4[%add3A_2672, %dma_wait3A_2719, %dma_wait3A_2720] : memref<64x576x1536xf32, #tpu.memory_space<hbm>> -> memref<1x32x1536xf32, #tpu.memory_space<hbm>>
    %dma_wait3A_2722 = tpu.memref_squeeze %dma_wait3A_2721 : memref<1x32x1536xf32, #tpu.memory_space<hbm>> -> memref<32x1536xf32, #tpu.memory_space<hbm>>
    %dma_wait3A_2723 = arith.constant 512 : i32
    %dma_wait3A_2724 = arith.constant 0 : i32
    %dma_wait3A_2725 = tpu.memref_slice %arg4[%add3A_2672, %dma_wait3A_2723, %dma_wait3A_2724] : memref<64x576x1536xf32, #tpu.memory_space<hbm>> -> memref<1x32x1536xf32, #tpu.memory_space<hbm>>
    %dma_wait3A_2726 = tpu.memref_squeeze %dma_wait3A_2725 : memref<1x32x1536xf32, #tpu.memory_space<hbm>> -> memref<32x1536xf32, #tpu.memory_space<hbm>>
    tpu.wait_dma2 semaphore(%arg9 : memref<!tpu.dma_semaphore, #tpu.memory_space<semaphore_mem>>) src(%arg5 : memref<32x1536xf32, #tpu.memory_space<vmem>>) dst(%dma_wait3A_2726 : memref<32x1536xf32, #tpu.memory_space<hbm>>)
    %dma_wait3A_2727 = arith.constant 544 : i32
    %dma_wait3A_2728 = arith.constant 0 : i32
    %dma_wait3A_2729 = tpu.memref_slice %arg4[%add3A_2710, %dma_wait3A_2727, %dma_wait3A_2728] : memref<64x576x1536xf32, #tpu.memory_space<hbm>> -> memref<1x32x1536xf32, #tpu.memory_space<hbm>>
    %dma_wait3A_2730 = tpu.memref_squeeze %dma_wait3A_2729 : memref<1x32x1536xf32, #tpu.memory_space<hbm>> -> memref<32x1536xf32, #tpu.memory_space<hbm>>
    %dma_wait3A_2731 = arith.constant 544 : i32
    %dma_wait3A_2732 = arith.constant 0 : i32
    %dma_wait3A_2733 = tpu.memref_slice %arg4[%add3A_2710, %dma_wait3A_2731, %dma_wait3A_2732] : memref<64x576x1536xf32, #tpu.memory_space<hbm>> -> memref<1x32x1536xf32, #tpu.memory_space<hbm>>
    %dma_wait3A_2734 = tpu.memref_squeeze %dma_wait3A_2733 : memref<1x32x1536xf32, #tpu.memory_space<hbm>> -> memref<32x1536xf32, #tpu.memory_space<hbm>>
    tpu.wait_dma2 semaphore(%arg10 : memref<!tpu.dma_semaphore, #tpu.memory_space<semaphore_mem>>) src(%arg6 : memref<32x1536xf32, #tpu.memory_space<vmem>>) dst(%dma_wait3A_2734 : memref<32x1536xf32, #tpu.memory_space<hbm>>)
    return
  }
}

</mosaic_0001>

<sc_bundles>
// kernel: kernel.3.cloned.1.call-start
scs
__scs_entry_jumppad:
0x0: {  	(pc) =	sbr.rel $0x88, $3  }
0x1: {  	(tag) =	ssettag $0x0;
	lr =	simm.s32 $0x1  }
0x2: {  	[smem:$0x3F9F] =	sst lr;
	_ =	strace $0xD0000000  }
0x3: {  	_ = 	snop  }
0x4: {  	_ = 	snop  }
0x5: {  	_ = 	snop  }
0x6: {  	_ = 	snop  }
0x7: {  	_ = 	snop  }
__scs_overlays_trampoline_lowered:
0x8: {  	[smem:$0x3FAE] =	sst s0  }
0x9: {  	[smem:$0x3FAF] =	sst s1  }
0xa: {  	[smem:$0x3FB0] =	sst s2  }
0xb: {  	[smem:$0x3FB1] =	sst s3  }
0xc: {  	[smem:$0x3FB2] =	sst s4  }
0xd: {  	[smem:$0x3FB3] =	sst s5  }
0xe: {  	[smem:$0x3FB4] =	sst s6  }
0xf: {  	[smem:$0x3FB5] =	sst s7  }
0x10: {  	[smem:$0x3FB6] =	sst s8  }
0x11: {  	[smem:$0x3FB7] =	sst s9;
	s0 =	simm.s32 @!p0 $0x0  }
0x12: {  	s1 =	sld [smem:$0x3F9D];
	s0 =	simm.s32 @p0 $0x1  }
0x13: {  	[smem:$0x3FB8] =	sst s0;
	s0 =	simm.s32 @!p1 $0x0  }
0x14: {  	s2 =	sld [smem:$0x3F9C];
	s0 =	simm.s32 @p1 $0x1  }
0x15: {  	[smem:$0x3FB9] =	sst s0;
	s0 =	simm.s32 @!p2 $0x0  }
0x16: {  	s3 =	sld [smem:$0x3FDB];
	s0 =	simm.s32 @p2 $0x1  }
0x17: {  	s4 =	simm.s32 $0x1BF5;
	[smem:$0x3FBB] =	sst s0  }
0x18: {  	s0 =	sld [smem:$0x3F9E];
	_ =	swait.ge [sflag:s4], $0x0  }
0x19: {  	s7 =	sld [smem:$0x3F9F]  }
0x1a: {  	s8 =	sadd.s32 $0xFFFFE003, lr  }
0x1b: {  	s9 =	sadd.s32 $0xFFFFFEF7, lr;
	s5 =	simm.s32 $0xFFFFFFFF;
	p2 =	slt.u32 s8, $0xFFFFF086  }
0x1c: {  	p1 =	slt.u32 s9, $0xF7A;
	s5 =	simm.s32 @!p2 $0x0  }
0x1d: {  	s5 =	simm.s32 @p1 $0x1;
	p0 =	seq.s32 s7, s2  }
0x1e: {  	s7 =	smul.u32 @!p0 $0xF7A, s2;
	p2 =	seq.s32 @!p0 s5, $0x0  }
0x1f: {  	s9 =	smul.u32 $0xF7A, s1;
	s8 =	simm.s32 @!p0 $0x1BF5;
	p2 =	por !p2, p0  }
0x20: {  	[sflag:s8] =	ssyncset.s32 @!p0 $0xFFFFF086;
	s6 =	sadd.s32 @!p0 s3, s7;
	s7 =	simm.s32 @!p0 $0x108  }
0x21: {  	s3 =	sadd.s32 s3, s9;
	s6 =	sadd.s32 @!p0 $0x88, s6;
	s7 =	simm.s32 @p2 $0x1082  }
0x22: {  	[simem:s7], [sflag:s8] =	dma.local @!p0 [hbm:s6], $0xF7A  }
0x23: {  	s9 =	sor.u32 $0xD0000000, s2;
	s6 =	simm.s32 $0x108;
	_ =	swait.ge @!p0 [sflag:s8], $0x0  }
0x24: {  	s3 =	sadd.s32 $0x88, s3;
	s6 =	simm.s32 @!p1 $0x1082;
	[sflag:s4] =	ssyncset.s32 $0xFFFFF086  }
0x25: {  	[simem:s6], [sflag:s4] =	dma.local [hbm:s3], $0xF7A  }
0x26: {  	[smem:$0x3F9F] =	sst s1;
	(tag) =	ssettag s2;
	_ =	strace s9  }
0x27: {  	s1 =	sld [smem:$0x3FAF]  }
0x28: {  	s2 =	sld [smem:$0x3FB0]  }
0x29: {  	s4 =	sld [smem:$0x3FB2]  }
0x2a: {  	p0 =	seq.s32 s5, $0x0;
	s5 =	sld [smem:$0x3FB3]  }
0x2b: {  	s6 =	sld [smem:$0x3FB4]  }
0x2c: {  	s7 =	sld [smem:$0x3FB5]  }
0x2d: {  	s3 =	simm.s32 $0x108;
	s8 =	sld [smem:$0x3FB6]  }
0x2e: {  	s3 =	simm.s32 @!p0 $0x1082;
	s9 =	sld [smem:$0x3FB7]  }
0x2f: {  	lr =	sadd.s32 s0, s3;
	s0 =	sld [smem:$0x3FAE]  }
0x30: {  	s3 =	sld [smem:$0x3FB1]  }
0x31: {  	[smem:$0x3FBA] =	sst s10  }
0x32: {  	s10 =	sld [smem:$0x3FB8];
	_ =	sdelay $0x3  }
0x33: {  	p0 =	seq.s32 s10, $0x1;
	s10 =	sld [smem:$0x3FBA];
	_ =	sdelay $0x3  }
0x34: {  	[smem:$0x3FBA] =	sst s10  }
0x35: {  	s10 =	sld [smem:$0x3FB9];
	_ =	sdelay $0x3  }
0x36: {  	p1 =	seq.s32 s10, $0x1;
	s10 =	sld [smem:$0x3FBA];
	_ =	sdelay $0x3  }
0x37: {  	[smem:$0x3FBA] =	sst s10  }
0x38: {  	s10 =	sld [smem:$0x3FBB]  }
0x39: {  	_ = 	snop;
	(pc) =	sbr.ind lr, $3  }
0x3a: {  	_ = 	snop  }
0x3b: {  	_ = 	snop  }
0x3c: {  	p2 =	seq.s32 s10, $0x1;
	s10 =	sld [smem:$0x3FBA]  }
0x3d: {  	_ =	shalt  }
0x3e: {  	_ =	shalt  }
0x3f: {  	_ =	shalt  }
0x40: {  	_ =	shalt  }
0x41: {  	_ =	shalt  }
0x42: {  	_ =	shalt  }
0x43: {  	_ =	shalt  }
0x44: {  	_ =	shalt  }
0x45: {  	_ =	shalt  }
0x46: {  	_ =	shalt  }
0x47: {  	_ =	shalt  }
0x48: {  	_ =	shalt  }
0x49: {  	_ =	shalt  }
0x4a: {  	_ =	shalt  }
0x4b: {  	_ =	shalt  }
0x4c: {  	_ =	shalt  }
0x4d: {  	_ =	shalt  }
0x4e: {  	_ =	shalt  }
0x4f: {  	_ =	shalt  }
0x50: {  	_ =	shalt  }
0x51: {  	_ =	shalt  }
0x52: {  	_ =	shalt  }
0x53: {  	_ =	shalt  }
0x54: {  	_ =	shalt  }
0x55: {  	_ =	shalt  }
0x56: {  	_ =	shalt  }
0x57: {  	_ =	shalt  }
0x58: {  	_ =	shalt  }
0x59: {  	_ =	shalt  }
0x5a: {  	_ =	shalt  }
0x5b: {  	_ =	shalt  }
0x5c: {  	_ =	shalt  }
0x5d: {  	_ =	shalt  }
0x5e: {  	_ =	shalt  }
0x5f: {  	_ =	shalt  }
0x60: {  	_ =	shalt  }
0x61: {  	_ =	shalt  }
0x62: {  	_ =	shalt  }
0x63: {  	_ =	shalt  }
0x64: {  	_ =	shalt  }
0x65: {  	_ =	shalt  }
0x66: {  	_ =	shalt  }
0x67: {  	_ =	shalt  }
0x68: {  	_ =	shalt  }
0x69: {  	_ =	shalt  }
0x6a: {  	_ =	shalt  }
0x6b: {  	_ =	shalt  }
0x6c: {  	_ =	shalt  }
0x6d: {  	_ =	shalt  }
0x6e: {  	_ =	shalt  }
0x6f: {  	_ =	shalt  }
0x70: {  	_ =	shalt  }
0x71: {  	_ =	shalt  }
0x72: {  	_ =	shalt  }
0x73: {  	_ =	shalt  }
0x74: {  	_ =	shalt  }
0x75: {  	_ =	shalt  }
0x76: {  	_ =	shalt  }
0x77: {  	_ =	shalt  }
0x78: {  	_ =	shalt  }
0x79: {  	_ =	shalt  }
0x7a: {  	_ =	shalt  }
0x7b: {  	_ =	shalt  }
0x7c: {  	_ =	shalt  }
0x7d: {  	_ =	shalt  }
0x7e: {  	_ =	shalt  }
0x7f: {  	_ =	shalt  }
0x80: {  	_ =	shalt  }
0x81: {  	_ =	shalt  }
0x82: {  	_ =	shalt  }
0x83: {  	_ =	shalt  }
0x84: {  	_ =	shalt  }
0x85: {  	_ =	shalt  }
0x86: {  	_ =	shalt  }
0x87: {  	_ =	shalt  }
.Lfunc_end0:
.L_simem_size_0:
called_computation_lowered:
.L_overlay_start_0:
0x88: {  	s2 =	sld [smem:$0x3FD9]  }
0x89: {  	s3 =	sld [smem:$0x3FFE];
	_ =	sdelay $0x1  }
0x8a: {  	s1 =	srdreg.scid  }
0x8b: {  	s0 =	sand.u32 $0x1, s1  }
0x8c: {  	s18 =	sshll.u32 s0, $0xA;
	s2 =	sadd.s32 s3, s2  }
0x8d: {  	s2 =	sadd.s32 s2, s18  }
0x8e: {  	[smem:$0x3FC6] =	sst s2  }
0x8f: {  	_ = 	snop  }
0x90: {  	s2 =	sld [smem:$0x3FC9]  }
0x91: {  	s19 =	sld [smem:$0x3FC8]  }
0x92: {  	s4 =	sld [smem:$0x3FD0];
	(tm) =	ssettm $0x1  }
0x93: {  	s5 =	sld [smem:$0x3FFB];
	_ =	sdelay $0x3  }
0x94: {  	_ =	strace s5  }
0x95: {  	s5 =	sld [smem:$0x3FFC];
	_ =	sdelay $0x3  }
0x96: {  	_ =	strace s5  }
0x97: {  	s5 =	sld [smem:$0x3FFD];
	_ =	sdelay $0x3  }
0x98: {  	_ =	strace s5  }
0x99: {  	_ =	strace $0x8FFFFFFF  }
0x9a: {  	s20 =	sld [smem:$0x3FDB];
	_ =	sdelay $0x1  }
0x9b: {  	s6 =	simm.s32 $_scs_section_size  }
0x9c: {  	s7 =	simm.s32 $_size__tile_overlayer_lowered;
	s8 =	simm.s32 $_tile_overlayer_lowered  }
0x9d: {  	s23 =	simm.s32 $0x1BFF;
	s22 =	sshll.u32 s8, $0x1;
	s5 =	sadd.s32 s6, s20  }
0x9e: {  	s9 =	simm.s32 $0x0;
	s21 =	sshll.u32 s7, $0x1;
	s7 =	sadd.s32 s22, s5  }
0x9f: {  	[timem:s9], [sflag:s23] =	dma.local [hbm:s7], s21  }
0xa0: {  	_ =	swait.ge [sflag:s23], s21  }
0xa1: {  	s6 =	ssub.s32 $0x0, s21;
	[sflag:s23] =	ssyncset.done $0x0  }
0xa2: {  	[sflag:s23] =	ssyncadd.s32 s6;
	_ =	sdelay $0x1  }
0xa3: {  	s24 =	simm.s32 $0x1B8B  }
0xa4: {  	_ =	swait.ge [sflag:s24], $0x1  }
0xa5: {  	[sflag:s24] =	ssyncset.done $0x0  }
0xa6: {  	s25 =	simm.s32 $0x1B8E;
	[sflag:s24] =	ssyncadd.s32 $0xFFFFFFFF  }
0xa7: {  	s26 =	simm.s32 $execute0_lowered;
	[smem:$0x3FD2] =	sst s25  }
0xa8: {  	s6 =	sshll.u32 s26, $0x1;
	_ =	strace $0x80000046;
	[dreg:$0x1] =	wrdreg $0xFFFFFFFF  }
0xa9: {  	s28 =	simm.s32 $_size_execute0_lowered;
	s5 =	sadd.s32 s5, s6;
	[dreg:$0x0] =	wrdreg $0x0  }
0xaa: {  	s6 =	sshll.u32 s28, $0x1;
	[dreg:$0x2] =	wrdreg s5  }
0xab: {  	[dreg:$0x3] =	wrdreg s6  }
0xac: {  	[dreg:$0x4] =	wrdreg $0xC0  }
0xad: {  	_ =	task [dreg:s9], $0x5FFFF  }
0xae: {  	[dreg:$0x1] =	wrdreg $0xFFFFFFFF  }
0xaf: {  	[dreg:$0x0] =	wrdreg $0x60  }
0xb0: {  	[dreg:$0x2] =	wrdreg s2  }
0xb1: {  	[dreg:$0x3] =	wrdreg s19  }
0xb2: {  	[dreg:$0x4] =	wrdreg s4  }
0xb3: {  	[dreg:$0x5] =	wrdreg $0x9  }
0xb4: {  	_ =	task.clear_ibuf [dreg:s9], $0x6FFFF;
	_ =	strace $0x90000046  }
0xb5: {  	s29 =	simm.s32 $0x9;
	_ =	strace $0x80000048  }
0xb6: {  	_ =	swait.ge [sflag:s29], $0x1  }
0xb7: {  	[sflag:s29] =	ssyncadd.s32 $0xFFFFFFFF  }
0xb8: {  	_ =	strace $0x90000048  }
0xb9: {  	_ =	sfence  }
0xba: {  	s30 =	sld [smem:$0x0];
	_ =	sdelay $0x2  }
0xbb: {  	s31 =	sshll.u32 s1, $0xD;
	s1 =	sshrl.u32 s1, $0x2  }
0xbc: {  	s3 =	sand.u32 $0x4000, s31;
	s1 =	sadd.s32 s1, s30  }
0xbd: {  	s0 =	sor.u32 s3, s0;
	s1 =	sshll.u32 s1, $0x11  }
0xbe: {  	s0 =	sor.u32 s1, s0  }
0xbf: {  	s0 =	sadd.s32 $0x8F2B, s0  }
0xc0: {  	[sflag:s0] =	ssyncadd.remote.s32 $0x1  }
0xc1: {  	_ =	sfence.sel $0xFFFF  }
0xc2: {  	[dreg:$0x0] =	wrdreg $0xFFFFFFFF;
	(pc) =	sbr.abs _section_cstart, $3  }
0xc3: {  	[dreg:$0x1] =	wrdreg $0xFFFFFFFF  }
0xc4: {  	_ =	task.clear_ibuf [dreg:s9], $0x2FFFF;
	_ =	strace $0x9FFFFFFF  }
0xc5: {  	(tm) =	ssettm $0x7FFFFFFF  }
tec
execute0_lowered:
.L_overlay_start_1:
0x0: {  	(tag) =	ssettag $0x1  }
0x1: {  	s0 =	srdreg.scid  }
0x2: {  	s1 =	stileid.u32;
	s2 =	sand.u32 $0x1, s0  }
0x3: {  	s1 =	sshll.u32 s1, $0x2;
	s3 =	sshll.u32 s2, $0x1  }
0x4: {  	s1 =	sor.u32 s3, s1  }
0x5: {  	s7 =	rddreg [dreg:$0x1];
	s6 =	smul.u32 $0xD8000, s1  }
0x6: {  	s5 =	rddreg [dreg:$0x2];
	s4 =	smul.u32 $0x6C000, s1  }
0x7: {  	s0 =	rddreg [dreg:$0x0];
	s3 =	simm.s32 $0x0;
	s26 =	sshrl.u32 s6, $0x3  }
0x8: {  	[smem:$0x7FF] =	sst s3;
	s4 =	sshrl.u32 s4, $0x3;
	s9 =	sadd.s32 s5, s26  }
0x9: {  	_ =	strace $0x80000047;
	s8 =	sadd.s32 s0, s4;
	[smem:$0x7B6] =	sst s9  }
0xa: {  	s28 =	sadd.s32 $0xC00, s8;
	[smem:$0x7E3] =	sst s8  }
0xb: {  	s4 =	sadd.s32 $0x1800, s9;
	[smem:$0x7B5] =	sst s28  }
0xc: {  	s29 =	sadd.s32 $0x3000, s9;
	[dreg:$0x4] =	wrdreg s4  }
0xd: {  	s30 =	sadd.s32 $0x4800, s9;
	[dreg:$0x5] =	wrdreg s29  }
0xe: {  	s31 =	sadd.s32 $0x6000, s9;
	[dreg:$0x6] =	wrdreg s30  }
0xf: {  	s6 =	sadd.s32 $0x7800, s9;
	[dreg:$0x7] =	wrdreg s31  }
0x10: {  	s10 =	sadd.s32 $0x9000, s9;
	[dreg:$0x8] =	wrdreg s6  }
0x11: {  	s11 =	sadd.s32 $0xA800, s9;
	[dreg:$0x9] =	wrdreg s10  }
0x12: {  	s12 =	sadd.s32 $0xC000, s9;
	[dreg:$0xa] =	wrdreg s11  }
0x13: {  	s13 =	sadd.s32 $0xD800, s9;
	[dreg:$0xb] =	wrdreg s12  }
0x14: {  	s14 =	sadd.s32 $0xF000, s9;
	[dreg:$0xc] =	wrdreg s13  }
0x15: {  	s15 =	sadd.s32 $0x10800, s9;
	[dreg:$0xd] =	wrdreg s14  }
0x16: {  	s16 =	sadd.s32 $0x12000, s9;
	[dreg:$0xe] =	wrdreg s15  }
0x17: {  	s1 =	sor.u32 $0x1, s1;
	s17 =	sadd.s32 $0x13800, s9;
	[dreg:$0xf] =	wrdreg s16  }
0x18: {  	s19 =	smul.u32 $0xD8000, s1;
	s18 =	sadd.s32 $0x15000, s9;
	[dreg:$0x10] =	wrdreg s17  }
0x19: {  	s1 =	smul.u32 $0x6C000, s1;
	s20 =	sadd.s32 $0x16800, s9;
	[dreg:$0x11] =	wrdreg s18  }
0x1a: {  	s21 =	sadd.s32 $0x18000, s9;
	[dreg:$0x12] =	wrdreg s20  }
0x1b: {  	s1 =	sshrl.u32 s1, $0x3;
	s22 =	sadd.s32 $0x19800, s9;
	[dreg:$0x13] =	wrdreg s21  }
0x1c: {  	s0 =	sadd.s32 s0, s1;
	[dreg:$0x14] =	wrdreg s22  }
0x1d: {  	s31 =	sadd.s32 $0xC00, s7;
	[smem:$0x7F6] =	sst s0  }
0x1e: {  	s10 =	sadd.s32 $0x1800, s8;
	[smem:$0x7B7] =	sst s31  }
0x1f: {  	s12 =	sadd.s32 $0x1800, s7;
	[smem:$0x7B8] =	sst s10  }
0x20: {  	s14 =	sadd.s32 $0x2400, s8;
	[smem:$0x7B9] =	sst s12  }
0x21: {  	s16 =	sadd.s32 $0x2400, s7;
	[smem:$0x7BA] =	sst s14  }
0x22: {  	s18 =	sadd.s32 $0x3000, s8;
	[smem:$0x7BB] =	sst s16  }
0x23: {  	s20 =	sadd.s32 $0x3000, s7;
	[smem:$0x7BC] =	sst s18  }
0x24: {  	s22 =	sadd.s32 $0x3C00, s8;
	[smem:$0x7BD] =	sst s20  }
0x25: {  	s6 =	sshrl.u32 s19, $0x3;
	s4 =	sadd.s32 $0xC000, s8;
	[smem:$0x7BF] =	sst s22  }
0x26: {  	s6 =	sadd.s32 s5, s6;
	[smem:$0x7E1] =	sst s4  }
0x27: {  	s31 =	sadd.s32 $0x5400, s8;
	[smem:$0x7C7] =	sst s6  }
0x28: {  	s10 =	sadd.s32 $0x600, s8;
	[smem:$0x7C8] =	sst s31  }
0x29: {  	s12 =	sadd.s32 $0x900, s8;
	[smem:$0x7CD] =	sst s10  }
0x2a: {  	s14 =	sadd.s32 $0x6000, s7;
	[smem:$0x7CE] =	sst s12  }
0x2b: {  	s16 =	sadd.s32 $0x1500, s8;
	[smem:$0x7CF] =	sst s14  }
0x2c: {  	s18 =	sadd.s32 $0x6C00, s7;
	[smem:$0x7D3] =	sst s16  }
0x2d: {  	s20 =	sadd.s32 $0x7800, s7;
	[smem:$0x7D4] =	sst s18  }
0x2e: {  	s22 =	sadd.s32 $0x8400, s7;
	[smem:$0x7D6] =	sst s20  }
0x2f: {  	s5 =	sadd.s32 $0xC000, s7;
	[smem:$0x7D8] =	sst s22  }
0x30: {  	s23 =	sadd.s32 $0x1800, s6;
	[smem:$0x7E2] =	sst s5  }
0x31: {  	s24 =	sadd.s32 $0x3000, s6;
	[dreg:$0x15] =	wrdreg s23  }
0x32: {  	s25 =	sadd.s32 $0x4800, s6;
	[dreg:$0x16] =	wrdreg s24  }
0x33: {  	s26 =	sadd.s32 $0x6000, s6;
	[dreg:$0x17] =	wrdreg s25  }
0x34: {  	s29 =	sadd.s32 $0x7800, s6;
	[dreg:$0x18] =	wrdreg s26  }
0x35: {  	s30 =	sadd.s32 $0x9000, s6;
	[dreg:$0x19] =	wrdreg s29  }
0x36: {  	s9 =	sadd.s32 $0xA800, s6;
	[dreg:$0x1a] =	wrdreg s30  }
0x37: {  	s11 =	sadd.s32 $0xC000, s6;
	[dreg:$0x1b] =	wrdreg s9  }
0x38: {  	s13 =	sadd.s32 $0xD800, s6;
	[dreg:$0x1c] =	wrdreg s11  }
0x39: {  	s15 =	sadd.s32 $0xF000, s6;
	[dreg:$0x1d] =	wrdreg s13  }
0x3a: {  	s17 =	sadd.s32 $0x10800, s6;
	[dreg:$0x1e] =	wrdreg s15  }
0x3b: {  	s2 =	ssub.s32 $0x2, s2;
	s19 =	sadd.s32 $0x12000, s6;
	[dreg:$0x1f] =	wrdreg s17  }
0x3c: {  	s28 =	sshrl.u32 s2, $0x1;
	s21 =	sadd.s32 $0x13800, s6;
	[smem:$0x7BE] =	sst s19  }
0x3d: {  	s2 =	ssub.s32 s2, s28;
	s28 =	sadd.s32 $0x18000, s6;
	[smem:$0x7C0] =	sst s21  }
0x3e: {  	s31 =	sadd.s32 $0xB400, s7;
	[smem:$0x7C6] =	sst s28  }
0x3f: {  	s10 =	sadd.s32 $0x1800, s0;
	[smem:$0x7E0] =	sst s31  }
0x40: {  	s12 =	sadd.s32 $0x3000, s0;
	[smem:$0x7E7] =	sst s10  }
0x41: {  	s14 =	sadd.s32 $0x4800, s0;
	[smem:$0x7E9] =	sst s12  }
0x42: {  	s16 =	sadd.s32 $0x6000, s0;
	[smem:$0x7EB] =	sst s14  }
0x43: {  	s18 =	sadd.s32 $0x7800, s0;
	[smem:$0x7ED] =	sst s16  }
0x44: {  	s20 =	sadd.s32 $0x9000, s0;
	[smem:$0x7EF] =	sst s18  }
0x45: {  	s22 =	sadd.s32 $0xA800, s0;
	[smem:$0x7F1] =	sst s20  }
0x46: {  	s24 =	sadd.s32 $0x3C00, s7;
	[smem:$0x7F3] =	sst s22  }
0x47: {  	s23 =	sadd.s32 $0x15000, s6;
	[smem:$0x7C1] =	sst s24  }
0x48: {  	s26 =	sadd.s32 $0x4800, s8;
	[smem:$0x7C2] =	sst s23  }
0x49: {  	s25 =	sadd.s32 $0x16800, s6;
	[smem:$0x7C3] =	sst s26  }
0x4a: {  	s29 =	sadd.s32 $0x4800, s7;
	[smem:$0x7C4] =	sst s25  }
0x4b: {  	s30 =	sadd.s32 $0x19800, s6;
	[smem:$0x7C5] =	sst s29  }
0x4c: {  	s9 =	sadd.s32 $0x5400, s7;
	[smem:$0x7C9] =	sst s30  }
0x4d: {  	s6 =	sadd.s32 $0x300, s8;
	[smem:$0x7CA] =	sst s9  }
0x4e: {  	s11 =	sadd.s32 $0x6000, s8;
	[smem:$0x7CB] =	sst s6  }
0x4f: {  	s13 =	sadd.s32 $0xF00, s8;
	[smem:$0x7CC] =	sst s11  }
0x50: {  	s15 =	sadd.s32 $0x1200, s8;
	[smem:$0x7D0] =	sst s13  }
0x51: {  	s17 =	sadd.s32 $0x6C00, s8;
	[smem:$0x7D1] =	sst s15  }
0x52: {  	s19 =	sadd.s32 $0x7800, s8;
	[smem:$0x7D2] =	sst s17  }
0x53: {  	s21 =	sadd.s32 $0x8400, s8;
	[smem:$0x7D5] =	sst s19  }
0x54: {  	s28 =	sadd.s32 $0xA800, s8;
	[smem:$0x7D7] =	sst s21  }
0x55: {  	s31 =	sadd.s32 $0x1500, s7;
	[smem:$0x7DD] =	sst s28  }
0x56: {  	s23 =	sadd.s32 $0x9000, s8;
	[smem:$0x7FD] =	sst s31  }
0x57: {  	s24 =	sadd.s32 $0x9000, s7;
	[smem:$0x7D9] =	sst s23  }
0x58: {  	s25 =	sadd.s32 $0x9C00, s8;
	[smem:$0x7DA] =	sst s24  }
0x59: {  	s26 =	sadd.s32 $0x9C00, s7;
	[smem:$0x7DB] =	sst s25  }
0x5a: {  	s29 =	sadd.s32 $0xA800, s7;
	[smem:$0x7DC] =	sst s26  }
0x5b: {  	s30 =	sadd.s32 $0xB400, s8;
	[smem:$0x7DE] =	sst s29  }
0x5c: {  	s6 =	sadd.s32 $0xCC00, s8;
	[smem:$0x7DF] =	sst s30  }
0x5d: {  	s8 =	sadd.s32 $0xCC00, s7;
	[smem:$0x7E4] =	sst s6  }
0x5e: {  	s9 =	sadd.s32 $0xC00, s0;
	[smem:$0x7E5] =	sst s8  }
0x5f: {  	s11 =	sadd.s32 $0x2400, s0;
	[smem:$0x7E6] =	sst s9  }
0x60: {  	s13 =	sadd.s32 $0x3C00, s0;
	[smem:$0x7E8] =	sst s11  }
0x61: {  	s15 =	sadd.s32 $0x5400, s0;
	[smem:$0x7EA] =	sst s13  }
0x62: {  	s17 =	sadd.s32 $0x6C00, s0;
	[smem:$0x7EC] =	sst s15  }
0x63: {  	s19 =	sadd.s32 $0x8400, s0;
	[smem:$0x7EE] =	sst s17  }
0x64: {  	s21 =	sadd.s32 $0x9C00, s0;
	[smem:$0x7F0] =	sst s19  }
0x65: {  	s28 =	sadd.s32 $0x900, s7;
	[smem:$0x7F2] =	sst s21  }
0x66: {  	s23 =	sadd.s32 $0xB400, s0;
	[smem:$0x7FA] =	sst s28  }
0x67: {  	s24 =	sadd.s32 $0xC000, s0;
	[smem:$0x7F4] =	sst s23  }
0x68: {  	s0 =	sadd.s32 $0xCC00, s0;
	[smem:$0x7F5] =	sst s24  }
0x69: {  	s1 =	smax.u32 s2, $0x1;
	s25 =	sadd.s32 $0x300, s7;
	[smem:$0x7F7] =	sst s0  }
0x6a: {  	s16 =	simm.s32 $0xC000;
	s26 =	sadd.s32 $0x600, s7;
	[smem:$0x7F8] =	sst s25  }
0x6b: {  	s29 =	sadd.s32 $0xF00, s7;
	s30 =	sadd.s32 $0x1200, s7;
	[smem:$0x7F9] =	sst s26  }
0x6c: {  	s13 =	simm.s32 $0x1;
	s15 =	simm.s32 $0x3;
	[smem:$0x7FB] =	sst s29  }
0x6d: {  	s17 =	simm.s32 $0x2;
	s19 =	simm.s32 $0x4;
	[smem:$0x7FC] =	sst s30  }
.LBB2_1:
0x6e: {  	s2 =	sld [smem:$0x7E3]  }
0x6f: {  	[smem:$0x7B4] =	sst s1  }
0x70: {  	s5 =	sld [smem:$0x7CB]  }
0x71: {  	[tilespmem:s3], [sflag:$0x1] =	stream.linear.gather [hbm4b:s2+s3], $0x1800, $0x38;
	[tilespmem:$0x18000] =	vst v63  }
0x72: {  	s6 =	sld [smem:$0x7CD];
	s0 =	simm.s32 $0x3000  }
0x73: {  	[tilespmem:s0], [sflag:$0x1] =	stream.linear.gather [hbm4b:s5+s3], $0x1800, $0x38;
	[tilespmem:$0x18000] =	vst v63  }
0x74: {  	s7 =	sld [smem:$0x7CE];
	s10 =	simm.s32 $0x6000  }
0x75: {  	[tilespmem:s10], [sflag:$0x1] =	stream.linear.gather [hbm4b:s6+s3], $0x1800, $0x38;
	[tilespmem:$0x18000] =	vst v63  }
0x76: {  	s11 =	simm.s32 $0x9000;
	s12 =	rddreg [dreg:$0x1]  }
0x77: {  	[tilespmem:s11], [sflag:$0x1] =	stream.linear.gather [hbm4b:s7+s3], $0x1800, $0x38;
	[tilespmem:$0x18000] =	vst v63  }
0x78: {  	s14 =	simm.s32 $0x1800;
	s18 =	sld [smem:$0x7F8]  }
0x79: {  	[tilespmem:s14], [sflag:$0x1] =	stream.linear.gather [hbm4b:s12+s3], $0x1800, $0x38;
	[tilespmem:$0x18000] =	vst v63  }
0x7a: {  	s20 =	simm.s32 $0x4800;
	s21 =	sld [smem:$0x7F9]  }
0x7b: {  	[tilespmem:s20], [sflag:$0x1] =	stream.linear.gather [hbm4b:s18+s3], $0x1800, $0x38;
	[tilespmem:$0x18000] =	vst v63  }
0x7c: {  	s22 =	simm.s32 $0x7800;
	s24 =	sld [smem:$0x7FA]  }
0x7d: {  	[tilespmem:s22], [sflag:$0x1] =	stream.linear.gather [hbm4b:s21+s3], $0x1800, $0x38;
	[tilespmem:$0x18000] =	vst v63  }
0x7e: {  	s23 =	sld [smem:$0x7B5];
	s25 =	simm.s32 $0xA800  }
0x7f: {  	[tilespmem:s25], [sflag:$0x1] =	stream.linear.gather [hbm4b:s24+s3], $0x1800, $0x38;
	[tilespmem:$0x18000] =	vst v63  }
0x80: {  	s26 =	sld [smem:$0x7D0]  }
0x81: {  	[tilespmem:s16], [sflag:$0x2] =	stream.linear.gather [hbm4b:s23+s3], $0x1800, $0x38;
	[tilespmem:$0x18000] =	vst v63  }
0x82: {  	s28 =	sld [smem:$0x7D1];
	s29 =	simm.s32 $0xF000  }
0x83: {  	[tilespmem:s29], [sflag:$0x2] =	stream.linear.gather [hbm4b:s26+s3], $0x1800, $0x38;
	[tilespmem:$0x18000] =	vst v63  }
0x84: {  	s30 =	sld [smem:$0x7D3];
	s31 =	simm.s32 $0x12000  }
0x85: {  	[tilespmem:s31], [sflag:$0x2] =	stream.linear.gather [hbm4b:s28+s3], $0x1800, $0x38;
	[tilespmem:$0x18000] =	vst v63  }
0x86: {  	s1 =	simm.s32 $0x15000;
	s11 =	sld [smem:$0x7B7]  }
0x87: {  	[tilespmem:s1], [sflag:$0x2] =	stream.linear.gather [hbm4b:s30+s3], $0x1800, $0x38;
	[tilespmem:$0x18000] =	vst v63  }
0x88: {  	s12 =	simm.s32 $0xD800;
	s14 =	sld [smem:$0x7FB]  }
0x89: {  	[tilespmem:s12], [sflag:$0x2] =	stream.linear.gather [hbm4b:s11+s3], $0x1800, $0x38;
	[tilespmem:$0x18000] =	vst v63  }
0x8a: {  	s20 =	simm.s32 $0x10800;
	s23 =	sld [smem:$0x7FC]  }
0x8b: {  	[tilespmem:s20], [sflag:$0x2] =	stream.linear.gather [hbm4b:s14+s3], $0x1800, $0x38;
	[tilespmem:$0x18000] =	vst v63  }
0x8c: {  	s24 =	simm.s32 $0x13800;
	s25 =	sld [smem:$0x7FD]  }
0x8d: {  	[tilespmem:s24], [sflag:$0x2] =	stream.linear.gather [hbm4b:s23+s3], $0x1800, $0x38;
	[tilespmem:$0x18000] =	vst v63  }
0x8e: {  	s26 =	simm.s32 $0x16800  }
0x8f: {  	[tilespmem:s26], [sflag:$0x2] =	stream.linear.gather [hbm4b:s25+s3], $0x1800, $0x38;
	[tilespmem:$0x18000] =	vst v63  }
0x90: {  	_ =	swait.ge [sflag:s13], $0x6000  }
0x91: {  	[sflag:s13] =	ssyncset.done $0x0  }
0x92: {  	[sflag:s13] =	ssyncadd.s32 $0xFFFFA000  }
0x93: {  	_ =	swait.ge [sflag:s13], $0x6000  }
0x94: {  	s28 =	sld [smem:$0x7B6]  }
0x95: {  	[sflag:s13] =	ssyncset.done $0x0  }
0x96: {  	[sflag:s13] =	ssyncadd.s32 $0xFFFFA000  }
0x97: {  	[hbm4b:s28+s3] =	stream.linear.scatter [tilespmem:s3], [sflag:$0x3], $0xC000, $0x38;
	[tilespmem:$0x18000] =	vst v63  }
0x98: {  	_ =	swait.ge [sflag:s15], $0xC000  }
0x99: {  	s29 =	sld [smem:$0x7B8]  }
0x9a: {  	[sflag:s15] =	ssyncset.done $0x0  }
0x9b: {  	[sflag:s15] =	ssyncadd.s32 $0xFFFF4000  }
0x9c: {  	[tilespmem:s3], [sflag:$0x1] =	stream.linear.gather [hbm4b:s29+s3], $0x1800, $0x38;
	[tilespmem:$0x18000] =	vst v63  }
0x9d: {  	s8 =	simm.s32 $0x3000;
	s30 =	sadd.s32 $0x300, s29  }
0x9e: {  	[tilespmem:s8], [sflag:$0x1] =	stream.linear.gather [hbm4b:s30+s3], $0x1800, $0x38;
	[tilespmem:$0x18000] =	vst v63  }
0x9f: {  	s9 =	simm.s32 $0x6000;
	s2 =	sld [smem:$0x7B9];
	s31 =	sadd.s32 $0x600, s29  }
0xa0: {  	[tilespmem:s9], [sflag:$0x1] =	stream.linear.gather [hbm4b:s31+s3], $0x1800, $0x38;
	[tilespmem:$0x18000] =	vst v63  }
0xa1: {  	s4 =	simm.s32 $0x9000;
	s0 =	sadd.s32 $0x900, s29  }
0xa2: {  	[tilespmem:s4], [sflag:$0x1] =	stream.linear.gather [hbm4b:s0+s3], $0x1800, $0x38;
	[tilespmem:$0x18000] =	vst v63  }
0xa3: {  	s7 =	simm.s32 $0x1800;
	s24 =	sadd.s32 $0x900, s2  }
0xa4: {  	[tilespmem:s7], [sflag:$0x1] =	stream.linear.gather [hbm4b:s2+s3], $0x1800, $0x38;
	[tilespmem:$0x18000] =	vst v63  }
0xa5: {  	s5 =	simm.s32 $0x4800;
	[smem:$0x786] =	sst s24;
	s4 =	sadd.s32 $0x300, s2  }
0xa6: {  	[tilespmem:s5], [sflag:$0x1] =	stream.linear.gather [hbm4b:s4+s3], $0x1800, $0x38;
	[tilespmem:$0x18000] =	vst v63  }
0xa7: {  	s6 =	simm.s32 $0x7800;
	[smem:$0x784] =	sst s4;
	s5 =	sadd.s32 $0x600, s2  }
0xa8: {  	[tilespmem:s6], [sflag:$0x1] =	stream.linear.gather [hbm4b:s5+s3], $0x1800, $0x38;
	[tilespmem:$0x18000] =	vst v63  }
0xa9: {  	s10 =	simm.s32 $0xA800;
	[smem:$0x785] =	sst s5  }
0xaa: {  	[tilespmem:s10], [sflag:$0x1] =	stream.linear.gather [hbm4b:s24+s3], $0x1800, $0x38;
	[tilespmem:$0x18000] =	vst v63  }
0xab: {  	_ =	swait.ge [sflag:s17], $0x6000  }
0xac: {  	[sflag:s17] =	ssyncset.done $0x0  }
0xad: {  	[sflag:s17] =	ssyncadd.s32 $0xFFFFA000  }
0xae: {  	_ =	swait.ge [sflag:s17], $0x6000  }
0xaf: {  	[sflag:s17] =	ssyncset.done $0x0  }
0xb0: {  	s25 =	rddreg [dreg:$0x4];
	[sflag:s17] =	ssyncadd.s32 $0xFFFFA000  }
0xb1: {  	[hbm4b:s25+s3] =	stream.linear.scatter [tilespmem:s16], [sflag:$0x4], $0xC000, $0x38;
	[tilespmem:$0x18000] =	vst v63  }
0xb2: {  	_ =	swait.ge [sflag:s19], $0xC000  }
0xb3: {  	s28 =	sld [smem:$0x7BA]  }
0xb4: {  	[sflag:s19] =	ssyncset.done $0x0  }
0xb5: {  	[sflag:s19] =	ssyncadd.s32 $0xFFFF4000  }
0xb6: {  	[tilespmem:s16], [sflag:$0x2] =	stream.linear.gather [hbm4b:s28+s3], $0x1800, $0x38;
	[tilespmem:$0x18000] =	vst v63  }
0xb7: {  	s22 =	simm.s32 $0xF000;
	s0 =	simm.s32 $0x12000;
	s29 =	sadd.s32 $0x300, s28  }
0xb8: {  	[tilespmem:s22], [sflag:$0x2] =	stream.linear.gather [hbm4b:s29+s3], $0x1800, $0x38;
	[tilespmem:$0x18000] =	vst v63  }
0xb9: {  	s30 =	sadd.s32 $0x600, s28;
	s31 =	sadd.s32 $0x900, s28;
	s28 =	sld [smem:$0x7BB]  }
0xba: {  	[tilespmem:s0], [sflag:$0x2] =	stream.linear.gather [hbm4b:s30+s3], $0x1800, $0x38;
	[tilespmem:$0x18000] =	vst v63  }
0xbb: {  	s21 =	simm.s32 $0x15000  }
0xbc: {  	[tilespmem:s21], [sflag:$0x2] =	stream.linear.gather [hbm4b:s31+s3], $0x1800, $0x38;
	[tilespmem:$0x18000] =	vst v63  }
0xbd: {  	s18 =	simm.s32 $0xD800;
	s2 =	sadd.s32 $0x300, s28  }
0xbe: {  	[tilespmem:s18], [sflag:$0x2] =	stream.linear.gather [hbm4b:s28+s3], $0x1800, $0x38;
	[tilespmem:$0x18000] =	vst v63  }
0xbf: {  	s20 =	simm.s32 $0x10800;
	s5 =	sadd.s32 $0x600, s28;
	[smem:$0x787] =	sst s2  }
0xc0: {  	[tilespmem:s20], [sflag:$0x2] =	stream.linear.gather [hbm4b:s2+s3], $0x1800, $0x38;
	[tilespmem:$0x18000] =	vst v63  }
0xc1: {  	s12 =	simm.s32 $0x13800;
	s6 =	sadd.s32 $0x900, s28;
	[smem:$0x788] =	sst s5  }
0xc2: {  	[tilespmem:s12], [sflag:$0x2] =	stream.linear.gather [hbm4b:s5+s3], $0x1800, $0x38;
	[tilespmem:$0x18000] =	vst v63  }
0xc3: {  	s14 =	simm.s32 $0x16800;
	[smem:$0x789] =	sst s6  }
0xc4: {  	[tilespmem:s14], [sflag:$0x2] =	stream.linear.gather [hbm4b:s6+s3], $0x1800, $0x38;
	[tilespmem:$0x18000] =	vst v63  }
0xc5: {  	_ =	swait.ge [sflag:s13], $0x6000  }
0xc6: {  	[sflag:s13] =	ssyncset.done $0x0  }
0xc7: {  	[sflag:s13] =	ssyncadd.s32 $0xFFFFA000  }
0xc8: {  	_ =	swait.ge [sflag:s13], $0x6000  }
0xc9: {  	[sflag:s13] =	ssyncset.done $0x0  }
0xca: {  	s12 =	rddreg [dreg:$0x5];
	[sflag:s13] =	ssyncadd.s32 $0xFFFFA000  }
0xcb: {  	[hbm4b:s12+s3] =	stream.linear.scatter [tilespmem:s3], [sflag:$0x3], $0xC000, $0x38;
	[tilespmem:$0x18000] =	vst v63  }
0xcc: {  	_ =	swait.ge [sflag:s15], $0xC000  }
0xcd: {  	s14 =	sld [smem:$0x7BC]  }
0xce: {  	[sflag:s15] =	ssyncset.done $0x0  }
0xcf: {  	[sflag:s15] =	ssyncadd.s32 $0xFFFF4000  }
0xd0: {  	[tilespmem:s3], [sflag:$0x1] =	stream.linear.gather [hbm4b:s14+s3], $0x1800, $0x38;
	[tilespmem:$0x18000] =	vst v63  }
0xd1: {  	s8 =	simm.s32 $0x3000;
	s21 =	sadd.s32 $0x300, s14  }
0xd2: {  	[tilespmem:s8], [sflag:$0x1] =	stream.linear.gather [hbm4b:s21+s3], $0x1800, $0x38;
	[tilespmem:$0x18000] =	vst v63  }
0xd3: {  	s11 =	simm.s32 $0x6000;
	s29 =	sld [smem:$0x7BD];
	s24 =	sadd.s32 $0x600, s14  }
0xd4: {  	[tilespmem:s11], [sflag:$0x1] =	stream.linear.gather [hbm4b:s24+s3], $0x1800, $0x38;
	[tilespmem:$0x18000] =	vst v63  }
0xd5: {  	s23 =	simm.s32 $0x9000;
	s25 =	sadd.s32 $0x900, s14  }
0xd6: {  	[tilespmem:s23], [sflag:$0x1] =	stream.linear.gather [hbm4b:s25+s3], $0x1800, $0x38;
	[tilespmem:$0x18000] =	vst v63  }
0xd7: {  	s7 =	simm.s32 $0x1800;
	s30 =	sadd.s32 $0x300, s29  }
0xd8: {  	[tilespmem:s7], [sflag:$0x1] =	stream.linear.gather [hbm4b:s29+s3], $0x1800, $0x38;
	[tilespmem:$0x18000] =	vst v63  }
0xd9: {  	s9 =	simm.s32 $0x4800;
	s31 =	sadd.s32 $0x600, s29;
	[smem:$0x78A] =	sst s30  }
0xda: {  	[tilespmem:s9], [sflag:$0x1] =	stream.linear.gather [hbm4b:s30+s3], $0x1800, $0x38;
	[tilespmem:$0x18000] =	vst v63  }
0xdb: {  	s26 =	simm.s32 $0x7800;
	s2 =	sadd.s32 $0x900, s29;
	[smem:$0x78B] =	sst s31  }
0xdc: {  	[tilespmem:s26], [sflag:$0x1] =	stream.linear.gather [hbm4b:s31+s3], $0x1800, $0x38;
	[tilespmem:$0x18000] =	vst v63  }
0xdd: {  	s4 =	simm.s32 $0xA800;
	[smem:$0x78C] =	sst s2  }
0xde: {  	[tilespmem:s4], [sflag:$0x1] =	stream.linear.gather [hbm4b:s2+s3], $0x1800, $0x38;
	[tilespmem:$0x18000] =	vst v63  }
0xdf: {  	_ =	swait.ge [sflag:s17], $0x6000  }
0xe0: {  	[sflag:s17] =	ssyncset.done $0x0  }
0xe1: {  	[sflag:s17] =	ssyncadd.s32 $0xFFFFA000  }
0xe2: {  	_ =	swait.ge [sflag:s17], $0x6000  }
0xe3: {  	[sflag:s17] =	ssyncset.done $0x0  }
0xe4: {  	s7 =	rddreg [dreg:$0x6];
	[sflag:s17] =	ssyncadd.s32 $0xFFFFA000  }
0xe5: {  	[hbm4b:s7+s3] =	stream.linear.scatter [tilespmem:s16], [sflag:$0x4], $0xC000, $0x38;
	[tilespmem:$0x18000] =	vst v63  }
0xe6: {  	_ =	swait.ge [sflag:s19], $0xC000  }
0xe7: {  	s11 =	sld [smem:$0x7BF]  }
0xe8: {  	[sflag:s19] =	ssyncset.done $0x0  }
0xe9: {  	[sflag:s19] =	ssyncadd.s32 $0xFFFF4000  }
0xea: {  	[tilespmem:s16], [sflag:$0x2] =	stream.linear.gather [hbm4b:s11+s3], $0x1800, $0x38;
	[tilespmem:$0x18000] =	vst v63  }
0xeb: {  	s22 =	simm.s32 $0xF000;
	s14 =	sadd.s32 $0x300, s11  }
0xec: {  	[tilespmem:s22], [sflag:$0x2] =	stream.linear.gather [hbm4b:s14+s3], $0x1800, $0x38;
	[tilespmem:$0x18000] =	vst v63  }
0xed: {  	s25 =	sld [smem:$0x7C1];
	s22 =	sadd.s32 $0x600, s11  }
0xee: {  	[tilespmem:s0], [sflag:$0x2] =	stream.linear.gather [hbm4b:s22+s3], $0x1800, $0x38;
	[tilespmem:$0x18000] =	vst v63  }
0xef: {  	s10 =	simm.s32 $0x15000;
	s24 =	sadd.s32 $0x900, s11  }
0xf0: {  	[tilespmem:s10], [sflag:$0x2] =	stream.linear.gather [hbm4b:s24+s3], $0x1800, $0x38;
	[tilespmem:$0x18000] =	vst v63  }
0xf1: {  	s18 =	simm.s32 $0xD800;
	s30 =	sadd.s32 $0x300, s25  }
0xf2: {  	[tilespmem:s18], [sflag:$0x2] =	stream.linear.gather [hbm4b:s25+s3], $0x1800, $0x38;
	[tilespmem:$0x18000] =	vst v63  }
0xf3: {  	s20 =	simm.s32 $0x10800;
	s31 =	sadd.s32 $0x600, s25;
	[smem:$0x78D] =	sst s30  }
0xf4: {  	[tilespmem:s20], [sflag:$0x2] =	stream.linear.gather [hbm4b:s30+s3], $0x1800, $0x38;
	[tilespmem:$0x18000] =	vst v63  }
0xf5: {  	s5 =	simm.s32 $0x13800;
	s2 =	sadd.s32 $0x900, s25;
	[smem:$0x78E] =	sst s31  }
0xf6: {  	[tilespmem:s5], [sflag:$0x2] =	stream.linear.gather [hbm4b:s31+s3], $0x1800, $0x38;
	[tilespmem:$0x18000] =	vst v63  }
0xf7: {  	s6 =	simm.s32 $0x16800;
	[smem:$0x78F] =	sst s2  }
0xf8: {  	[tilespmem:s6], [sflag:$0x2] =	stream.linear.gather [hbm4b:s2+s3], $0x1800, $0x38;
	[tilespmem:$0x18000] =	vst v63  }
0xf9: {  	_ =	swait.ge [sflag:s13], $0x6000  }
0xfa: {  	[sflag:s13] =	ssyncset.done $0x0  }
0xfb: {  	[sflag:s13] =	ssyncadd.s32 $0xFFFFA000  }
0xfc: {  	_ =	swait.ge [sflag:s13], $0x6000  }
0xfd: {  	[sflag:s13] =	ssyncset.done $0x0  }
0xfe: {  	s6 =	rddreg [dreg:$0x7];
	[sflag:s13] =	ssyncadd.s32 $0xFFFFA000  }
0xff: {  	[hbm4b:s6+s3] =	stream.linear.scatter [tilespmem:s3], [sflag:$0x3], $0xC000, $0x38;
	[tilespmem:$0x18000] =	vst v63  }
0x100: {  	_ =	swait.ge [sflag:s15], $0xC000  }
0x101: {  	s10 =	sld [smem:$0x7C3]  }
0x102: {  	[sflag:s15] =	ssyncset.done $0x0  }
0x103: {  	[sflag:s15] =	ssyncadd.s32 $0xFFFF4000  }
0x104: {  	[tilespmem:s3], [sflag:$0x1] =	stream.linear.gather [hbm4b:s10+s3], $0x1800, $0x38;
	[tilespmem:$0x18000] =	vst v63  }
0x105: {  	s21 =	simm.s32 $0x3000;
	s11 =	sadd.s32 $0x300, s10  }
0x106: {  	[tilespmem:s21], [sflag:$0x1] =	stream.linear.gather [hbm4b:s11+s3], $0x1800, $0x38;
	[tilespmem:$0x18000] =	vst v63  }
0x107: {  	s8 =	simm.s32 $0x6000;
	s24 =	sld [smem:$0x7C5];
	s21 =	sadd.s32 $0x600, s10  }
0x108: {  	[tilespmem:s8], [sflag:$0x1] =	stream.linear.gather [hbm4b:s21+s3], $0x1800, $0x38;
	[tilespmem:$0x18000] =	vst v63  }
0x109: {  	s22 =	sadd.s32 $0x900, s10  }
0x10a: {  	[tilespmem:s23], [sflag:$0x1] =	stream.linear.gather [hbm4b:s22+s3], $0x1800, $0x38;
	[tilespmem:$0x18000] =	vst v63  }
0x10b: {  	s12 =	simm.s32 $0x1800;
	s25 =	sadd.s32 $0x300, s24  }
0x10c: {  	[tilespmem:s12], [sflag:$0x1] =	stream.linear.gather [hbm4b:s24+s3], $0x1800, $0x38;
	[tilespmem:$0x18000] =	vst v63  }
0x10d: {  	s9 =	simm.s32 $0x4800;
	s30 =	sadd.s32 $0x600, s24;
	[smem:$0x790] =	sst s25  }
0x10e: {  	[tilespmem:s9], [sflag:$0x1] =	stream.linear.gather [hbm4b:s25+s3], $0x1800, $0x38;
	[tilespmem:$0x18000] =	vst v63  }
0x10f: {  	s26 =	simm.s32 $0x7800;
	s31 =	sadd.s32 $0x900, s24;
	[smem:$0x791] =	sst s30  }
0x110: {  	[tilespmem:s26], [sflag:$0x1] =	stream.linear.gather [hbm4b:s30+s3], $0x1800, $0x38;
	[tilespmem:$0x18000] =	vst v63  }
0x111: {  	s4 =	simm.s32 $0xA800;
	[smem:$0x792] =	sst s31  }
0x112: {  	[tilespmem:s4], [sflag:$0x1] =	stream.linear.gather [hbm4b:s31+s3], $0x1800, $0x38;
	[tilespmem:$0x18000] =	vst v63  }
0x113: {  	_ =	swait.ge [sflag:s17], $0x6000  }
0x114: {  	[sflag:s17] =	ssyncset.done $0x0  }
0x115: {  	[sflag:s17] =	ssyncadd.s32 $0xFFFFA000  }
0x116: {  	_ =	swait.ge [sflag:s17], $0x6000  }
0x117: {  	[sflag:s17] =	ssyncset.done $0x0  }
0x118: {  	s2 =	rddreg [dreg:$0x8];
	[sflag:s17] =	ssyncadd.s32 $0xFFFFA000  }
0x119: {  	[hbm4b:s2+s3] =	stream.linear.scatter [tilespmem:s16], [sflag:$0x4], $0xC000, $0x38;
	[tilespmem:$0x18000] =	vst v63  }
0x11a: {  	_ =	swait.ge [sflag:s19], $0xC000  }
0x11b: {  	s6 =	sld [smem:$0x7C8]  }
0x11c: {  	[sflag:s19] =	ssyncset.done $0x0  }
0x11d: {  	[sflag:s19] =	ssyncadd.s32 $0xFFFF4000  }
0x11e: {  	[tilespmem:s16], [sflag:$0x2] =	stream.linear.gather [hbm4b:s6+s3], $0x1800, $0x38;
	[tilespmem:$0x18000] =	vst v63  }
0x11f: {  	s14 =	simm.s32 $0xF000;
	s21 =	sadd.s32 $0x300, s6  }
0x120: {  	[tilespmem:s14], [sflag:$0x2] =	stream.linear.gather [hbm4b:s21+s3], $0x1800, $0x38;
	[tilespmem:$0x18000] =	vst v63  }
0x121: {  	s0 =	simm.s32 $0x12000;
	s25 =	sld [smem:$0x7CA];
	s22 =	sadd.s32 $0x600, s6  }
0x122: {  	[tilespmem:s0], [sflag:$0x2] =	stream.linear.gather [hbm4b:s22+s3], $0x1800, $0x38;
	[tilespmem:$0x18000] =	vst v63  }
0x123: {  	s29 =	simm.s32 $0x15000;
	s24 =	sadd.s32 $0x900, s6  }
0x124: {  	[tilespmem:s29], [sflag:$0x2] =	stream.linear.gather [hbm4b:s24+s3], $0x1800, $0x38;
	[tilespmem:$0x18000] =	vst v63  }
0x125: {  	s18 =	simm.s32 $0xD800;
	s20 =	simm.s32 $0x10800;
	s30 =	sadd.s32 $0x600, s25  }
0x126: {  	[tilespmem:s18], [sflag:$0x2] =	stream.linear.gather [hbm4b:s25+s3], $0x1800, $0x38;
	[tilespmem:$0x18000] =	vst v63  }
0x127: {  	[smem:$0x794] =	sst s30;
	s0 =	sadd.s32 $0x900, s25;
	s29 =	sadd.s32 $0x300, s25  }
0x128: {  	[tilespmem:s20], [sflag:$0x2] =	stream.linear.gather [hbm4b:s29+s3], $0x1800, $0x38;
	[tilespmem:$0x18000] =	vst v63  }
0x129: {  	s5 =	simm.s32 $0x13800;
	[smem:$0x795] =	sst s0  }
0x12a: {  	[tilespmem:s5], [sflag:$0x2] =	stream.linear.gather [hbm4b:s30+s3], $0x1800, $0x38;
	[tilespmem:$0x18000] =	vst v63  }
0x12b: {  	s7 =	simm.s32 $0x16800;
	[smem:$0x793] =	sst s29  }
0x12c: {  	[tilespmem:s7], [sflag:$0x2] =	stream.linear.gather [hbm4b:s0+s3], $0x1800, $0x38;
	[tilespmem:$0x18000] =	vst v63  }
0x12d: {  	_ =	swait.ge [sflag:s13], $0x6000  }
0x12e: {  	[sflag:s13] =	ssyncset.done $0x0  }
0x12f: {  	[sflag:s13] =	ssyncadd.s32 $0xFFFFA000  }
0x130: {  	_ =	swait.ge [sflag:s13], $0x6000  }
0x131: {  	[sflag:s13] =	ssyncset.done $0x0  }
0x132: {  	s2 =	rddreg [dreg:$0x9];
	[sflag:s13] =	ssyncadd.s32 $0xFFFFA000  }
0x133: {  	[hbm4b:s2+s3] =	stream.linear.scatter [tilespmem:s3], [sflag:$0x3], $0xC000, $0x38;
	[tilespmem:$0x18000] =	vst v63  }
0x134: {  	_ =	swait.ge [sflag:s15], $0xC000  }
0x135: {  	s6 =	sld [smem:$0x7CC]  }
0x136: {  	[sflag:s15] =	ssyncset.done $0x0  }
0x137: {  	[sflag:s15] =	ssyncadd.s32 $0xFFFF4000  }
0x138: {  	[tilespmem:s3], [sflag:$0x1] =	stream.linear.gather [hbm4b:s6+s3], $0x1800, $0x38;
	[tilespmem:$0x18000] =	vst v63  }
0x139: {  	s11 =	simm.s32 $0x3000;
	s14 =	sadd.s32 $0x300, s6  }
0x13a: {  	[tilespmem:s11], [sflag:$0x1] =	stream.linear.gather [hbm4b:s14+s3], $0x1800, $0x38;
	[tilespmem:$0x18000] =	vst v63  }
0x13b: {  	s8 =	simm.s32 $0x6000;
	s25 =	sld [smem:$0x7CF];
	s22 =	sadd.s32 $0x600, s6  }
0x13c: {  	[tilespmem:s8], [sflag:$0x1] =	stream.linear.gather [hbm4b:s22+s3], $0x1800, $0x38;
	[tilespmem:$0x18000] =	vst v63  }
0x13d: {  	s24 =	sadd.s32 $0x900, s6  }
0x13e: {  	[tilespmem:s23], [sflag:$0x1] =	stream.linear.gather [hbm4b:s24+s3], $0x1800, $0x38;
	[tilespmem:$0x18000] =	vst v63  }
0x13f: {  	s12 =	simm.s32 $0x1800;
	s29 =	sadd.s32 $0x300, s25  }
0x140: {  	[tilespmem:s12], [sflag:$0x1] =	stream.linear.gather [hbm4b:s25+s3], $0x1800, $0x38;
	[tilespmem:$0x18000] =	vst v63  }
0x141: {  	s9 =	simm.s32 $0x4800;
	s30 =	sadd.s32 $0x600, s25;
	[smem:$0x796] =	sst s29  }
0x142: {  	[tilespmem:s9], [sflag:$0x1] =	stream.linear.gather [hbm4b:s29+s3], $0x1800, $0x38;
	[tilespmem:$0x18000] =	vst v63  }
0x143: {  	s26 =	simm.s32 $0x7800;
	s2 =	sadd.s32 $0x900, s25;
	[smem:$0x797] =	sst s30  }
0x144: {  	[tilespmem:s26], [sflag:$0x1] =	stream.linear.gather [hbm4b:s30+s3], $0x1800, $0x38;
	[tilespmem:$0x18000] =	vst v63  }
0x145: {  	s4 =	simm.s32 $0xA800;
	[smem:$0x798] =	sst s2  }
0x146: {  	[tilespmem:s4], [sflag:$0x1] =	stream.linear.gather [hbm4b:s2+s3], $0x1800, $0x38;
	[tilespmem:$0x18000] =	vst v63  }
0x147: {  	_ =	swait.ge [sflag:s17], $0x6000  }
0x148: {  	[sflag:s17] =	ssyncset.done $0x0  }
0x149: {  	[sflag:s17] =	ssyncadd.s32 $0xFFFFA000  }
0x14a: {  	_ =	swait.ge [sflag:s17], $0x6000  }
0x14b: {  	[sflag:s17] =	ssyncset.done $0x0  }
0x14c: {  	s9 =	rddreg [dreg:$0xa];
	[sflag:s17] =	ssyncadd.s32 $0xFFFFA000  }
0x14d: {  	[hbm4b:s9+s3] =	stream.linear.scatter [tilespmem:s16], [sflag:$0x4], $0xC000, $0x38;
	[tilespmem:$0x18000] =	vst v63  }
0x14e: {  	_ =	swait.ge [sflag:s19], $0xC000  }
0x14f: {  	s12 =	sld [smem:$0x7D2]  }
0x150: {  	[sflag:s19] =	ssyncset.done $0x0  }
0x151: {  	[sflag:s19] =	ssyncadd.s32 $0xFFFF4000  }
0x152: {  	[tilespmem:s16], [sflag:$0x2] =	stream.linear.gather [hbm4b:s12+s3], $0x1800, $0x38;
	[tilespmem:$0x18000] =	vst v63  }
0x153: {  	s10 =	simm.s32 $0xF000;
	s22 =	sadd.s32 $0x300, s12  }
0x154: {  	[tilespmem:s10], [sflag:$0x2] =	stream.linear.gather [hbm4b:s22+s3], $0x1800, $0x38;
	[tilespmem:$0x18000] =	vst v63  }
0x155: {  	s21 =	simm.s32 $0x12000;
	s24 =	sadd.s32 $0x600, s12  }
0x156: {  	[tilespmem:s21], [sflag:$0x2] =	stream.linear.gather [hbm4b:s24+s3], $0x1800, $0x38;
	[tilespmem:$0x18000] =	vst v63  }
0x157: {  	s31 =	simm.s32 $0x15000;
	s29 =	sld [smem:$0x7D4];
	s25 =	sadd.s32 $0x900, s12  }
0x158: {  	[tilespmem:s31], [sflag:$0x2] =	stream.linear.gather [hbm4b:s25+s3], $0x1800, $0x38;
	[tilespmem:$0x18000] =	vst v63  }
0x159: {  	s18 =	simm.s32 $0xD800  }
0x15a: {  	[tilespmem:s18], [sflag:$0x2] =	stream.linear.gather [hbm4b:s29+s3], $0x1800, $0x38;
	[tilespmem:$0x18000] =	vst v63  }
0x15b: {  	s20 =	simm.s32 $0x10800;
	s30 =	sadd.s32 $0x300, s29  }
0x15c: {  	[tilespmem:s20], [sflag:$0x2] =	stream.linear.gather [hbm4b:s30+s3], $0x1800, $0x38;
	[tilespmem:$0x18000] =	vst v63  }
0x15d: {  	s5 =	simm.s32 $0x13800;
	[smem:$0x799] =	sst s30;
	s31 =	sadd.s32 $0x600, s29  }
0x15e: {  	[tilespmem:s5], [sflag:$0x2] =	stream.linear.gather [hbm4b:s31+s3], $0x1800, $0x38;
	[tilespmem:$0x18000] =	vst v63  }
0x15f: {  	[smem:$0x79A] =	sst s31;
	s5 =	sadd.s32 $0x900, s29  }
0x160: {  	s7 =	simm.s32 $0x16800;
	[smem:$0x79B] =	sst s5  }
0x161: {  	[tilespmem:s7], [sflag:$0x2] =	stream.linear.gather [hbm4b:s5+s3], $0x1800, $0x38;
	[tilespmem:$0x18000] =	vst v63  }
0x162: {  	_ =	swait.ge [sflag:s13], $0x6000  }
0x163: {  	[sflag:s13] =	ssyncset.done $0x0  }
0x164: {  	[sflag:s13] =	ssyncadd.s32 $0xFFFFA000  }
0x165: {  	_ =	swait.ge [sflag:s13], $0x6000  }
0x166: {  	[sflag:s13] =	ssyncset.done $0x0  }
0x167: {  	s7 =	rddreg [dreg:$0xb];
	[sflag:s13] =	ssyncadd.s32 $0xFFFFA000  }
0x168: {  	[hbm4b:s7+s3] =	stream.linear.scatter [tilespmem:s3], [sflag:$0x3], $0xC000, $0x38;
	[tilespmem:$0x18000] =	vst v63  }
0x169: {  	_ =	swait.ge [sflag:s15], $0xC000  }
0x16a: {  	s21 =	sld [smem:$0x7D5]  }
0x16b: {  	[sflag:s15] =	ssyncset.done $0x0  }
0x16c: {  	[sflag:s15] =	ssyncadd.s32 $0xFFFF4000  }
0x16d: {  	[tilespmem:s3], [sflag:$0x1] =	stream.linear.gather [hbm4b:s21+s3], $0x1800, $0x38;
	[tilespmem:$0x18000] =	vst v63  }
0x16e: {  	s11 =	simm.s32 $0x3000;
	s24 =	sadd.s32 $0x300, s21  }
0x16f: {  	[tilespmem:s11], [sflag:$0x1] =	stream.linear.gather [hbm4b:s24+s3], $0x1800, $0x38;
	[tilespmem:$0x18000] =	vst v63  }
0x170: {  	s8 =	simm.s32 $0x6000;
	s30 =	sld [smem:$0x7D6];
	s25 =	sadd.s32 $0x600, s21  }
0x171: {  	[tilespmem:s8], [sflag:$0x1] =	stream.linear.gather [hbm4b:s25+s3], $0x1800, $0x38;
	[tilespmem:$0x18000] =	vst v63  }
0x172: {  	s29 =	sadd.s32 $0x900, s21  }
0x173: {  	[tilespmem:s23], [sflag:$0x1] =	stream.linear.gather [hbm4b:s29+s3], $0x1800, $0x38;
	[tilespmem:$0x18000] =	vst v63  }
0x174: {  	s0 =	simm.s32 $0x1800;
	s5 =	sadd.s32 $0x300, s30  }
0x175: {  	[tilespmem:s0], [sflag:$0x1] =	stream.linear.gather [hbm4b:s30+s3], $0x1800, $0x38;
	[tilespmem:$0x18000] =	vst v63  }
0x176: {  	s6 =	simm.s32 $0x4800;
	s7 =	sadd.s32 $0x600, s30;
	[smem:$0x79C] =	sst s5  }
0x177: {  	[tilespmem:s6], [sflag:$0x1] =	stream.linear.gather [hbm4b:s5+s3], $0x1800, $0x38;
	[tilespmem:$0x18000] =	vst v63  }
0x178: {  	s26 =	simm.s32 $0x7800;
	[smem:$0x79D] =	sst s7;
	s24 =	sadd.s32 $0x900, s30  }
0x179: {  	[tilespmem:s26], [sflag:$0x1] =	stream.linear.gather [hbm4b:s7+s3], $0x1800, $0x38;
	[tilespmem:$0x18000] =	vst v63  }
0x17a: {  	s4 =	simm.s32 $0xA800;
	[smem:$0x79E] =	sst s24  }
0x17b: {  	[tilespmem:s4], [sflag:$0x1] =	stream.linear.gather [hbm4b:s24+s3], $0x1800, $0x38;
	[tilespmem:$0x18000] =	vst v63  }
0x17c: {  	_ =	swait.ge [sflag:s17], $0x6000  }
0x17d: {  	[sflag:s17] =	ssyncset.done $0x0  }
0x17e: {  	[sflag:s17] =	ssyncadd.s32 $0xFFFFA000  }
0x17f: {  	_ =	swait.ge [sflag:s17], $0x6000  }
0x180: {  	[sflag:s17] =	ssyncset.done $0x0  }
0x181: {  	s25 =	rddreg [dreg:$0xc];
	[sflag:s17] =	ssyncadd.s32 $0xFFFFA000  }
0x182: {  	[hbm4b:s25+s3] =	stream.linear.scatter [tilespmem:s16], [sflag:$0x4], $0xC000, $0x38;
	[tilespmem:$0x18000] =	vst v63  }
0x183: {  	_ =	swait.ge [sflag:s19], $0xC000  }
0x184: {  	s29 =	sld [smem:$0x7D7]  }
0x185: {  	[sflag:s19] =	ssyncset.done $0x0  }
0x186: {  	[sflag:s19] =	ssyncadd.s32 $0xFFFF4000  }
0x187: {  	[tilespmem:s16], [sflag:$0x2] =	stream.linear.gather [hbm4b:s29+s3], $0x1800, $0x38;
	[tilespmem:$0x18000] =	vst v63  }
0x188: {  	s14 =	simm.s32 $0xF000;
	s10 =	simm.s32 $0x12000;
	s30 =	sadd.s32 $0x300, s29  }
0x189: {  	[tilespmem:s14], [sflag:$0x2] =	stream.linear.gather [hbm4b:s30+s3], $0x1800, $0x38;
	[tilespmem:$0x18000] =	vst v63  }
0x18a: {  	s0 =	sadd.s32 $0x600, s29;
	s2 =	sadd.s32 $0x900, s29;
	s29 =	sld [smem:$0x7D8]  }
0x18b: {  	[tilespmem:s10], [sflag:$0x2] =	stream.linear.gather [hbm4b:s0+s3], $0x1800, $0x38;
	[tilespmem:$0x18000] =	vst v63  }
0x18c: {  	s9 =	simm.s32 $0x15000  }
0x18d: {  	[tilespmem:s9], [sflag:$0x2] =	stream.linear.gather [hbm4b:s2+s3], $0x1800, $0x38;
	[tilespmem:$0x18000] =	vst v63  }
0x18e: {  	s22 =	simm.s32 $0xD800;
	s6 =	sadd.s32 $0x300, s29  }
0x18f: {  	[tilespmem:s22], [sflag:$0x2] =	stream.linear.gather [hbm4b:s29+s3], $0x1800, $0x38;
	[tilespmem:$0x18000] =	vst v63  }
0x190: {  	s20 =	simm.s32 $0x10800;
	[smem:$0x79F] =	sst s6;
	s9 =	sadd.s32 $0x600, s29  }
0x191: {  	[tilespmem:s20], [sflag:$0x2] =	stream.linear.gather [hbm4b:s6+s3], $0x1800, $0x38;
	[tilespmem:$0x18000] =	vst v63  }
0x192: {  	s12 =	simm.s32 $0x13800;
	[smem:$0x7A0] =	sst s9;
	s20 =	sadd.s32 $0x900, s29  }
0x193: {  	[tilespmem:s12], [sflag:$0x2] =	stream.linear.gather [hbm4b:s9+s3], $0x1800, $0x38;
	[tilespmem:$0x18000] =	vst v63  }
0x194: {  	s18 =	simm.s32 $0x16800;
	[smem:$0x7A1] =	sst s20  }
0x195: {  	[tilespmem:s18], [sflag:$0x2] =	stream.linear.gather [hbm4b:s20+s3], $0x1800, $0x38;
	[tilespmem:$0x18000] =	vst v63  }
0x196: {  	_ =	swait.ge [sflag:s13], $0x6000  }
0x197: {  	[sflag:s13] =	ssyncset.done $0x0  }
0x198: {  	[sflag:s13] =	ssyncadd.s32 $0xFFFFA000  }
0x199: {  	_ =	swait.ge [sflag:s13], $0x6000  }
0x19a: {  	[sflag:s13] =	ssyncset.done $0x0  }
0x19b: {  	s24 =	rddreg [dreg:$0xd];
	[sflag:s13] =	ssyncadd.s32 $0xFFFFA000  }
0x19c: {  	[hbm4b:s24+s3] =	stream.linear.scatter [tilespmem:s3], [sflag:$0x3], $0xC000, $0x38;
	[tilespmem:$0x18000] =	vst v63  }
0x19d: {  	_ =	swait.ge [sflag:s15], $0xC000  }
0x19e: {  	s25 =	sld [smem:$0x7D9]  }
0x19f: {  	[sflag:s15] =	ssyncset.done $0x0  }
0x1a0: {  	[sflag:s15] =	ssyncadd.s32 $0xFFFF4000  }
0x1a1: {  	[tilespmem:s3], [sflag:$0x1] =	stream.linear.gather [hbm4b:s25+s3], $0x1800, $0x38;
	[tilespmem:$0x18000] =	vst v63  }
0x1a2: {  	s11 =	simm.s32 $0x3000;
	s30 =	sadd.s32 $0x300, s25  }
0x1a3: {  	[tilespmem:s11], [sflag:$0x1] =	stream.linear.gather [hbm4b:s30+s3], $0x1800, $0x38;
	[tilespmem:$0x18000] =	vst v63  }
0x1a4: {  	s8 =	simm.s32 $0x6000;
	s9 =	sadd.s32 $0x600, s25  }
0x1a5: {  	[tilespmem:s8], [sflag:$0x1] =	stream.linear.gather [hbm4b:s9+s3], $0x1800, $0x38;
	[tilespmem:$0x18000] =	vst v63  }
0x1a6: {  	s11 =	sadd.s32 $0x900, s25  }
0x1a7: {  	[tilespmem:s23], [sflag:$0x1] =	stream.linear.gather [hbm4b:s11+s3], $0x1800, $0x38;
	[tilespmem:$0x18000] =	vst v63  }
0x1a8: {  	s9 =	sld [smem:$0x7DA];
	_ =	sdelay $0x1  }
0x1a9: {  	s31 =	simm.s32 $0x1800  }
0x1aa: {  	[tilespmem:s31], [sflag:$0x1] =	stream.linear.gather [hbm4b:s9+s3], $0x1800, $0x38;
	[tilespmem:$0x18000] =	vst v63  }
0x1ab: {  	s12 =	sadd.s32 $0x300, s9  }
0x1ac: {  	s21 =	simm.s32 $0x4800;
	s24 =	sadd.s32 $0x900, s9;
	[smem:$0x7A2] =	sst s12  }
0x1ad: {  	[tilespmem:s21], [sflag:$0x1] =	stream.linear.gather [hbm4b:s12+s3], $0x1800, $0x38;
	[tilespmem:$0x18000] =	vst v63  }
0x1ae: {  	s26 =	simm.s32 $0x7800;
	[smem:$0x7A4] =	sst s24;
	s21 =	sadd.s32 $0x600, s9  }
0x1af: {  	[tilespmem:s26], [sflag:$0x1] =	stream.linear.gather [hbm4b:s21+s3], $0x1800, $0x38;
	[tilespmem:$0x18000] =	vst v63  }
0x1b0: {  	s5 =	simm.s32 $0xA800;
	[smem:$0x7A3] =	sst s21  }
0x1b1: {  	[tilespmem:s5], [sflag:$0x1] =	stream.linear.gather [hbm4b:s24+s3], $0x1800, $0x38;
	[tilespmem:$0x18000] =	vst v63  }
0x1b2: {  	_ =	swait.ge [sflag:s17], $0x6000  }
0x1b3: {  	[sflag:s17] =	ssyncset.done $0x0  }
0x1b4: {  	[sflag:s17] =	ssyncadd.s32 $0xFFFFA000  }
0x1b5: {  	_ =	swait.ge [sflag:s17], $0x6000  }
0x1b6: {  	[sflag:s17] =	ssyncset.done $0x0  }
0x1b7: {  	s25 =	rddreg [dreg:$0xe];
	[sflag:s17] =	ssyncadd.s32 $0xFFFFA000  }
0x1b8: {  	[hbm4b:s25+s3] =	stream.linear.scatter [tilespmem:s16], [sflag:$0x4], $0xC000, $0x38;
	[tilespmem:$0x18000] =	vst v63  }
0x1b9: {  	_ =	swait.ge [sflag:s19], $0xC000  }
0x1ba: {  	s30 =	sld [smem:$0x7DB]  }
0x1bb: {  	[sflag:s19] =	ssyncset.done $0x0  }
0x1bc: {  	[sflag:s19] =	ssyncadd.s32 $0xFFFF4000  }
0x1bd: {  	[tilespmem:s16], [sflag:$0x2] =	stream.linear.gather [hbm4b:s30+s3], $0x1800, $0x38;
	[tilespmem:$0x18000] =	vst v63  }
0x1be: {  	s4 =	simm.s32 $0xF000;
	s5 =	sadd.s32 $0x300, s30  }
0x1bf: {  	[tilespmem:s4], [sflag:$0x2] =	stream.linear.gather [hbm4b:s5+s3], $0x1800, $0x38;
	[tilespmem:$0x18000] =	vst v63  }
0x1c0: {  	s7 =	simm.s32 $0x12000;
	s12 =	sadd.s32 $0x600, s30  }
0x1c1: {  	[tilespmem:s7], [sflag:$0x2] =	stream.linear.gather [hbm4b:s12+s3], $0x1800, $0x38;
	[tilespmem:$0x18000] =	vst v63  }
0x1c2: {  	s12 =	sld [smem:$0x7DC]  }
0x1c3: {  	s10 =	simm.s32 $0x15000;
	s21 =	sadd.s32 $0x900, s30  }
0x1c4: {  	[tilespmem:s10], [sflag:$0x2] =	stream.linear.gather [hbm4b:s21+s3], $0x1800, $0x38;
	[tilespmem:$0x18000] =	vst v63  }
0x1c5: {  	s0 =	simm.s32 $0xD800;
	s24 =	sadd.s32 $0x300, s12  }
0x1c6: {  	[tilespmem:s0], [sflag:$0x2] =	stream.linear.gather [hbm4b:s12+s3], $0x1800, $0x38;
	[tilespmem:$0x18000] =	vst v63  }
0x1c7: {  	s14 =	simm.s32 $0x10800;
	s30 =	sadd.s32 $0x600, s12;
	[smem:$0x7A5] =	sst s24  }
0x1c8: {  	[tilespmem:s14], [sflag:$0x2] =	stream.linear.gather [hbm4b:s24+s3], $0x1800, $0x38;
	[tilespmem:$0x18000] =	vst v63  }
0x1c9: {  	s22 =	simm.s32 $0x13800;
	[smem:$0x7A6] =	sst s30;
	s0 =	sadd.s32 $0x900, s12  }
0x1ca: {  	[tilespmem:s22], [sflag:$0x2] =	stream.linear.gather [hbm4b:s30+s3], $0x1800, $0x38;
	[tilespmem:$0x18000] =	vst v63  }
0x1cb: {  	s6 =	simm.s32 $0x16800;
	[smem:$0x7A7] =	sst s0  }
0x1cc: {  	[tilespmem:s6], [sflag:$0x2] =	stream.linear.gather [hbm4b:s0+s3], $0x1800, $0x38;
	[tilespmem:$0x18000] =	vst v63  }
0x1cd: {  	_ =	swait.ge [sflag:s13], $0x6000  }
0x1ce: {  	[sflag:s13] =	ssyncset.done $0x0  }
0x1cf: {  	[sflag:s13] =	ssyncadd.s32 $0xFFFFA000  }
0x1d0: {  	_ =	swait.ge [sflag:s13], $0x6000  }
0x1d1: {  	[sflag:s13] =	ssyncset.done $0x0  }
0x1d2: {  	s2 =	rddreg [dreg:$0xf];
	[sflag:s13] =	ssyncadd.s32 $0xFFFFA000  }
0x1d3: {  	[hbm4b:s2+s3] =	stream.linear.scatter [tilespmem:s3], [sflag:$0x3], $0xC000, $0x38;
	[tilespmem:$0x18000] =	vst v63  }
0x1d4: {  	_ =	swait.ge [sflag:s15], $0xC000  }
0x1d5: {  	s6 =	sld [smem:$0x7DD]  }
0x1d6: {  	[sflag:s15] =	ssyncset.done $0x0  }
0x1d7: {  	[sflag:s15] =	ssyncadd.s32 $0xFFFF4000  }
0x1d8: {  	[tilespmem:s3], [sflag:$0x1] =	stream.linear.gather [hbm4b:s6+s3], $0x1800, $0x38;
	[tilespmem:$0x18000] =	vst v63  }
0x1d9: {  	s20 =	simm.s32 $0x3000;
	s22 =	sadd.s32 $0x300, s6  }
0x1da: {  	[tilespmem:s20], [sflag:$0x1] =	stream.linear.gather [hbm4b:s22+s3], $0x1800, $0x38;
	[tilespmem:$0x18000] =	vst v63  }
0x1db: {  	s18 =	simm.s32 $0x6000;
	s24 =	sadd.s32 $0x600, s6  }
0x1dc: {  	[tilespmem:s18], [sflag:$0x1] =	stream.linear.gather [hbm4b:s24+s3], $0x1800, $0x38;
	[tilespmem:$0x18000] =	vst v63  }
0x1dd: {  	s18 =	sld [smem:$0x7DE]  }
0x1de: {  	s30 =	sadd.s32 $0x900, s6  }
0x1df: {  	[tilespmem:s23], [sflag:$0x1] =	stream.linear.gather [hbm4b:s30+s3], $0x1800, $0x38;
	[tilespmem:$0x18000] =	vst v63  }
0x1e0: {  	s31 =	simm.s32 $0x1800;
	s2 =	sadd.s32 $0x300, s18  }
0x1e1: {  	[tilespmem:s31], [sflag:$0x1] =	stream.linear.gather [hbm4b:s18+s3], $0x1800, $0x38;
	[tilespmem:$0x18000] =	vst v63  }
0x1e2: {  	s8 =	simm.s32 $0x4800;
	s20 =	sadd.s32 $0x900, s18;
	[smem:$0x7A8] =	sst s2  }
0x1e3: {  	[tilespmem:s8], [sflag:$0x1] =	stream.linear.gather [hbm4b:s2+s3], $0x1800, $0x38;
	[tilespmem:$0x18000] =	vst v63  }
0x1e4: {  	s26 =	simm.s32 $0x7800;
	[smem:$0x7AA] =	sst s20;
	s8 =	sadd.s32 $0x600, s18  }
0x1e5: {  	[tilespmem:s26], [sflag:$0x1] =	stream.linear.gather [hbm4b:s8+s3], $0x1800, $0x38;
	[tilespmem:$0x18000] =	vst v63  }
0x1e6: {  	s11 =	simm.s32 $0xA800;
	[smem:$0x7A9] =	sst s8  }
0x1e7: {  	[tilespmem:s11], [sflag:$0x1] =	stream.linear.gather [hbm4b:s20+s3], $0x1800, $0x38;
	[tilespmem:$0x18000] =	vst v63  }
0x1e8: {  	_ =	swait.ge [sflag:s17], $0x6000  }
0x1e9: {  	[sflag:s17] =	ssyncset.done $0x0  }
0x1ea: {  	[sflag:s17] =	ssyncadd.s32 $0xFFFFA000  }
0x1eb: {  	_ =	swait.ge [sflag:s17], $0x6000  }
0x1ec: {  	[sflag:s17] =	ssyncset.done $0x0  }
0x1ed: {  	s24 =	rddreg [dreg:$0x10];
	[sflag:s17] =	ssyncadd.s32 $0xFFFFA000  }
0x1ee: {  	[hbm4b:s24+s3] =	stream.linear.scatter [tilespmem:s16], [sflag:$0x4], $0xC000, $0x38;
	[tilespmem:$0x18000] =	vst v63  }
0x1ef: {  	_ =	swait.ge [sflag:s19], $0xC000  }
0x1f0: {  	s30 =	sld [smem:$0x7DF]  }
0x1f1: {  	[sflag:s19] =	ssyncset.done $0x0  }
0x1f2: {  	[sflag:s19] =	ssyncadd.s32 $0xFFFF4000  }
0x1f3: {  	[tilespmem:s16], [sflag:$0x2] =	stream.linear.gather [hbm4b:s30+s3], $0x1800, $0x38;
	[tilespmem:$0x18000] =	vst v63  }
0x1f4: {  	s25 =	simm.s32 $0xF000;
	s11 =	sadd.s32 $0x300, s30  }
0x1f5: {  	[tilespmem:s25], [sflag:$0x2] =	stream.linear.gather [hbm4b:s11+s3], $0x1800, $0x38;
	[tilespmem:$0x18000] =	vst v63  }
0x1f6: {  	s5 =	simm.s32 $0x12000;
	s20 =	sadd.s32 $0x600, s30  }
0x1f7: {  	[tilespmem:s5], [sflag:$0x2] =	stream.linear.gather [hbm4b:s20+s3], $0x1800, $0x38;
	[tilespmem:$0x18000] =	vst v63  }
0x1f8: {  	s20 =	sld [smem:$0x7E0]  }
0x1f9: {  	s7 =	simm.s32 $0x15000;
	s24 =	sadd.s32 $0x900, s30  }
0x1fa: {  	[tilespmem:s7], [sflag:$0x2] =	stream.linear.gather [hbm4b:s24+s3], $0x1800, $0x38;
	[tilespmem:$0x18000] =	vst v63  }
0x1fb: {  	s4 =	simm.s32 $0xD800;
	s30 =	sadd.s32 $0x300, s20  }
0x1fc: {  	[tilespmem:s4], [sflag:$0x2] =	stream.linear.gather [hbm4b:s20+s3], $0x1800, $0x38;
	[tilespmem:$0x18000] =	vst v63  }
0x1fd: {  	s10 =	simm.s32 $0x10800;
	s2 =	sadd.s32 $0x600, s20;
	[smem:$0x7AB] =	sst s30  }
0x1fe: {  	[tilespmem:s10], [sflag:$0x2] =	stream.linear.gather [hbm4b:s30+s3], $0x1800, $0x38;
	[tilespmem:$0x18000] =	vst v63  }
0x1ff: {  	s14 =	simm.s32 $0x13800;
	s7 =	sadd.s32 $0x900, s20;
	[smem:$0x7AC] =	sst s2  }
0x200: {  	[tilespmem:s14], [sflag:$0x2] =	stream.linear.gather [hbm4b:s2+s3], $0x1800, $0x38;
	[tilespmem:$0x18000] =	vst v63  }
0x201: {  	s21 =	simm.s32 $0x16800;
	[smem:$0x7AD] =	sst s7  }
0x202: {  	[tilespmem:s21], [sflag:$0x2] =	stream.linear.gather [hbm4b:s7+s3], $0x1800, $0x38;
	[tilespmem:$0x18000] =	vst v63  }
0x203: {  	_ =	swait.ge [sflag:s13], $0x6000  }
0x204: {  	[sflag:s13] =	ssyncset.done $0x0  }
0x205: {  	[sflag:s13] =	ssyncadd.s32 $0xFFFFA000  }
0x206: {  	_ =	swait.ge [sflag:s13], $0x6000  }
0x207: {  	[sflag:s13] =	ssyncset.done $0x0  }
0x208: {  	s14 =	rddreg [dreg:$0x11];
	[sflag:s13] =	ssyncadd.s32 $0xFFFFA000  }
0x209: {  	[hbm4b:s14+s3] =	stream.linear.scatter [tilespmem:s3], [sflag:$0x3], $0xC000, $0x38;
	[tilespmem:$0x18000] =	vst v63  }
0x20a: {  	_ =	swait.ge [sflag:s15], $0xC000  }
0x20b: {  	s21 =	sld [smem:$0x7E1]  }
0x20c: {  	[sflag:s15] =	ssyncset.done $0x0  }
0x20d: {  	[sflag:s15] =	ssyncadd.s32 $0xFFFF4000  }
0x20e: {  	[tilespmem:s3], [sflag:$0x1] =	stream.linear.gather [hbm4b:s21+s3], $0x1800, $0x38;
	[tilespmem:$0x18000] =	vst v63  }
0x20f: {  	s0 =	simm.s32 $0x3000;
	s30 =	sadd.s32 $0x300, s21  }
0x210: {  	[tilespmem:s0], [sflag:$0x1] =	stream.linear.gather [hbm4b:s30+s3], $0x1800, $0x38;
	[tilespmem:$0x18000] =	vst v63  }
0x211: {  	s22 =	simm.s32 $0x6000;
	s0 =	sadd.s32 $0x600, s21  }
0x212: {  	[tilespmem:s22], [sflag:$0x1] =	stream.linear.gather [hbm4b:s0+s3], $0x1800, $0x38;
	[tilespmem:$0x18000] =	vst v63  }
0x213: {  	s14 =	sadd.s32 $0x900, s21  }
0x214: {  	[tilespmem:s23], [sflag:$0x1] =	stream.linear.gather [hbm4b:s14+s3], $0x1800, $0x38;
	[tilespmem:$0x18000] =	vst v63  }
0x215: {  	s23 =	sld [smem:$0x7E2];
	_ =	sdelay $0x1  }
0x216: {  	s6 =	simm.s32 $0x1800  }
0x217: {  	[tilespmem:s6], [sflag:$0x1] =	stream.linear.gather [hbm4b:s23+s3], $0x1800, $0x38;
	[tilespmem:$0x18000] =	vst v63  }
0x218: {  	s31 =	simm.s32 $0x4800;
	s21 =	sadd.s32 $0x300, s23  }
0x219: {  	[tilespmem:s31], [sflag:$0x1] =	stream.linear.gather [hbm4b:s21+s3], $0x1800, $0x38;
	[tilespmem:$0x18000] =	vst v63  }
0x21a: {  	s26 =	simm.s32 $0x7800;
	s22 =	sadd.s32 $0x600, s23;
	[smem:$0x7AE] =	sst s21  }
0x21b: {  	[tilespmem:s26], [sflag:$0x1] =	stream.linear.gather [hbm4b:s22+s3], $0x1800, $0x38;
	[tilespmem:$0x18000] =	vst v63  }
0x21c: {  	[smem:$0x7AF] =	sst s22;
	s26 =	sadd.s32 $0x900, s23  }
0x21d: {  	s8 =	simm.s32 $0xA800;
	[smem:$0x7B0] =	sst s26  }
0x21e: {  	[tilespmem:s8], [sflag:$0x1] =	stream.linear.gather [hbm4b:s26+s3], $0x1800, $0x38;
	[tilespmem:$0x18000] =	vst v63  }
0x21f: {  	_ =	swait.ge [sflag:s17], $0x6000  }
0x220: {  	[sflag:s17] =	ssyncset.done $0x0  }
0x221: {  	[sflag:s17] =	ssyncadd.s32 $0xFFFFA000  }
0x222: {  	_ =	swait.ge [sflag:s17], $0x6000  }
0x223: {  	[sflag:s17] =	ssyncset.done $0x0  }
0x224: {  	s31 =	rddreg [dreg:$0x12];
	[sflag:s17] =	ssyncadd.s32 $0xFFFFA000  }
0x225: {  	[hbm4b:s31+s3] =	stream.linear.scatter [tilespmem:s16], [sflag:$0x4], $0xC000, $0x38;
	[tilespmem:$0x18000] =	vst v63  }
0x226: {  	_ =	swait.ge [sflag:s19], $0xC000  }
0x227: {  	s0 =	sld [smem:$0x7E4]  }
0x228: {  	[sflag:s19] =	ssyncset.done $0x0  }
0x229: {  	[sflag:s19] =	ssyncadd.s32 $0xFFFF4000  }
0x22a: {  	[tilespmem:s16], [sflag:$0x2] =	stream.linear.gather [hbm4b:s0+s3], $0x1800, $0x38;
	[tilespmem:$0x18000] =	vst v63  }
0x22b: {  	s22 =	sadd.s32 $0x300, s0  }
0x22c: {  	[tilespmem:s25], [sflag:$0x2] =	stream.linear.gather [hbm4b:s22+s3], $0x1800, $0x38;
	[tilespmem:$0x18000] =	vst v63  }
0x22d: {  	s5 =	simm.s32 $0x12000;
	s26 =	sadd.s32 $0x600, s0  }
0x22e: {  	[tilespmem:s5], [sflag:$0x2] =	stream.linear.gather [hbm4b:s26+s3], $0x1800, $0x38;
	[tilespmem:$0x18000] =	vst v63  }
0x22f: {  	s26 =	sld [smem:$0x7E5]  }
0x230: {  	s11 =	simm.s32 $0x15000;
	s31 =	sadd.s32 $0x900, s0  }
0x231: {  	[tilespmem:s11], [sflag:$0x2] =	stream.linear.gather [hbm4b:s31+s3], $0x1800, $0x38;
	[tilespmem:$0x18000] =	vst v63  }
0x232: {  	s4 =	simm.s32 $0xD800;
	s0 =	sadd.s32 $0x300, s26  }
0x233: {  	[tilespmem:s4], [sflag:$0x2] =	stream.linear.gather [hbm4b:s26+s3], $0x1800, $0x38;
	[tilespmem:$0x18000] =	vst v63  }
0x234: {  	s24 =	simm.s32 $0x10800;
	s2 =	sadd.s32 $0x600, s26;
	[smem:$0x7B1] =	sst s0  }
0x235: {  	[tilespmem:s24], [sflag:$0x2] =	stream.linear.gather [hbm4b:s0+s3], $0x1800, $0x38;
	[tilespmem:$0x18000] =	vst v63  }
0x236: {  	s10 =	simm.s32 $0x13800;
	[smem:$0x7B2] =	sst s2;
	s4 =	sadd.s32 $0x900, s26  }
0x237: {  	[tilespmem:s10], [sflag:$0x2] =	stream.linear.gather [hbm4b:s2+s3], $0x1800, $0x38;
	[tilespmem:$0x18000] =	vst v63  }
0x238: {  	s7 =	simm.s32 $0x16800;
	[smem:$0x7B3] =	sst s4  }
0x239: {  	[tilespmem:s7], [sflag:$0x2] =	stream.linear.gather [hbm4b:s4+s3], $0x1800, $0x38;
	[tilespmem:$0x18000] =	vst v63  }
0x23a: {  	_ =	swait.ge [sflag:s13], $0x6000  }
0x23b: {  	[sflag:s13] =	ssyncset.done $0x0  }
0x23c: {  	[sflag:s13] =	ssyncadd.s32 $0xFFFFA000  }
0x23d: {  	_ =	swait.ge [sflag:s13], $0x6000  }
0x23e: {  	[sflag:s13] =	ssyncset.done $0x0  }
0x23f: {  	s10 =	rddreg [dreg:$0x13];
	[sflag:s13] =	ssyncadd.s32 $0xFFFFA000  }
0x240: {  	[hbm4b:s10+s3] =	stream.linear.scatter [tilespmem:s3], [sflag:$0x3], $0xC000, $0x38;
	[tilespmem:$0x18000] =	vst v63  }
0x241: {  	_ =	swait.ge [sflag:s15], $0xC000  }
0x242: {  	s24 =	sld [smem:$0x7F6]  }
0x243: {  	[sflag:s15] =	ssyncset.done $0x0  }
0x244: {  	[sflag:s15] =	ssyncadd.s32 $0xFFFF4000  }
0x245: {  	[tilespmem:s3], [sflag:$0x1] =	stream.linear.gather [hbm4b:s24+s3], $0x1800, $0x38;
	[tilespmem:$0x18000] =	vst v63  }
0x246: {  	s4 =	simm.s32 $0x3000;
	s1 =	sadd.s32 $0x300, s24  }
0x247: {  	[tilespmem:s4], [sflag:$0x1] =	stream.linear.gather [hbm4b:s1+s3], $0x1800, $0x38;
	[tilespmem:$0x18000] =	vst v63  }
0x248: {  	s0 =	simm.s32 $0x6000;
	s2 =	sadd.s32 $0x600, s24  }
0x249: {  	[tilespmem:s0], [sflag:$0x1] =	stream.linear.gather [hbm4b:s2+s3], $0x1800, $0x38;
	[tilespmem:$0x18000] =	vst v63  }
0x24a: {  	s10 =	rddreg [dreg:$0x1];
	s7 =	sadd.s32 $0x900, s24;
	s2 =	simm.s32 $0x9000  }
0x24b: {  	[tilespmem:s2], [sflag:$0x1] =	stream.linear.gather [hbm4b:s7+s3], $0x1800, $0x38;
	[tilespmem:$0x18000] =	vst v63  }
0x24c: {  	s6 =	simm.s32 $0x1800;
	s24 =	sld [smem:$0x7F8]  }
0x24d: {  	[tilespmem:s6], [sflag:$0x1] =	stream.linear.gather [hbm4b:s10+s3], $0x1800, $0x38;
	[tilespmem:$0x18000] =	vst v63  }
0x24e: {  	s14 =	simm.s32 $0x4800;
	s25 =	sld [smem:$0x7F9]  }
0x24f: {  	[tilespmem:s14], [sflag:$0x1] =	stream.linear.gather [hbm4b:s24+s3], $0x1800, $0x38;
	[tilespmem:$0x18000] =	vst v63  }
0x250: {  	s30 =	simm.s32 $0x7800;
	s31 =	sld [smem:$0x7FA]  }
0x251: {  	[tilespmem:s30], [sflag:$0x1] =	stream.linear.gather [hbm4b:s25+s3], $0x1800, $0x38;
	[tilespmem:$0x18000] =	vst v63  }
0x252: {  	s21 =	simm.s32 $0xA800  }
0x253: {  	[tilespmem:s21], [sflag:$0x1] =	stream.linear.gather [hbm4b:s31+s3], $0x1800, $0x38;
	[tilespmem:$0x18000] =	vst v63  }
0x254: {  	_ =	swait.ge [sflag:s17], $0x6000  }
0x255: {  	[sflag:s17] =	ssyncset.done $0x0  }
0x256: {  	[sflag:s17] =	ssyncadd.s32 $0xFFFFA000  }
0x257: {  	_ =	swait.ge [sflag:s17], $0x6000  }
0x258: {  	[sflag:s17] =	ssyncset.done $0x0  }
0x259: {  	s1 =	rddreg [dreg:$0x14];
	[sflag:s17] =	ssyncadd.s32 $0xFFFFA000  }
0x25a: {  	[hbm4b:s1+s3] =	stream.linear.scatter [tilespmem:s16], [sflag:$0x4], $0xC000, $0x38;
	[tilespmem:$0x18000] =	vst v63  }
0x25b: {  	_ =	swait.ge [sflag:s19], $0xC000  }
0x25c: {  	s7 =	sld [smem:$0x7E6]  }
0x25d: {  	[sflag:s19] =	ssyncset.done $0x0  }
0x25e: {  	[sflag:s19] =	ssyncadd.s32 $0xFFFF4000  }
0x25f: {  	[tilespmem:s16], [sflag:$0x2] =	stream.linear.gather [hbm4b:s7+s3], $0x1800, $0x38;
	[tilespmem:$0x18000] =	vst v63  }
0x260: {  	s1 =	simm.s32 $0xF000;
	s10 =	sadd.s32 $0x300, s7  }
0x261: {  	[tilespmem:s1], [sflag:$0x2] =	stream.linear.gather [hbm4b:s10+s3], $0x1800, $0x38;
	[tilespmem:$0x18000] =	vst v63  }
0x262: {  	s8 =	simm.s32 $0x12000;
	s24 =	sadd.s32 $0x600, s7  }
0x263: {  	[tilespmem:s8], [sflag:$0x2] =	stream.linear.gather [hbm4b:s24+s3], $0x1800, $0x38;
	[tilespmem:$0x18000] =	vst v63  }
0x264: {  	s5 =	simm.s32 $0x15000;
	s7 =	sadd.s32 $0x900, s7;
	s10 =	sld [smem:$0x7B7]  }
0x265: {  	[tilespmem:s5], [sflag:$0x2] =	stream.linear.gather [hbm4b:s7+s3], $0x1800, $0x38;
	[tilespmem:$0x18000] =	vst v63  }
0x266: {  	s11 =	simm.s32 $0xD800;
	s24 =	sld [smem:$0x7FB]  }
0x267: {  	[tilespmem:s11], [sflag:$0x2] =	stream.linear.gather [hbm4b:s10+s3], $0x1800, $0x38;
	[tilespmem:$0x18000] =	vst v63  }
0x268: {  	s22 =	simm.s32 $0x10800;
	s31 =	sld [smem:$0x7FC]  }
0x269: {  	[tilespmem:s22], [sflag:$0x2] =	stream.linear.gather [hbm4b:s24+s3], $0x1800, $0x38;
	[tilespmem:$0x18000] =	vst v63  }
0x26a: {  	s5 =	simm.s32 $0x13800;
	s7 =	sld [smem:$0x7FD]  }
0x26b: {  	[tilespmem:s5], [sflag:$0x2] =	stream.linear.gather [hbm4b:s31+s3], $0x1800, $0x38;
	[tilespmem:$0x18000] =	vst v63  }
0x26c: {  	s22 =	simm.s32 $0x16800  }
0x26d: {  	[tilespmem:s22], [sflag:$0x2] =	stream.linear.gather [hbm4b:s7+s3], $0x1800, $0x38;
	[tilespmem:$0x18000] =	vst v63  }
0x26e: {  	_ =	swait.ge [sflag:s13], $0x6000  }
0x26f: {  	[sflag:s13] =	ssyncset.done $0x0  }
0x270: {  	[sflag:s13] =	ssyncadd.s32 $0xFFFFA000  }
0x271: {  	_ =	swait.ge [sflag:s13], $0x6000  }
0x272: {  	s10 =	sld [smem:$0x7C7]  }
0x273: {  	[sflag:s13] =	ssyncset.done $0x0  }
0x274: {  	[sflag:s13] =	ssyncadd.s32 $0xFFFFA000  }
0x275: {  	[hbm4b:s10+s3] =	stream.linear.scatter [tilespmem:s3], [sflag:$0x3], $0xC000, $0x38;
	[tilespmem:$0x18000] =	vst v63  }
0x276: {  	_ =	swait.ge [sflag:s15], $0xC000  }
0x277: {  	s31 =	sld [smem:$0x7E7]  }
0x278: {  	[sflag:s15] =	ssyncset.done $0x0  }
0x279: {  	[sflag:s15] =	ssyncadd.s32 $0xFFFF4000  }
0x27a: {  	[tilespmem:s3], [sflag:$0x1] =	stream.linear.gather [hbm4b:s31+s3], $0x1800, $0x38;
	[tilespmem:$0x18000] =	vst v63  }
0x27b: {  	s11 =	sadd.s32 $0x300, s31  }
0x27c: {  	[tilespmem:s4], [sflag:$0x1] =	stream.linear.gather [hbm4b:s11+s3], $0x1800, $0x38;
	[tilespmem:$0x18000] =	vst v63  }
0x27d: {  	s24 =	sadd.s32 $0x600, s31  }
0x27e: {  	[tilespmem:s0], [sflag:$0x1] =	stream.linear.gather [hbm4b:s24+s3], $0x1800, $0x38;
	[tilespmem:$0x18000] =	vst v63  }
0x27f: {  	s4 =	sld [smem:$0x7B9];
	s0 =	sadd.s32 $0x900, s31  }
0x280: {  	[tilespmem:s2], [sflag:$0x1] =	stream.linear.gather [hbm4b:s0+s3], $0x1800, $0x38;
	[tilespmem:$0x18000] =	vst v63  }
0x281: {  	s6 =	simm.s32 $0x1800;
	s11 =	sld [smem:$0x784]  }
0x282: {  	[tilespmem:s6], [sflag:$0x1] =	stream.linear.gather [hbm4b:s4+s3], $0x1800, $0x38;
	[tilespmem:$0x18000] =	vst v63  }
0x283: {  	s14 =	simm.s32 $0x4800;
	s24 =	sld [smem:$0x785]  }
0x284: {  	[tilespmem:s14], [sflag:$0x1] =	stream.linear.gather [hbm4b:s11+s3], $0x1800, $0x38;
	[tilespmem:$0x18000] =	vst v63  }
0x285: {  	s25 =	sld [smem:$0x786]  }
0x286: {  	[tilespmem:s30], [sflag:$0x1] =	stream.linear.gather [hbm4b:s24+s3], $0x1800, $0x38;
	[tilespmem:$0x18000] =	vst v63  }
0x287: {  	_ = 	snop  }
0x288: {  	[tilespmem:s21], [sflag:$0x1] =	stream.linear.gather [hbm4b:s25+s3], $0x1800, $0x38;
	[tilespmem:$0x18000] =	vst v63  }
0x289: {  	_ =	swait.ge [sflag:s17], $0x6000  }
0x28a: {  	[sflag:s17] =	ssyncset.done $0x0  }
0x28b: {  	[sflag:s17] =	ssyncadd.s32 $0xFFFFA000  }
0x28c: {  	_ =	swait.ge [sflag:s17], $0x6000  }
0x28d: {  	[sflag:s17] =	ssyncset.done $0x0  }
0x28e: {  	s30 =	rddreg [dreg:$0x15];
	[sflag:s17] =	ssyncadd.s32 $0xFFFFA000  }
0x28f: {  	[hbm4b:s30+s3] =	stream.linear.scatter [tilespmem:s16], [sflag:$0x4], $0xC000, $0x38;
	[tilespmem:$0x18000] =	vst v63  }
0x290: {  	_ =	swait.ge [sflag:s19], $0xC000  }
0x291: {  	s31 =	sld [smem:$0x7E8]  }
0x292: {  	[sflag:s19] =	ssyncset.done $0x0  }
0x293: {  	[sflag:s19] =	ssyncadd.s32 $0xFFFF4000  }
0x294: {  	[tilespmem:s16], [sflag:$0x2] =	stream.linear.gather [hbm4b:s31+s3], $0x1800, $0x38;
	[tilespmem:$0x18000] =	vst v63  }
0x295: {  	s0 =	sadd.s32 $0x300, s31  }
0x296: {  	[tilespmem:s1], [sflag:$0x2] =	stream.linear.gather [hbm4b:s0+s3], $0x1800, $0x38;
	[tilespmem:$0x18000] =	vst v63  }
0x297: {  	s2 =	sadd.s32 $0x600, s31  }
0x298: {  	[tilespmem:s8], [sflag:$0x2] =	stream.linear.gather [hbm4b:s2+s3], $0x1800, $0x38;
	[tilespmem:$0x18000] =	vst v63  }
0x299: {  	s21 =	simm.s32 $0x15000;
	s6 =	sadd.s32 $0x900, s31  }
0x29a: {  	[tilespmem:s21], [sflag:$0x2] =	stream.linear.gather [hbm4b:s6+s3], $0x1800, $0x38;
	[tilespmem:$0x18000] =	vst v63  }
0x29b: {  	s30 =	simm.s32 $0xD800;
	s8 =	sld [smem:$0x787]  }
0x29c: {  	[tilespmem:s30], [sflag:$0x2] =	stream.linear.gather [hbm4b:s28+s3], $0x1800, $0x38;
	[tilespmem:$0x18000] =	vst v63  }
0x29d: {  	s11 =	sld [smem:$0x788];
	s31 =	simm.s32 $0x10800  }
0x29e: {  	[tilespmem:s31], [sflag:$0x2] =	stream.linear.gather [hbm4b:s8+s3], $0x1800, $0x38;
	[tilespmem:$0x18000] =	vst v63  }
0x29f: {  	s14 =	sld [smem:$0x789]  }
0x2a0: {  	[tilespmem:s5], [sflag:$0x2] =	stream.linear.gather [hbm4b:s11+s3], $0x1800, $0x38;
	[tilespmem:$0x18000] =	vst v63  }
0x2a1: {  	_ = 	snop  }
0x2a2: {  	[tilespmem:s22], [sflag:$0x2] =	stream.linear.gather [hbm4b:s14+s3], $0x1800, $0x38;
	[tilespmem:$0x18000] =	vst v63  }
0x2a3: {  	_ =	swait.ge [sflag:s13], $0x6000  }
0x2a4: {  	[sflag:s13] =	ssyncset.done $0x0  }
0x2a5: {  	[sflag:s13] =	ssyncadd.s32 $0xFFFFA000  }
0x2a6: {  	_ =	swait.ge [sflag:s13], $0x6000  }
0x2a7: {  	[sflag:s13] =	ssyncset.done $0x0  }
0x2a8: {  	s22 =	rddreg [dreg:$0x16];
	[sflag:s13] =	ssyncadd.s32 $0xFFFFA000  }
0x2a9: {  	[hbm4b:s22+s3] =	stream.linear.scatter [tilespmem:s3], [sflag:$0x3], $0xC000, $0x38;
	[tilespmem:$0x18000] =	vst v63  }
0x2aa: {  	_ =	swait.ge [sflag:s15], $0xC000  }
0x2ab: {  	s24 =	sld [smem:$0x7E9]  }
0x2ac: {  	[sflag:s15] =	ssyncset.done $0x0  }
0x2ad: {  	[sflag:s15] =	ssyncadd.s32 $0xFFFF4000  }
0x2ae: {  	[tilespmem:s3], [sflag:$0x1] =	stream.linear.gather [hbm4b:s24+s3], $0x1800, $0x38;
	[tilespmem:$0x18000] =	vst v63  }
0x2af: {  	s10 =	simm.s32 $0x3000;
	s0 =	sadd.s32 $0x300, s24  }
0x2b0: {  	[tilespmem:s10], [sflag:$0x1] =	stream.linear.gather [hbm4b:s0+s3], $0x1800, $0x38;
	[tilespmem:$0x18000] =	vst v63  }
0x2b1: {  	s7 =	simm.s32 $0x6000;
	s1 =	sadd.s32 $0x600, s24  }
0x2b2: {  	[tilespmem:s7], [sflag:$0x1] =	stream.linear.gather [hbm4b:s1+s3], $0x1800, $0x38;
	[tilespmem:$0x18000] =	vst v63  }
0x2b3: {  	s28 =	simm.s32 $0x9000;
	s5 =	sld [smem:$0x7BD];
	s2 =	sadd.s32 $0x900, s24  }
0x2b4: {  	[tilespmem:s28], [sflag:$0x1] =	stream.linear.gather [hbm4b:s2+s3], $0x1800, $0x38;
	[tilespmem:$0x18000] =	vst v63  }
0x2b5: {  	s1 =	simm.s32 $0x1800;
	s7 =	sld [smem:$0x78A]  }
0x2b6: {  	[tilespmem:s1], [sflag:$0x1] =	stream.linear.gather [hbm4b:s5+s3], $0x1800, $0x38;
	[tilespmem:$0x18000] =	vst v63  }
0x2b7: {  	s8 =	sld [smem:$0x78B];
	s0 =	simm.s32 $0x4800  }
0x2b8: {  	[tilespmem:s0], [sflag:$0x1] =	stream.linear.gather [hbm4b:s7+s3], $0x1800, $0x38;
	[tilespmem:$0x18000] =	vst v63  }
0x2b9: {  	s11 =	simm.s32 $0x7800;
	s10 =	sld [smem:$0x78C]  }
0x2ba: {  	[tilespmem:s11], [sflag:$0x1] =	stream.linear.gather [hbm4b:s8+s3], $0x1800, $0x38;
	[tilespmem:$0x18000] =	vst v63  }
0x2bb: {  	s22 =	simm.s32 $0xA800  }
0x2bc: {  	[tilespmem:s22], [sflag:$0x1] =	stream.linear.gather [hbm4b:s10+s3], $0x1800, $0x38;
	[tilespmem:$0x18000] =	vst v63  }
0x2bd: {  	_ =	swait.ge [sflag:s17], $0x6000  }
0x2be: {  	[sflag:s17] =	ssyncset.done $0x0  }
0x2bf: {  	[sflag:s17] =	ssyncadd.s32 $0xFFFFA000  }
0x2c0: {  	_ =	swait.ge [sflag:s17], $0x6000  }
0x2c1: {  	[sflag:s17] =	ssyncset.done $0x0  }
0x2c2: {  	s24 =	rddreg [dreg:$0x17];
	[sflag:s17] =	ssyncadd.s32 $0xFFFFA000  }
0x2c3: {  	[hbm4b:s24+s3] =	stream.linear.scatter [tilespmem:s16], [sflag:$0x4], $0xC000, $0x38;
	[tilespmem:$0x18000] =	vst v63  }
0x2c4: {  	_ =	swait.ge [sflag:s19], $0xC000  }
0x2c5: {  	s2 =	sld [smem:$0x7EA]  }
0x2c6: {  	[sflag:s19] =	ssyncset.done $0x0  }
0x2c7: {  	[sflag:s19] =	ssyncadd.s32 $0xFFFF4000  }
0x2c8: {  	[tilespmem:s16], [sflag:$0x2] =	stream.linear.gather [hbm4b:s2+s3], $0x1800, $0x38;
	[tilespmem:$0x18000] =	vst v63  }
0x2c9: {  	s4 =	simm.s32 $0xF000;
	s5 =	sadd.s32 $0x300, s2  }
0x2ca: {  	[tilespmem:s4], [sflag:$0x2] =	stream.linear.gather [hbm4b:s5+s3], $0x1800, $0x38;
	[tilespmem:$0x18000] =	vst v63  }
0x2cb: {  	s7 =	sadd.s32 $0x600, s2;
	s4 =	simm.s32 $0x12000  }
0x2cc: {  	[tilespmem:s4], [sflag:$0x2] =	stream.linear.gather [hbm4b:s7+s3], $0x1800, $0x38;
	[tilespmem:$0x18000] =	vst v63  }
0x2cd: {  	s10 =	sld [smem:$0x7C1];
	s8 =	sadd.s32 $0x900, s2  }
0x2ce: {  	[tilespmem:s21], [sflag:$0x2] =	stream.linear.gather [hbm4b:s8+s3], $0x1800, $0x38;
	[tilespmem:$0x18000] =	vst v63  }
0x2cf: {  	s21 =	sld [smem:$0x78D]  }
0x2d0: {  	[tilespmem:s30], [sflag:$0x2] =	stream.linear.gather [hbm4b:s10+s3], $0x1800, $0x38;
	[tilespmem:$0x18000] =	vst v63  }
0x2d1: {  	s24 =	sld [smem:$0x78E]  }
0x2d2: {  	[tilespmem:s31], [sflag:$0x2] =	stream.linear.gather [hbm4b:s21+s3], $0x1800, $0x38;
	[tilespmem:$0x18000] =	vst v63  }
0x2d3: {  	s6 =	simm.s32 $0x13800;
	s25 =	sld [smem:$0x78F]  }
0x2d4: {  	[tilespmem:s6], [sflag:$0x2] =	stream.linear.gather [hbm4b:s24+s3], $0x1800, $0x38;
	[tilespmem:$0x18000] =	vst v63  }
0x2d5: {  	s14 =	simm.s32 $0x16800  }
0x2d6: {  	[tilespmem:s14], [sflag:$0x2] =	stream.linear.gather [hbm4b:s25+s3], $0x1800, $0x38;
	[tilespmem:$0x18000] =	vst v63  }
0x2d7: {  	_ =	swait.ge [sflag:s13], $0x6000  }
0x2d8: {  	[sflag:s13] =	ssyncset.done $0x0  }
0x2d9: {  	[sflag:s13] =	ssyncadd.s32 $0xFFFFA000  }
0x2da: {  	_ =	swait.ge [sflag:s13], $0x6000  }
0x2db: {  	[sflag:s13] =	ssyncset.done $0x0  }
0x2dc: {  	s30 =	rddreg [dreg:$0x18];
	[sflag:s13] =	ssyncadd.s32 $0xFFFFA000  }
0x2dd: {  	[hbm4b:s30+s3] =	stream.linear.scatter [tilespmem:s3], [sflag:$0x3], $0xC000, $0x38;
	[tilespmem:$0x18000] =	vst v63  }
0x2de: {  	_ =	swait.ge [sflag:s15], $0xC000  }
0x2df: {  	s31 =	sld [smem:$0x7EB]  }
0x2e0: {  	[sflag:s15] =	ssyncset.done $0x0  }
0x2e1: {  	[sflag:s15] =	ssyncadd.s32 $0xFFFF4000  }
0x2e2: {  	[tilespmem:s3], [sflag:$0x1] =	stream.linear.gather [hbm4b:s31+s3], $0x1800, $0x38;
	[tilespmem:$0x18000] =	vst v63  }
0x2e3: {  	s21 =	simm.s32 $0x3000;
	s6 =	sadd.s32 $0x300, s31  }
0x2e4: {  	[tilespmem:s21], [sflag:$0x1] =	stream.linear.gather [hbm4b:s6+s3], $0x1800, $0x38;
	[tilespmem:$0x18000] =	vst v63  }
0x2e5: {  	s2 =	simm.s32 $0x6000;
	s10 =	sadd.s32 $0x600, s31  }
0x2e6: {  	[tilespmem:s2], [sflag:$0x1] =	stream.linear.gather [hbm4b:s10+s3], $0x1800, $0x38;
	[tilespmem:$0x18000] =	vst v63  }
0x2e7: {  	s30 =	sld [smem:$0x7C5];
	s24 =	sadd.s32 $0x900, s31  }
0x2e8: {  	[tilespmem:s28], [sflag:$0x1] =	stream.linear.gather [hbm4b:s24+s3], $0x1800, $0x38;
	[tilespmem:$0x18000] =	vst v63  }
0x2e9: {  	s31 =	sld [smem:$0x790]  }
0x2ea: {  	[tilespmem:s1], [sflag:$0x1] =	stream.linear.gather [hbm4b:s30+s3], $0x1800, $0x38;
	[tilespmem:$0x18000] =	vst v63  }
0x2eb: {  	s1 =	sld [smem:$0x791]  }
0x2ec: {  	[tilespmem:s0], [sflag:$0x1] =	stream.linear.gather [hbm4b:s31+s3], $0x1800, $0x38;
	[tilespmem:$0x18000] =	vst v63  }
0x2ed: {  	s6 =	sld [smem:$0x792]  }
0x2ee: {  	[tilespmem:s11], [sflag:$0x1] =	stream.linear.gather [hbm4b:s1+s3], $0x1800, $0x38;
	[tilespmem:$0x18000] =	vst v63  }
0x2ef: {  	_ = 	snop  }
0x2f0: {  	[tilespmem:s22], [sflag:$0x1] =	stream.linear.gather [hbm4b:s6+s3], $0x1800, $0x38;
	[tilespmem:$0x18000] =	vst v63  }
0x2f1: {  	_ =	swait.ge [sflag:s17], $0x6000  }
0x2f2: {  	[sflag:s17] =	ssyncset.done $0x0  }
0x2f3: {  	[sflag:s17] =	ssyncadd.s32 $0xFFFFA000  }
0x2f4: {  	_ =	swait.ge [sflag:s17], $0x6000  }
0x2f5: {  	[sflag:s17] =	ssyncset.done $0x0  }
0x2f6: {  	s10 =	rddreg [dreg:$0x19];
	[sflag:s17] =	ssyncadd.s32 $0xFFFFA000  }
0x2f7: {  	[hbm4b:s10+s3] =	stream.linear.scatter [tilespmem:s16], [sflag:$0x4], $0xC000, $0x38;
	[tilespmem:$0x18000] =	vst v63  }
0x2f8: {  	_ =	swait.ge [sflag:s19], $0xC000  }
0x2f9: {  	s14 =	sld [smem:$0x7EC]  }
0x2fa: {  	[sflag:s19] =	ssyncset.done $0x0  }
0x2fb: {  	[sflag:s19] =	ssyncadd.s32 $0xFFFF4000  }
0x2fc: {  	[tilespmem:s16], [sflag:$0x2] =	stream.linear.gather [hbm4b:s14+s3], $0x1800, $0x38;
	[tilespmem:$0x18000] =	vst v63  }
0x2fd: {  	s1 =	simm.s32 $0xF000;
	s0 =	sadd.s32 $0x300, s14  }
0x2fe: {  	[tilespmem:s1], [sflag:$0x2] =	stream.linear.gather [hbm4b:s0+s3], $0x1800, $0x38;
	[tilespmem:$0x18000] =	vst v63  }
0x2ff: {  	s6 =	sadd.s32 $0x600, s14  }
0x300: {  	[tilespmem:s4], [sflag:$0x2] =	stream.linear.gather [hbm4b:s6+s3], $0x1800, $0x38;
	[tilespmem:$0x18000] =	vst v63  }
0x301: {  	s8 =	simm.s32 $0x15000;
	s10 =	sadd.s32 $0x900, s14;
	s14 =	sld [smem:$0x7CA]  }
0x302: {  	[tilespmem:s8], [sflag:$0x2] =	stream.linear.gather [hbm4b:s10+s3], $0x1800, $0x38;
	[tilespmem:$0x18000] =	vst v63  }
0x303: {  	s5 =	simm.s32 $0xD800;
	s25 =	sld [smem:$0x793]  }
0x304: {  	[tilespmem:s5], [sflag:$0x2] =	stream.linear.gather [hbm4b:s14+s3], $0x1800, $0x38;
	[tilespmem:$0x18000] =	vst v63  }
0x305: {  	s7 =	simm.s32 $0x10800;
	s4 =	sld [smem:$0x794]  }
0x306: {  	[tilespmem:s7], [sflag:$0x2] =	stream.linear.gather [hbm4b:s25+s3], $0x1800, $0x38;
	[tilespmem:$0x18000] =	vst v63  }
0x307: {  	s10 =	simm.s32 $0x13800;
	s5 =	sld [smem:$0x795]  }
0x308: {  	[tilespmem:s10], [sflag:$0x2] =	stream.linear.gather [hbm4b:s4+s3], $0x1800, $0x38;
	[tilespmem:$0x18000] =	vst v63  }
0x309: {  	s14 =	simm.s32 $0x16800  }
0x30a: {  	[tilespmem:s14], [sflag:$0x2] =	stream.linear.gather [hbm4b:s5+s3], $0x1800, $0x38;
	[tilespmem:$0x18000] =	vst v63  }
0x30b: {  	_ =	swait.ge [sflag:s13], $0x6000  }
0x30c: {  	[sflag:s13] =	ssyncset.done $0x0  }
0x30d: {  	[sflag:s13] =	ssyncadd.s32 $0xFFFFA000  }
0x30e: {  	_ =	swait.ge [sflag:s13], $0x6000  }
0x30f: {  	[sflag:s13] =	ssyncset.done $0x0  }
0x310: {  	s6 =	rddreg [dreg:$0x1a];
	[sflag:s13] =	ssyncadd.s32 $0xFFFFA000  }
0x311: {  	[hbm4b:s6+s3] =	stream.linear.scatter [tilespmem:s3], [sflag:$0x3], $0xC000, $0x38;
	[tilespmem:$0x18000] =	vst v63  }
0x312: {  	_ =	swait.ge [sflag:s15], $0xC000  }
0x313: {  	s7 =	sld [smem:$0x7ED]  }
0x314: {  	[sflag:s15] =	ssyncset.done $0x0  }
0x315: {  	[sflag:s15] =	ssyncadd.s32 $0xFFFF4000  }
0x316: {  	[tilespmem:s3], [sflag:$0x1] =	stream.linear.gather [hbm4b:s7+s3], $0x1800, $0x38;
	[tilespmem:$0x18000] =	vst v63  }
0x317: {  	s8 =	sadd.s32 $0x300, s7  }
0x318: {  	[tilespmem:s21], [sflag:$0x1] =	stream.linear.gather [hbm4b:s8+s3], $0x1800, $0x38;
	[tilespmem:$0x18000] =	vst v63  }
0x319: {  	s21 =	sadd.s32 $0x600, s7  }
0x31a: {  	[tilespmem:s2], [sflag:$0x1] =	stream.linear.gather [hbm4b:s21+s3], $0x1800, $0x38;
	[tilespmem:$0x18000] =	vst v63  }
0x31b: {  	s28 =	simm.s32 $0x9000;
	s5 =	sld [smem:$0x7CF];
	s0 =	sadd.s32 $0x900, s7  }
0x31c: {  	[tilespmem:s28], [sflag:$0x1] =	stream.linear.gather [hbm4b:s0+s3], $0x1800, $0x38;
	[tilespmem:$0x18000] =	vst v63  }
0x31d: {  	s24 =	simm.s32 $0x1800;
	s6 =	sld [smem:$0x796]  }
0x31e: {  	[tilespmem:s24], [sflag:$0x1] =	stream.linear.gather [hbm4b:s5+s3], $0x1800, $0x38;
	[tilespmem:$0x18000] =	vst v63  }
0x31f: {  	s31 =	simm.s32 $0x4800;
	s7 =	sld [smem:$0x797]  }
0x320: {  	[tilespmem:s31], [sflag:$0x1] =	stream.linear.gather [hbm4b:s6+s3], $0x1800, $0x38;
	[tilespmem:$0x18000] =	vst v63  }
0x321: {  	s11 =	simm.s32 $0x7800;
	s8 =	sld [smem:$0x798]  }
0x322: {  	[tilespmem:s11], [sflag:$0x1] =	stream.linear.gather [hbm4b:s7+s3], $0x1800, $0x38;
	[tilespmem:$0x18000] =	vst v63  }
0x323: {  	s22 =	simm.s32 $0xA800  }
0x324: {  	[tilespmem:s22], [sflag:$0x1] =	stream.linear.gather [hbm4b:s8+s3], $0x1800, $0x38;
	[tilespmem:$0x18000] =	vst v63  }
0x325: {  	_ =	swait.ge [sflag:s17], $0x6000  }
0x326: {  	[sflag:s17] =	ssyncset.done $0x0  }
0x327: {  	[sflag:s17] =	ssyncadd.s32 $0xFFFFA000  }
0x328: {  	_ =	swait.ge [sflag:s17], $0x6000  }
0x329: {  	[sflag:s17] =	ssyncset.done $0x0  }
0x32a: {  	s21 =	rddreg [dreg:$0x1b];
	[sflag:s17] =	ssyncadd.s32 $0xFFFFA000  }
0x32b: {  	[hbm4b:s21+s3] =	stream.linear.scatter [tilespmem:s16], [sflag:$0x4], $0xC000, $0x38;
	[tilespmem:$0x18000] =	vst v63  }
0x32c: {  	_ =	swait.ge [sflag:s19], $0xC000  }
0x32d: {  	s0 =	sld [smem:$0x7EE]  }
0x32e: {  	[sflag:s19] =	ssyncset.done $0x0  }
0x32f: {  	[sflag:s19] =	ssyncadd.s32 $0xFFFF4000  }
0x330: {  	[tilespmem:s16], [sflag:$0x2] =	stream.linear.gather [hbm4b:s0+s3], $0x1800, $0x38;
	[tilespmem:$0x18000] =	vst v63  }
0x331: {  	s7 =	sadd.s32 $0x300, s0  }
0x332: {  	[tilespmem:s1], [sflag:$0x2] =	stream.linear.gather [hbm4b:s7+s3], $0x1800, $0x38;
	[tilespmem:$0x18000] =	vst v63  }
0x333: {  	s30 =	simm.s32 $0x12000;
	s8 =	sadd.s32 $0x600, s0  }
0x334: {  	[tilespmem:s30], [sflag:$0x2] =	stream.linear.gather [hbm4b:s8+s3], $0x1800, $0x38;
	[tilespmem:$0x18000] =	vst v63  }
0x335: {  	s25 =	sld [smem:$0x7D4];
	s21 =	sadd.s32 $0x900, s0;
	s1 =	simm.s32 $0x15000  }
0x336: {  	[tilespmem:s1], [sflag:$0x2] =	stream.linear.gather [hbm4b:s21+s3], $0x1800, $0x38;
	[tilespmem:$0x18000] =	vst v63  }
0x337: {  	s6 =	sld [smem:$0x799];
	s7 =	simm.s32 $0xD800  }
0x338: {  	[tilespmem:s7], [sflag:$0x2] =	stream.linear.gather [hbm4b:s25+s3], $0x1800, $0x38;
	[tilespmem:$0x18000] =	vst v63  }
0x339: {  	s8 =	sld [smem:$0x79A];
	s21 =	simm.s32 $0x10800  }
0x33a: {  	[tilespmem:s21], [sflag:$0x2] =	stream.linear.gather [hbm4b:s6+s3], $0x1800, $0x38;
	[tilespmem:$0x18000] =	vst v63  }
0x33b: {  	s25 =	sld [smem:$0x79B]  }
0x33c: {  	[tilespmem:s10], [sflag:$0x2] =	stream.linear.gather [hbm4b:s8+s3], $0x1800, $0x38;
	[tilespmem:$0x18000] =	vst v63  }
0x33d: {  	_ = 	snop  }
0x33e: {  	[tilespmem:s14], [sflag:$0x2] =	stream.linear.gather [hbm4b:s25+s3], $0x1800, $0x38;
	[tilespmem:$0x18000] =	vst v63  }
0x33f: {  	_ =	swait.ge [sflag:s13], $0x6000  }
0x340: {  	[sflag:s13] =	ssyncset.done $0x0  }
0x341: {  	[sflag:s13] =	ssyncadd.s32 $0xFFFFA000  }
0x342: {  	_ =	swait.ge [sflag:s13], $0x6000  }
0x343: {  	[sflag:s13] =	ssyncset.done $0x0  }
0x344: {  	s8 =	rddreg [dreg:$0x1c];
	[sflag:s13] =	ssyncadd.s32 $0xFFFFA000  }
0x345: {  	[hbm4b:s8+s3] =	stream.linear.scatter [tilespmem:s3], [sflag:$0x3], $0xC000, $0x38;
	[tilespmem:$0x18000] =	vst v63  }
0x346: {  	_ =	swait.ge [sflag:s15], $0xC000  }
0x347: {  	s0 =	sld [smem:$0x7EF]  }
0x348: {  	[sflag:s15] =	ssyncset.done $0x0  }
0x349: {  	[sflag:s15] =	ssyncadd.s32 $0xFFFF4000  }
0x34a: {  	[tilespmem:s3], [sflag:$0x1] =	stream.linear.gather [hbm4b:s0+s3], $0x1800, $0x38;
	[tilespmem:$0x18000] =	vst v63  }
0x34b: {  	s4 =	simm.s32 $0x3000;
	s14 =	sadd.s32 $0x300, s0  }
0x34c: {  	[tilespmem:s4], [sflag:$0x1] =	stream.linear.gather [hbm4b:s14+s3], $0x1800, $0x38;
	[tilespmem:$0x18000] =	vst v63  }
0x34d: {  	s2 =	simm.s32 $0x6000;
	s8 =	sadd.s32 $0x600, s0  }
0x34e: {  	[tilespmem:s2], [sflag:$0x1] =	stream.linear.gather [hbm4b:s8+s3], $0x1800, $0x38;
	[tilespmem:$0x18000] =	vst v63  }
0x34f: {  	s25 =	sld [smem:$0x7D6];
	s14 =	sadd.s32 $0x900, s0  }
0x350: {  	[tilespmem:s28], [sflag:$0x1] =	stream.linear.gather [hbm4b:s14+s3], $0x1800, $0x38;
	[tilespmem:$0x18000] =	vst v63  }
0x351: {  	s8 =	sld [smem:$0x79C]  }
0x352: {  	[tilespmem:s24], [sflag:$0x1] =	stream.linear.gather [hbm4b:s25+s3], $0x1800, $0x38;
	[tilespmem:$0x18000] =	vst v63  }
0x353: {  	s14 =	sld [smem:$0x79D]  }
0x354: {  	[tilespmem:s31], [sflag:$0x1] =	stream.linear.gather [hbm4b:s8+s3], $0x1800, $0x38;
	[tilespmem:$0x18000] =	vst v63  }
0x355: {  	s25 =	sld [smem:$0x79E]  }
0x356: {  	[tilespmem:s11], [sflag:$0x1] =	stream.linear.gather [hbm4b:s14+s3], $0x1800, $0x38;
	[tilespmem:$0x18000] =	vst v63  }
0x357: {  	_ = 	snop  }
0x358: {  	[tilespmem:s22], [sflag:$0x1] =	stream.linear.gather [hbm4b:s25+s3], $0x1800, $0x38;
	[tilespmem:$0x18000] =	vst v63  }
0x359: {  	_ =	swait.ge [sflag:s17], $0x6000  }
0x35a: {  	[sflag:s17] =	ssyncset.done $0x0  }
0x35b: {  	[sflag:s17] =	ssyncadd.s32 $0xFFFFA000  }
0x35c: {  	_ =	swait.ge [sflag:s17], $0x6000  }
0x35d: {  	[sflag:s17] =	ssyncset.done $0x0  }
0x35e: {  	s0 =	rddreg [dreg:$0x1d];
	[sflag:s17] =	ssyncadd.s32 $0xFFFFA000  }
0x35f: {  	[hbm4b:s0+s3] =	stream.linear.scatter [tilespmem:s16], [sflag:$0x4], $0xC000, $0x38;
	[tilespmem:$0x18000] =	vst v63  }
0x360: {  	_ =	swait.ge [sflag:s19], $0xC000  }
0x361: {  	s0 =	sld [smem:$0x7F0]  }
0x362: {  	[sflag:s19] =	ssyncset.done $0x0  }
0x363: {  	[sflag:s19] =	ssyncadd.s32 $0xFFFF4000  }
0x364: {  	[tilespmem:s16], [sflag:$0x2] =	stream.linear.gather [hbm4b:s0+s3], $0x1800, $0x38;
	[tilespmem:$0x18000] =	vst v63  }
0x365: {  	s5 =	simm.s32 $0xF000;
	s8 =	sadd.s32 $0x300, s0  }
0x366: {  	[tilespmem:s5], [sflag:$0x2] =	stream.linear.gather [hbm4b:s8+s3], $0x1800, $0x38;
	[tilespmem:$0x18000] =	vst v63  }
0x367: {  	s14 =	sadd.s32 $0x600, s0  }
0x368: {  	[tilespmem:s30], [sflag:$0x2] =	stream.linear.gather [hbm4b:s14+s3], $0x1800, $0x38;
	[tilespmem:$0x18000] =	vst v63  }
0x369: {  	s8 =	sadd.s32 $0x900, s0  }
0x36a: {  	[tilespmem:s1], [sflag:$0x2] =	stream.linear.gather [hbm4b:s8+s3], $0x1800, $0x38;
	[tilespmem:$0x18000] =	vst v63  }
0x36b: {  	s14 =	sld [smem:$0x79F]  }
0x36c: {  	[tilespmem:s7], [sflag:$0x2] =	stream.linear.gather [hbm4b:s29+s3], $0x1800, $0x38;
	[tilespmem:$0x18000] =	vst v63  }
0x36d: {  	s25 =	sld [smem:$0x7A0]  }
0x36e: {  	[tilespmem:s21], [sflag:$0x2] =	stream.linear.gather [hbm4b:s14+s3], $0x1800, $0x38;
	[tilespmem:$0x18000] =	vst v63  }
0x36f: {  	s6 =	simm.s32 $0x13800;
	s29 =	sld [smem:$0x7A1]  }
0x370: {  	[tilespmem:s6], [sflag:$0x2] =	stream.linear.gather [hbm4b:s25+s3], $0x1800, $0x38;
	[tilespmem:$0x18000] =	vst v63  }
0x371: {  	s10 =	simm.s32 $0x16800  }
0x372: {  	[tilespmem:s10], [sflag:$0x2] =	stream.linear.gather [hbm4b:s29+s3], $0x1800, $0x38;
	[tilespmem:$0x18000] =	vst v63  }
0x373: {  	_ =	swait.ge [sflag:s13], $0x6000  }
0x374: {  	[sflag:s13] =	ssyncset.done $0x0  }
0x375: {  	[sflag:s13] =	ssyncadd.s32 $0xFFFFA000  }
0x376: {  	_ =	swait.ge [sflag:s13], $0x6000  }
0x377: {  	[sflag:s13] =	ssyncset.done $0x0  }
0x378: {  	s7 =	rddreg [dreg:$0x1e];
	[sflag:s13] =	ssyncadd.s32 $0xFFFFA000  }
0x379: {  	[hbm4b:s7+s3] =	stream.linear.scatter [tilespmem:s3], [sflag:$0x3], $0xC000, $0x38;
	[tilespmem:$0x18000] =	vst v63  }
0x37a: {  	_ =	swait.ge [sflag:s15], $0xC000  }
0x37b: {  	s21 =	sld [smem:$0x7F1]  }
0x37c: {  	[sflag:s15] =	ssyncset.done $0x0  }
0x37d: {  	[sflag:s15] =	ssyncadd.s32 $0xFFFF4000  }
0x37e: {  	[tilespmem:s3], [sflag:$0x1] =	stream.linear.gather [hbm4b:s21+s3], $0x1800, $0x38;
	[tilespmem:$0x18000] =	vst v63  }
0x37f: {  	s29 =	sadd.s32 $0x300, s21  }
0x380: {  	[tilespmem:s4], [sflag:$0x1] =	stream.linear.gather [hbm4b:s29+s3], $0x1800, $0x38;
	[tilespmem:$0x18000] =	vst v63  }
0x381: {  	s7 =	sadd.s32 $0x600, s21  }
0x382: {  	[tilespmem:s2], [sflag:$0x1] =	stream.linear.gather [hbm4b:s7+s3], $0x1800, $0x38;
	[tilespmem:$0x18000] =	vst v63  }
0x383: {  	s21 =	sadd.s32 $0x900, s21  }
0x384: {  	[tilespmem:s28], [sflag:$0x1] =	stream.linear.gather [hbm4b:s21+s3], $0x1800, $0x38;
	[tilespmem:$0x18000] =	vst v63  }
0x385: {  	s25 =	sld [smem:$0x7A2]  }
0x386: {  	[tilespmem:s24], [sflag:$0x1] =	stream.linear.gather [hbm4b:s9+s3], $0x1800, $0x38;
	[tilespmem:$0x18000] =	vst v63  }
0x387: {  	s29 =	sld [smem:$0x7A3]  }
0x388: {  	[tilespmem:s31], [sflag:$0x1] =	stream.linear.gather [hbm4b:s25+s3], $0x1800, $0x38;
	[tilespmem:$0x18000] =	vst v63  }
0x389: {  	s7 =	sld [smem:$0x7A4]  }
0x38a: {  	[tilespmem:s11], [sflag:$0x1] =	stream.linear.gather [hbm4b:s29+s3], $0x1800, $0x38;
	[tilespmem:$0x18000] =	vst v63  }
0x38b: {  	_ = 	snop  }
0x38c: {  	[tilespmem:s22], [sflag:$0x1] =	stream.linear.gather [hbm4b:s7+s3], $0x1800, $0x38;
	[tilespmem:$0x18000] =	vst v63  }
0x38d: {  	_ =	swait.ge [sflag:s17], $0x6000  }
0x38e: {  	[sflag:s17] =	ssyncset.done $0x0  }
0x38f: {  	[sflag:s17] =	ssyncadd.s32 $0xFFFFA000  }
0x390: {  	_ =	swait.ge [sflag:s17], $0x6000  }
0x391: {  	[sflag:s17] =	ssyncset.done $0x0  }
0x392: {  	s9 =	rddreg [dreg:$0x1f];
	[sflag:s17] =	ssyncadd.s32 $0xFFFFA000  }
0x393: {  	[hbm4b:s9+s3] =	stream.linear.scatter [tilespmem:s16], [sflag:$0x4], $0xC000, $0x38;
	[tilespmem:$0x18000] =	vst v63  }
0x394: {  	_ =	swait.ge [sflag:s19], $0xC000  }
0x395: {  	s21 =	sld [smem:$0x7F2]  }
0x396: {  	[sflag:s19] =	ssyncset.done $0x0  }
0x397: {  	[sflag:s19] =	ssyncadd.s32 $0xFFFF4000  }
0x398: {  	[tilespmem:s16], [sflag:$0x2] =	stream.linear.gather [hbm4b:s21+s3], $0x1800, $0x38;
	[tilespmem:$0x18000] =	vst v63  }
0x399: {  	s29 =	sadd.s32 $0x300, s21  }
0x39a: {  	[tilespmem:s5], [sflag:$0x2] =	stream.linear.gather [hbm4b:s29+s3], $0x1800, $0x38;
	[tilespmem:$0x18000] =	vst v63  }
0x39b: {  	s7 =	sadd.s32 $0x600, s21  }
0x39c: {  	[tilespmem:s30], [sflag:$0x2] =	stream.linear.gather [hbm4b:s7+s3], $0x1800, $0x38;
	[tilespmem:$0x18000] =	vst v63  }
0x39d: {  	s1 =	simm.s32 $0x15000;
	s9 =	sadd.s32 $0x900, s21  }
0x39e: {  	[tilespmem:s1], [sflag:$0x2] =	stream.linear.gather [hbm4b:s9+s3], $0x1800, $0x38;
	[tilespmem:$0x18000] =	vst v63  }
0x39f: {  	s8 =	simm.s32 $0xD800;
	s21 =	sld [smem:$0x7A5]  }
0x3a0: {  	[tilespmem:s8], [sflag:$0x2] =	stream.linear.gather [hbm4b:s12+s3], $0x1800, $0x38;
	[tilespmem:$0x18000] =	vst v63  }
0x3a1: {  	s14 =	simm.s32 $0x10800;
	s25 =	sld [smem:$0x7A6]  }
0x3a2: {  	[tilespmem:s14], [sflag:$0x2] =	stream.linear.gather [hbm4b:s21+s3], $0x1800, $0x38;
	[tilespmem:$0x18000] =	vst v63  }
0x3a3: {  	s29 =	sld [smem:$0x7A7]  }
0x3a4: {  	[tilespmem:s6], [sflag:$0x2] =	stream.linear.gather [hbm4b:s25+s3], $0x1800, $0x38;
	[tilespmem:$0x18000] =	vst v63  }
0x3a5: {  	_ = 	snop  }
0x3a6: {  	[tilespmem:s10], [sflag:$0x2] =	stream.linear.gather [hbm4b:s29+s3], $0x1800, $0x38;
	[tilespmem:$0x18000] =	vst v63  }
0x3a7: {  	_ =	swait.ge [sflag:s13], $0x6000  }
0x3a8: {  	[sflag:s13] =	ssyncset.done $0x0  }
0x3a9: {  	[sflag:s13] =	ssyncadd.s32 $0xFFFFA000  }
0x3aa: {  	_ =	swait.ge [sflag:s13], $0x6000  }
0x3ab: {  	s0 =	sld [smem:$0x7BE]  }
0x3ac: {  	[sflag:s13] =	ssyncset.done $0x0  }
0x3ad: {  	[sflag:s13] =	ssyncadd.s32 $0xFFFFA000  }
0x3ae: {  	[hbm4b:s0+s3] =	stream.linear.scatter [tilespmem:s3], [sflag:$0x3], $0xC000, $0x38;
	[tilespmem:$0x18000] =	vst v63  }
0x3af: {  	_ =	swait.ge [sflag:s15], $0xC000  }
0x3b0: {  	s7 =	sld [smem:$0x7F3]  }
0x3b1: {  	[sflag:s15] =	ssyncset.done $0x0  }
0x3b2: {  	[sflag:s15] =	ssyncadd.s32 $0xFFFF4000  }
0x3b3: {  	[tilespmem:s3], [sflag:$0x1] =	stream.linear.gather [hbm4b:s7+s3], $0x1800, $0x38;
	[tilespmem:$0x18000] =	vst v63  }
0x3b4: {  	s9 =	sadd.s32 $0x300, s7  }
0x3b5: {  	[tilespmem:s4], [sflag:$0x1] =	stream.linear.gather [hbm4b:s9+s3], $0x1800, $0x38;
	[tilespmem:$0x18000] =	vst v63  }
0x3b6: {  	s12 =	sadd.s32 $0x600, s7  }
0x3b7: {  	[tilespmem:s2], [sflag:$0x1] =	stream.linear.gather [hbm4b:s12+s3], $0x1800, $0x38;
	[tilespmem:$0x18000] =	vst v63  }
0x3b8: {  	s21 =	sadd.s32 $0x900, s7  }
0x3b9: {  	[tilespmem:s28], [sflag:$0x1] =	stream.linear.gather [hbm4b:s21+s3], $0x1800, $0x38;
	[tilespmem:$0x18000] =	vst v63  }
0x3ba: {  	s29 =	sld [smem:$0x7A8]  }
0x3bb: {  	[tilespmem:s24], [sflag:$0x1] =	stream.linear.gather [hbm4b:s18+s3], $0x1800, $0x38;
	[tilespmem:$0x18000] =	vst v63  }
0x3bc: {  	s7 =	sld [smem:$0x7A9]  }
0x3bd: {  	[tilespmem:s31], [sflag:$0x1] =	stream.linear.gather [hbm4b:s29+s3], $0x1800, $0x38;
	[tilespmem:$0x18000] =	vst v63  }
0x3be: {  	s9 =	sld [smem:$0x7AA]  }
0x3bf: {  	[tilespmem:s11], [sflag:$0x1] =	stream.linear.gather [hbm4b:s7+s3], $0x1800, $0x38;
	[tilespmem:$0x18000] =	vst v63  }
0x3c0: {  	_ = 	snop  }
0x3c1: {  	[tilespmem:s22], [sflag:$0x1] =	stream.linear.gather [hbm4b:s9+s3], $0x1800, $0x38;
	[tilespmem:$0x18000] =	vst v63  }
0x3c2: {  	_ =	swait.ge [sflag:s17], $0x6000  }
0x3c3: {  	[sflag:s17] =	ssyncset.done $0x0  }
0x3c4: {  	[sflag:s17] =	ssyncadd.s32 $0xFFFFA000  }
0x3c5: {  	_ =	swait.ge [sflag:s17], $0x6000  }
0x3c6: {  	s12 =	sld [smem:$0x7C0]  }
0x3c7: {  	[sflag:s17] =	ssyncset.done $0x0  }
0x3c8: {  	[sflag:s17] =	ssyncadd.s32 $0xFFFFA000  }
0x3c9: {  	[hbm4b:s12+s3] =	stream.linear.scatter [tilespmem:s16], [sflag:$0x4], $0xC000, $0x38;
	[tilespmem:$0x18000] =	vst v63  }
0x3ca: {  	_ =	swait.ge [sflag:s19], $0xC000  }
0x3cb: {  	s18 =	sld [smem:$0x7F4]  }
0x3cc: {  	[sflag:s19] =	ssyncset.done $0x0  }
0x3cd: {  	[sflag:s19] =	ssyncadd.s32 $0xFFFF4000  }
0x3ce: {  	[tilespmem:s16], [sflag:$0x2] =	stream.linear.gather [hbm4b:s18+s3], $0x1800, $0x38;
	[tilespmem:$0x18000] =	vst v63  }
0x3cf: {  	s21 =	sadd.s32 $0x300, s18  }
0x3d0: {  	[tilespmem:s5], [sflag:$0x2] =	stream.linear.gather [hbm4b:s21+s3], $0x1800, $0x38;
	[tilespmem:$0x18000] =	vst v63  }
0x3d1: {  	s29 =	sadd.s32 $0x600, s18  }
0x3d2: {  	[tilespmem:s30], [sflag:$0x2] =	stream.linear.gather [hbm4b:s29+s3], $0x1800, $0x38;
	[tilespmem:$0x18000] =	vst v63  }
0x3d3: {  	s7 =	sadd.s32 $0x900, s18  }
0x3d4: {  	[tilespmem:s1], [sflag:$0x2] =	stream.linear.gather [hbm4b:s7+s3], $0x1800, $0x38;
	[tilespmem:$0x18000] =	vst v63  }
0x3d5: {  	s9 =	sld [smem:$0x7AB]  }
0x3d6: {  	[tilespmem:s8], [sflag:$0x2] =	stream.linear.gather [hbm4b:s20+s3], $0x1800, $0x38;
	[tilespmem:$0x18000] =	vst v63  }
0x3d7: {  	s12 =	sld [smem:$0x7AC]  }
0x3d8: {  	[tilespmem:s14], [sflag:$0x2] =	stream.linear.gather [hbm4b:s9+s3], $0x1800, $0x38;
	[tilespmem:$0x18000] =	vst v63  }
0x3d9: {  	s18 =	sld [smem:$0x7AD]  }
0x3da: {  	[tilespmem:s6], [sflag:$0x2] =	stream.linear.gather [hbm4b:s12+s3], $0x1800, $0x38;
	[tilespmem:$0x18000] =	vst v63  }
0x3db: {  	_ = 	snop  }
0x3dc: {  	[tilespmem:s10], [sflag:$0x2] =	stream.linear.gather [hbm4b:s18+s3], $0x1800, $0x38;
	[tilespmem:$0x18000] =	vst v63  }
0x3dd: {  	_ =	swait.ge [sflag:s13], $0x6000  }
0x3de: {  	[sflag:s13] =	ssyncset.done $0x0  }
0x3df: {  	[sflag:s13] =	ssyncadd.s32 $0xFFFFA000  }
0x3e0: {  	_ =	swait.ge [sflag:s13], $0x6000  }
0x3e1: {  	s20 =	sld [smem:$0x7C2]  }
0x3e2: {  	[sflag:s13] =	ssyncset.done $0x0  }
0x3e3: {  	[sflag:s13] =	ssyncadd.s32 $0xFFFFA000  }
0x3e4: {  	[hbm4b:s20+s3] =	stream.linear.scatter [tilespmem:s3], [sflag:$0x3], $0xC000, $0x38;
	[tilespmem:$0x18000] =	vst v63  }
0x3e5: {  	_ =	swait.ge [sflag:s15], $0xC000  }
0x3e6: {  	s25 =	sld [smem:$0x7F5]  }
0x3e7: {  	[sflag:s15] =	ssyncset.done $0x0  }
0x3e8: {  	[sflag:s15] =	ssyncadd.s32 $0xFFFF4000  }
0x3e9: {  	[tilespmem:s3], [sflag:$0x1] =	stream.linear.gather [hbm4b:s25+s3], $0x1800, $0x38;
	[tilespmem:$0x18000] =	vst v63  }
0x3ea: {  	s29 =	sadd.s32 $0x300, s25  }
0x3eb: {  	[tilespmem:s4], [sflag:$0x1] =	stream.linear.gather [hbm4b:s29+s3], $0x1800, $0x38;
	[tilespmem:$0x18000] =	vst v63  }
0x3ec: {  	s4 =	sadd.s32 $0x600, s25  }
0x3ed: {  	[tilespmem:s2], [sflag:$0x1] =	stream.linear.gather [hbm4b:s4+s3], $0x1800, $0x38;
	[tilespmem:$0x18000] =	vst v63  }
0x3ee: {  	s7 =	sadd.s32 $0x900, s25  }
0x3ef: {  	[tilespmem:s28], [sflag:$0x1] =	stream.linear.gather [hbm4b:s7+s3], $0x1800, $0x38;
	[tilespmem:$0x18000] =	vst v63  }
0x3f0: {  	s9 =	sld [smem:$0x7AE]  }
0x3f1: {  	[tilespmem:s24], [sflag:$0x1] =	stream.linear.gather [hbm4b:s23+s3], $0x1800, $0x38;
	[tilespmem:$0x18000] =	vst v63  }
0x3f2: {  	s12 =	sld [smem:$0x7AF]  }
0x3f3: {  	[tilespmem:s31], [sflag:$0x1] =	stream.linear.gather [hbm4b:s9+s3], $0x1800, $0x38;
	[tilespmem:$0x18000] =	vst v63  }
0x3f4: {  	s18 =	sld [smem:$0x7B0]  }
0x3f5: {  	[tilespmem:s11], [sflag:$0x1] =	stream.linear.gather [hbm4b:s12+s3], $0x1800, $0x38;
	[tilespmem:$0x18000] =	vst v63  }
0x3f6: {  	_ = 	snop  }
0x3f7: {  	[tilespmem:s22], [sflag:$0x1] =	stream.linear.gather [hbm4b:s18+s3], $0x1800, $0x38;
	[tilespmem:$0x18000] =	vst v63  }
0x3f8: {  	_ =	swait.ge [sflag:s17], $0x6000  }
0x3f9: {  	[sflag:s17] =	ssyncset.done $0x0  }
0x3fa: {  	[sflag:s17] =	ssyncadd.s32 $0xFFFFA000  }
0x3fb: {  	_ =	swait.ge [sflag:s17], $0x6000  }
0x3fc: {  	s20 =	sld [smem:$0x7C4]  }
0x3fd: {  	[sflag:s17] =	ssyncset.done $0x0  }
0x3fe: {  	[sflag:s17] =	ssyncadd.s32 $0xFFFFA000  }
0x3ff: {  	[hbm4b:s20+s3] =	stream.linear.scatter [tilespmem:s16], [sflag:$0x4], $0xC000, $0x38;
	[tilespmem:$0x18000] =	vst v63  }
0x400: {  	_ =	swait.ge [sflag:s19], $0xC000  }
0x401: {  	s21 =	sld [smem:$0x7F7]  }
0x402: {  	[sflag:s19] =	ssyncset.done $0x0  }
0x403: {  	[sflag:s19] =	ssyncadd.s32 $0xFFFF4000  }
0x404: {  	[tilespmem:s16], [sflag:$0x2] =	stream.linear.gather [hbm4b:s21+s3], $0x1800, $0x38;
	[tilespmem:$0x18000] =	vst v63  }
0x405: {  	s22 =	sadd.s32 $0x300, s21  }
0x406: {  	[tilespmem:s5], [sflag:$0x2] =	stream.linear.gather [hbm4b:s22+s3], $0x1800, $0x38;
	[tilespmem:$0x18000] =	vst v63  }
0x407: {  	s23 =	sadd.s32 $0x600, s21  }
0x408: {  	[tilespmem:s30], [sflag:$0x2] =	stream.linear.gather [hbm4b:s23+s3], $0x1800, $0x38;
	[tilespmem:$0x18000] =	vst v63  }
0x409: {  	s24 =	sadd.s32 $0x900, s21  }
0x40a: {  	[tilespmem:s1], [sflag:$0x2] =	stream.linear.gather [hbm4b:s24+s3], $0x1800, $0x38;
	[tilespmem:$0x18000] =	vst v63  }
0x40b: {  	s25 =	sld [smem:$0x7B1]  }
0x40c: {  	[tilespmem:s8], [sflag:$0x2] =	stream.linear.gather [hbm4b:s26+s3], $0x1800, $0x38;
	[tilespmem:$0x18000] =	vst v63  }
0x40d: {  	s26 =	sld [smem:$0x7B2]  }
0x40e: {  	[tilespmem:s14], [sflag:$0x2] =	stream.linear.gather [hbm4b:s25+s3], $0x1800, $0x38;
	[tilespmem:$0x18000] =	vst v63  }
0x40f: {  	s28 =	sld [smem:$0x7B3]  }
0x410: {  	[tilespmem:s6], [sflag:$0x2] =	stream.linear.gather [hbm4b:s26+s3], $0x1800, $0x38;
	[tilespmem:$0x18000] =	vst v63  }
0x411: {  	_ = 	snop  }
0x412: {  	[tilespmem:s10], [sflag:$0x2] =	stream.linear.gather [hbm4b:s28+s3], $0x1800, $0x38;
	[tilespmem:$0x18000] =	vst v63  }
0x413: {  	_ =	swait.ge [sflag:s13], $0x6000  }
0x414: {  	[sflag:s13] =	ssyncset.done $0x0  }
0x415: {  	[sflag:s13] =	ssyncadd.s32 $0xFFFFA000  }
0x416: {  	_ =	swait.ge [sflag:s13], $0x6000  }
0x417: {  	s29 =	sld [smem:$0x7C6]  }
0x418: {  	[sflag:s13] =	ssyncset.done $0x0  }
0x419: {  	[sflag:s13] =	ssyncadd.s32 $0xFFFFA000  }
0x41a: {  	[hbm4b:s29+s3] =	stream.linear.scatter [tilespmem:s3], [sflag:$0x3], $0xC000, $0x38;
	[tilespmem:$0x18000] =	vst v63  }
0x41b: {  	_ =	swait.ge [sflag:s17], $0x6000  }
0x41c: {  	[sflag:s17] =	ssyncset.done $0x0  }
0x41d: {  	[sflag:s17] =	ssyncadd.s32 $0xFFFFA000  }
0x41e: {  	_ =	swait.ge [sflag:s17], $0x6000  }
0x41f: {  	s30 =	sld [smem:$0x7C9]  }
0x420: {  	[sflag:s17] =	ssyncset.done $0x0;
	s31 =	sld [smem:$0x7B4]  }
0x421: {  	[sflag:s17] =	ssyncadd.s32 $0xFFFFA000  }
0x422: {  	[hbm4b:s30+s3] =	stream.linear.scatter [tilespmem:s16], [sflag:$0x4], $0xC000, $0x38;
	[tilespmem:$0x18000] =	vst v63  }
0x423: {  	p0 =	sne.s32 s31, $0x1;
	_ =	swait.ge [sflag:s15], $0xC000  }
.Ltmp0:
0x424: {  	[sflag:s15] =	ssyncset.done $0x0;
	(pc) =	sbr.rel @p0 .LBB2_1-.Ltmp0, $4  }
0x425: {  	[sflag:s15] =	ssyncadd.s32 $0xFFFF4000  }
0x426: {  	_ =	swait.ge [sflag:s19], $0xC000  }
0x427: {  	[sflag:s19] =	ssyncset.done $0x0  }
0x428: {  	s1 =	sadd.s32 $0xFFFFFFFF, s31;
	[sflag:s19] =	ssyncadd.s32 $0xFFFF4000  }
0x429: {  	_ =	sfence.sel $0x180000  }
0x42a: {  	[bflag:$0x0] =	sbarrier.arrive $0xFFFF  }
0x42b: {  	_ =	strace $0x90000047  }
0x42c: {  	s0 =	stileid.u32;
	[bflag:$0x2] =	sbarrier.arrive $0xFFFF  }
0x42d: {  	p0 =	sne.s32 s0, $0x0;
	s0 =	rddreg [dreg:$0x3]  }
0x42e: {  	s0 =	sadd.s32 @!p0 $0x100000, s0  }
0x42f: {  	[sflag:s0] =	ssyncadd.tile.s32 @!p0 $0x1;
	_ =	shalt  }
.Lfunc_end2:
_tile_overlayer_lowered:
.L_overlay_start_2:
0x430: {  	(tag) =	ssettag $0x2  }
0x431: {  	s0 =	rddreg [dreg:$0x0];
	s2 =	stileid.u32  }
0x432: {  	s1 =	rddreg [dreg:$0x1];
	p0 =	sne.s32 s2, $0x0  }
0x433: {  	s3 =	rddreg [dreg:$0x2];
	[bflag:$0x3] =	sbarrier.arrive $0xFFFF;
	s2 =	simm.s32 @!p0 $0x1C05  }
0x434: {  	[timem:s3], [sflag:s2] =	dma.local @!p0 [hbm:s0], s1  }
0x435: {  	s0 =	simm.s32 @!p0 $0x5  }
0x436: {  	_ =	swait.ge @!p0 [sflag:s0], s1  }
0x437: {  	s1 =	ssub.s32 @!p0 $0x0, s1;
	[sflag:s0] =	ssyncset.done @!p0 $0x0  }
0x438: {  	[sflag:s0] =	ssyncadd.s32 @!p0 s1  }
0x439: {  	[bflag:$0x3] =	sbarrier.arrive $0xFFFF  }
0x43a: {  	_ =	shalt  }

</sc_bundles>
